<compile_context>
chip_gen: v7x
topology: tpu7x:2x2x1
jax: 0.10.2.dev20260603
libtpu: 0.0.44.dev20260713+nightly
codegen_flags: <defaults>
</compile_context>

<pallas_src>
import numpy as np
import jax
import jax.numpy as jnp
from jax import lax
from jax.experimental import pallas as pl
from jax.experimental.pallas import tpu as pltpu
from jax.experimental.pallas import tpu_sc as plsc

_NUM_LEVELS = 16
_T = 2 ** 14
_BASE_RES = 16
_SCALE = float(np.exp2(np.log2(1024 / 16) / (_NUM_LEVELS - 1)))
_N = 524288
_P2 = int(np.array([2654435761], np.uint32).view(np.int32)[0])
_P3 = 805459861

_RES = [int(np.floor(_BASE_RES * _SCALE ** l)) for l in range(_NUM_LEVELS)]
_NDENSE = sum(1 for r in _RES if (r + 1) ** 3 <= _T)

_NC, _NS = 2, 16
_B = 4096
_NBLK = _N // _B


def _sc_body(xb3, embf, out, tab0, tab1, tab2, tab3,
             xbuf0, xbuf1, fbuf0, fbuf1, sin0, sin1, sout0, sout1):
    c = lax.axis_index("c")
    level = lax.axis_index("s")
    ebase = level * (4 * _T)
    pltpu.sync_copy(embf.at[pl.ds(ebase + 0 * _T, _T)], tab0)
    pltpu.sync_copy(embf.at[pl.ds(ebase + 1 * _T, _T)], tab1)
    pltpu.sync_copy(embf.at[pl.ds(ebase + 2 * _T, _T)], tab2)
    pltpu.sync_copy(embf.at[pl.ds(ebase + 3 * _T, _T)], tab3)

    nblk = _NBLK // _NC
    gbase = c * nblk
    xbufs = (xbuf0, xbuf1)
    fbufs = (fbuf0, fbuf1)
    sins = (sin0, sin1)
    souts = (sout0, sout1)

    def start_in(g, sl):
        pltpu.make_async_copy(xb3.at[pl.ds(g * (3 * _B), 3 * _B)],
                              xbufs[sl], sins[sl]).start()

    def wait_in(sl):
        pltpu.make_async_copy(xb3.at[pl.ds(0, 3 * _B)],
                              xbufs[sl], sins[sl]).wait()

    def start_out(g, sl):
        dst = out.at[pl.ds(g * (4 * _NUM_LEVELS * _B) + (level * 4) * _B,
                           4 * _B)]
        pltpu.make_async_copy(fbufs[sl], dst, souts[sl]).start()

    def wait_out(sl):
        dst = out.at[pl.ds((level * 4) * _B, 4 * _B)]
        pltpu.make_async_copy(fbufs[sl], dst, souts[sl]).wait()

    lane3 = lax.iota(jnp.int32, 16) * 3

    def compute(xb, fb, my, mz, resf, dense_path):
        @plsc.parallel_loop(0, _B, step=16, unroll=4)
        def vstep(off):
            px = xb[pl.ds(off, 16)] * resf
            py = xb[pl.ds(_B + off, 16)] * resf
            pz = xb[pl.ds(2 * _B + off, 16)] * resf
            ix = px.astype(jnp.int32)
            iy = py.astype(jnp.int32)
            iz = pz.astype(jnp.int32)
            fx = px - ix.astype(jnp.float32)
            fy = py - iy.astype(jnp.float32)
            fz = pz - iz.astype(jnp.float32)
            wx = (1.0 - fx, fx)
            wy = (1.0 - fy, fy)
            wz = (1.0 - fz, fz)
            ax = (ix, ix + 1)
            ay0 = iy * my
            az0 = iz * mz
            ay = (ay0, ay0 + my)
            az = (az0, az0 + mz)
            ayz = [[None, None], [None, None]]
            for dy in (0, 1):
                for dz in (0, 1):
                    if dense_path:
                        ayz[dy][dz] = ay[dy] + az[dz]
                    else:
                        ayz[dy][dz] = ay[dy] ^ az[dz]
            acc = [None] * 4
            tabs = (tab0, tab1, tab2, tab3)
            for dx in (0, 1):
                for dy in (0, 1):
                    wxy = wx[dx] * wy[dy]
                    for dz in (0, 1):
                        if dense_path:
                            idx = ax[dx] + ayz[dy][dz]
                        else:
                            idx = (ax[dx] ^ ayz[dy][dz]) & jnp.int32(_T - 1)
                        w = wxy * wz[dz]
                        for k in range(4):
                            g = plsc.load_gather(tabs[k], [idx])
                            if acc[k] is None:
                                acc[k] = w * g
                            else:
                                acc[k] = acc[k] + w * g
            fb[pl.ds(0 * _B + off, 16)] = acc[0]
            fb[pl.ds(1 * _B + off, 16)] = acc[1]
            fb[pl.ds(2 * _B + off, 16)] = acc[2]
            fb[pl.ds(3 * _B + off, 16)] = acc[3]

    def pipeline(dense_path):
        if dense_path:
            resf_s = jnp.where(level == 0, jnp.float32(_RES[0]),
                               jnp.float32(_RES[1]))
            my_s = jnp.where(level == 0, jnp.int32(_RES[0] + 1),
                             jnp.int32(_RES[1] + 1))
            mz_s = jnp.where(level == 0, jnp.int32((_RES[0] + 1) ** 2),
                             jnp.int32((_RES[1] + 1) ** 2))
            my = jnp.full((16,), my_s, dtype=jnp.int32)
            mz = jnp.full((16,), mz_s, dtype=jnp.int32)
        else:
            resf_s = jnp.float32(_RES[_NUM_LEVELS - 1])
            for l in reversed(range(_NDENSE, _NUM_LEVELS - 1)):
                resf_s = jnp.where(level == l, jnp.float32(_RES[l]), resf_s)
            my = jnp.full((16,), _P2, dtype=jnp.int32)
            mz = jnp.full((16,), _P3, dtype=jnp.int32)
        resf = jnp.full((16,), resf_s, dtype=jnp.float32)

        start_in(gbase, 0)

        def outer(b2, carry):
            for sl in (0, 1):
                b = b2 * 2 + sl
                g = gbase + b
                wait_in(sl)

                @pl.when(b + 1 < nblk)
                def _():
                    start_in(g + 1, 1 - sl)

                @pl.when(b >= 2)
                def _():
                    wait_out(sl)

                compute(xbufs[sl], fbufs[sl], my, mz, resf, dense_path)
                start_out(g, sl)
            return carry

        lax.fori_loop(0, nblk // 2, outer, 0)
        wait_out(0)
        wait_out(1)

    lax.cond(level < _NDENSE,
             lambda: pipeline(True),
             lambda: pipeline(False))


def _encode(xb3f, embf):
    mesh = plsc.VectorSubcoreMesh(core_axis_name="c", subcore_axis_name="s",
                                  num_cores=_NC, num_subcores=_NS)
    f = pl.kernel(
        _sc_body,
        out_type=jax.ShapeDtypeStruct((_N * 4 * _NUM_LEVELS,), jnp.float32),
        mesh=mesh,
        compiler_params=pltpu.CompilerParams(needs_layout_passes=False),
        cost_estimate=pl.CostEstimate(flops=2_000_000_000,
                                      bytes_accessed=300_000_000,
                                      transcendentals=0),
        scratch_types=[
            pltpu.VMEM((_T,), jnp.float32),
            pltpu.VMEM((_T,), jnp.float32),
            pltpu.VMEM((_T,), jnp.float32),
            pltpu.VMEM((_T,), jnp.float32),
            pltpu.VMEM((3 * _B,), jnp.float32),
            pltpu.VMEM((3 * _B,), jnp.float32),
            pltpu.VMEM((4 * _B,), jnp.float32),
            pltpu.VMEM((4 * _B,), jnp.float32),
            pltpu.SemaphoreType.DMA,
            pltpu.SemaphoreType.DMA,
            pltpu.SemaphoreType.DMA,
            pltpu.SemaphoreType.DMA,
        ],
    )
    return f(xb3f, embf)


def _mlp_body(x_ref, hb_ref, a0x_ref, a0h_ref, a1_ref, a2_ref, out_ref):
    xb = x_ref[0] * 2.0 - 1.0
    dn = (((1,), (0,)), ((), ()))
    z0 = lax.dot_general(a0x_ref[...], xb, dn,
                         preferred_element_type=jnp.float32)
    z0 = z0 + lax.dot_general(a0h_ref[...], hb_ref[0], dn,
                              preferred_element_type=jnp.float32)
    z0 = jnp.maximum(z0, 0.0)
    z1 = jnp.maximum(
        lax.dot_general(a1_ref[...], z0, dn,
                        preferred_element_type=jnp.float32), 0.0)
    out_ref[...] = jnp.abs(
        lax.dot_general(z1, a2_ref[...], (((0,), (0,)), ((), ())),
                        preferred_element_type=jnp.float32))


def _mlp(xb3, h3, a0x, a0h, a1, a2):
    grid = (_NBLK,)
    return pl.pallas_call(
        _mlp_body,
        grid=grid,
        in_specs=[
            pl.BlockSpec((1, 3, _B), lambda i: (i, 0, 0)),
            pl.BlockSpec((1, 4 * _NUM_LEVELS, _B), lambda i: (i, 0, 0)),
            pl.BlockSpec((64, 3), lambda i: (0, 0)),
            pl.BlockSpec((64, 64), lambda i: (0, 0)),
            pl.BlockSpec((64, 64), lambda i: (0, 0)),
            pl.BlockSpec((64, 3), lambda i: (0, 0)),
        ],
        out_specs=pl.BlockSpec((_B, 3), lambda i: (i, 0)),
        out_shape=jax.ShapeDtypeStruct((_N, 3), jnp.float32),
    )(xb3, h3, a0x, a0h, a1, a2)


def kernel(x, embeddings, W0, W1, W2):
    embf = jnp.transpose(embeddings, (0, 2, 1)).reshape(-1)
    xb3 = x.reshape(_NBLK, _B, 3).transpose(0, 2, 1)
    hflat = _encode(xb3.reshape(-1), embf)
    h3 = hflat.reshape(_NBLK, 4 * _NUM_LEVELS, _B)
    a0x = W0[:3].T
    a0h = W0[3:].T
    a1 = W1.T
    return _mlp(xb3, h3, a0x, a0h, a1, W2)

# --- scband reference (transcript-rebuilt; emitter-appended) ---
"""Pipeline reference for scband-volume-texture-31928786879033 (READ-ONLY COPY).

The authoritative reference and input builder live on the scoring server;
editing this copy changes nothing except your own understanding.
"""

import jax, jax.numpy as jnp
import numpy as np

NUM_LEVELS = 16
LEVEL_DIM = 4
LOG2_T = 14
T = 2 ** LOG2_T
BASE_RES = 16
PER_LEVEL_SCALE = float(np.exp2(np.log2(1024 / 16) / (NUM_LEVELS - 1)))
N_POINTS = 524288
PRIMES = (np.uint32(1), np.uint32(2654435761), np.uint32(805459861))


def setup_inputs(seed: int = 0) -> dict:
    key = jax.random.key(seed)
    k1, k2, k3, k4, k5 = jax.random.split(key, 5)
    x = jax.random.uniform(k1, (N_POINTS, 3), dtype=jnp.float32)
    # hash grid params, tcnn-style small uniform init
    embeddings = jax.random.normal(k2, (NUM_LEVELS, T, LEVEL_DIM), dtype=jnp.float32) * 1e-2
    d_in = NUM_LEVELS * LEVEL_DIM + 3  # 67
    W0 = jax.random.normal(k3, (d_in, 64), dtype=jnp.float32) * (1.0 / np.sqrt(d_in))
    W1 = jax.random.normal(k4, (64, 64), dtype=jnp.float32) * (1.0 / np.sqrt(64))
    W2 = jax.random.normal(k5, (64, 3), dtype=jnp.float32) * (1.0 / np.sqrt(64))
    return {"x": x, "embeddings": embeddings, "W0": W0, "W1": W1, "W2": W2}


def _grid_encode_level(x, table, res):
    # x: [N,3] in [0,1]; table: [T, F]
    pos = x * res
    pf = jnp.floor(pos)
    frac = pos - pf
    pi = pf.astype(jnp.int32)
    vertices = res + 1
    dense = vertices ** 3 <= T
    feats = jnp.zeros((x.shape[0], table.shape[-1]), dtype=table.dtype)
    for dx in (0, 1):
        for dy in (0, 1):
            for dz in (0, 1):
                cx = jnp.clip(pi[:, 0] + dx, 0, res).astype(jnp.uint32)
                cy = jnp.clip(pi[:, 1] + dy, 0, res).astype(jnp.uint32)
                cz = jnp.clip(pi[:, 2] + dz, 0, res).astype(jnp.uint32)
                if dense:
                    idx = cx + cy * np.uint32(vertices) + cz * np.uint32(vertices * vertices)
                else:
                    idx = (cx * PRIMES[0]) ^ (cy * PRIMES[1]) ^ (cz * PRIMES[2])
                    idx = idx % np.uint32(T)
                wx = frac[:, 0] if dx else (1.0 - frac[:, 0])
                wy = frac[:, 1] if dy else (1.0 - frac[:, 1])
                wz = frac[:, 2] if dz else (1.0 - frac[:, 2])
                w = wx * wy * wz
                feats = feats + w[:, None] * jnp.take(table, idx.astype(jnp.int32), axis=0)
    return feats


def _hashgrid_encoding(x, embeddings):
    outs = []
    for l in range(NUM_LEVELS):
        res = int(np.floor(BASE_RES * (PER_LEVEL_SCALE ** l)))
        outs.append(_grid_encode_level(x, embeddings[l], res))
    return jnp.concatenate(outs, axis=-1)


def reference(x, embeddings, W0, W1, W2):
    h = _hashgrid_encoding(x, embeddings)          # [N, 64]
    h = jnp.concatenate([2.0 * x - 1.0, h], axis=-1)  # [N, 67]
    h = jnp.maximum(h @ W0, 0.0)
    h = jnp.maximum(h @ W1, 0.0)
    out = h @ W2
    return jnp.abs(out)

if __name__ == "__main__":
    import jax
    _d = setup_inputs()
    print(jax.jit(kernel)(*tuple(_d.values())))

</pallas_src>

<mosaic_0001>
#map = affine_map<(d0, d1) -> (0)>
module attributes {stable_mosaic.version = 14 : i64} {
  func.func @_sc_body(%arg0: i32, %arg1: i32, %arg2: memref<1572864xf32, #tpu.memory_space<hbm>>, %arg3: memref<1048576xf32, #tpu.memory_space<hbm>>, %arg4: memref<33554432xf32, #tpu.memory_space<hbm>>, %arg5: memref<16384xf32, #tpu.memory_space<vmem>>, %arg6: memref<16384xf32, #tpu.memory_space<vmem>>, %arg7: memref<16384xf32, #tpu.memory_space<vmem>>, %arg8: memref<16384xf32, #tpu.memory_space<vmem>>, %arg9: memref<12288xf32, #tpu.memory_space<vmem>>, %arg10: memref<12288xf32, #tpu.memory_space<vmem>>, %arg11: memref<16384xf32, #tpu.memory_space<vmem>>, %arg12: memref<16384xf32, #tpu.memory_space<vmem>>, %arg13: memref<!tpu.dma_semaphore, #tpu.memory_space<semaphore_mem>>, %arg14: memref<!tpu.dma_semaphore, #tpu.memory_space<semaphore_mem>>, %arg15: memref<!tpu.dma_semaphore, #tpu.memory_space<semaphore_mem>>, %arg16: memref<!tpu.dma_semaphore, #tpu.memory_space<semaphore_mem>>) attributes {dimension_semantics = [#tpu.dimension_semantics<core_parallel>, #tpu.dimension_semantics<subcore_parallel>], iteration_bounds = array<i64: 2, 16>, scalar_prefetch = 0 : i64, scratch_operands = 12 : i64, tpu.core_type = #tpu.core_type<sc_vector_subcore>, window_params = [{transform_indices = #map}, {transform_indices = #map}, {transform_indices = #map}]} {
    %mul3A = arith.constant 65536 : i32
    %mul3A_0 = arith.muli %arg1, %mul3A : i32
    %add3A = arith.constant 0 : i32
    %add3A_1 = arith.addi %mul3A_0, %add3A : i32
    "tpu.region"() ({
      %run_scoped3A = tpu.sem_alloc : memref<!tpu.dma_semaphore, #tpu.memory_space<semaphore_mem>>
      %dma_start3A = tpu.memref_slice %arg3[%add3A_1] : memref<1048576xf32, #tpu.memory_space<hbm>> -> memref<16384xf32, #tpu.memory_space<hbm>>
      %dma_start3A_15 = tpu.memref_slice %arg3[%add3A_1] : memref<1048576xf32, #tpu.memory_space<hbm>> -> memref<16384xf32, #tpu.memory_space<hbm>>
      tpu.enqueue_dma source(%dma_start3A_15 : memref<16384xf32, #tpu.memory_space<hbm>>) target(%arg5 : memref<16384xf32, #tpu.memory_space<vmem>>) target_semaphore(%run_scoped3A : memref<!tpu.dma_semaphore, #tpu.memory_space<semaphore_mem>>)
      %dma_wait3A = tpu.memref_slice %arg3[%add3A_1] : memref<1048576xf32, #tpu.memory_space<hbm>> -> memref<16384xf32, #tpu.memory_space<hbm>>
      %dma_wait3A_16 = tpu.memref_slice %arg3[%add3A_1] : memref<1048576xf32, #tpu.memory_space<hbm>> -> memref<16384xf32, #tpu.memory_space<hbm>>
      tpu.wait_dma2 semaphore(%run_scoped3A : memref<!tpu.dma_semaphore, #tpu.memory_space<semaphore_mem>>) src(%dma_wait3A_16 : memref<16384xf32, #tpu.memory_space<hbm>>) dst(%arg5 : memref<16384xf32, #tpu.memory_space<vmem>>)
      tpu.yield
    }) : () -> ()
    %add3A_2 = arith.constant 16384 : i32
    %add3A_3 = arith.addi %mul3A_0, %add3A_2 : i32
    "tpu.region"() ({
      %run_scoped3A = tpu.sem_alloc : memref<!tpu.dma_semaphore, #tpu.memory_space<semaphore_mem>>
      %dma_start3A = tpu.memref_slice %arg3[%add3A_3] : memref<1048576xf32, #tpu.memory_space<hbm>> -> memref<16384xf32, #tpu.memory_space<hbm>>
      %dma_start3A_15 = tpu.memref_slice %arg3[%add3A_3] : memref<1048576xf32, #tpu.memory_space<hbm>> -> memref<16384xf32, #tpu.memory_space<hbm>>
      tpu.enqueue_dma source(%dma_start3A_15 : memref<16384xf32, #tpu.memory_space<hbm>>) target(%arg6 : memref<16384xf32, #tpu.memory_space<vmem>>) target_semaphore(%run_scoped3A : memref<!tpu.dma_semaphore, #tpu.memory_space<semaphore_mem>>)
      %dma_wait3A = tpu.memref_slice %arg3[%add3A_3] : memref<1048576xf32, #tpu.memory_space<hbm>> -> memref<16384xf32, #tpu.memory_space<hbm>>
      %dma_wait3A_16 = tpu.memref_slice %arg3[%add3A_3] : memref<1048576xf32, #tpu.memory_space<hbm>> -> memref<16384xf32, #tpu.memory_space<hbm>>
      tpu.wait_dma2 semaphore(%run_scoped3A : memref<!tpu.dma_semaphore, #tpu.memory_space<semaphore_mem>>) src(%dma_wait3A_16 : memref<16384xf32, #tpu.memory_space<hbm>>) dst(%arg6 : memref<16384xf32, #tpu.memory_space<vmem>>)
      tpu.yield
    }) : () -> ()
    %add3A_4 = arith.constant 32768 : i32
    %add3A_5 = arith.addi %mul3A_0, %add3A_4 : i32
    "tpu.region"() ({
      %run_scoped3A = tpu.sem_alloc : memref<!tpu.dma_semaphore, #tpu.memory_space<semaphore_mem>>
      %dma_start3A = tpu.memref_slice %arg3[%add3A_5] : memref<1048576xf32, #tpu.memory_space<hbm>> -> memref<16384xf32, #tpu.memory_space<hbm>>
      %dma_start3A_15 = tpu.memref_slice %arg3[%add3A_5] : memref<1048576xf32, #tpu.memory_space<hbm>> -> memref<16384xf32, #tpu.memory_space<hbm>>
      tpu.enqueue_dma source(%dma_start3A_15 : memref<16384xf32, #tpu.memory_space<hbm>>) target(%arg7 : memref<16384xf32, #tpu.memory_space<vmem>>) target_semaphore(%run_scoped3A : memref<!tpu.dma_semaphore, #tpu.memory_space<semaphore_mem>>)
      %dma_wait3A = tpu.memref_slice %arg3[%add3A_5] : memref<1048576xf32, #tpu.memory_space<hbm>> -> memref<16384xf32, #tpu.memory_space<hbm>>
      %dma_wait3A_16 = tpu.memref_slice %arg3[%add3A_5] : memref<1048576xf32, #tpu.memory_space<hbm>> -> memref<16384xf32, #tpu.memory_space<hbm>>
      tpu.wait_dma2 semaphore(%run_scoped3A : memref<!tpu.dma_semaphore, #tpu.memory_space<semaphore_mem>>) src(%dma_wait3A_16 : memref<16384xf32, #tpu.memory_space<hbm>>) dst(%arg7 : memref<16384xf32, #tpu.memory_space<vmem>>)
      tpu.yield
    }) : () -> ()
    %add3A_6 = arith.constant 49152 : i32
    %add3A_7 = arith.addi %mul3A_0, %add3A_6 : i32
    "tpu.region"() ({
      %run_scoped3A = tpu.sem_alloc : memref<!tpu.dma_semaphore, #tpu.memory_space<semaphore_mem>>
      %dma_start3A = tpu.memref_slice %arg3[%add3A_7] : memref<1048576xf32, #tpu.memory_space<hbm>> -> memref<16384xf32, #tpu.memory_space<hbm>>
      %dma_start3A_15 = tpu.memref_slice %arg3[%add3A_7] : memref<1048576xf32, #tpu.memory_space<hbm>> -> memref<16384xf32, #tpu.memory_space<hbm>>
      tpu.enqueue_dma source(%dma_start3A_15 : memref<16384xf32, #tpu.memory_space<hbm>>) target(%arg8 : memref<16384xf32, #tpu.memory_space<vmem>>) target_semaphore(%run_scoped3A : memref<!tpu.dma_semaphore, #tpu.memory_space<semaphore_mem>>)
      %dma_wait3A = tpu.memref_slice %arg3[%add3A_7] : memref<1048576xf32, #tpu.memory_space<hbm>> -> memref<16384xf32, #tpu.memory_space<hbm>>
      %dma_wait3A_16 = tpu.memref_slice %arg3[%add3A_7] : memref<1048576xf32, #tpu.memory_space<hbm>> -> memref<16384xf32, #tpu.memory_space<hbm>>
      tpu.wait_dma2 semaphore(%run_scoped3A : memref<!tpu.dma_semaphore, #tpu.memory_space<semaphore_mem>>) src(%dma_wait3A_16 : memref<16384xf32, #tpu.memory_space<hbm>>) dst(%arg8 : memref<16384xf32, #tpu.memory_space<vmem>>)
      tpu.yield
    }) : () -> ()
    %mul3A_8 = arith.constant 64 : i32
    %mul3A_9 = arith.muli %arg0, %mul3A_8 : i32
    %iota3A = tpu.iota {dimensions = array<i32: 0>} : vector<16xi32>
    %mul3A_10 = arith.constant 3 : i32
    %mul3A_11 = vector.broadcast %mul3A_10 : i32 to vector<16xi32>
    %mul3A_12 = arith.muli %iota3A, %mul3A_11 : vector<16xi32>
    %lt3A = arith.constant 2 : i32
    %lt3A_13 = arith.cmpi slt, %arg1, %lt3A : i32
    %convert_element_type3A = arith.extui %lt3A_13 : i1 to i32
    %cond3A = arith.constant 0 : i32
    %cond3A_14 = arith.cmpi ne, %convert_element_type3A, %cond3A : i32
    scf.if %cond3A_14 {
      %eq3A = arith.constant 0 : i32
      %eq3A_15 = arith.cmpi eq, %arg1, %eq3A : i32
      %jit3A = arith.constant 1.600000e+01 : f32
      %jit3A_16 = arith.constant 2.100000e+01 : f32
      %select_n3A = arith.select %eq3A_15, %jit3A, %jit3A_16 : f32
      %eq3A_17 = arith.constant 0 : i32
      %eq3A_18 = arith.cmpi eq, %arg1, %eq3A_17 : i32
      %jit3A_19 = arith.constant 17 : i32
      %jit3A_20 = arith.constant 22 : i32
      %select_n3A_21 = arith.select %eq3A_18, %jit3A_19, %jit3A_20 : i32
      %eq3A_22 = arith.constant 0 : i32
      %eq3A_23 = arith.cmpi eq, %arg1, %eq3A_22 : i32
      %jit3A_24 = arith.constant 289 : i32
      %jit3A_25 = arith.constant 484 : i32
      %select_n3A_26 = arith.select %eq3A_23, %jit3A_24, %jit3A_25 : i32
      %broadcast_in_dim3A = vector.broadcast %select_n3A_21 : i32 to vector<16xi32>
      %broadcast_in_dim3A_27 = vector.broadcast %select_n3A_26 : i32 to vector<16xi32>
      %broadcast_in_dim3A_28 = vector.broadcast %select_n3A : f32 to vector<16xf32>
      %mul3A_29 = arith.constant 12288 : i32
      %mul3A_30 = arith.muli %mul3A_9, %mul3A_29 : i32
      %dma_start3A = tpu.memref_slice %arg2[%mul3A_30] : memref<1572864xf32, #tpu.memory_space<hbm>> -> memref<12288xf32, #tpu.memory_space<hbm>>
      %dma_start3A_31 = tpu.memref_slice %arg2[%mul3A_30] : memref<1572864xf32, #tpu.memory_space<hbm>> -> memref<12288xf32, #tpu.memory_space<hbm>>
      tpu.enqueue_dma source(%dma_start3A_31 : memref<12288xf32, #tpu.memory_space<hbm>>) target(%arg9 : memref<12288xf32, #tpu.memory_space<vmem>>) target_semaphore(%arg13 : memref<!tpu.dma_semaphore, #tpu.memory_space<semaphore_mem>>)
      %scan3A = arith.constant 0 : i32
      %scan3A_32 = arith.constant 0 : i32
      %scan3A_33 = arith.constant 32 : i32
      %scan3A_34 = arith.addi %scan3A_32, %scan3A_33 : i32
      %scan3A_35 = arith.constant 1 : i32
      scf.for %scan3A_48 = %scan3A_32 to %scan3A_34 step %scan3A_35  : i32 {
        %mul3A_49 = arith.constant 2 : i32
        %mul3A_50 = arith.muli %scan3A_48, %mul3A_49 : i32
        %add3A_51 = arith.constant 0 : i32
        %add3A_52 = arith.addi %mul3A_50, %add3A_51 : i32
        %add3A_53 = arith.addi %mul3A_9, %add3A_52 : i32
        %dma_wait3A_54 = arith.constant 0 : i32
        %dma_wait3A_55 = tpu.memref_slice %arg2[%dma_wait3A_54] : memref<1572864xf32, #tpu.memory_space<hbm>> -> memref<12288xf32, #tpu.memory_space<hbm>>
        %dma_wait3A_56 = arith.constant 0 : i32
        %dma_wait3A_57 = tpu.memref_slice %arg2[%dma_wait3A_56] : memref<1572864xf32, #tpu.memory_space<hbm>> -> memref<12288xf32, #tpu.memory_space<hbm>>
        tpu.wait_dma2 semaphore(%arg13 : memref<!tpu.dma_semaphore, #tpu.memory_space<semaphore_mem>>) src(%dma_wait3A_57 : memref<12288xf32, #tpu.memory_space<hbm>>) dst(%arg9 : memref<12288xf32, #tpu.memory_space<vmem>>)
        %add3A_58 = arith.constant 1 : i32
        %add3A_59 = arith.addi %add3A_52, %add3A_58 : i32
        %lt3A_60 = arith.constant 64 : i32
        %lt3A_61 = arith.cmpi slt, %add3A_59, %lt3A_60 : i32
        %convert_element_type3A_62 = arith.extui %lt3A_61 : i1 to i32
        %cond3A_63 = arith.constant 0 : i32
        %cond3A_64 = arith.cmpi ne, %convert_element_type3A_62, %cond3A_63 : i32
        scf.if %cond3A_64 {
          %add3A_113 = arith.constant 1 : i32
          %add3A_114 = arith.addi %add3A_53, %add3A_113 : i32
          %mul3A_115 = arith.constant 12288 : i32
          %mul3A_116 = arith.muli %add3A_114, %mul3A_115 : i32
          %dma_start3A_117 = tpu.memref_slice %arg2[%mul3A_116] : memref<1572864xf32, #tpu.memory_space<hbm>> -> memref<12288xf32, #tpu.memory_space<hbm>>
          %dma_start3A_118 = tpu.memref_slice %arg2[%mul3A_116] : memref<1572864xf32, #tpu.memory_space<hbm>> -> memref<12288xf32, #tpu.memory_space<hbm>>
          tpu.enqueue_dma source(%dma_start3A_118 : memref<12288xf32, #tpu.memory_space<hbm>>) target(%arg10 : memref<12288xf32, #tpu.memory_space<vmem>>) target_semaphore(%arg14 : memref<!tpu.dma_semaphore, #tpu.memory_space<semaphore_mem>>)
        } else {
        }
        %ge3A = arith.constant 2 : i32
        %ge3A_65 = arith.cmpi sge, %add3A_52, %ge3A : i32
        %convert_element_type3A_66 = arith.extui %ge3A_65 : i1 to i32
        %cond3A_67 = arith.constant 0 : i32
        %cond3A_68 = arith.cmpi ne, %convert_element_type3A_66, %cond3A_67 : i32
        scf.if %cond3A_68 {
          %mul3A_113 = arith.constant 4 : i32
          %mul3A_114 = arith.muli %arg1, %mul3A_113 : i32
          %mul3A_115 = arith.constant 4096 : i32
          %mul3A_116 = arith.muli %mul3A_114, %mul3A_115 : i32
          %dma_wait3A_117 = tpu.memref_slice %arg4[%mul3A_116] : memref<33554432xf32, #tpu.memory_space<hbm>> -> memref<16384xf32, #tpu.memory_space<hbm>>
          %dma_wait3A_118 = tpu.memref_slice %arg4[%mul3A_116] : memref<33554432xf32, #tpu.memory_space<hbm>> -> memref<16384xf32, #tpu.memory_space<hbm>>
          tpu.wait_dma2 semaphore(%arg15 : memref<!tpu.dma_semaphore, #tpu.memory_space<semaphore_mem>>) src(%arg11 : memref<16384xf32, #tpu.memory_space<vmem>>) dst(%dma_wait3A_118 : memref<16384xf32, #tpu.memory_space<hbm>>)
        } else {
        }
        %parallel_loop3A = arith.constant 0 : i32
        %parallel_loop3A_69 = arith.constant 4096 : i32
        %parallel_loop3A_70 = arith.constant 16 : i32
        scf.for %parallel_loop3A_113 = %parallel_loop3A to %parallel_loop3A_69 step %parallel_loop3A_70  : i32 {
          %parallel_loop3A_114 = arith.index_cast %parallel_loop3A_113 : i32 to index
          %parallel_loop3A_115 = tpu.vector_load %arg9[%parallel_loop3A_114] {strides = array<i32>} : memref<12288xf32, #tpu.memory_space<vmem>>, vector<16xf32>,
          %parallel_loop3A_116 = arith.mulf %parallel_loop3A_115, %broadcast_in_dim3A_28 : vector<16xf32>
          %parallel_loop3A_117 = arith.constant 4096 : i32
          %parallel_loop3A_118 = arith.addi %parallel_loop3A_117, %parallel_loop3A_113 : i32
          %parallel_loop3A_119 = arith.index_cast %parallel_loop3A_118 : i32 to index
          %parallel_loop3A_120 = tpu.vector_load %arg9[%parallel_loop3A_119] {strides = array<i32>} : memref<12288xf32, #tpu.memory_space<vmem>>, vector<16xf32>,
          %parallel_loop3A_121 = arith.mulf %parallel_loop3A_120, %broadcast_in_dim3A_28 : vector<16xf32>
          %parallel_loop3A_122 = arith.constant 8192 : i32
          %parallel_loop3A_123 = arith.addi %parallel_loop3A_122, %parallel_loop3A_113 : i32
          %parallel_loop3A_124 = arith.index_cast %parallel_loop3A_123 : i32 to index
          %parallel_loop3A_125 = tpu.vector_load %arg9[%parallel_loop3A_124] {strides = array<i32>} : memref<12288xf32, #tpu.memory_space<vmem>>, vector<16xf32>,
          %parallel_loop3A_126 = arith.mulf %parallel_loop3A_125, %broadcast_in_dim3A_28 : vector<16xf32>
          %parallel_loop3A_127 = arith.fptosi %parallel_loop3A_116 : vector<16xf32> to vector<16xi32>
          %parallel_loop3A_128 = arith.fptosi %parallel_loop3A_121 : vector<16xf32> to vector<16xi32>
          %parallel_loop3A_129 = arith.fptosi %parallel_loop3A_126 : vector<16xf32> to vector<16xi32>
          %parallel_loop3A_130 = arith.sitofp %parallel_loop3A_127 : vector<16xi32> to vector<16xf32>
          %parallel_loop3A_131 = arith.subf %parallel_loop3A_116, %parallel_loop3A_130 : vector<16xf32>
          %parallel_loop3A_132 = arith.sitofp %parallel_loop3A_128 : vector<16xi32> to vector<16xf32>
          %parallel_loop3A_133 = arith.subf %parallel_loop3A_121, %parallel_loop3A_132 : vector<16xf32>
          %parallel_loop3A_134 = arith.sitofp %parallel_loop3A_129 : vector<16xi32> to vector<16xf32>
          %parallel_loop3A_135 = arith.subf %parallel_loop3A_126, %parallel_loop3A_134 : vector<16xf32>
          %parallel_loop3A_136 = arith.constant 1.000000e+00 : f32
          %parallel_loop3A_137 = vector.broadcast %parallel_loop3A_136 : f32 to vector<16xf32>
          %parallel_loop3A_138 = arith.subf %parallel_loop3A_137, %parallel_loop3A_131 : vector<16xf32>
          %parallel_loop3A_139 = arith.constant 1.000000e+00 : f32
          %parallel_loop3A_140 = vector.broadcast %parallel_loop3A_139 : f32 to vector<16xf32>
          %parallel_loop3A_141 = arith.subf %parallel_loop3A_140, %parallel_loop3A_133 : vector<16xf32>
          %parallel_loop3A_142 = arith.constant 1.000000e+00 : f32
          %parallel_loop3A_143 = vector.broadcast %parallel_loop3A_142 : f32 to vector<16xf32>
          %parallel_loop3A_144 = arith.subf %parallel_loop3A_143, %parallel_loop3A_135 : vector<16xf32>
          %parallel_loop3A_145 = arith.constant 1 : i32
          %parallel_loop3A_146 = vector.broadcast %parallel_loop3A_145 : i32 to vector<16xi32>
          %parallel_loop3A_147 = arith.addi %parallel_loop3A_127, %parallel_loop3A_146 : vector<16xi32>
          %parallel_loop3A_148 = arith.muli %parallel_loop3A_128, %broadcast_in_dim3A : vector<16xi32>
          %parallel_loop3A_149 = arith.muli %parallel_loop3A_129, %broadcast_in_dim3A_27 : vector<16xi32>
          %parallel_loop3A_150 = arith.addi %parallel_loop3A_148, %broadcast_in_dim3A : vector<16xi32>
          %parallel_loop3A_151 = arith.addi %parallel_loop3A_149, %broadcast_in_dim3A_27 : vector<16xi32>
          %parallel_loop3A_152 = arith.addi %parallel_loop3A_148, %parallel_loop3A_149 : vector<16xi32>
          %parallel_loop3A_153 = arith.addi %parallel_loop3A_148, %parallel_loop3A_151 : vector<16xi32>
          %parallel_loop3A_154 = arith.addi %parallel_loop3A_150, %parallel_loop3A_149 : vector<16xi32>
          %parallel_loop3A_155 = arith.addi %parallel_loop3A_150, %parallel_loop3A_151 : vector<16xi32>
          %parallel_loop3A_156 = arith.mulf %parallel_loop3A_138, %parallel_loop3A_141 : vector<16xf32>
          %parallel_loop3A_157 = arith.addi %parallel_loop3A_127, %parallel_loop3A_152 : vector<16xi32>
          %parallel_loop3A_158 = arith.mulf %parallel_loop3A_156, %parallel_loop3A_144 : vector<16xf32>
          %parallel_loop3A_159 = tpu.vector_load_idx %arg5[%parallel_loop3A_157] : memref<16384xf32, #tpu.memory_space<vmem>>[vector<16xi32>], vector<16xf32>,
          %parallel_loop3A_160 = arith.mulf %parallel_loop3A_158, %parallel_loop3A_159 : vector<16xf32>
          %parallel_loop3A_161 = tpu.vector_load_idx %arg6[%parallel_loop3A_157] : memref<16384xf32, #tpu.memory_space<vmem>>[vector<16xi32>], vector<16xf32>,
          %parallel_loop3A_162 = arith.mulf %parallel_loop3A_158, %parallel_loop3A_161 : vector<16xf32>
          %parallel_loop3A_163 = tpu.vector_load_idx %arg7[%parallel_loop3A_157] : memref<16384xf32, #tpu.memory_space<vmem>>[vector<16xi32>], vector<16xf32>,
          %parallel_loop3A_164 = arith.mulf %parallel_loop3A_158, %parallel_loop3A_163 : vector<16xf32>
          %parallel_loop3A_165 = tpu.vector_load_idx %arg8[%parallel_loop3A_157] : memref<16384xf32, #tpu.memory_space<vmem>>[vector<16xi32>], vector<16xf32>,
          %parallel_loop3A_166 = arith.mulf %parallel_loop3A_158, %parallel_loop3A_165 : vector<16xf32>
          %parallel_loop3A_167 = arith.addi %parallel_loop3A_127, %parallel_loop3A_153 : vector<16xi32>
          %parallel_loop3A_168 = arith.mulf %parallel_loop3A_156, %parallel_loop3A_135 : vector<16xf32>
          %parallel_loop3A_169 = tpu.vector_load_idx %arg5[%parallel_loop3A_167] : memref<16384xf32, #tpu.memory_space<vmem>>[vector<16xi32>], vector<16xf32>,
          %parallel_loop3A_170 = arith.mulf %parallel_loop3A_168, %parallel_loop3A_169 : vector<16xf32>
          %parallel_loop3A_171 = arith.addf %parallel_loop3A_160, %parallel_loop3A_170 : vector<16xf32>
          %parallel_loop3A_172 = tpu.vector_load_idx %arg6[%parallel_loop3A_167] : memref<16384xf32, #tpu.memory_space<vmem>>[vector<16xi32>], vector<16xf32>,
          %parallel_loop3A_173 = arith.mulf %parallel_loop3A_168, %parallel_loop3A_172 : vector<16xf32>
          %parallel_loop3A_174 = arith.addf %parallel_loop3A_162, %parallel_loop3A_173 : vector<16xf32>
          %parallel_loop3A_175 = tpu.vector_load_idx %arg7[%parallel_loop3A_167] : memref<16384xf32, #tpu.memory_space<vmem>>[vector<16xi32>], vector<16xf32>,
          %parallel_loop3A_176 = arith.mulf %parallel_loop3A_168, %parallel_loop3A_175 : vector<16xf32>
          %parallel_loop3A_177 = arith.addf %parallel_loop3A_164, %parallel_loop3A_176 : vector<16xf32>
          %parallel_loop3A_178 = tpu.vector_load_idx %arg8[%parallel_loop3A_167] : memref<16384xf32, #tpu.memory_space<vmem>>[vector<16xi32>], vector<16xf32>,
          %parallel_loop3A_179 = arith.mulf %parallel_loop3A_168, %parallel_loop3A_178 : vector<16xf32>
          %parallel_loop3A_180 = arith.addf %parallel_loop3A_166, %parallel_loop3A_179 : vector<16xf32>
          %parallel_loop3A_181 = arith.mulf %parallel_loop3A_138, %parallel_loop3A_133 : vector<16xf32>
          %parallel_loop3A_182 = arith.addi %parallel_loop3A_127, %parallel_loop3A_154 : vector<16xi32>
          %parallel_loop3A_183 = arith.mulf %parallel_loop3A_181, %parallel_loop3A_144 : vector<16xf32>
          %parallel_loop3A_184 = tpu.vector_load_idx %arg5[%parallel_loop3A_182] : memref<16384xf32, #tpu.memory_space<vmem>>[vector<16xi32>], vector<16xf32>,
          %parallel_loop3A_185 = arith.mulf %parallel_loop3A_183, %parallel_loop3A_184 : vector<16xf32>
          %parallel_loop3A_186 = arith.addf %parallel_loop3A_171, %parallel_loop3A_185 : vector<16xf32>
          %parallel_loop3A_187 = tpu.vector_load_idx %arg6[%parallel_loop3A_182] : memref<16384xf32, #tpu.memory_space<vmem>>[vector<16xi32>], vector<16xf32>,
          %parallel_loop3A_188 = arith.mulf %parallel_loop3A_183, %parallel_loop3A_187 : vector<16xf32>
          %parallel_loop3A_189 = arith.addf %parallel_loop3A_174, %parallel_loop3A_188 : vector<16xf32>
          %parallel_loop3A_190 = tpu.vector_load_idx %arg7[%parallel_loop3A_182] : memref<16384xf32, #tpu.memory_space<vmem>>[vector<16xi32>], vector<16xf32>,
          %parallel_loop3A_191 = arith.mulf %parallel_loop3A_183, %parallel_loop3A_190 : vector<16xf32>
          %parallel_loop3A_192 = arith.addf %parallel_loop3A_177, %parallel_loop3A_191 : vector<16xf32>
          %parallel_loop3A_193 = tpu.vector_load_idx %arg8[%parallel_loop3A_182] : memref<16384xf32, #tpu.memory_space<vmem>>[vector<16xi32>], vector<16xf32>,
          %parallel_loop3A_194 = arith.mulf %parallel_loop3A_183, %parallel_loop3A_193 : vector<16xf32>
          %parallel_loop3A_195 = arith.addf %parallel_loop3A_180, %parallel_loop3A_194 : vector<16xf32>
          %parallel_loop3A_196 = arith.addi %parallel_loop3A_127, %parallel_loop3A_155 : vector<16xi32>
          %parallel_loop3A_197 = arith.mulf %parallel_loop3A_181, %parallel_loop3A_135 : vector<16xf32>
          %parallel_loop3A_198 = tpu.vector_load_idx %arg5[%parallel_loop3A_196] : memref<16384xf32, #tpu.memory_space<vmem>>[vector<16xi32>], vector<16xf32>,
          %parallel_loop3A_199 = arith.mulf %parallel_loop3A_197, %parallel_loop3A_198 : vector<16xf32>
          %parallel_loop3A_200 = arith.addf %parallel_loop3A_186, %parallel_loop3A_199 : vector<16xf32>
          %parallel_loop3A_201 = tpu.vector_load_idx %arg6[%parallel_loop3A_196] : memref<16384xf32, #tpu.memory_space<vmem>>[vector<16xi32>], vector<16xf32>,
          %parallel_loop3A_202 = arith.mulf %parallel_loop3A_197, %parallel_loop3A_201 : vector<16xf32>
          %parallel_loop3A_203 = arith.addf %parallel_loop3A_189, %parallel_loop3A_202 : vector<16xf32>
          %parallel_loop3A_204 = tpu.vector_load_idx %arg7[%parallel_loop3A_196] : memref<16384xf32, #tpu.memory_space<vmem>>[vector<16xi32>], vector<16xf32>,
          %parallel_loop3A_205 = arith.mulf %parallel_loop3A_197, %parallel_loop3A_204 : vector<16xf32>
          %parallel_loop3A_206 = arith.addf %parallel_loop3A_192, %parallel_loop3A_205 : vector<16xf32>
          %parallel_loop3A_207 = tpu.vector_load_idx %arg8[%parallel_loop3A_196] : memref<16384xf32, #tpu.memory_space<vmem>>[vector<16xi32>], vector<16xf32>,
          %parallel_loop3A_208 = arith.mulf %parallel_loop3A_197, %parallel_loop3A_207 : vector<16xf32>
          %parallel_loop3A_209 = arith.addf %parallel_loop3A_195, %parallel_loop3A_208 : vector<16xf32>
          %parallel_loop3A_210 = arith.mulf %parallel_loop3A_131, %parallel_loop3A_141 : vector<16xf32>
          %parallel_loop3A_211 = arith.addi %parallel_loop3A_147, %parallel_loop3A_152 : vector<16xi32>
          %parallel_loop3A_212 = arith.mulf %parallel_loop3A_210, %parallel_loop3A_144 : vector<16xf32>
          %parallel_loop3A_213 = tpu.vector_load_idx %arg5[%parallel_loop3A_211] : memref<16384xf32, #tpu.memory_space<vmem>>[vector<16xi32>], vector<16xf32>,
          %parallel_loop3A_214 = arith.mulf %parallel_loop3A_212, %parallel_loop3A_213 : vector<16xf32>
          %parallel_loop3A_215 = arith.addf %parallel_loop3A_200, %parallel_loop3A_214 : vector<16xf32>
          %parallel_loop3A_216 = tpu.vector_load_idx %arg6[%parallel_loop3A_211] : memref<16384xf32, #tpu.memory_space<vmem>>[vector<16xi32>], vector<16xf32>,
          %parallel_loop3A_217 = arith.mulf %parallel_loop3A_212, %parallel_loop3A_216 : vector<16xf32>
          %parallel_loop3A_218 = arith.addf %parallel_loop3A_203, %parallel_loop3A_217 : vector<16xf32>
          %parallel_loop3A_219 = tpu.vector_load_idx %arg7[%parallel_loop3A_211] : memref<16384xf32, #tpu.memory_space<vmem>>[vector<16xi32>], vector<16xf32>,
          %parallel_loop3A_220 = arith.mulf %parallel_loop3A_212, %parallel_loop3A_219 : vector<16xf32>
          %parallel_loop3A_221 = arith.addf %parallel_loop3A_206, %parallel_loop3A_220 : vector<16xf32>
          %parallel_loop3A_222 = tpu.vector_load_idx %arg8[%parallel_loop3A_211] : memref<16384xf32, #tpu.memory_space<vmem>>[vector<16xi32>], vector<16xf32>,
          %parallel_loop3A_223 = arith.mulf %parallel_loop3A_212, %parallel_loop3A_222 : vector<16xf32>
          %parallel_loop3A_224 = arith.addf %parallel_loop3A_209, %parallel_loop3A_223 : vector<16xf32>
          %parallel_loop3A_225 = arith.addi %parallel_loop3A_147, %parallel_loop3A_153 : vector<16xi32>
          %parallel_loop3A_226 = arith.mulf %parallel_loop3A_210, %parallel_loop3A_135 : vector<16xf32>
          %parallel_loop3A_227 = tpu.vector_load_idx %arg5[%parallel_loop3A_225] : memref<16384xf32, #tpu.memory_space<vmem>>[vector<16xi32>], vector<16xf32>,
          %parallel_loop3A_228 = arith.mulf %parallel_loop3A_226, %parallel_loop3A_227 : vector<16xf32>
          %parallel_loop3A_229 = arith.addf %parallel_loop3A_215, %parallel_loop3A_228 : vector<16xf32>
          %parallel_loop3A_230 = tpu.vector_load_idx %arg6[%parallel_loop3A_225] : memref<16384xf32, #tpu.memory_space<vmem>>[vector<16xi32>], vector<16xf32>,
          %parallel_loop3A_231 = arith.mulf %parallel_loop3A_226, %parallel_loop3A_230 : vector<16xf32>
          %parallel_loop3A_232 = arith.addf %parallel_loop3A_218, %parallel_loop3A_231 : vector<16xf32>
          %parallel_loop3A_233 = tpu.vector_load_idx %arg7[%parallel_loop3A_225] : memref<16384xf32, #tpu.memory_space<vmem>>[vector<16xi32>], vector<16xf32>,
          %parallel_loop3A_234 = arith.mulf %parallel_loop3A_226, %parallel_loop3A_233 : vector<16xf32>
          %parallel_loop3A_235 = arith.addf %parallel_loop3A_221, %parallel_loop3A_234 : vector<16xf32>
          %parallel_loop3A_236 = tpu.vector_load_idx %arg8[%parallel_loop3A_225] : memref<16384xf32, #tpu.memory_space<vmem>>[vector<16xi32>], vector<16xf32>,
          %parallel_loop3A_237 = arith.mulf %parallel_loop3A_226, %parallel_loop3A_236 : vector<16xf32>
          %parallel_loop3A_238 = arith.addf %parallel_loop3A_224, %parallel_loop3A_237 : vector<16xf32>
          %parallel_loop3A_239 = arith.mulf %parallel_loop3A_131, %parallel_loop3A_133 : vector<16xf32>
          %parallel_loop3A_240 = arith.addi %parallel_loop3A_147, %parallel_loop3A_154 : vector<16xi32>
          %parallel_loop3A_241 = arith.mulf %parallel_loop3A_239, %parallel_loop3A_144 : vector<16xf32>
          %parallel_loop3A_242 = tpu.vector_load_idx %arg5[%parallel_loop3A_240] : memref<16384xf32, #tpu.memory_space<vmem>>[vector<16xi32>], vector<16xf32>,
          %parallel_loop3A_243 = arith.mulf %parallel_loop3A_241, %parallel_loop3A_242 : vector<16xf32>
          %parallel_loop3A_244 = arith.addf %parallel_loop3A_229, %parallel_loop3A_243 : vector<16xf32>
          %parallel_loop3A_245 = tpu.vector_load_idx %arg6[%parallel_loop3A_240] : memref<16384xf32, #tpu.memory_space<vmem>>[vector<16xi32>], vector<16xf32>,
          %parallel_loop3A_246 = arith.mulf %parallel_loop3A_241, %parallel_loop3A_245 : vector<16xf32>
          %parallel_loop3A_247 = arith.addf %parallel_loop3A_232, %parallel_loop3A_246 : vector<16xf32>
          %parallel_loop3A_248 = tpu.vector_load_idx %arg7[%parallel_loop3A_240] : memref<16384xf32, #tpu.memory_space<vmem>>[vector<16xi32>], vector<16xf32>,
          %parallel_loop3A_249 = arith.mulf %parallel_loop3A_241, %parallel_loop3A_248 : vector<16xf32>
          %parallel_loop3A_250 = arith.addf %parallel_loop3A_235, %parallel_loop3A_249 : vector<16xf32>
          %parallel_loop3A_251 = tpu.vector_load_idx %arg8[%parallel_loop3A_240] : memref<16384xf32, #tpu.memory_space<vmem>>[vector<16xi32>], vector<16xf32>,
          %parallel_loop3A_252 = arith.mulf %parallel_loop3A_241, %parallel_loop3A_251 : vector<16xf32>
          %parallel_loop3A_253 = arith.addf %parallel_loop3A_238, %parallel_loop3A_252 : vector<16xf32>
          %parallel_loop3A_254 = arith.addi %parallel_loop3A_147, %parallel_loop3A_155 : vector<16xi32>
          %parallel_loop3A_255 = arith.mulf %parallel_loop3A_239, %parallel_loop3A_135 : vector<16xf32>
          %parallel_loop3A_256 = tpu.vector_load_idx %arg5[%parallel_loop3A_254] : memref<16384xf32, #tpu.memory_space<vmem>>[vector<16xi32>], vector<16xf32>,
          %parallel_loop3A_257 = arith.mulf %parallel_loop3A_255, %parallel_loop3A_256 : vector<16xf32>
          %parallel_loop3A_258 = arith.addf %parallel_loop3A_244, %parallel_loop3A_257 : vector<16xf32>
          %parallel_loop3A_259 = tpu.vector_load_idx %arg6[%parallel_loop3A_254] : memref<16384xf32, #tpu.memory_space<vmem>>[vector<16xi32>], vector<16xf32>,
          %parallel_loop3A_260 = arith.mulf %parallel_loop3A_255, %parallel_loop3A_259 : vector<16xf32>
          %parallel_loop3A_261 = arith.addf %parallel_loop3A_247, %parallel_loop3A_260 : vector<16xf32>
          %parallel_loop3A_262 = tpu.vector_load_idx %arg7[%parallel_loop3A_254] : memref<16384xf32, #tpu.memory_space<vmem>>[vector<16xi32>], vector<16xf32>,
          %parallel_loop3A_263 = arith.mulf %parallel_loop3A_255, %parallel_loop3A_262 : vector<16xf32>
          %parallel_loop3A_264 = arith.addf %parallel_loop3A_250, %parallel_loop3A_263 : vector<16xf32>
          %parallel_loop3A_265 = tpu.vector_load_idx %arg8[%parallel_loop3A_254] : memref<16384xf32, #tpu.memory_space<vmem>>[vector<16xi32>], vector<16xf32>,
          %parallel_loop3A_266 = arith.mulf %parallel_loop3A_255, %parallel_loop3A_265 : vector<16xf32>
          %parallel_loop3A_267 = arith.addf %parallel_loop3A_253, %parallel_loop3A_266 : vector<16xf32>
          %parallel_loop3A_268 = arith.constant 0 : i32
          %parallel_loop3A_269 = arith.addi %parallel_loop3A_268, %parallel_loop3A_113 : i32
          %parallel_loop3A_270 = arith.index_cast %parallel_loop3A_269 : i32 to index
          %parallel_loop3A_271 = tpu.vector_load %arg11[%parallel_loop3A_270] {strides = array<i32>} : memref<16384xf32, #tpu.memory_space<vmem>>, vector<16xf32>,
          tpu.vector_store %arg11[%parallel_loop3A_270], %parallel_loop3A_258 {strides = array<i32>} : memref<16384xf32, #tpu.memory_space<vmem>>, vector<16xf32>,
          %parallel_loop3A_272 = arith.constant 4096 : i32
          %parallel_loop3A_273 = arith.addi %parallel_loop3A_272, %parallel_loop3A_113 : i32
          %parallel_loop3A_274 = arith.index_cast %parallel_loop3A_273 : i32 to index
          %parallel_loop3A_275 = tpu.vector_load %arg11[%parallel_loop3A_274] {strides = array<i32>} : memref<16384xf32, #tpu.memory_space<vmem>>, vector<16xf32>,
          tpu.vector_store %arg11[%parallel_loop3A_274], %parallel_loop3A_261 {strides = array<i32>} : memref<16384xf32, #tpu.memory_space<vmem>>, vector<16xf32>,
          %parallel_loop3A_276 = arith.constant 8192 : i32
          %parallel_loop3A_277 = arith.addi %parallel_loop3A_276, %parallel_loop3A_113 : i32
          %parallel_loop3A_278 = arith.index_cast %parallel_loop3A_277 : i32 to index
          %parallel_loop3A_279 = tpu.vector_load %arg11[%parallel_loop3A_278] {strides = array<i32>} : memref<16384xf32, #tpu.memory_space<vmem>>, vector<16xf32>,
          tpu.vector_store %arg11[%parallel_loop3A_278], %parallel_loop3A_264 {strides = array<i32>} : memref<16384xf32, #tpu.memory_space<vmem>>, vector<16xf32>,
          %parallel_loop3A_280 = arith.constant 12288 : i32
          %parallel_loop3A_281 = arith.addi %parallel_loop3A_280, %parallel_loop3A_113 : i32
          %parallel_loop3A_282 = arith.index_cast %parallel_loop3A_281 : i32 to index
          %parallel_loop3A_283 = tpu.vector_load %arg11[%parallel_loop3A_282] {strides = array<i32>} : memref<16384xf32, #tpu.memory_space<vmem>>, vector<16xf32>,
          tpu.vector_store %arg11[%parallel_loop3A_282], %parallel_loop3A_267 {strides = array<i32>} : memref<16384xf32, #tpu.memory_space<vmem>>, vector<16xf32>,
        } {sc.loop_unroll_factor = 4 : i64, sc.parallel_access}
        %mul3A_71 = arith.constant 262144 : i32
        %mul3A_72 = arith.muli %add3A_53, %mul3A_71 : i32
        %mul3A_73 = arith.constant 4 : i32
        %mul3A_74 = arith.muli %arg1, %mul3A_73 : i32
        %mul3A_75 = arith.constant 4096 : i32
        %mul3A_76 = arith.muli %mul3A_74, %mul3A_75 : i32
        %add3A_77 = arith.addi %mul3A_72, %mul3A_76 : i32
        %dma_start3A_78 = tpu.memref_slice %arg4[%add3A_77] : memref<33554432xf32, #tpu.memory_space<hbm>> -> memref<16384xf32, #tpu.memory_space<hbm>>
        %dma_start3A_79 = tpu.memref_slice %arg4[%add3A_77] : memref<33554432xf32, #tpu.memory_space<hbm>> -> memref<16384xf32, #tpu.memory_space<hbm>>
        tpu.enqueue_dma source(%arg11 : memref<16384xf32, #tpu.memory_space<vmem>>) target(%dma_start3A_79 : memref<16384xf32, #tpu.memory_space<hbm>>) target_semaphore(%arg15 : memref<!tpu.dma_semaphore, #tpu.memory_space<semaphore_mem>>)
        %mul3A_80 = arith.constant 2 : i32
        %mul3A_81 = arith.muli %scan3A_48, %mul3A_80 : i32
        %add3A_82 = arith.constant 1 : i32
        %add3A_83 = arith.addi %mul3A_81, %add3A_82 : i32
        %add3A_84 = arith.addi %mul3A_9, %add3A_83 : i32
        %dma_wait3A_85 = arith.constant 0 : i32
        %dma_wait3A_86 = tpu.memref_slice %arg2[%dma_wait3A_85] : memref<1572864xf32, #tpu.memory_space<hbm>> -> memref<12288xf32, #tpu.memory_space<hbm>>
        %dma_wait3A_87 = arith.constant 0 : i32
        %dma_wait3A_88 = tpu.memref_slice %arg2[%dma_wait3A_87] : memref<1572864xf32, #tpu.memory_space<hbm>> -> memref<12288xf32, #tpu.memory_space<hbm>>
        tpu.wait_dma2 semaphore(%arg14 : memref<!tpu.dma_semaphore, #tpu.memory_space<semaphore_mem>>) src(%dma_wait3A_88 : memref<12288xf32, #tpu.memory_space<hbm>>) dst(%arg10 : memref<12288xf32, #tpu.memory_space<vmem>>)
        %add3A_89 = arith.constant 1 : i32
        %add3A_90 = arith.addi %add3A_83, %add3A_89 : i32
        %lt3A_91 = arith.constant 64 : i32
        %lt3A_92 = arith.cmpi slt, %add3A_90, %lt3A_91 : i32
        %convert_element_type3A_93 = arith.extui %lt3A_92 : i1 to i32
        %cond3A_94 = arith.constant 0 : i32
        %cond3A_95 = arith.cmpi ne, %convert_element_type3A_93, %cond3A_94 : i32
        scf.if %cond3A_95 {
          %add3A_113 = arith.constant 1 : i32
          %add3A_114 = arith.addi %add3A_84, %add3A_113 : i32
          %mul3A_115 = arith.constant 12288 : i32
          %mul3A_116 = arith.muli %add3A_114, %mul3A_115 : i32
          %dma_start3A_117 = tpu.memref_slice %arg2[%mul3A_116] : memref<1572864xf32, #tpu.memory_space<hbm>> -> memref<12288xf32, #tpu.memory_space<hbm>>
          %dma_start3A_118 = tpu.memref_slice %arg2[%mul3A_116] : memref<1572864xf32, #tpu.memory_space<hbm>> -> memref<12288xf32, #tpu.memory_space<hbm>>
          tpu.enqueue_dma source(%dma_start3A_118 : memref<12288xf32, #tpu.memory_space<hbm>>) target(%arg9 : memref<12288xf32, #tpu.memory_space<vmem>>) target_semaphore(%arg13 : memref<!tpu.dma_semaphore, #tpu.memory_space<semaphore_mem>>)
        } else {
        }
        %ge3A_96 = arith.constant 2 : i32
        %ge3A_97 = arith.cmpi sge, %add3A_83, %ge3A_96 : i32
        %convert_element_type3A_98 = arith.extui %ge3A_97 : i1 to i32
        %cond3A_99 = arith.constant 0 : i32
        %cond3A_100 = arith.cmpi ne, %convert_element_type3A_98, %cond3A_99 : i32
        scf.if %cond3A_100 {
          %mul3A_113 = arith.constant 4 : i32
          %mul3A_114 = arith.muli %arg1, %mul3A_113 : i32
          %mul3A_115 = arith.constant 4096 : i32
          %mul3A_116 = arith.muli %mul3A_114, %mul3A_115 : i32
          %dma_wait3A_117 = tpu.memref_slice %arg4[%mul3A_116] : memref<33554432xf32, #tpu.memory_space<hbm>> -> memref<16384xf32, #tpu.memory_space<hbm>>
          %dma_wait3A_118 = tpu.memref_slice %arg4[%mul3A_116] : memref<33554432xf32, #tpu.memory_space<hbm>> -> memref<16384xf32, #tpu.memory_space<hbm>>
          tpu.wait_dma2 semaphore(%arg16 : memref<!tpu.dma_semaphore, #tpu.memory_space<semaphore_mem>>) src(%arg12 : memref<16384xf32, #tpu.memory_space<vmem>>) dst(%dma_wait3A_118 : memref<16384xf32, #tpu.memory_space<hbm>>)
        } else {
        }
        %parallel_loop3A_101 = arith.constant 0 : i32
        %parallel_loop3A_102 = arith.constant 4096 : i32
        %parallel_loop3A_103 = arith.constant 16 : i32
        scf.for %parallel_loop3A_113 = %parallel_loop3A_101 to %parallel_loop3A_102 step %parallel_loop3A_103  : i32 {
          %parallel_loop3A_114 = arith.index_cast %parallel_loop3A_113 : i32 to index
          %parallel_loop3A_115 = tpu.vector_load %arg10[%parallel_loop3A_114] {strides = array<i32>} : memref<12288xf32, #tpu.memory_space<vmem>>, vector<16xf32>,
          %parallel_loop3A_116 = arith.mulf %parallel_loop3A_115, %broadcast_in_dim3A_28 : vector<16xf32>
          %parallel_loop3A_117 = arith.constant 4096 : i32
          %parallel_loop3A_118 = arith.addi %parallel_loop3A_117, %parallel_loop3A_113 : i32
          %parallel_loop3A_119 = arith.index_cast %parallel_loop3A_118 : i32 to index
          %parallel_loop3A_120 = tpu.vector_load %arg10[%parallel_loop3A_119] {strides = array<i32>} : memref<12288xf32, #tpu.memory_space<vmem>>, vector<16xf32>,
          %parallel_loop3A_121 = arith.mulf %parallel_loop3A_120, %broadcast_in_dim3A_28 : vector<16xf32>
          %parallel_loop3A_122 = arith.constant 8192 : i32
          %parallel_loop3A_123 = arith.addi %parallel_loop3A_122, %parallel_loop3A_113 : i32
          %parallel_loop3A_124 = arith.index_cast %parallel_loop3A_123 : i32 to index
          %parallel_loop3A_125 = tpu.vector_load %arg10[%parallel_loop3A_124] {strides = array<i32>} : memref<12288xf32, #tpu.memory_space<vmem>>, vector<16xf32>,
          %parallel_loop3A_126 = arith.mulf %parallel_loop3A_125, %broadcast_in_dim3A_28 : vector<16xf32>
          %parallel_loop3A_127 = arith.fptosi %parallel_loop3A_116 : vector<16xf32> to vector<16xi32>
          %parallel_loop3A_128 = arith.fptosi %parallel_loop3A_121 : vector<16xf32> to vector<16xi32>
          %parallel_loop3A_129 = arith.fptosi %parallel_loop3A_126 : vector<16xf32> to vector<16xi32>
          %parallel_loop3A_130 = arith.sitofp %parallel_loop3A_127 : vector<16xi32> to vector<16xf32>
          %parallel_loop3A_131 = arith.subf %parallel_loop3A_116, %parallel_loop3A_130 : vector<16xf32>
          %parallel_loop3A_132 = arith.sitofp %parallel_loop3A_128 : vector<16xi32> to vector<16xf32>
          %parallel_loop3A_133 = arith.subf %parallel_loop3A_121, %parallel_loop3A_132 : vector<16xf32>
          %parallel_loop3A_134 = arith.sitofp %parallel_loop3A_129 : vector<16xi32> to vector<16xf32>
          %parallel_loop3A_135 = arith.subf %parallel_loop3A_126, %parallel_loop3A_134 : vector<16xf32>
          %parallel_loop3A_136 = arith.constant 1.000000e+00 : f32
          %parallel_loop3A_137 = vector.broadcast %parallel_loop3A_136 : f32 to vector<16xf32>
          %parallel_loop3A_138 = arith.subf %parallel_loop3A_137, %parallel_loop3A_131 : vector<16xf32>
          %parallel_loop3A_139 = arith.constant 1.000000e+00 : f32
          %parallel_loop3A_140 = vector.broadcast %parallel_loop3A_139 : f32 to vector<16xf32>
          %parallel_loop3A_141 = arith.subf %parallel_loop3A_140, %parallel_loop3A_133 : vector<16xf32>
          %parallel_loop3A_142 = arith.constant 1.000000e+00 : f32
          %parallel_loop3A_143 = vector.broadcast %parallel_loop3A_142 : f32 to vector<16xf32>
          %parallel_loop3A_144 = arith.subf %parallel_loop3A_143, %parallel_loop3A_135 : vector<16xf32>
          %parallel_loop3A_145 = arith.constant 1 : i32
          %parallel_loop3A_146 = vector.broadcast %parallel_loop3A_145 : i32 to vector<16xi32>
          %parallel_loop3A_147 = arith.addi %parallel_loop3A_127, %parallel_loop3A_146 : vector<16xi32>
          %parallel_loop3A_148 = arith.muli %parallel_loop3A_128, %broadcast_in_dim3A : vector<16xi32>
          %parallel_loop3A_149 = arith.muli %parallel_loop3A_129, %broadcast_in_dim3A_27 : vector<16xi32>
          %parallel_loop3A_150 = arith.addi %parallel_loop3A_148, %broadcast_in_dim3A : vector<16xi32>
          %parallel_loop3A_151 = arith.addi %parallel_loop3A_149, %broadcast_in_dim3A_27 : vector<16xi32>
          %parallel_loop3A_152 = arith.addi %parallel_loop3A_148, %parallel_loop3A_149 : vector<16xi32>
          %parallel_loop3A_153 = arith.addi %parallel_loop3A_148, %parallel_loop3A_151 : vector<16xi32>
          %parallel_loop3A_154 = arith.addi %parallel_loop3A_150, %parallel_loop3A_149 : vector<16xi32>
          %parallel_loop3A_155 = arith.addi %parallel_loop3A_150, %parallel_loop3A_151 : vector<16xi32>
          %parallel_loop3A_156 = arith.mulf %parallel_loop3A_138, %parallel_loop3A_141 : vector<16xf32>
          %parallel_loop3A_157 = arith.addi %parallel_loop3A_127, %parallel_loop3A_152 : vector<16xi32>
          %parallel_loop3A_158 = arith.mulf %parallel_loop3A_156, %parallel_loop3A_144 : vector<16xf32>
          %parallel_loop3A_159 = tpu.vector_load_idx %arg5[%parallel_loop3A_157] : memref<16384xf32, #tpu.memory_space<vmem>>[vector<16xi32>], vector<16xf32>,
          %parallel_loop3A_160 = arith.mulf %parallel_loop3A_158, %parallel_loop3A_159 : vector<16xf32>
          %parallel_loop3A_161 = tpu.vector_load_idx %arg6[%parallel_loop3A_157] : memref<16384xf32, #tpu.memory_space<vmem>>[vector<16xi32>], vector<16xf32>,
          %parallel_loop3A_162 = arith.mulf %parallel_loop3A_158, %parallel_loop3A_161 : vector<16xf32>
          %parallel_loop3A_163 = tpu.vector_load_idx %arg7[%parallel_loop3A_157] : memref<16384xf32, #tpu.memory_space<vmem>>[vector<16xi32>], vector<16xf32>,
          %parallel_loop3A_164 = arith.mulf %parallel_loop3A_158, %parallel_loop3A_163 : vector<16xf32>
          %parallel_loop3A_165 = tpu.vector_load_idx %arg8[%parallel_loop3A_157] : memref<16384xf32, #tpu.memory_space<vmem>>[vector<16xi32>], vector<16xf32>,
          %parallel_loop3A_166 = arith.mulf %parallel_loop3A_158, %parallel_loop3A_165 : vector<16xf32>
          %parallel_loop3A_167 = arith.addi %parallel_loop3A_127, %parallel_loop3A_153 : vector<16xi32>
          %parallel_loop3A_168 = arith.mulf %parallel_loop3A_156, %parallel_loop3A_135 : vector<16xf32>
          %parallel_loop3A_169 = tpu.vector_load_idx %arg5[%parallel_loop3A_167] : memref<16384xf32, #tpu.memory_space<vmem>>[vector<16xi32>], vector<16xf32>,
          %parallel_loop3A_170 = arith.mulf %parallel_loop3A_168, %parallel_loop3A_169 : vector<16xf32>
          %parallel_loop3A_171 = arith.addf %parallel_loop3A_160, %parallel_loop3A_170 : vector<16xf32>
          %parallel_loop3A_172 = tpu.vector_load_idx %arg6[%parallel_loop3A_167] : memref<16384xf32, #tpu.memory_space<vmem>>[vector<16xi32>], vector<16xf32>,
          %parallel_loop3A_173 = arith.mulf %parallel_loop3A_168, %parallel_loop3A_172 : vector<16xf32>
          %parallel_loop3A_174 = arith.addf %parallel_loop3A_162, %parallel_loop3A_173 : vector<16xf32>
          %parallel_loop3A_175 = tpu.vector_load_idx %arg7[%parallel_loop3A_167] : memref<16384xf32, #tpu.memory_space<vmem>>[vector<16xi32>], vector<16xf32>,
          %parallel_loop3A_176 = arith.mulf %parallel_loop3A_168, %parallel_loop3A_175 : vector<16xf32>
          %parallel_loop3A_177 = arith.addf %parallel_loop3A_164, %parallel_loop3A_176 : vector<16xf32>
          %parallel_loop3A_178 = tpu.vector_load_idx %arg8[%parallel_loop3A_167] : memref<16384xf32, #tpu.memory_space<vmem>>[vector<16xi32>], vector<16xf32>,
          %parallel_loop3A_179 = arith.mulf %parallel_loop3A_168, %parallel_loop3A_178 : vector<16xf32>
          %parallel_loop3A_180 = arith.addf %parallel_loop3A_166, %parallel_loop3A_179 : vector<16xf32>
          %parallel_loop3A_181 = arith.mulf %parallel_loop3A_138, %parallel_loop3A_133 : vector<16xf32>
          %parallel_loop3A_182 = arith.addi %parallel_loop3A_127, %parallel_loop3A_154 : vector<16xi32>
          %parallel_loop3A_183 = arith.mulf %parallel_loop3A_181, %parallel_loop3A_144 : vector<16xf32>
          %parallel_loop3A_184 = tpu.vector_load_idx %arg5[%parallel_loop3A_182] : memref<16384xf32, #tpu.memory_space<vmem>>[vector<16xi32>], vector<16xf32>,
          %parallel_loop3A_185 = arith.mulf %parallel_loop3A_183, %parallel_loop3A_184 : vector<16xf32>
          %parallel_loop3A_186 = arith.addf %parallel_loop3A_171, %parallel_loop3A_185 : vector<16xf32>
          %parallel_loop3A_187 = tpu.vector_load_idx %arg6[%parallel_loop3A_182] : memref<16384xf32, #tpu.memory_space<vmem>>[vector<16xi32>], vector<16xf32>,
          %parallel_loop3A_188 = arith.mulf %parallel_loop3A_183, %parallel_loop3A_187 : vector<16xf32>
          %parallel_loop3A_189 = arith.addf %parallel_loop3A_174, %parallel_loop3A_188 : vector<16xf32>
          %parallel_loop3A_190 = tpu.vector_load_idx %arg7[%parallel_loop3A_182] : memref<16384xf32, #tpu.memory_space<vmem>>[vector<16xi32>], vector<16xf32>,
          %parallel_loop3A_191 = arith.mulf %parallel_loop3A_183, %parallel_loop3A_190 : vector<16xf32>
          %parallel_loop3A_192 = arith.addf %parallel_loop3A_177, %parallel_loop3A_191 : vector<16xf32>
          %parallel_loop3A_193 = tpu.vector_load_idx %arg8[%parallel_loop3A_182] : memref<16384xf32, #tpu.memory_space<vmem>>[vector<16xi32>], vector<16xf32>,
          %parallel_loop3A_194 = arith.mulf %parallel_loop3A_183, %parallel_loop3A_193 : vector<16xf32>
          %parallel_loop3A_195 = arith.addf %parallel_loop3A_180, %parallel_loop3A_194 : vector<16xf32>
          %parallel_loop3A_196 = arith.addi %parallel_loop3A_127, %parallel_loop3A_155 : vector<16xi32>
          %parallel_loop3A_197 = arith.mulf %parallel_loop3A_181, %parallel_loop3A_135 : vector<16xf32>
          %parallel_loop3A_198 = tpu.vector_load_idx %arg5[%parallel_loop3A_196] : memref<16384xf32, #tpu.memory_space<vmem>>[vector<16xi32>], vector<16xf32>,
          %parallel_loop3A_199 = arith.mulf %parallel_loop3A_197, %parallel_loop3A_198 : vector<16xf32>
          %parallel_loop3A_200 = arith.addf %parallel_loop3A_186, %parallel_loop3A_199 : vector<16xf32>
          %parallel_loop3A_201 = tpu.vector_load_idx %arg6[%parallel_loop3A_196] : memref<16384xf32, #tpu.memory_space<vmem>>[vector<16xi32>], vector<16xf32>,
          %parallel_loop3A_202 = arith.mulf %parallel_loop3A_197, %parallel_loop3A_201 : vector<16xf32>
          %parallel_loop3A_203 = arith.addf %parallel_loop3A_189, %parallel_loop3A_202 : vector<16xf32>
          %parallel_loop3A_204 = tpu.vector_load_idx %arg7[%parallel_loop3A_196] : memref<16384xf32, #tpu.memory_space<vmem>>[vector<16xi32>], vector<16xf32>,
          %parallel_loop3A_205 = arith.mulf %parallel_loop3A_197, %parallel_loop3A_204 : vector<16xf32>
          %parallel_loop3A_206 = arith.addf %parallel_loop3A_192, %parallel_loop3A_205 : vector<16xf32>
          %parallel_loop3A_207 = tpu.vector_load_idx %arg8[%parallel_loop3A_196] : memref<16384xf32, #tpu.memory_space<vmem>>[vector<16xi32>], vector<16xf32>,
          %parallel_loop3A_208 = arith.mulf %parallel_loop3A_197, %parallel_loop3A_207 : vector<16xf32>
          %parallel_loop3A_209 = arith.addf %parallel_loop3A_195, %parallel_loop3A_208 : vector<16xf32>
          %parallel_loop3A_210 = arith.mulf %parallel_loop3A_131, %parallel_loop3A_141 : vector<16xf32>
          %parallel_loop3A_211 = arith.addi %parallel_loop3A_147, %parallel_loop3A_152 : vector<16xi32>
          %parallel_loop3A_212 = arith.mulf %parallel_loop3A_210, %parallel_loop3A_144 : vector<16xf32>
          %parallel_loop3A_213 = tpu.vector_load_idx %arg5[%parallel_loop3A_211] : memref<16384xf32, #tpu.memory_space<vmem>>[vector<16xi32>], vector<16xf32>,
          %parallel_loop3A_214 = arith.mulf %parallel_loop3A_212, %parallel_loop3A_213 : vector<16xf32>
          %parallel_loop3A_215 = arith.addf %parallel_loop3A_200, %parallel_loop3A_214 : vector<16xf32>
          %parallel_loop3A_216 = tpu.vector_load_idx %arg6[%parallel_loop3A_211] : memref<16384xf32, #tpu.memory_space<vmem>>[vector<16xi32>], vector<16xf32>,
          %parallel_loop3A_217 = arith.mulf %parallel_loop3A_212, %parallel_loop3A_216 : vector<16xf32>
          %parallel_loop3A_218 = arith.addf %parallel_loop3A_203, %parallel_loop3A_217 : vector<16xf32>
          %parallel_loop3A_219 = tpu.vector_load_idx %arg7[%parallel_loop3A_211] : memref<16384xf32, #tpu.memory_space<vmem>>[vector<16xi32>], vector<16xf32>,
          %parallel_loop3A_220 = arith.mulf %parallel_loop3A_212, %parallel_loop3A_219 : vector<16xf32>
          %parallel_loop3A_221 = arith.addf %parallel_loop3A_206, %parallel_loop3A_220 : vector<16xf32>
          %parallel_loop3A_222 = tpu.vector_load_idx %arg8[%parallel_loop3A_211] : memref<16384xf32, #tpu.memory_space<vmem>>[vector<16xi32>], vector<16xf32>,
          %parallel_loop3A_223 = arith.mulf %parallel_loop3A_212, %parallel_loop3A_222 : vector<16xf32>
          %parallel_loop3A_224 = arith.addf %parallel_loop3A_209, %parallel_loop3A_223 : vector<16xf32>
          %parallel_loop3A_225 = arith.addi %parallel_loop3A_147, %parallel_loop3A_153 : vector<16xi32>
          %parallel_loop3A_226 = arith.mulf %parallel_loop3A_210, %parallel_loop3A_135 : vector<16xf32>
          %parallel_loop3A_227 = tpu.vector_load_idx %arg5[%parallel_loop3A_225] : memref<16384xf32, #tpu.memory_space<vmem>>[vector<16xi32>], vector<16xf32>,
          %parallel_loop3A_228 = arith.mulf %parallel_loop3A_226, %parallel_loop3A_227 : vector<16xf32>
          %parallel_loop3A_229 = arith.addf %parallel_loop3A_215, %parallel_loop3A_228 : vector<16xf32>
          %parallel_loop3A_230 = tpu.vector_load_idx %arg6[%parallel_loop3A_225] : memref<16384xf32, #tpu.memory_space<vmem>>[vector<16xi32>], vector<16xf32>,
          %parallel_loop3A_231 = arith.mulf %parallel_loop3A_226, %parallel_loop3A_230 : vector<16xf32>
          %parallel_loop3A_232 = arith.addf %parallel_loop3A_218, %parallel_loop3A_231 : vector<16xf32>
          %parallel_loop3A_233 = tpu.vector_load_idx %arg7[%parallel_loop3A_225] : memref<16384xf32, #tpu.memory_space<vmem>>[vector<16xi32>], vector<16xf32>,
          %parallel_loop3A_234 = arith.mulf %parallel_loop3A_226, %parallel_loop3A_233 : vector<16xf32>
          %parallel_loop3A_235 = arith.addf %parallel_loop3A_221, %parallel_loop3A_234 : vector<16xf32>
          %parallel_loop3A_236 = tpu.vector_load_idx %arg8[%parallel_loop3A_225] : memref<16384xf32, #tpu.memory_space<vmem>>[vector<16xi32>], vector<16xf32>,
          %parallel_loop3A_237 = arith.mulf %parallel_loop3A_226, %parallel_loop3A_236 : vector<16xf32>
          %parallel_loop3A_238 = arith.addf %parallel_loop3A_224, %parallel_loop3A_237 : vector<16xf32>
          %parallel_loop3A_239 = arith.mulf %parallel_loop3A_131, %parallel_loop3A_133 : vector<16xf32>
          %parallel_loop3A_240 = arith.addi %parallel_loop3A_147, %parallel_loop3A_154 : vector<16xi32>
          %parallel_loop3A_241 = arith.mulf %parallel_loop3A_239, %parallel_loop3A_144 : vector<16xf32>
          %parallel_loop3A_242 = tpu.vector_load_idx %arg5[%parallel_loop3A_240] : memref<16384xf32, #tpu.memory_space<vmem>>[vector<16xi32>], vector<16xf32>,
          %parallel_loop3A_243 = arith.mulf %parallel_loop3A_241, %parallel_loop3A_242 : vector<16xf32>
          %parallel_loop3A_244 = arith.addf %parallel_loop3A_229, %parallel_loop3A_243 : vector<16xf32>
          %parallel_loop3A_245 = tpu.vector_load_idx %arg6[%parallel_loop3A_240] : memref<16384xf32, #tpu.memory_space<vmem>>[vector<16xi32>], vector<16xf32>,
          %parallel_loop3A_246 = arith.mulf %parallel_loop3A_241, %parallel_loop3A_245 : vector<16xf32>
          %parallel_loop3A_247 = arith.addf %parallel_loop3A_232, %parallel_loop3A_246 : vector<16xf32>
          %parallel_loop3A_248 = tpu.vector_load_idx %arg7[%parallel_loop3A_240] : memref<16384xf32, #tpu.memory_space<vmem>>[vector<16xi32>], vector<16xf32>,
          %parallel_loop3A_249 = arith.mulf %parallel_loop3A_241, %parallel_loop3A_248 : vector<16xf32>
          %parallel_loop3A_250 = arith.addf %parallel_loop3A_235, %parallel_loop3A_249 : vector<16xf32>
          %parallel_loop3A_251 = tpu.vector_load_idx %arg8[%parallel_loop3A_240] : memref<16384xf32, #tpu.memory_space<vmem>>[vector<16xi32>], vector<16xf32>,
          %parallel_loop3A_252 = arith.mulf %parallel_loop3A_241, %parallel_loop3A_251 : vector<16xf32>
          %parallel_loop3A_253 = arith.addf %parallel_loop3A_238, %parallel_loop3A_252 : vector<16xf32>
          %parallel_loop3A_254 = arith.addi %parallel_loop3A_147, %parallel_loop3A_155 : vector<16xi32>
          %parallel_loop3A_255 = arith.mulf %parallel_loop3A_239, %parallel_loop3A_135 : vector<16xf32>
          %parallel_loop3A_256 = tpu.vector_load_idx %arg5[%parallel_loop3A_254] : memref<16384xf32, #tpu.memory_space<vmem>>[vector<16xi32>], vector<16xf32>,
          %parallel_loop3A_257 = arith.mulf %parallel_loop3A_255, %parallel_loop3A_256 : vector<16xf32>
          %parallel_loop3A_258 = arith.addf %parallel_loop3A_244, %parallel_loop3A_257 : vector<16xf32>
          %parallel_loop3A_259 = tpu.vector_load_idx %arg6[%parallel_loop3A_254] : memref<16384xf32, #tpu.memory_space<vmem>>[vector<16xi32>], vector<16xf32>,
          %parallel_loop3A_260 = arith.mulf %parallel_loop3A_255, %parallel_loop3A_259 : vector<16xf32>
          %parallel_loop3A_261 = arith.addf %parallel_loop3A_247, %parallel_loop3A_260 : vector<16xf32>
          %parallel_loop3A_262 = tpu.vector_load_idx %arg7[%parallel_loop3A_254] : memref<16384xf32, #tpu.memory_space<vmem>>[vector<16xi32>], vector<16xf32>,
          %parallel_loop3A_263 = arith.mulf %parallel_loop3A_255, %parallel_loop3A_262 : vector<16xf32>
          %parallel_loop3A_264 = arith.addf %parallel_loop3A_250, %parallel_loop3A_263 : vector<16xf32>
          %parallel_loop3A_265 = tpu.vector_load_idx %arg8[%parallel_loop3A_254] : memref<16384xf32, #tpu.memory_space<vmem>>[vector<16xi32>], vector<16xf32>,
          %parallel_loop3A_266 = arith.mulf %parallel_loop3A_255, %parallel_loop3A_265 : vector<16xf32>
          %parallel_loop3A_267 = arith.addf %parallel_loop3A_253, %parallel_loop3A_266 : vector<16xf32>
          %parallel_loop3A_268 = arith.constant 0 : i32
          %parallel_loop3A_269 = arith.addi %parallel_loop3A_268, %parallel_loop3A_113 : i32
          %parallel_loop3A_270 = arith.index_cast %parallel_loop3A_269 : i32 to index
          %parallel_loop3A_271 = tpu.vector_load %arg12[%parallel_loop3A_270] {strides = array<i32>} : memref<16384xf32, #tpu.memory_space<vmem>>, vector<16xf32>,
          tpu.vector_store %arg12[%parallel_loop3A_270], %parallel_loop3A_258 {strides = array<i32>} : memref<16384xf32, #tpu.memory_space<vmem>>, vector<16xf32>,
          %parallel_loop3A_272 = arith.constant 4096 : i32
          %parallel_loop3A_273 = arith.addi %parallel_loop3A_272, %parallel_loop3A_113 : i32
          %parallel_loop3A_274 = arith.index_cast %parallel_loop3A_273 : i32 to index
          %parallel_loop3A_275 = tpu.vector_load %arg12[%parallel_loop3A_274] {strides = array<i32>} : memref<16384xf32, #tpu.memory_space<vmem>>, vector<16xf32>,
          tpu.vector_store %arg12[%parallel_loop3A_274], %parallel_loop3A_261 {strides = array<i32>} : memref<16384xf32, #tpu.memory_space<vmem>>, vector<16xf32>,
          %parallel_loop3A_276 = arith.constant 8192 : i32
          %parallel_loop3A_277 = arith.addi %parallel_loop3A_276, %parallel_loop3A_113 : i32
          %parallel_loop3A_278 = arith.index_cast %parallel_loop3A_277 : i32 to index
          %parallel_loop3A_279 = tpu.vector_load %arg12[%parallel_loop3A_278] {strides = array<i32>} : memref<16384xf32, #tpu.memory_space<vmem>>, vector<16xf32>,
          tpu.vector_store %arg12[%parallel_loop3A_278], %parallel_loop3A_264 {strides = array<i32>} : memref<16384xf32, #tpu.memory_space<vmem>>, vector<16xf32>,
          %parallel_loop3A_280 = arith.constant 12288 : i32
          %parallel_loop3A_281 = arith.addi %parallel_loop3A_280, %parallel_loop3A_113 : i32
          %parallel_loop3A_282 = arith.index_cast %parallel_loop3A_281 : i32 to index
          %parallel_loop3A_283 = tpu.vector_load %arg12[%parallel_loop3A_282] {strides = array<i32>} : memref<16384xf32, #tpu.memory_space<vmem>>, vector<16xf32>,
          tpu.vector_store %arg12[%parallel_loop3A_282], %parallel_loop3A_267 {strides = array<i32>} : memref<16384xf32, #tpu.memory_space<vmem>>, vector<16xf32>,
        } {sc.loop_unroll_factor = 4 : i64, sc.parallel_access}
        %mul3A_104 = arith.constant 262144 : i32
        %mul3A_105 = arith.muli %add3A_84, %mul3A_104 : i32
        %mul3A_106 = arith.constant 4 : i32
        %mul3A_107 = arith.muli %arg1, %mul3A_106 : i32
        %mul3A_108 = arith.constant 4096 : i32
        %mul3A_109 = arith.muli %mul3A_107, %mul3A_108 : i32
        %add3A_110 = arith.addi %mul3A_105, %mul3A_109 : i32
        %dma_start3A_111 = tpu.memref_slice %arg4[%add3A_110] : memref<33554432xf32, #tpu.memory_space<hbm>> -> memref<16384xf32, #tpu.memory_space<hbm>>
        %dma_start3A_112 = tpu.memref_slice %arg4[%add3A_110] : memref<33554432xf32, #tpu.memory_space<hbm>> -> memref<16384xf32, #tpu.memory_space<hbm>>
        tpu.enqueue_dma source(%arg12 : memref<16384xf32, #tpu.memory_space<vmem>>) target(%dma_start3A_112 : memref<16384xf32, #tpu.memory_space<hbm>>) target_semaphore(%arg16 : memref<!tpu.dma_semaphore, #tpu.memory_space<semaphore_mem>>)
      }
      %scan3A_36 = arith.constant 32 : i32
      %mul3A_37 = arith.constant 4 : i32
      %mul3A_38 = arith.muli %arg1, %mul3A_37 : i32
      %mul3A_39 = arith.constant 4096 : i32
      %mul3A_40 = arith.muli %mul3A_38, %mul3A_39 : i32
      %dma_wait3A = tpu.memref_slice %arg4[%mul3A_40] : memref<33554432xf32, #tpu.memory_space<hbm>> -> memref<16384xf32, #tpu.memory_space<hbm>>
      %dma_wait3A_41 = tpu.memref_slice %arg4[%mul3A_40] : memref<33554432xf32, #tpu.memory_space<hbm>> -> memref<16384xf32, #tpu.memory_space<hbm>>
      tpu.wait_dma2 semaphore(%arg15 : memref<!tpu.dma_semaphore, #tpu.memory_space<semaphore_mem>>) src(%arg11 : memref<16384xf32, #tpu.memory_space<vmem>>) dst(%dma_wait3A_41 : memref<16384xf32, #tpu.memory_space<hbm>>)
      %mul3A_42 = arith.constant 4 : i32
      %mul3A_43 = arith.muli %arg1, %mul3A_42 : i32
      %mul3A_44 = arith.constant 4096 : i32
      %mul3A_45 = arith.muli %mul3A_43, %mul3A_44 : i32
      %dma_wait3A_46 = tpu.memref_slice %arg4[%mul3A_45] : memref<33554432xf32, #tpu.memory_space<hbm>> -> memref<16384xf32, #tpu.memory_space<hbm>>
      %dma_wait3A_47 = tpu.memref_slice %arg4[%mul3A_45] : memref<33554432xf32, #tpu.memory_space<hbm>> -> memref<16384xf32, #tpu.memory_space<hbm>>
      tpu.wait_dma2 semaphore(%arg16 : memref<!tpu.dma_semaphore, #tpu.memory_space<semaphore_mem>>) src(%arg12 : memref<16384xf32, #tpu.memory_space<vmem>>) dst(%dma_wait3A_47 : memref<16384xf32, #tpu.memory_space<hbm>>)
    } else {
      %eq3A = arith.constant 14 : i32
      %eq3A_15 = arith.cmpi eq, %arg1, %eq3A : i32
      %jit3A = arith.constant 7.760000e+02 : f32
      %jit3A_16 = arith.constant 1.023000e+03 : f32
      %select_n3A = arith.select %eq3A_15, %jit3A, %jit3A_16 : f32
      %eq3A_17 = arith.constant 13 : i32
      %eq3A_18 = arith.cmpi eq, %arg1, %eq3A_17 : i32
      %jit3A_19 = arith.constant 5.880000e+02 : f32
      %select_n3A_20 = arith.select %eq3A_18, %jit3A_19, %select_n3A : f32
      %eq3A_21 = arith.constant 12 : i32
      %eq3A_22 = arith.cmpi eq, %arg1, %eq3A_21 : i32
      %jit3A_23 = arith.constant 4.450000e+02 : f32
      %select_n3A_24 = arith.select %eq3A_22, %jit3A_23, %select_n3A_20 : f32
      %eq3A_25 = arith.constant 11 : i32
      %eq3A_26 = arith.cmpi eq, %arg1, %eq3A_25 : i32
      %jit3A_27 = arith.constant 3.370000e+02 : f32
      %select_n3A_28 = arith.select %eq3A_26, %jit3A_27, %select_n3A_24 : f32
      %eq3A_29 = arith.constant 10 : i32
      %eq3A_30 = arith.cmpi eq, %arg1, %eq3A_29 : i32
      %jit3A_31 = arith.constant 2.550000e+02 : f32
      %select_n3A_32 = arith.select %eq3A_30, %jit3A_31, %select_n3A_28 : f32
      %eq3A_33 = arith.constant 9 : i32
      %eq3A_34 = arith.cmpi eq, %arg1, %eq3A_33 : i32
      %jit3A_35 = arith.constant 1.940000e+02 : f32
      %select_n3A_36 = arith.select %eq3A_34, %jit3A_35, %select_n3A_32 : f32
      %eq3A_37 = arith.constant 8 : i32
      %eq3A_38 = arith.cmpi eq, %arg1, %eq3A_37 : i32
      %jit3A_39 = arith.constant 1.470000e+02 : f32
      %select_n3A_40 = arith.select %eq3A_38, %jit3A_39, %select_n3A_36 : f32
      %eq3A_41 = arith.constant 7 : i32
      %eq3A_42 = arith.cmpi eq, %arg1, %eq3A_41 : i32
      %jit3A_43 = arith.constant 1.110000e+02 : f32
      %select_n3A_44 = arith.select %eq3A_42, %jit3A_43, %select_n3A_40 : f32
      %eq3A_45 = arith.constant 6 : i32
      %eq3A_46 = arith.cmpi eq, %arg1, %eq3A_45 : i32
      %jit3A_47 = arith.constant 8.400000e+01 : f32
      %select_n3A_48 = arith.select %eq3A_46, %jit3A_47, %select_n3A_44 : f32
      %eq3A_49 = arith.constant 5 : i32
      %eq3A_50 = arith.cmpi eq, %arg1, %eq3A_49 : i32
      %jit3A_51 = arith.constant 6.300000e+01 : f32
      %select_n3A_52 = arith.select %eq3A_50, %jit3A_51, %select_n3A_48 : f32
      %eq3A_53 = arith.constant 4 : i32
      %eq3A_54 = arith.cmpi eq, %arg1, %eq3A_53 : i32
      %jit3A_55 = arith.constant 4.800000e+01 : f32
      %select_n3A_56 = arith.select %eq3A_54, %jit3A_55, %select_n3A_52 : f32
      %eq3A_57 = arith.constant 3 : i32
      %eq3A_58 = arith.cmpi eq, %arg1, %eq3A_57 : i32
      %jit3A_59 = arith.constant 3.600000e+01 : f32
      %select_n3A_60 = arith.select %eq3A_58, %jit3A_59, %select_n3A_56 : f32
      %eq3A_61 = arith.constant 2 : i32
      %eq3A_62 = arith.cmpi eq, %arg1, %eq3A_61 : i32
      %jit3A_63 = arith.constant 2.700000e+01 : f32
      %select_n3A_64 = arith.select %eq3A_62, %jit3A_63, %select_n3A_60 : f32
      %broadcast_in_dim3A = arith.constant -1640531535 : i32
      %broadcast_in_dim3A_65 = vector.broadcast %broadcast_in_dim3A : i32 to vector<16xi32>
      %broadcast_in_dim3A_66 = arith.constant 805459861 : i32
      %broadcast_in_dim3A_67 = vector.broadcast %broadcast_in_dim3A_66 : i32 to vector<16xi32>
      %broadcast_in_dim3A_68 = vector.broadcast %select_n3A_64 : f32 to vector<16xf32>
      %mul3A_69 = arith.constant 12288 : i32
      %mul3A_70 = arith.muli %mul3A_9, %mul3A_69 : i32
      %dma_start3A = tpu.memref_slice %arg2[%mul3A_70] : memref<1572864xf32, #tpu.memory_space<hbm>> -> memref<12288xf32, #tpu.memory_space<hbm>>
      %dma_start3A_71 = tpu.memref_slice %arg2[%mul3A_70] : memref<1572864xf32, #tpu.memory_space<hbm>> -> memref<12288xf32, #tpu.memory_space<hbm>>
      tpu.enqueue_dma source(%dma_start3A_71 : memref<12288xf32, #tpu.memory_space<hbm>>) target(%arg9 : memref<12288xf32, #tpu.memory_space<vmem>>) target_semaphore(%arg13 : memref<!tpu.dma_semaphore, #tpu.memory_space<semaphore_mem>>)
      %scan3A = arith.constant 0 : i32
      %scan3A_72 = arith.constant 0 : i32
      %scan3A_73 = arith.constant 32 : i32
      %scan3A_74 = arith.addi %scan3A_72, %scan3A_73 : i32
      %scan3A_75 = arith.constant 1 : i32
      scf.for %scan3A_88 = %scan3A_72 to %scan3A_74 step %scan3A_75  : i32 {
        %mul3A_89 = arith.constant 2 : i32
        %mul3A_90 = arith.muli %scan3A_88, %mul3A_89 : i32
        %add3A_91 = arith.constant 0 : i32
        %add3A_92 = arith.addi %mul3A_90, %add3A_91 : i32
        %add3A_93 = arith.addi %mul3A_9, %add3A_92 : i32
        %dma_wait3A_94 = arith.constant 0 : i32
        %dma_wait3A_95 = tpu.memref_slice %arg2[%dma_wait3A_94] : memref<1572864xf32, #tpu.memory_space<hbm>> -> memref<12288xf32, #tpu.memory_space<hbm>>
        %dma_wait3A_96 = arith.constant 0 : i32
        %dma_wait3A_97 = tpu.memref_slice %arg2[%dma_wait3A_96] : memref<1572864xf32, #tpu.memory_space<hbm>> -> memref<12288xf32, #tpu.memory_space<hbm>>
        tpu.wait_dma2 semaphore(%arg13 : memref<!tpu.dma_semaphore, #tpu.memory_space<semaphore_mem>>) src(%dma_wait3A_97 : memref<12288xf32, #tpu.memory_space<hbm>>) dst(%arg9 : memref<12288xf32, #tpu.memory_space<vmem>>)
        %add3A_98 = arith.constant 1 : i32
        %add3A_99 = arith.addi %add3A_92, %add3A_98 : i32
        %lt3A_100 = arith.constant 64 : i32
        %lt3A_101 = arith.cmpi slt, %add3A_99, %lt3A_100 : i32
        %convert_element_type3A_102 = arith.extui %lt3A_101 : i1 to i32
        %cond3A_103 = arith.constant 0 : i32
        %cond3A_104 = arith.cmpi ne, %convert_element_type3A_102, %cond3A_103 : i32
        scf.if %cond3A_104 {
          %add3A_153 = arith.constant 1 : i32
          %add3A_154 = arith.addi %add3A_93, %add3A_153 : i32
          %mul3A_155 = arith.constant 12288 : i32
          %mul3A_156 = arith.muli %add3A_154, %mul3A_155 : i32
          %dma_start3A_157 = tpu.memref_slice %arg2[%mul3A_156] : memref<1572864xf32, #tpu.memory_space<hbm>> -> memref<12288xf32, #tpu.memory_space<hbm>>
          %dma_start3A_158 = tpu.memref_slice %arg2[%mul3A_156] : memref<1572864xf32, #tpu.memory_space<hbm>> -> memref<12288xf32, #tpu.memory_space<hbm>>
          tpu.enqueue_dma source(%dma_start3A_158 : memref<12288xf32, #tpu.memory_space<hbm>>) target(%arg10 : memref<12288xf32, #tpu.memory_space<vmem>>) target_semaphore(%arg14 : memref<!tpu.dma_semaphore, #tpu.memory_space<semaphore_mem>>)
        } else {
        }
        %ge3A = arith.constant 2 : i32
        %ge3A_105 = arith.cmpi sge, %add3A_92, %ge3A : i32
        %convert_element_type3A_106 = arith.extui %ge3A_105 : i1 to i32
        %cond3A_107 = arith.constant 0 : i32
        %cond3A_108 = arith.cmpi ne, %convert_element_type3A_106, %cond3A_107 : i32
        scf.if %cond3A_108 {
          %mul3A_153 = arith.constant 4 : i32
          %mul3A_154 = arith.muli %arg1, %mul3A_153 : i32
          %mul3A_155 = arith.constant 4096 : i32
          %mul3A_156 = arith.muli %mul3A_154, %mul3A_155 : i32
          %dma_wait3A_157 = tpu.memref_slice %arg4[%mul3A_156] : memref<33554432xf32, #tpu.memory_space<hbm>> -> memref<16384xf32, #tpu.memory_space<hbm>>
          %dma_wait3A_158 = tpu.memref_slice %arg4[%mul3A_156] : memref<33554432xf32, #tpu.memory_space<hbm>> -> memref<16384xf32, #tpu.memory_space<hbm>>
          tpu.wait_dma2 semaphore(%arg15 : memref<!tpu.dma_semaphore, #tpu.memory_space<semaphore_mem>>) src(%arg11 : memref<16384xf32, #tpu.memory_space<vmem>>) dst(%dma_wait3A_158 : memref<16384xf32, #tpu.memory_space<hbm>>)
        } else {
        }
        %parallel_loop3A = arith.constant 0 : i32
        %parallel_loop3A_109 = arith.constant 4096 : i32
        %parallel_loop3A_110 = arith.constant 16 : i32
        scf.for %parallel_loop3A_153 = %parallel_loop3A to %parallel_loop3A_109 step %parallel_loop3A_110  : i32 {
          %parallel_loop3A_154 = arith.index_cast %parallel_loop3A_153 : i32 to index
          %parallel_loop3A_155 = tpu.vector_load %arg9[%parallel_loop3A_154] {strides = array<i32>} : memref<12288xf32, #tpu.memory_space<vmem>>, vector<16xf32>,
          %parallel_loop3A_156 = arith.mulf %parallel_loop3A_155, %broadcast_in_dim3A_68 : vector<16xf32>
          %parallel_loop3A_157 = arith.constant 4096 : i32
          %parallel_loop3A_158 = arith.addi %parallel_loop3A_157, %parallel_loop3A_153 : i32
          %parallel_loop3A_159 = arith.index_cast %parallel_loop3A_158 : i32 to index
          %parallel_loop3A_160 = tpu.vector_load %arg9[%parallel_loop3A_159] {strides = array<i32>} : memref<12288xf32, #tpu.memory_space<vmem>>, vector<16xf32>,
          %parallel_loop3A_161 = arith.mulf %parallel_loop3A_160, %broadcast_in_dim3A_68 : vector<16xf32>
          %parallel_loop3A_162 = arith.constant 8192 : i32
          %parallel_loop3A_163 = arith.addi %parallel_loop3A_162, %parallel_loop3A_153 : i32
          %parallel_loop3A_164 = arith.index_cast %parallel_loop3A_163 : i32 to index
          %parallel_loop3A_165 = tpu.vector_load %arg9[%parallel_loop3A_164] {strides = array<i32>} : memref<12288xf32, #tpu.memory_space<vmem>>, vector<16xf32>,
          %parallel_loop3A_166 = arith.mulf %parallel_loop3A_165, %broadcast_in_dim3A_68 : vector<16xf32>
          %parallel_loop3A_167 = arith.fptosi %parallel_loop3A_156 : vector<16xf32> to vector<16xi32>
          %parallel_loop3A_168 = arith.fptosi %parallel_loop3A_161 : vector<16xf32> to vector<16xi32>
          %parallel_loop3A_169 = arith.fptosi %parallel_loop3A_166 : vector<16xf32> to vector<16xi32>
          %parallel_loop3A_170 = arith.sitofp %parallel_loop3A_167 : vector<16xi32> to vector<16xf32>
          %parallel_loop3A_171 = arith.subf %parallel_loop3A_156, %parallel_loop3A_170 : vector<16xf32>
          %parallel_loop3A_172 = arith.sitofp %parallel_loop3A_168 : vector<16xi32> to vector<16xf32>
          %parallel_loop3A_173 = arith.subf %parallel_loop3A_161, %parallel_loop3A_172 : vector<16xf32>
          %parallel_loop3A_174 = arith.sitofp %parallel_loop3A_169 : vector<16xi32> to vector<16xf32>
          %parallel_loop3A_175 = arith.subf %parallel_loop3A_166, %parallel_loop3A_174 : vector<16xf32>
          %parallel_loop3A_176 = arith.constant 1.000000e+00 : f32
          %parallel_loop3A_177 = vector.broadcast %parallel_loop3A_176 : f32 to vector<16xf32>
          %parallel_loop3A_178 = arith.subf %parallel_loop3A_177, %parallel_loop3A_171 : vector<16xf32>
          %parallel_loop3A_179 = arith.constant 1.000000e+00 : f32
          %parallel_loop3A_180 = vector.broadcast %parallel_loop3A_179 : f32 to vector<16xf32>
          %parallel_loop3A_181 = arith.subf %parallel_loop3A_180, %parallel_loop3A_173 : vector<16xf32>
          %parallel_loop3A_182 = arith.constant 1.000000e+00 : f32
          %parallel_loop3A_183 = vector.broadcast %parallel_loop3A_182 : f32 to vector<16xf32>
          %parallel_loop3A_184 = arith.subf %parallel_loop3A_183, %parallel_loop3A_175 : vector<16xf32>
          %parallel_loop3A_185 = arith.constant 1 : i32
          %parallel_loop3A_186 = vector.broadcast %parallel_loop3A_185 : i32 to vector<16xi32>
          %parallel_loop3A_187 = arith.addi %parallel_loop3A_167, %parallel_loop3A_186 : vector<16xi32>
          %parallel_loop3A_188 = arith.muli %parallel_loop3A_168, %broadcast_in_dim3A_65 : vector<16xi32>
          %parallel_loop3A_189 = arith.muli %parallel_loop3A_169, %broadcast_in_dim3A_67 : vector<16xi32>
          %parallel_loop3A_190 = arith.addi %parallel_loop3A_188, %broadcast_in_dim3A_65 : vector<16xi32>
          %parallel_loop3A_191 = arith.addi %parallel_loop3A_189, %broadcast_in_dim3A_67 : vector<16xi32>
          %parallel_loop3A_192 = arith.xori %parallel_loop3A_188, %parallel_loop3A_189 : vector<16xi32>
          %parallel_loop3A_193 = arith.xori %parallel_loop3A_188, %parallel_loop3A_191 : vector<16xi32>
          %parallel_loop3A_194 = arith.xori %parallel_loop3A_190, %parallel_loop3A_189 : vector<16xi32>
          %parallel_loop3A_195 = arith.xori %parallel_loop3A_190, %parallel_loop3A_191 : vector<16xi32>
          %parallel_loop3A_196 = arith.mulf %parallel_loop3A_178, %parallel_loop3A_181 : vector<16xf32>
          %parallel_loop3A_197 = arith.xori %parallel_loop3A_167, %parallel_loop3A_192 : vector<16xi32>
          %parallel_loop3A_198 = arith.constant 16383 : i32
          %parallel_loop3A_199 = vector.broadcast %parallel_loop3A_198 : i32 to vector<16xi32>
          %parallel_loop3A_200 = arith.andi %parallel_loop3A_197, %parallel_loop3A_199 : vector<16xi32>
          %parallel_loop3A_201 = arith.mulf %parallel_loop3A_196, %parallel_loop3A_184 : vector<16xf32>
          %parallel_loop3A_202 = tpu.vector_load_idx %arg5[%parallel_loop3A_200] : memref<16384xf32, #tpu.memory_space<vmem>>[vector<16xi32>], vector<16xf32>,
          %parallel_loop3A_203 = arith.mulf %parallel_loop3A_201, %parallel_loop3A_202 : vector<16xf32>
          %parallel_loop3A_204 = tpu.vector_load_idx %arg6[%parallel_loop3A_200] : memref<16384xf32, #tpu.memory_space<vmem>>[vector<16xi32>], vector<16xf32>,
          %parallel_loop3A_205 = arith.mulf %parallel_loop3A_201, %parallel_loop3A_204 : vector<16xf32>
          %parallel_loop3A_206 = tpu.vector_load_idx %arg7[%parallel_loop3A_200] : memref<16384xf32, #tpu.memory_space<vmem>>[vector<16xi32>], vector<16xf32>,
          %parallel_loop3A_207 = arith.mulf %parallel_loop3A_201, %parallel_loop3A_206 : vector<16xf32>
          %parallel_loop3A_208 = tpu.vector_load_idx %arg8[%parallel_loop3A_200] : memref<16384xf32, #tpu.memory_space<vmem>>[vector<16xi32>], vector<16xf32>,
          %parallel_loop3A_209 = arith.mulf %parallel_loop3A_201, %parallel_loop3A_208 : vector<16xf32>
          %parallel_loop3A_210 = arith.xori %parallel_loop3A_167, %parallel_loop3A_193 : vector<16xi32>
          %parallel_loop3A_211 = arith.constant 16383 : i32
          %parallel_loop3A_212 = vector.broadcast %parallel_loop3A_211 : i32 to vector<16xi32>
          %parallel_loop3A_213 = arith.andi %parallel_loop3A_210, %parallel_loop3A_212 : vector<16xi32>
          %parallel_loop3A_214 = arith.mulf %parallel_loop3A_196, %parallel_loop3A_175 : vector<16xf32>
          %parallel_loop3A_215 = tpu.vector_load_idx %arg5[%parallel_loop3A_213] : memref<16384xf32, #tpu.memory_space<vmem>>[vector<16xi32>], vector<16xf32>,
          %parallel_loop3A_216 = arith.mulf %parallel_loop3A_214, %parallel_loop3A_215 : vector<16xf32>
          %parallel_loop3A_217 = arith.addf %parallel_loop3A_203, %parallel_loop3A_216 : vector<16xf32>
          %parallel_loop3A_218 = tpu.vector_load_idx %arg6[%parallel_loop3A_213] : memref<16384xf32, #tpu.memory_space<vmem>>[vector<16xi32>], vector<16xf32>,
          %parallel_loop3A_219 = arith.mulf %parallel_loop3A_214, %parallel_loop3A_218 : vector<16xf32>
          %parallel_loop3A_220 = arith.addf %parallel_loop3A_205, %parallel_loop3A_219 : vector<16xf32>
          %parallel_loop3A_221 = tpu.vector_load_idx %arg7[%parallel_loop3A_213] : memref<16384xf32, #tpu.memory_space<vmem>>[vector<16xi32>], vector<16xf32>,
          %parallel_loop3A_222 = arith.mulf %parallel_loop3A_214, %parallel_loop3A_221 : vector<16xf32>
          %parallel_loop3A_223 = arith.addf %parallel_loop3A_207, %parallel_loop3A_222 : vector<16xf32>
          %parallel_loop3A_224 = tpu.vector_load_idx %arg8[%parallel_loop3A_213] : memref<16384xf32, #tpu.memory_space<vmem>>[vector<16xi32>], vector<16xf32>,
          %parallel_loop3A_225 = arith.mulf %parallel_loop3A_214, %parallel_loop3A_224 : vector<16xf32>
          %parallel_loop3A_226 = arith.addf %parallel_loop3A_209, %parallel_loop3A_225 : vector<16xf32>
          %parallel_loop3A_227 = arith.mulf %parallel_loop3A_178, %parallel_loop3A_173 : vector<16xf32>
          %parallel_loop3A_228 = arith.xori %parallel_loop3A_167, %parallel_loop3A_194 : vector<16xi32>
          %parallel_loop3A_229 = arith.constant 16383 : i32
          %parallel_loop3A_230 = vector.broadcast %parallel_loop3A_229 : i32 to vector<16xi32>
          %parallel_loop3A_231 = arith.andi %parallel_loop3A_228, %parallel_loop3A_230 : vector<16xi32>
          %parallel_loop3A_232 = arith.mulf %parallel_loop3A_227, %parallel_loop3A_184 : vector<16xf32>
          %parallel_loop3A_233 = tpu.vector_load_idx %arg5[%parallel_loop3A_231] : memref<16384xf32, #tpu.memory_space<vmem>>[vector<16xi32>], vector<16xf32>,
          %parallel_loop3A_234 = arith.mulf %parallel_loop3A_232, %parallel_loop3A_233 : vector<16xf32>
          %parallel_loop3A_235 = arith.addf %parallel_loop3A_217, %parallel_loop3A_234 : vector<16xf32>
          %parallel_loop3A_236 = tpu.vector_load_idx %arg6[%parallel_loop3A_231] : memref<16384xf32, #tpu.memory_space<vmem>>[vector<16xi32>], vector<16xf32>,
          %parallel_loop3A_237 = arith.mulf %parallel_loop3A_232, %parallel_loop3A_236 : vector<16xf32>
          %parallel_loop3A_238 = arith.addf %parallel_loop3A_220, %parallel_loop3A_237 : vector<16xf32>
          %parallel_loop3A_239 = tpu.vector_load_idx %arg7[%parallel_loop3A_231] : memref<16384xf32, #tpu.memory_space<vmem>>[vector<16xi32>], vector<16xf32>,
          %parallel_loop3A_240 = arith.mulf %parallel_loop3A_232, %parallel_loop3A_239 : vector<16xf32>
          %parallel_loop3A_241 = arith.addf %parallel_loop3A_223, %parallel_loop3A_240 : vector<16xf32>
          %parallel_loop3A_242 = tpu.vector_load_idx %arg8[%parallel_loop3A_231] : memref<16384xf32, #tpu.memory_space<vmem>>[vector<16xi32>], vector<16xf32>,
          %parallel_loop3A_243 = arith.mulf %parallel_loop3A_232, %parallel_loop3A_242 : vector<16xf32>
          %parallel_loop3A_244 = arith.addf %parallel_loop3A_226, %parallel_loop3A_243 : vector<16xf32>
          %parallel_loop3A_245 = arith.xori %parallel_loop3A_167, %parallel_loop3A_195 : vector<16xi32>
          %parallel_loop3A_246 = arith.constant 16383 : i32
          %parallel_loop3A_247 = vector.broadcast %parallel_loop3A_246 : i32 to vector<16xi32>
          %parallel_loop3A_248 = arith.andi %parallel_loop3A_245, %parallel_loop3A_247 : vector<16xi32>
          %parallel_loop3A_249 = arith.mulf %parallel_loop3A_227, %parallel_loop3A_175 : vector<16xf32>
          %parallel_loop3A_250 = tpu.vector_load_idx %arg5[%parallel_loop3A_248] : memref<16384xf32, #tpu.memory_space<vmem>>[vector<16xi32>], vector<16xf32>,
          %parallel_loop3A_251 = arith.mulf %parallel_loop3A_249, %parallel_loop3A_250 : vector<16xf32>
          %parallel_loop3A_252 = arith.addf %parallel_loop3A_235, %parallel_loop3A_251 : vector<16xf32>
          %parallel_loop3A_253 = tpu.vector_load_idx %arg6[%parallel_loop3A_248] : memref<16384xf32, #tpu.memory_space<vmem>>[vector<16xi32>], vector<16xf32>,
          %parallel_loop3A_254 = arith.mulf %parallel_loop3A_249, %parallel_loop3A_253 : vector<16xf32>
          %parallel_loop3A_255 = arith.addf %parallel_loop3A_238, %parallel_loop3A_254 : vector<16xf32>
          %parallel_loop3A_256 = tpu.vector_load_idx %arg7[%parallel_loop3A_248] : memref<16384xf32, #tpu.memory_space<vmem>>[vector<16xi32>], vector<16xf32>,
          %parallel_loop3A_257 = arith.mulf %parallel_loop3A_249, %parallel_loop3A_256 : vector<16xf32>
          %parallel_loop3A_258 = arith.addf %parallel_loop3A_241, %parallel_loop3A_257 : vector<16xf32>
          %parallel_loop3A_259 = tpu.vector_load_idx %arg8[%parallel_loop3A_248] : memref<16384xf32, #tpu.memory_space<vmem>>[vector<16xi32>], vector<16xf32>,
          %parallel_loop3A_260 = arith.mulf %parallel_loop3A_249, %parallel_loop3A_259 : vector<16xf32>
          %parallel_loop3A_261 = arith.addf %parallel_loop3A_244, %parallel_loop3A_260 : vector<16xf32>
          %parallel_loop3A_262 = arith.mulf %parallel_loop3A_171, %parallel_loop3A_181 : vector<16xf32>
          %parallel_loop3A_263 = arith.xori %parallel_loop3A_187, %parallel_loop3A_192 : vector<16xi32>
          %parallel_loop3A_264 = arith.constant 16383 : i32
          %parallel_loop3A_265 = vector.broadcast %parallel_loop3A_264 : i32 to vector<16xi32>
          %parallel_loop3A_266 = arith.andi %parallel_loop3A_263, %parallel_loop3A_265 : vector<16xi32>
          %parallel_loop3A_267 = arith.mulf %parallel_loop3A_262, %parallel_loop3A_184 : vector<16xf32>
          %parallel_loop3A_268 = tpu.vector_load_idx %arg5[%parallel_loop3A_266] : memref<16384xf32, #tpu.memory_space<vmem>>[vector<16xi32>], vector<16xf32>,
          %parallel_loop3A_269 = arith.mulf %parallel_loop3A_267, %parallel_loop3A_268 : vector<16xf32>
          %parallel_loop3A_270 = arith.addf %parallel_loop3A_252, %parallel_loop3A_269 : vector<16xf32>
          %parallel_loop3A_271 = tpu.vector_load_idx %arg6[%parallel_loop3A_266] : memref<16384xf32, #tpu.memory_space<vmem>>[vector<16xi32>], vector<16xf32>,
          %parallel_loop3A_272 = arith.mulf %parallel_loop3A_267, %parallel_loop3A_271 : vector<16xf32>
          %parallel_loop3A_273 = arith.addf %parallel_loop3A_255, %parallel_loop3A_272 : vector<16xf32>
          %parallel_loop3A_274 = tpu.vector_load_idx %arg7[%parallel_loop3A_266] : memref<16384xf32, #tpu.memory_space<vmem>>[vector<16xi32>], vector<16xf32>,
          %parallel_loop3A_275 = arith.mulf %parallel_loop3A_267, %parallel_loop3A_274 : vector<16xf32>
          %parallel_loop3A_276 = arith.addf %parallel_loop3A_258, %parallel_loop3A_275 : vector<16xf32>
          %parallel_loop3A_277 = tpu.vector_load_idx %arg8[%parallel_loop3A_266] : memref<16384xf32, #tpu.memory_space<vmem>>[vector<16xi32>], vector<16xf32>,
          %parallel_loop3A_278 = arith.mulf %parallel_loop3A_267, %parallel_loop3A_277 : vector<16xf32>
          %parallel_loop3A_279 = arith.addf %parallel_loop3A_261, %parallel_loop3A_278 : vector<16xf32>
          %parallel_loop3A_280 = arith.xori %parallel_loop3A_187, %parallel_loop3A_193 : vector<16xi32>
          %parallel_loop3A_281 = arith.constant 16383 : i32
          %parallel_loop3A_282 = vector.broadcast %parallel_loop3A_281 : i32 to vector<16xi32>
          %parallel_loop3A_283 = arith.andi %parallel_loop3A_280, %parallel_loop3A_282 : vector<16xi32>
          %parallel_loop3A_284 = arith.mulf %parallel_loop3A_262, %parallel_loop3A_175 : vector<16xf32>
          %parallel_loop3A_285 = tpu.vector_load_idx %arg5[%parallel_loop3A_283] : memref<16384xf32, #tpu.memory_space<vmem>>[vector<16xi32>], vector<16xf32>,
          %parallel_loop3A_286 = arith.mulf %parallel_loop3A_284, %parallel_loop3A_285 : vector<16xf32>
          %parallel_loop3A_287 = arith.addf %parallel_loop3A_270, %parallel_loop3A_286 : vector<16xf32>
          %parallel_loop3A_288 = tpu.vector_load_idx %arg6[%parallel_loop3A_283] : memref<16384xf32, #tpu.memory_space<vmem>>[vector<16xi32>], vector<16xf32>,
          %parallel_loop3A_289 = arith.mulf %parallel_loop3A_284, %parallel_loop3A_288 : vector<16xf32>
          %parallel_loop3A_290 = arith.addf %parallel_loop3A_273, %parallel_loop3A_289 : vector<16xf32>
          %parallel_loop3A_291 = tpu.vector_load_idx %arg7[%parallel_loop3A_283] : memref<16384xf32, #tpu.memory_space<vmem>>[vector<16xi32>], vector<16xf32>,
          %parallel_loop3A_292 = arith.mulf %parallel_loop3A_284, %parallel_loop3A_291 : vector<16xf32>
          %parallel_loop3A_293 = arith.addf %parallel_loop3A_276, %parallel_loop3A_292 : vector<16xf32>
          %parallel_loop3A_294 = tpu.vector_load_idx %arg8[%parallel_loop3A_283] : memref<16384xf32, #tpu.memory_space<vmem>>[vector<16xi32>], vector<16xf32>,
          %parallel_loop3A_295 = arith.mulf %parallel_loop3A_284, %parallel_loop3A_294 : vector<16xf32>
          %parallel_loop3A_296 = arith.addf %parallel_loop3A_279, %parallel_loop3A_295 : vector<16xf32>
          %parallel_loop3A_297 = arith.mulf %parallel_loop3A_171, %parallel_loop3A_173 : vector<16xf32>
          %parallel_loop3A_298 = arith.xori %parallel_loop3A_187, %parallel_loop3A_194 : vector<16xi32>
          %parallel_loop3A_299 = arith.constant 16383 : i32
          %parallel_loop3A_300 = vector.broadcast %parallel_loop3A_299 : i32 to vector<16xi32>
          %parallel_loop3A_301 = arith.andi %parallel_loop3A_298, %parallel_loop3A_300 : vector<16xi32>
          %parallel_loop3A_302 = arith.mulf %parallel_loop3A_297, %parallel_loop3A_184 : vector<16xf32>
          %parallel_loop3A_303 = tpu.vector_load_idx %arg5[%parallel_loop3A_301] : memref<16384xf32, #tpu.memory_space<vmem>>[vector<16xi32>], vector<16xf32>,
          %parallel_loop3A_304 = arith.mulf %parallel_loop3A_302, %parallel_loop3A_303 : vector<16xf32>
          %parallel_loop3A_305 = arith.addf %parallel_loop3A_287, %parallel_loop3A_304 : vector<16xf32>
          %parallel_loop3A_306 = tpu.vector_load_idx %arg6[%parallel_loop3A_301] : memref<16384xf32, #tpu.memory_space<vmem>>[vector<16xi32>], vector<16xf32>,
          %parallel_loop3A_307 = arith.mulf %parallel_loop3A_302, %parallel_loop3A_306 : vector<16xf32>
          %parallel_loop3A_308 = arith.addf %parallel_loop3A_290, %parallel_loop3A_307 : vector<16xf32>
          %parallel_loop3A_309 = tpu.vector_load_idx %arg7[%parallel_loop3A_301] : memref<16384xf32, #tpu.memory_space<vmem>>[vector<16xi32>], vector<16xf32>,
          %parallel_loop3A_310 = arith.mulf %parallel_loop3A_302, %parallel_loop3A_309 : vector<16xf32>
          %parallel_loop3A_311 = arith.addf %parallel_loop3A_293, %parallel_loop3A_310 : vector<16xf32>
          %parallel_loop3A_312 = tpu.vector_load_idx %arg8[%parallel_loop3A_301] : memref<16384xf32, #tpu.memory_space<vmem>>[vector<16xi32>], vector<16xf32>,
          %parallel_loop3A_313 = arith.mulf %parallel_loop3A_302, %parallel_loop3A_312 : vector<16xf32>
          %parallel_loop3A_314 = arith.addf %parallel_loop3A_296, %parallel_loop3A_313 : vector<16xf32>
          %parallel_loop3A_315 = arith.xori %parallel_loop3A_187, %parallel_loop3A_195 : vector<16xi32>
          %parallel_loop3A_316 = arith.constant 16383 : i32
          %parallel_loop3A_317 = vector.broadcast %parallel_loop3A_316 : i32 to vector<16xi32>
          %parallel_loop3A_318 = arith.andi %parallel_loop3A_315, %parallel_loop3A_317 : vector<16xi32>
          %parallel_loop3A_319 = arith.mulf %parallel_loop3A_297, %parallel_loop3A_175 : vector<16xf32>
          %parallel_loop3A_320 = tpu.vector_load_idx %arg5[%parallel_loop3A_318] : memref<16384xf32, #tpu.memory_space<vmem>>[vector<16xi32>], vector<16xf32>,
          %parallel_loop3A_321 = arith.mulf %parallel_loop3A_319, %parallel_loop3A_320 : vector<16xf32>
          %parallel_loop3A_322 = arith.addf %parallel_loop3A_305, %parallel_loop3A_321 : vector<16xf32>
          %parallel_loop3A_323 = tpu.vector_load_idx %arg6[%parallel_loop3A_318] : memref<16384xf32, #tpu.memory_space<vmem>>[vector<16xi32>], vector<16xf32>,
          %parallel_loop3A_324 = arith.mulf %parallel_loop3A_319, %parallel_loop3A_323 : vector<16xf32>
          %parallel_loop3A_325 = arith.addf %parallel_loop3A_308, %parallel_loop3A_324 : vector<16xf32>
          %parallel_loop3A_326 = tpu.vector_load_idx %arg7[%parallel_loop3A_318] : memref<16384xf32, #tpu.memory_space<vmem>>[vector<16xi32>], vector<16xf32>,
          %parallel_loop3A_327 = arith.mulf %parallel_loop3A_319, %parallel_loop3A_326 : vector<16xf32>
          %parallel_loop3A_328 = arith.addf %parallel_loop3A_311, %parallel_loop3A_327 : vector<16xf32>
          %parallel_loop3A_329 = tpu.vector_load_idx %arg8[%parallel_loop3A_318] : memref<16384xf32, #tpu.memory_space<vmem>>[vector<16xi32>], vector<16xf32>,
          %parallel_loop3A_330 = arith.mulf %parallel_loop3A_319, %parallel_loop3A_329 : vector<16xf32>
          %parallel_loop3A_331 = arith.addf %parallel_loop3A_314, %parallel_loop3A_330 : vector<16xf32>
          %parallel_loop3A_332 = arith.constant 0 : i32
          %parallel_loop3A_333 = arith.addi %parallel_loop3A_332, %parallel_loop3A_153 : i32
          %parallel_loop3A_334 = arith.index_cast %parallel_loop3A_333 : i32 to index
          %parallel_loop3A_335 = tpu.vector_load %arg11[%parallel_loop3A_334] {strides = array<i32>} : memref<16384xf32, #tpu.memory_space<vmem>>, vector<16xf32>,
          tpu.vector_store %arg11[%parallel_loop3A_334], %parallel_loop3A_322 {strides = array<i32>} : memref<16384xf32, #tpu.memory_space<vmem>>, vector<16xf32>,
          %parallel_loop3A_336 = arith.constant 4096 : i32
          %parallel_loop3A_337 = arith.addi %parallel_loop3A_336, %parallel_loop3A_153 : i32
          %parallel_loop3A_338 = arith.index_cast %parallel_loop3A_337 : i32 to index
          %parallel_loop3A_339 = tpu.vector_load %arg11[%parallel_loop3A_338] {strides = array<i32>} : memref<16384xf32, #tpu.memory_space<vmem>>, vector<16xf32>,
          tpu.vector_store %arg11[%parallel_loop3A_338], %parallel_loop3A_325 {strides = array<i32>} : memref<16384xf32, #tpu.memory_space<vmem>>, vector<16xf32>,
          %parallel_loop3A_340 = arith.constant 8192 : i32
          %parallel_loop3A_341 = arith.addi %parallel_loop3A_340, %parallel_loop3A_153 : i32
          %parallel_loop3A_342 = arith.index_cast %parallel_loop3A_341 : i32 to index
          %parallel_loop3A_343 = tpu.vector_load %arg11[%parallel_loop3A_342] {strides = array<i32>} : memref<16384xf32, #tpu.memory_space<vmem>>, vector<16xf32>,
          tpu.vector_store %arg11[%parallel_loop3A_342], %parallel_loop3A_328 {strides = array<i32>} : memref<16384xf32, #tpu.memory_space<vmem>>, vector<16xf32>,
          %parallel_loop3A_344 = arith.constant 12288 : i32
          %parallel_loop3A_345 = arith.addi %parallel_loop3A_344, %parallel_loop3A_153 : i32
          %parallel_loop3A_346 = arith.index_cast %parallel_loop3A_345 : i32 to index
          %parallel_loop3A_347 = tpu.vector_load %arg11[%parallel_loop3A_346] {strides = array<i32>} : memref<16384xf32, #tpu.memory_space<vmem>>, vector<16xf32>,
          tpu.vector_store %arg11[%parallel_loop3A_346], %parallel_loop3A_331 {strides = array<i32>} : memref<16384xf32, #tpu.memory_space<vmem>>, vector<16xf32>,
        } {sc.loop_unroll_factor = 4 : i64, sc.parallel_access}
        %mul3A_111 = arith.constant 262144 : i32
        %mul3A_112 = arith.muli %add3A_93, %mul3A_111 : i32
        %mul3A_113 = arith.constant 4 : i32
        %mul3A_114 = arith.muli %arg1, %mul3A_113 : i32
        %mul3A_115 = arith.constant 4096 : i32
        %mul3A_116 = arith.muli %mul3A_114, %mul3A_115 : i32
        %add3A_117 = arith.addi %mul3A_112, %mul3A_116 : i32
        %dma_start3A_118 = tpu.memref_slice %arg4[%add3A_117] : memref<33554432xf32, #tpu.memory_space<hbm>> -> memref<16384xf32, #tpu.memory_space<hbm>>
        %dma_start3A_119 = tpu.memref_slice %arg4[%add3A_117] : memref<33554432xf32, #tpu.memory_space<hbm>> -> memref<16384xf32, #tpu.memory_space<hbm>>
        tpu.enqueue_dma source(%arg11 : memref<16384xf32, #tpu.memory_space<vmem>>) target(%dma_start3A_119 : memref<16384xf32, #tpu.memory_space<hbm>>) target_semaphore(%arg15 : memref<!tpu.dma_semaphore, #tpu.memory_space<semaphore_mem>>)
        %mul3A_120 = arith.constant 2 : i32
        %mul3A_121 = arith.muli %scan3A_88, %mul3A_120 : i32
        %add3A_122 = arith.constant 1 : i32
        %add3A_123 = arith.addi %mul3A_121, %add3A_122 : i32
        %add3A_124 = arith.addi %mul3A_9, %add3A_123 : i32
        %dma_wait3A_125 = arith.constant 0 : i32
        %dma_wait3A_126 = tpu.memref_slice %arg2[%dma_wait3A_125] : memref<1572864xf32, #tpu.memory_space<hbm>> -> memref<12288xf32, #tpu.memory_space<hbm>>
        %dma_wait3A_127 = arith.constant 0 : i32
        %dma_wait3A_128 = tpu.memref_slice %arg2[%dma_wait3A_127] : memref<1572864xf32, #tpu.memory_space<hbm>> -> memref<12288xf32, #tpu.memory_space<hbm>>
        tpu.wait_dma2 semaphore(%arg14 : memref<!tpu.dma_semaphore, #tpu.memory_space<semaphore_mem>>) src(%dma_wait3A_128 : memref<12288xf32, #tpu.memory_space<hbm>>) dst(%arg10 : memref<12288xf32, #tpu.memory_space<vmem>>)
        %add3A_129 = arith.constant 1 : i32
        %add3A_130 = arith.addi %add3A_123, %add3A_129 : i32
        %lt3A_131 = arith.constant 64 : i32
        %lt3A_132 = arith.cmpi slt, %add3A_130, %lt3A_131 : i32
        %convert_element_type3A_133 = arith.extui %lt3A_132 : i1 to i32
        %cond3A_134 = arith.constant 0 : i32
        %cond3A_135 = arith.cmpi ne, %convert_element_type3A_133, %cond3A_134 : i32
        scf.if %cond3A_135 {
          %add3A_153 = arith.constant 1 : i32
          %add3A_154 = arith.addi %add3A_124, %add3A_153 : i32
          %mul3A_155 = arith.constant 12288 : i32
          %mul3A_156 = arith.muli %add3A_154, %mul3A_155 : i32
          %dma_start3A_157 = tpu.memref_slice %arg2[%mul3A_156] : memref<1572864xf32, #tpu.memory_space<hbm>> -> memref<12288xf32, #tpu.memory_space<hbm>>
          %dma_start3A_158 = tpu.memref_slice %arg2[%mul3A_156] : memref<1572864xf32, #tpu.memory_space<hbm>> -> memref<12288xf32, #tpu.memory_space<hbm>>
          tpu.enqueue_dma source(%dma_start3A_158 : memref<12288xf32, #tpu.memory_space<hbm>>) target(%arg9 : memref<12288xf32, #tpu.memory_space<vmem>>) target_semaphore(%arg13 : memref<!tpu.dma_semaphore, #tpu.memory_space<semaphore_mem>>)
        } else {
        }
        %ge3A_136 = arith.constant 2 : i32
        %ge3A_137 = arith.cmpi sge, %add3A_123, %ge3A_136 : i32
        %convert_element_type3A_138 = arith.extui %ge3A_137 : i1 to i32
        %cond3A_139 = arith.constant 0 : i32
        %cond3A_140 = arith.cmpi ne, %convert_element_type3A_138, %cond3A_139 : i32
        scf.if %cond3A_140 {
          %mul3A_153 = arith.constant 4 : i32
          %mul3A_154 = arith.muli %arg1, %mul3A_153 : i32
          %mul3A_155 = arith.constant 4096 : i32
          %mul3A_156 = arith.muli %mul3A_154, %mul3A_155 : i32
          %dma_wait3A_157 = tpu.memref_slice %arg4[%mul3A_156] : memref<33554432xf32, #tpu.memory_space<hbm>> -> memref<16384xf32, #tpu.memory_space<hbm>>
          %dma_wait3A_158 = tpu.memref_slice %arg4[%mul3A_156] : memref<33554432xf32, #tpu.memory_space<hbm>> -> memref<16384xf32, #tpu.memory_space<hbm>>
          tpu.wait_dma2 semaphore(%arg16 : memref<!tpu.dma_semaphore, #tpu.memory_space<semaphore_mem>>) src(%arg12 : memref<16384xf32, #tpu.memory_space<vmem>>) dst(%dma_wait3A_158 : memref<16384xf32, #tpu.memory_space<hbm>>)
        } else {
        }
        %parallel_loop3A_141 = arith.constant 0 : i32
        %parallel_loop3A_142 = arith.constant 4096 : i32
        %parallel_loop3A_143 = arith.constant 16 : i32
        scf.for %parallel_loop3A_153 = %parallel_loop3A_141 to %parallel_loop3A_142 step %parallel_loop3A_143  : i32 {
          %parallel_loop3A_154 = arith.index_cast %parallel_loop3A_153 : i32 to index
          %parallel_loop3A_155 = tpu.vector_load %arg10[%parallel_loop3A_154] {strides = array<i32>} : memref<12288xf32, #tpu.memory_space<vmem>>, vector<16xf32>,
          %parallel_loop3A_156 = arith.mulf %parallel_loop3A_155, %broadcast_in_dim3A_68 : vector<16xf32>
          %parallel_loop3A_157 = arith.constant 4096 : i32
          %parallel_loop3A_158 = arith.addi %parallel_loop3A_157, %parallel_loop3A_153 : i32
          %parallel_loop3A_159 = arith.index_cast %parallel_loop3A_158 : i32 to index
          %parallel_loop3A_160 = tpu.vector_load %arg10[%parallel_loop3A_159] {strides = array<i32>} : memref<12288xf32, #tpu.memory_space<vmem>>, vector<16xf32>,
          %parallel_loop3A_161 = arith.mulf %parallel_loop3A_160, %broadcast_in_dim3A_68 : vector<16xf32>
          %parallel_loop3A_162 = arith.constant 8192 : i32
          %parallel_loop3A_163 = arith.addi %parallel_loop3A_162, %parallel_loop3A_153 : i32
          %parallel_loop3A_164 = arith.index_cast %parallel_loop3A_163 : i32 to index
          %parallel_loop3A_165 = tpu.vector_load %arg10[%parallel_loop3A_164] {strides = array<i32>} : memref<12288xf32, #tpu.memory_space<vmem>>, vector<16xf32>,
          %parallel_loop3A_166 = arith.mulf %parallel_loop3A_165, %broadcast_in_dim3A_68 : vector<16xf32>
          %parallel_loop3A_167 = arith.fptosi %parallel_loop3A_156 : vector<16xf32> to vector<16xi32>
          %parallel_loop3A_168 = arith.fptosi %parallel_loop3A_161 : vector<16xf32> to vector<16xi32>
          %parallel_loop3A_169 = arith.fptosi %parallel_loop3A_166 : vector<16xf32> to vector<16xi32>
          %parallel_loop3A_170 = arith.sitofp %parallel_loop3A_167 : vector<16xi32> to vector<16xf32>
          %parallel_loop3A_171 = arith.subf %parallel_loop3A_156, %parallel_loop3A_170 : vector<16xf32>
          %parallel_loop3A_172 = arith.sitofp %parallel_loop3A_168 : vector<16xi32> to vector<16xf32>
          %parallel_loop3A_173 = arith.subf %parallel_loop3A_161, %parallel_loop3A_172 : vector<16xf32>
          %parallel_loop3A_174 = arith.sitofp %parallel_loop3A_169 : vector<16xi32> to vector<16xf32>
          %parallel_loop3A_175 = arith.subf %parallel_loop3A_166, %parallel_loop3A_174 : vector<16xf32>
          %parallel_loop3A_176 = arith.constant 1.000000e+00 : f32
          %parallel_loop3A_177 = vector.broadcast %parallel_loop3A_176 : f32 to vector<16xf32>
          %parallel_loop3A_178 = arith.subf %parallel_loop3A_177, %parallel_loop3A_171 : vector<16xf32>
          %parallel_loop3A_179 = arith.constant 1.000000e+00 : f32
          %parallel_loop3A_180 = vector.broadcast %parallel_loop3A_179 : f32 to vector<16xf32>
          %parallel_loop3A_181 = arith.subf %parallel_loop3A_180, %parallel_loop3A_173 : vector<16xf32>
          %parallel_loop3A_182 = arith.constant 1.000000e+00 : f32
          %parallel_loop3A_183 = vector.broadcast %parallel_loop3A_182 : f32 to vector<16xf32>
          %parallel_loop3A_184 = arith.subf %parallel_loop3A_183, %parallel_loop3A_175 : vector<16xf32>
          %parallel_loop3A_185 = arith.constant 1 : i32
          %parallel_loop3A_186 = vector.broadcast %parallel_loop3A_185 : i32 to vector<16xi32>
          %parallel_loop3A_187 = arith.addi %parallel_loop3A_167, %parallel_loop3A_186 : vector<16xi32>
          %parallel_loop3A_188 = arith.muli %parallel_loop3A_168, %broadcast_in_dim3A_65 : vector<16xi32>
          %parallel_loop3A_189 = arith.muli %parallel_loop3A_169, %broadcast_in_dim3A_67 : vector<16xi32>
          %parallel_loop3A_190 = arith.addi %parallel_loop3A_188, %broadcast_in_dim3A_65 : vector<16xi32>
          %parallel_loop3A_191 = arith.addi %parallel_loop3A_189, %broadcast_in_dim3A_67 : vector<16xi32>
          %parallel_loop3A_192 = arith.xori %parallel_loop3A_188, %parallel_loop3A_189 : vector<16xi32>
          %parallel_loop3A_193 = arith.xori %parallel_loop3A_188, %parallel_loop3A_191 : vector<16xi32>
          %parallel_loop3A_194 = arith.xori %parallel_loop3A_190, %parallel_loop3A_189 : vector<16xi32>
          %parallel_loop3A_195 = arith.xori %parallel_loop3A_190, %parallel_loop3A_191 : vector<16xi32>
          %parallel_loop3A_196 = arith.mulf %parallel_loop3A_178, %parallel_loop3A_181 : vector<16xf32>
          %parallel_loop3A_197 = arith.xori %parallel_loop3A_167, %parallel_loop3A_192 : vector<16xi32>
          %parallel_loop3A_198 = arith.constant 16383 : i32
          %parallel_loop3A_199 = vector.broadcast %parallel_loop3A_198 : i32 to vector<16xi32>
          %parallel_loop3A_200 = arith.andi %parallel_loop3A_197, %parallel_loop3A_199 : vector<16xi32>
          %parallel_loop3A_201 = arith.mulf %parallel_loop3A_196, %parallel_loop3A_184 : vector<16xf32>
          %parallel_loop3A_202 = tpu.vector_load_idx %arg5[%parallel_loop3A_200] : memref<16384xf32, #tpu.memory_space<vmem>>[vector<16xi32>], vector<16xf32>,
          %parallel_loop3A_203 = arith.mulf %parallel_loop3A_201, %parallel_loop3A_202 : vector<16xf32>
          %parallel_loop3A_204 = tpu.vector_load_idx %arg6[%parallel_loop3A_200] : memref<16384xf32, #tpu.memory_space<vmem>>[vector<16xi32>], vector<16xf32>,
          %parallel_loop3A_205 = arith.mulf %parallel_loop3A_201, %parallel_loop3A_204 : vector<16xf32>
          %parallel_loop3A_206 = tpu.vector_load_idx %arg7[%parallel_loop3A_200] : memref<16384xf32, #tpu.memory_space<vmem>>[vector<16xi32>], vector<16xf32>,
          %parallel_loop3A_207 = arith.mulf %parallel_loop3A_201, %parallel_loop3A_206 : vector<16xf32>
          %parallel_loop3A_208 = tpu.vector_load_idx %arg8[%parallel_loop3A_200] : memref<16384xf32, #tpu.memory_space<vmem>>[vector<16xi32>], vector<16xf32>,
          %parallel_loop3A_209 = arith.mulf %parallel_loop3A_201, %parallel_loop3A_208 : vector<16xf32>
          %parallel_loop3A_210 = arith.xori %parallel_loop3A_167, %parallel_loop3A_193 : vector<16xi32>
          %parallel_loop3A_211 = arith.constant 16383 : i32
          %parallel_loop3A_212 = vector.broadcast %parallel_loop3A_211 : i32 to vector<16xi32>
          %parallel_loop3A_213 = arith.andi %parallel_loop3A_210, %parallel_loop3A_212 : vector<16xi32>
          %parallel_loop3A_214 = arith.mulf %parallel_loop3A_196, %parallel_loop3A_175 : vector<16xf32>
          %parallel_loop3A_215 = tpu.vector_load_idx %arg5[%parallel_loop3A_213] : memref<16384xf32, #tpu.memory_space<vmem>>[vector<16xi32>], vector<16xf32>,
          %parallel_loop3A_216 = arith.mulf %parallel_loop3A_214, %parallel_loop3A_215 : vector<16xf32>
          %parallel_loop3A_217 = arith.addf %parallel_loop3A_203, %parallel_loop3A_216 : vector<16xf32>
          %parallel_loop3A_218 = tpu.vector_load_idx %arg6[%parallel_loop3A_213] : memref<16384xf32, #tpu.memory_space<vmem>>[vector<16xi32>], vector<16xf32>,
          %parallel_loop3A_219 = arith.mulf %parallel_loop3A_214, %parallel_loop3A_218 : vector<16xf32>
          %parallel_loop3A_220 = arith.addf %parallel_loop3A_205, %parallel_loop3A_219 : vector<16xf32>
          %parallel_loop3A_221 = tpu.vector_load_idx %arg7[%parallel_loop3A_213] : memref<16384xf32, #tpu.memory_space<vmem>>[vector<16xi32>], vector<16xf32>,
          %parallel_loop3A_222 = arith.mulf %parallel_loop3A_214, %parallel_loop3A_221 : vector<16xf32>
          %parallel_loop3A_223 = arith.addf %parallel_loop3A_207, %parallel_loop3A_222 : vector<16xf32>
          %parallel_loop3A_224 = tpu.vector_load_idx %arg8[%parallel_loop3A_213] : memref<16384xf32, #tpu.memory_space<vmem>>[vector<16xi32>], vector<16xf32>,
          %parallel_loop3A_225 = arith.mulf %parallel_loop3A_214, %parallel_loop3A_224 : vector<16xf32>
          %parallel_loop3A_226 = arith.addf %parallel_loop3A_209, %parallel_loop3A_225 : vector<16xf32>
          %parallel_loop3A_227 = arith.mulf %parallel_loop3A_178, %parallel_loop3A_173 : vector<16xf32>
          %parallel_loop3A_228 = arith.xori %parallel_loop3A_167, %parallel_loop3A_194 : vector<16xi32>
          %parallel_loop3A_229 = arith.constant 16383 : i32
          %parallel_loop3A_230 = vector.broadcast %parallel_loop3A_229 : i32 to vector<16xi32>
          %parallel_loop3A_231 = arith.andi %parallel_loop3A_228, %parallel_loop3A_230 : vector<16xi32>
          %parallel_loop3A_232 = arith.mulf %parallel_loop3A_227, %parallel_loop3A_184 : vector<16xf32>
          %parallel_loop3A_233 = tpu.vector_load_idx %arg5[%parallel_loop3A_231] : memref<16384xf32, #tpu.memory_space<vmem>>[vector<16xi32>], vector<16xf32>,
          %parallel_loop3A_234 = arith.mulf %parallel_loop3A_232, %parallel_loop3A_233 : vector<16xf32>
          %parallel_loop3A_235 = arith.addf %parallel_loop3A_217, %parallel_loop3A_234 : vector<16xf32>
          %parallel_loop3A_236 = tpu.vector_load_idx %arg6[%parallel_loop3A_231] : memref<16384xf32, #tpu.memory_space<vmem>>[vector<16xi32>], vector<16xf32>,
          %parallel_loop3A_237 = arith.mulf %parallel_loop3A_232, %parallel_loop3A_236 : vector<16xf32>
          %parallel_loop3A_238 = arith.addf %parallel_loop3A_220, %parallel_loop3A_237 : vector<16xf32>
          %parallel_loop3A_239 = tpu.vector_load_idx %arg7[%parallel_loop3A_231] : memref<16384xf32, #tpu.memory_space<vmem>>[vector<16xi32>], vector<16xf32>,
          %parallel_loop3A_240 = arith.mulf %parallel_loop3A_232, %parallel_loop3A_239 : vector<16xf32>
          %parallel_loop3A_241 = arith.addf %parallel_loop3A_223, %parallel_loop3A_240 : vector<16xf32>
          %parallel_loop3A_242 = tpu.vector_load_idx %arg8[%parallel_loop3A_231] : memref<16384xf32, #tpu.memory_space<vmem>>[vector<16xi32>], vector<16xf32>,
          %parallel_loop3A_243 = arith.mulf %parallel_loop3A_232, %parallel_loop3A_242 : vector<16xf32>
          %parallel_loop3A_244 = arith.addf %parallel_loop3A_226, %parallel_loop3A_243 : vector<16xf32>
          %parallel_loop3A_245 = arith.xori %parallel_loop3A_167, %parallel_loop3A_195 : vector<16xi32>
          %parallel_loop3A_246 = arith.constant 16383 : i32
          %parallel_loop3A_247 = vector.broadcast %parallel_loop3A_246 : i32 to vector<16xi32>
          %parallel_loop3A_248 = arith.andi %parallel_loop3A_245, %parallel_loop3A_247 : vector<16xi32>
          %parallel_loop3A_249 = arith.mulf %parallel_loop3A_227, %parallel_loop3A_175 : vector<16xf32>
          %parallel_loop3A_250 = tpu.vector_load_idx %arg5[%parallel_loop3A_248] : memref<16384xf32, #tpu.memory_space<vmem>>[vector<16xi32>], vector<16xf32>,
          %parallel_loop3A_251 = arith.mulf %parallel_loop3A_249, %parallel_loop3A_250 : vector<16xf32>
          %parallel_loop3A_252 = arith.addf %parallel_loop3A_235, %parallel_loop3A_251 : vector<16xf32>
          %parallel_loop3A_253 = tpu.vector_load_idx %arg6[%parallel_loop3A_248] : memref<16384xf32, #tpu.memory_space<vmem>>[vector<16xi32>], vector<16xf32>,
          %parallel_loop3A_254 = arith.mulf %parallel_loop3A_249, %parallel_loop3A_253 : vector<16xf32>
          %parallel_loop3A_255 = arith.addf %parallel_loop3A_238, %parallel_loop3A_254 : vector<16xf32>
          %parallel_loop3A_256 = tpu.vector_load_idx %arg7[%parallel_loop3A_248] : memref<16384xf32, #tpu.memory_space<vmem>>[vector<16xi32>], vector<16xf32>,
          %parallel_loop3A_257 = arith.mulf %parallel_loop3A_249, %parallel_loop3A_256 : vector<16xf32>
          %parallel_loop3A_258 = arith.addf %parallel_loop3A_241, %parallel_loop3A_257 : vector<16xf32>
          %parallel_loop3A_259 = tpu.vector_load_idx %arg8[%parallel_loop3A_248] : memref<16384xf32, #tpu.memory_space<vmem>>[vector<16xi32>], vector<16xf32>,
          %parallel_loop3A_260 = arith.mulf %parallel_loop3A_249, %parallel_loop3A_259 : vector<16xf32>
          %parallel_loop3A_261 = arith.addf %parallel_loop3A_244, %parallel_loop3A_260 : vector<16xf32>
          %parallel_loop3A_262 = arith.mulf %parallel_loop3A_171, %parallel_loop3A_181 : vector<16xf32>
          %parallel_loop3A_263 = arith.xori %parallel_loop3A_187, %parallel_loop3A_192 : vector<16xi32>
          %parallel_loop3A_264 = arith.constant 16383 : i32
          %parallel_loop3A_265 = vector.broadcast %parallel_loop3A_264 : i32 to vector<16xi32>
          %parallel_loop3A_266 = arith.andi %parallel_loop3A_263, %parallel_loop3A_265 : vector<16xi32>
          %parallel_loop3A_267 = arith.mulf %parallel_loop3A_262, %parallel_loop3A_184 : vector<16xf32>
          %parallel_loop3A_268 = tpu.vector_load_idx %arg5[%parallel_loop3A_266] : memref<16384xf32, #tpu.memory_space<vmem>>[vector<16xi32>], vector<16xf32>,
          %parallel_loop3A_269 = arith.mulf %parallel_loop3A_267, %parallel_loop3A_268 : vector<16xf32>
          %parallel_loop3A_270 = arith.addf %parallel_loop3A_252, %parallel_loop3A_269 : vector<16xf32>
          %parallel_loop3A_271 = tpu.vector_load_idx %arg6[%parallel_loop3A_266] : memref<16384xf32, #tpu.memory_space<vmem>>[vector<16xi32>], vector<16xf32>,
          %parallel_loop3A_272 = arith.mulf %parallel_loop3A_267, %parallel_loop3A_271 : vector<16xf32>
          %parallel_loop3A_273 = arith.addf %parallel_loop3A_255, %parallel_loop3A_272 : vector<16xf32>
          %parallel_loop3A_274 = tpu.vector_load_idx %arg7[%parallel_loop3A_266] : memref<16384xf32, #tpu.memory_space<vmem>>[vector<16xi32>], vector<16xf32>,
          %parallel_loop3A_275 = arith.mulf %parallel_loop3A_267, %parallel_loop3A_274 : vector<16xf32>
          %parallel_loop3A_276 = arith.addf %parallel_loop3A_258, %parallel_loop3A_275 : vector<16xf32>
          %parallel_loop3A_277 = tpu.vector_load_idx %arg8[%parallel_loop3A_266] : memref<16384xf32, #tpu.memory_space<vmem>>[vector<16xi32>], vector<16xf32>,
          %parallel_loop3A_278 = arith.mulf %parallel_loop3A_267, %parallel_loop3A_277 : vector<16xf32>
          %parallel_loop3A_279 = arith.addf %parallel_loop3A_261, %parallel_loop3A_278 : vector<16xf32>
          %parallel_loop3A_280 = arith.xori %parallel_loop3A_187, %parallel_loop3A_193 : vector<16xi32>
          %parallel_loop3A_281 = arith.constant 16383 : i32
          %parallel_loop3A_282 = vector.broadcast %parallel_loop3A_281 : i32 to vector<16xi32>
          %parallel_loop3A_283 = arith.andi %parallel_loop3A_280, %parallel_loop3A_282 : vector<16xi32>
          %parallel_loop3A_284 = arith.mulf %parallel_loop3A_262, %parallel_loop3A_175 : vector<16xf32>
          %parallel_loop3A_285 = tpu.vector_load_idx %arg5[%parallel_loop3A_283] : memref<16384xf32, #tpu.memory_space<vmem>>[vector<16xi32>], vector<16xf32>,
          %parallel_loop3A_286 = arith.mulf %parallel_loop3A_284, %parallel_loop3A_285 : vector<16xf32>
          %parallel_loop3A_287 = arith.addf %parallel_loop3A_270, %parallel_loop3A_286 : vector<16xf32>
          %parallel_loop3A_288 = tpu.vector_load_idx %arg6[%parallel_loop3A_283] : memref<16384xf32, #tpu.memory_space<vmem>>[vector<16xi32>], vector<16xf32>,
          %parallel_loop3A_289 = arith.mulf %parallel_loop3A_284, %parallel_loop3A_288 : vector<16xf32>
          %parallel_loop3A_290 = arith.addf %parallel_loop3A_273, %parallel_loop3A_289 : vector<16xf32>
          %parallel_loop3A_291 = tpu.vector_load_idx %arg7[%parallel_loop3A_283] : memref<16384xf32, #tpu.memory_space<vmem>>[vector<16xi32>], vector<16xf32>,
          %parallel_loop3A_292 = arith.mulf %parallel_loop3A_284, %parallel_loop3A_291 : vector<16xf32>
          %parallel_loop3A_293 = arith.addf %parallel_loop3A_276, %parallel_loop3A_292 : vector<16xf32>
          %parallel_loop3A_294 = tpu.vector_load_idx %arg8[%parallel_loop3A_283] : memref<16384xf32, #tpu.memory_space<vmem>>[vector<16xi32>], vector<16xf32>,
          %parallel_loop3A_295 = arith.mulf %parallel_loop3A_284, %parallel_loop3A_294 : vector<16xf32>
          %parallel_loop3A_296 = arith.addf %parallel_loop3A_279, %parallel_loop3A_295 : vector<16xf32>
          %parallel_loop3A_297 = arith.mulf %parallel_loop3A_171, %parallel_loop3A_173 : vector<16xf32>
          %parallel_loop3A_298 = arith.xori %parallel_loop3A_187, %parallel_loop3A_194 : vector<16xi32>
          %parallel_loop3A_299 = arith.constant 16383 : i32
          %parallel_loop3A_300 = vector.broadcast %parallel_loop3A_299 : i32 to vector<16xi32>
          %parallel_loop3A_301 = arith.andi %parallel_loop3A_298, %parallel_loop3A_300 : vector<16xi32>
          %parallel_loop3A_302 = arith.mulf %parallel_loop3A_297, %parallel_loop3A_184 : vector<16xf32>
          %parallel_loop3A_303 = tpu.vector_load_idx %arg5[%parallel_loop3A_301] : memref<16384xf32, #tpu.memory_space<vmem>>[vector<16xi32>], vector<16xf32>,
          %parallel_loop3A_304 = arith.mulf %parallel_loop3A_302, %parallel_loop3A_303 : vector<16xf32>
          %parallel_loop3A_305 = arith.addf %parallel_loop3A_287, %parallel_loop3A_304 : vector<16xf32>
          %parallel_loop3A_306 = tpu.vector_load_idx %arg6[%parallel_loop3A_301] : memref<16384xf32, #tpu.memory_space<vmem>>[vector<16xi32>], vector<16xf32>,
          %parallel_loop3A_307 = arith.mulf %parallel_loop3A_302, %parallel_loop3A_306 : vector<16xf32>
          %parallel_loop3A_308 = arith.addf %parallel_loop3A_290, %parallel_loop3A_307 : vector<16xf32>
          %parallel_loop3A_309 = tpu.vector_load_idx %arg7[%parallel_loop3A_301] : memref<16384xf32, #tpu.memory_space<vmem>>[vector<16xi32>], vector<16xf32>,
          %parallel_loop3A_310 = arith.mulf %parallel_loop3A_302, %parallel_loop3A_309 : vector<16xf32>
          %parallel_loop3A_311 = arith.addf %parallel_loop3A_293, %parallel_loop3A_310 : vector<16xf32>
          %parallel_loop3A_312 = tpu.vector_load_idx %arg8[%parallel_loop3A_301] : memref<16384xf32, #tpu.memory_space<vmem>>[vector<16xi32>], vector<16xf32>,
          %parallel_loop3A_313 = arith.mulf %parallel_loop3A_302, %parallel_loop3A_312 : vector<16xf32>
          %parallel_loop3A_314 = arith.addf %parallel_loop3A_296, %parallel_loop3A_313 : vector<16xf32>
          %parallel_loop3A_315 = arith.xori %parallel_loop3A_187, %parallel_loop3A_195 : vector<16xi32>
          %parallel_loop3A_316 = arith.constant 16383 : i32
          %parallel_loop3A_317 = vector.broadcast %parallel_loop3A_316 : i32 to vector<16xi32>
          %parallel_loop3A_318 = arith.andi %parallel_loop3A_315, %parallel_loop3A_317 : vector<16xi32>
          %parallel_loop3A_319 = arith.mulf %parallel_loop3A_297, %parallel_loop3A_175 : vector<16xf32>
          %parallel_loop3A_320 = tpu.vector_load_idx %arg5[%parallel_loop3A_318] : memref<16384xf32, #tpu.memory_space<vmem>>[vector<16xi32>], vector<16xf32>,
          %parallel_loop3A_321 = arith.mulf %parallel_loop3A_319, %parallel_loop3A_320 : vector<16xf32>
          %parallel_loop3A_322 = arith.addf %parallel_loop3A_305, %parallel_loop3A_321 : vector<16xf32>
          %parallel_loop3A_323 = tpu.vector_load_idx %arg6[%parallel_loop3A_318] : memref<16384xf32, #tpu.memory_space<vmem>>[vector<16xi32>], vector<16xf32>,
          %parallel_loop3A_324 = arith.mulf %parallel_loop3A_319, %parallel_loop3A_323 : vector<16xf32>
          %parallel_loop3A_325 = arith.addf %parallel_loop3A_308, %parallel_loop3A_324 : vector<16xf32>
          %parallel_loop3A_326 = tpu.vector_load_idx %arg7[%parallel_loop3A_318] : memref<16384xf32, #tpu.memory_space<vmem>>[vector<16xi32>], vector<16xf32>,
          %parallel_loop3A_327 = arith.mulf %parallel_loop3A_319, %parallel_loop3A_326 : vector<16xf32>
          %parallel_loop3A_328 = arith.addf %parallel_loop3A_311, %parallel_loop3A_327 : vector<16xf32>
          %parallel_loop3A_329 = tpu.vector_load_idx %arg8[%parallel_loop3A_318] : memref<16384xf32, #tpu.memory_space<vmem>>[vector<16xi32>], vector<16xf32>,
          %parallel_loop3A_330 = arith.mulf %parallel_loop3A_319, %parallel_loop3A_329 : vector<16xf32>
          %parallel_loop3A_331 = arith.addf %parallel_loop3A_314, %parallel_loop3A_330 : vector<16xf32>
          %parallel_loop3A_332 = arith.constant 0 : i32
          %parallel_loop3A_333 = arith.addi %parallel_loop3A_332, %parallel_loop3A_153 : i32
          %parallel_loop3A_334 = arith.index_cast %parallel_loop3A_333 : i32 to index
          %parallel_loop3A_335 = tpu.vector_load %arg12[%parallel_loop3A_334] {strides = array<i32>} : memref<16384xf32, #tpu.memory_space<vmem>>, vector<16xf32>,
          tpu.vector_store %arg12[%parallel_loop3A_334], %parallel_loop3A_322 {strides = array<i32>} : memref<16384xf32, #tpu.memory_space<vmem>>, vector<16xf32>,
          %parallel_loop3A_336 = arith.constant 4096 : i32
          %parallel_loop3A_337 = arith.addi %parallel_loop3A_336, %parallel_loop3A_153 : i32
          %parallel_loop3A_338 = arith.index_cast %parallel_loop3A_337 : i32 to index
          %parallel_loop3A_339 = tpu.vector_load %arg12[%parallel_loop3A_338] {strides = array<i32>} : memref<16384xf32, #tpu.memory_space<vmem>>, vector<16xf32>,
          tpu.vector_store %arg12[%parallel_loop3A_338], %parallel_loop3A_325 {strides = array<i32>} : memref<16384xf32, #tpu.memory_space<vmem>>, vector<16xf32>,
          %parallel_loop3A_340 = arith.constant 8192 : i32
          %parallel_loop3A_341 = arith.addi %parallel_loop3A_340, %parallel_loop3A_153 : i32
          %parallel_loop3A_342 = arith.index_cast %parallel_loop3A_341 : i32 to index
          %parallel_loop3A_343 = tpu.vector_load %arg12[%parallel_loop3A_342] {strides = array<i32>} : memref<16384xf32, #tpu.memory_space<vmem>>, vector<16xf32>,
          tpu.vector_store %arg12[%parallel_loop3A_342], %parallel_loop3A_328 {strides = array<i32>} : memref<16384xf32, #tpu.memory_space<vmem>>, vector<16xf32>,
          %parallel_loop3A_344 = arith.constant 12288 : i32
          %parallel_loop3A_345 = arith.addi %parallel_loop3A_344, %parallel_loop3A_153 : i32
          %parallel_loop3A_346 = arith.index_cast %parallel_loop3A_345 : i32 to index
          %parallel_loop3A_347 = tpu.vector_load %arg12[%parallel_loop3A_346] {strides = array<i32>} : memref<16384xf32, #tpu.memory_space<vmem>>, vector<16xf32>,
          tpu.vector_store %arg12[%parallel_loop3A_346], %parallel_loop3A_331 {strides = array<i32>} : memref<16384xf32, #tpu.memory_space<vmem>>, vector<16xf32>,
        } {sc.loop_unroll_factor = 4 : i64, sc.parallel_access}
        %mul3A_144 = arith.constant 262144 : i32
        %mul3A_145 = arith.muli %add3A_124, %mul3A_144 : i32
        %mul3A_146 = arith.constant 4 : i32
        %mul3A_147 = arith.muli %arg1, %mul3A_146 : i32
        %mul3A_148 = arith.constant 4096 : i32
        %mul3A_149 = arith.muli %mul3A_147, %mul3A_148 : i32
        %add3A_150 = arith.addi %mul3A_145, %mul3A_149 : i32
        %dma_start3A_151 = tpu.memref_slice %arg4[%add3A_150] : memref<33554432xf32, #tpu.memory_space<hbm>> -> memref<16384xf32, #tpu.memory_space<hbm>>
        %dma_start3A_152 = tpu.memref_slice %arg4[%add3A_150] : memref<33554432xf32, #tpu.memory_space<hbm>> -> memref<16384xf32, #tpu.memory_space<hbm>>
        tpu.enqueue_dma source(%arg12 : memref<16384xf32, #tpu.memory_space<vmem>>) target(%dma_start3A_152 : memref<16384xf32, #tpu.memory_space<hbm>>) target_semaphore(%arg16 : memref<!tpu.dma_semaphore, #tpu.memory_space<semaphore_mem>>)
      }
      %scan3A_76 = arith.constant 32 : i32
      %mul3A_77 = arith.constant 4 : i32
      %mul3A_78 = arith.muli %arg1, %mul3A_77 : i32
      %mul3A_79 = arith.constant 4096 : i32
      %mul3A_80 = arith.muli %mul3A_78, %mul3A_79 : i32
      %dma_wait3A = tpu.memref_slice %arg4[%mul3A_80] : memref<33554432xf32, #tpu.memory_space<hbm>> -> memref<16384xf32, #tpu.memory_space<hbm>>
      %dma_wait3A_81 = tpu.memref_slice %arg4[%mul3A_80] : memref<33554432xf32, #tpu.memory_space<hbm>> -> memref<16384xf32, #tpu.memory_space<hbm>>
      tpu.wait_dma2 semaphore(%arg15 : memref<!tpu.dma_semaphore, #tpu.memory_space<semaphore_mem>>) src(%arg11 : memref<16384xf32, #tpu.memory_space<vmem>>) dst(%dma_wait3A_81 : memref<16384xf32, #tpu.memory_space<hbm>>)
      %mul3A_82 = arith.constant 4 : i32
      %mul3A_83 = arith.muli %arg1, %mul3A_82 : i32
      %mul3A_84 = arith.constant 4096 : i32
      %mul3A_85 = arith.muli %mul3A_83, %mul3A_84 : i32
      %dma_wait3A_86 = tpu.memref_slice %arg4[%mul3A_85] : memref<33554432xf32, #tpu.memory_space<hbm>> -> memref<16384xf32, #tpu.memory_space<hbm>>
      %dma_wait3A_87 = tpu.memref_slice %arg4[%mul3A_85] : memref<33554432xf32, #tpu.memory_space<hbm>> -> memref<16384xf32, #tpu.memory_space<hbm>>
      tpu.wait_dma2 semaphore(%arg16 : memref<!tpu.dma_semaphore, #tpu.memory_space<semaphore_mem>>) src(%arg12 : memref<16384xf32, #tpu.memory_space<vmem>>) dst(%dma_wait3A_87 : memref<16384xf32, #tpu.memory_space<hbm>>)
    }
    return
  }
}

module attributes {stable_mosaic.version = 14 : i64} {
  func.func @_mlp_body(%arg0: i32, %arg1: memref<1x3x4096xf32, #tpu.memory_space<vmem>>, %arg2: memref<1x64x4096xf32, #tpu.memory_space<vmem>>, %arg3: memref<64x3xf32, #tpu.memory_space<vmem>>, %arg4: memref<64x64xf32, #tpu.memory_space<vmem>>, %arg5: memref<64x64xf32, #tpu.memory_space<vmem>>, %arg6: memref<64x3xf32, #tpu.memory_space<vmem>>, %arg7: memref<4096x3xf32, #tpu.memory_space<vmem>>) attributes {dimension_semantics = [#tpu.dimension_semantics<arbitrary>], iteration_bounds = array<i64: 128>, scalar_prefetch = 0 : i64, scratch_operands = 0 : i64, tpu.core_type = #tpu.core_type<tc>, window_params = [{transform_indices = @transform_0, window_bounds = array<i64: 1, 3, 4096>}, {transform_indices = @transform_1, window_bounds = array<i64: 1, 64, 4096>}, {pipeline_mode = #tpu.pipeline_mode<synchronous>, transform_indices = @transform_2, window_bounds = array<i64: 64, 3>}, {pipeline_mode = #tpu.pipeline_mode<synchronous>, transform_indices = @transform_3, window_bounds = array<i64: 64, 64>}, {pipeline_mode = #tpu.pipeline_mode<synchronous>, transform_indices = @transform_4, window_bounds = array<i64: 64, 64>}, {pipeline_mode = #tpu.pipeline_mode<synchronous>, transform_indices = @transform_5, window_bounds = array<i64: 64, 3>}, {transform_indices = @transform_6, window_bounds = array<i64: 4096, 3>}]} {
    %get3A = arith.constant 0 : index
    %get3A_0 = arith.constant 0 : index
    %get3A_1 = arith.constant 0 : index
    %get3A_2 = vector.load %arg1[%get3A, %get3A_0, %get3A_1] : memref<1x3x4096xf32, #tpu.memory_space<vmem>>, vector<1x3x4096xf32>
    %get3A_3 = vector.shape_cast %get3A_2 : vector<1x3x4096xf32> to vector<3x4096xf32>
    %mul3A = arith.constant 2.000000e+00 : f32
    %mul3A_4 = vector.broadcast %mul3A : f32 to vector<3x4096xf32>
    %mul3A_5 = arith.mulf %get3A_3, %mul3A_4 : vector<3x4096xf32>
    %sub3A = arith.constant 1.000000e+00 : f32
    %sub3A_6 = vector.broadcast %sub3A : f32 to vector<3x4096xf32>
    %sub3A_7 = arith.subf %mul3A_5, %sub3A_6 : vector<3x4096xf32>
    %get3A_8 = arith.constant 0 : index
    %get3A_9 = arith.constant 0 : index
    %get3A_10 = vector.load %arg3[%get3A_8, %get3A_9] : memref<64x3xf32, #tpu.memory_space<vmem>>, vector<64x3xf32>
    %dot_general3A = arith.constant dense<0.000000e+00> : vector<64x4096xf32>
    %dot_general3A_11 = tpu.matmul %get3A_10, %sub3A_7, %dot_general3A {dimension_numbers = #tpu.dot_dimension_numbers<[1], [0], [0], [1], [0, 0, 1, 1], [], []>, transpose_lhs_hint = false} : vector<64x3xf32>, vector<3x4096xf32>, vector<64x4096xf32> -> vector<64x4096xf32>
    %get3A_12 = arith.constant 0 : index
    %get3A_13 = arith.constant 0 : index
    %get3A_14 = vector.load %arg4[%get3A_12, %get3A_13] : memref<64x64xf32, #tpu.memory_space<vmem>>, vector<64x64xf32>
    %get3A_15 = arith.constant 0 : index
    %get3A_16 = arith.constant 0 : index
    %get3A_17 = arith.constant 0 : index
    %get3A_18 = vector.load %arg2[%get3A_15, %get3A_16, %get3A_17] : memref<1x64x4096xf32, #tpu.memory_space<vmem>>, vector<1x64x4096xf32>
    %get3A_19 = vector.shape_cast %get3A_18 : vector<1x64x4096xf32> to vector<64x4096xf32>
    %dot_general3A_20 = arith.constant dense<0.000000e+00> : vector<64x4096xf32>
    %dot_general3A_21 = tpu.matmul %get3A_14, %get3A_19, %dot_general3A_20 {dimension_numbers = #tpu.dot_dimension_numbers<[1], [0], [0], [1], [0, 0, 1, 1], [], []>, transpose_lhs_hint = false} : vector<64x64xf32>, vector<64x4096xf32>, vector<64x4096xf32> -> vector<64x4096xf32>
    %add3A = arith.addf %dot_general3A_11, %dot_general3A_21 : vector<64x4096xf32>
    %max3A = arith.constant 0.000000e+00 : f32
    %max3A_22 = vector.broadcast %max3A : f32 to vector<64x4096xf32>
    %max3A_23 = arith.maximumf %add3A, %max3A_22 : vector<64x4096xf32>
    %get3A_24 = arith.constant 0 : index
    %get3A_25 = arith.constant 0 : index
    %get3A_26 = vector.load %arg5[%get3A_24, %get3A_25] : memref<64x64xf32, #tpu.memory_space<vmem>>, vector<64x64xf32>
    %dot_general3A_27 = arith.constant dense<0.000000e+00> : vector<64x4096xf32>
    %dot_general3A_28 = tpu.matmul %get3A_26, %max3A_23, %dot_general3A_27 {dimension_numbers = #tpu.dot_dimension_numbers<[1], [0], [0], [1], [0, 0, 1, 1], [], []>, transpose_lhs_hint = false} : vector<64x64xf32>, vector<64x4096xf32>, vector<64x4096xf32> -> vector<64x4096xf32>
    %max3A_29 = arith.constant 0.000000e+00 : f32
    %max3A_30 = vector.broadcast %max3A_29 : f32 to vector<64x4096xf32>
    %max3A_31 = arith.maximumf %dot_general3A_28, %max3A_30 : vector<64x4096xf32>
    %get3A_32 = arith.constant 0 : index
    %get3A_33 = arith.constant 0 : index
    %get3A_34 = vector.load %arg6[%get3A_32, %get3A_33] : memref<64x3xf32, #tpu.memory_space<vmem>>, vector<64x3xf32>
    %dot_general3A_35 = arith.constant dense<0.000000e+00> : vector<4096x3xf32>
    %dot_general3A_36 = tpu.matmul %max3A_31, %get3A_34, %dot_general3A_35 {dimension_numbers = #tpu.dot_dimension_numbers<[0], [0], [1], [1], [0, 1, 1, 1], [], []>, transpose_lhs_hint = false} : vector<64x4096xf32>, vector<64x3xf32>, vector<4096x3xf32> -> vector<4096x3xf32>
    %abs3A = math.absf %dot_general3A_36 : vector<4096x3xf32>
    %swap3A = arith.constant 0 : index
    %swap3A_37 = arith.constant 0 : index
    %swap3A_38 = vector.load %arg7[%swap3A, %swap3A_37] : memref<4096x3xf32, #tpu.memory_space<vmem>>, vector<4096x3xf32>
    tpu.vector_store %arg7[%swap3A, %swap3A_37], %abs3A {strides = array<i32>} : memref<4096x3xf32, #tpu.memory_space<vmem>>, vector<4096x3xf32>,
    return
  }
  func.func @transform_0(%arg0: i32) -> (i32, i32, i32) {
    %c0_i32 = arith.constant 0 : i32
    %c0_i32_0 = arith.constant 0 : i32
    %c0_i32_1 = arith.constant 0 : i32
    return %arg0, %c0_i32, %c0_i32_0 : i32, i32, i32
  }
  func.func @transform_1(%arg0: i32) -> (i32, i32, i32) {
    %c0_i32 = arith.constant 0 : i32
    %c0_i32_0 = arith.constant 0 : i32
    %c0_i32_1 = arith.constant 0 : i32
    return %arg0, %c0_i32, %c0_i32_0 : i32, i32, i32
  }
  func.func @transform_2(%arg0: i32) -> (i32, i32) {
    %c0_i32 = arith.constant 0 : i32
    %c0_i32_0 = arith.constant 0 : i32
    %c0_i32_1 = arith.constant 0 : i32
    return %c0_i32, %c0_i32_0 : i32, i32
  }
  func.func @transform_3(%arg0: i32) -> (i32, i32) {
    %c0_i32 = arith.constant 0 : i32
    %c0_i32_0 = arith.constant 0 : i32
    %c0_i32_1 = arith.constant 0 : i32
    return %c0_i32, %c0_i32_0 : i32, i32
  }
  func.func @transform_4(%arg0: i32) -> (i32, i32) {
    %c0_i32 = arith.constant 0 : i32
    %c0_i32_0 = arith.constant 0 : i32
    %c0_i32_1 = arith.constant 0 : i32
    return %c0_i32, %c0_i32_0 : i32, i32
  }
  func.func @transform_5(%arg0: i32) -> (i32, i32) {
    %c0_i32 = arith.constant 0 : i32
    %c0_i32_0 = arith.constant 0 : i32
    %c0_i32_1 = arith.constant 0 : i32
    return %c0_i32, %c0_i32_0 : i32, i32
  }
  func.func @transform_6(%arg0: i32) -> (i32, i32) {
    %c0_i32 = arith.constant 0 : i32
    %c0_i32_0 = arith.constant 0 : i32
    return %arg0, %c0_i32 : i32, i32
  }
}

</mosaic_0001>

<sc_bundles>
// kernel: kernel.4.cloned.1.call-start
scs
__scs_entry_jumppad:
0x0: {  	(pc) =	sbr.rel $0x88, $3  }
0x1: {  	(tag) =	ssettag $0x0;
	lr =	simm.s32 $0x1  }
0x2: {  	[smem:$0x3F9C] =	sst lr;
	_ =	strace $0xD0000000  }
0x3: {  	_ = 	snop  }
0x4: {  	_ = 	snop  }
0x5: {  	_ = 	snop  }
0x6: {  	_ = 	snop  }
0x7: {  	_ = 	snop  }
__scs_overlays_trampoline_lowered:
0x8: {  	[smem:$0x3FAB] =	sst s0  }
0x9: {  	[smem:$0x3FAC] =	sst s1  }
0xa: {  	[smem:$0x3FAD] =	sst s2  }
0xb: {  	[smem:$0x3FAE] =	sst s3  }
0xc: {  	[smem:$0x3FAF] =	sst s4  }
0xd: {  	[smem:$0x3FB0] =	sst s5  }
0xe: {  	[smem:$0x3FB1] =	sst s6  }
0xf: {  	[smem:$0x3FB2] =	sst s7  }
0x10: {  	[smem:$0x3FB3] =	sst s8  }
0x11: {  	[smem:$0x3FB4] =	sst s9;
	s0 =	simm.s32 @!p0 $0x0  }
0x12: {  	s1 =	sld [smem:$0x3F9A];
	s0 =	simm.s32 @p0 $0x1  }
0x13: {  	[smem:$0x3FB5] =	sst s0;
	s0 =	simm.s32 @!p1 $0x0  }
0x14: {  	s2 =	sld [smem:$0x3F99];
	s0 =	simm.s32 @p1 $0x1  }
0x15: {  	[smem:$0x3FB6] =	sst s0;
	s0 =	simm.s32 @!p2 $0x0  }
0x16: {  	s3 =	sld [smem:$0x3FDB];
	s0 =	simm.s32 @p2 $0x1  }
0x17: {  	s4 =	simm.s32 $0x1BF5;
	[smem:$0x3FB8] =	sst s0  }
0x18: {  	s0 =	sld [smem:$0x3F9B];
	_ =	swait.ge [sflag:s4], $0x0  }
0x19: {  	s7 =	sld [smem:$0x3F9C]  }
0x1a: {  	s8 =	sadd.s32 $0xFFFFE003, lr  }
0x1b: {  	s9 =	sadd.s32 $0xFFFFFEF7, lr;
	s5 =	simm.s32 $0xFFFFFFFF;
	p2 =	slt.u32 s8, $0xFFFFF086  }
0x1c: {  	p1 =	slt.u32 s9, $0xF7A;
	s5 =	simm.s32 @!p2 $0x0  }
0x1d: {  	s5 =	simm.s32 @p1 $0x1;
	p0 =	seq.s32 s7, s2  }
0x1e: {  	s7 =	smul.u32 @!p0 $0xF7A, s2;
	p2 =	seq.s32 @!p0 s5, $0x0  }
0x1f: {  	s9 =	smul.u32 $0xF7A, s1;
	s8 =	simm.s32 @!p0 $0x1BF5;
	p2 =	por !p2, p0  }
0x20: {  	[sflag:s8] =	ssyncset.s32 @!p0 $0xFFFFF086;
	s6 =	sadd.s32 @!p0 s3, s7;
	s7 =	simm.s32 @!p0 $0x108  }
0x21: {  	s3 =	sadd.s32 s3, s9;
	s6 =	sadd.s32 @!p0 $0x88, s6;
	s7 =	simm.s32 @p2 $0x1082  }
0x22: {  	[simem:s7], [sflag:s8] =	dma.local @!p0 [hbm:s6], $0xF7A  }
0x23: {  	s9 =	sor.u32 $0xD0000000, s2;
	s6 =	simm.s32 $0x108;
	_ =	swait.ge @!p0 [sflag:s8], $0x0  }
0x24: {  	s3 =	sadd.s32 $0x88, s3;
	s6 =	simm.s32 @!p1 $0x1082;
	[sflag:s4] =	ssyncset.s32 $0xFFFFF086  }
0x25: {  	[simem:s6], [sflag:s4] =	dma.local [hbm:s3], $0xF7A  }
0x26: {  	[smem:$0x3F9C] =	sst s1;
	(tag) =	ssettag s2;
	_ =	strace s9  }
0x27: {  	s1 =	sld [smem:$0x3FAC]  }
0x28: {  	s2 =	sld [smem:$0x3FAD]  }
0x29: {  	s4 =	sld [smem:$0x3FAF]  }
0x2a: {  	p0 =	seq.s32 s5, $0x0;
	s5 =	sld [smem:$0x3FB0]  }
0x2b: {  	s6 =	sld [smem:$0x3FB1]  }
0x2c: {  	s7 =	sld [smem:$0x3FB2]  }
0x2d: {  	s3 =	simm.s32 $0x108;
	s8 =	sld [smem:$0x3FB3]  }
0x2e: {  	s3 =	simm.s32 @!p0 $0x1082;
	s9 =	sld [smem:$0x3FB4]  }
0x2f: {  	lr =	sadd.s32 s0, s3;
	s0 =	sld [smem:$0x3FAB]  }
0x30: {  	s3 =	sld [smem:$0x3FAE]  }
0x31: {  	[smem:$0x3FB7] =	sst s10  }
0x32: {  	s10 =	sld [smem:$0x3FB5];
	_ =	sdelay $0x3  }
0x33: {  	p0 =	seq.s32 s10, $0x1;
	s10 =	sld [smem:$0x3FB7];
	_ =	sdelay $0x3  }
0x34: {  	[smem:$0x3FB7] =	sst s10  }
0x35: {  	s10 =	sld [smem:$0x3FB6];
	_ =	sdelay $0x3  }
0x36: {  	p1 =	seq.s32 s10, $0x1;
	s10 =	sld [smem:$0x3FB7];
	_ =	sdelay $0x3  }
0x37: {  	[smem:$0x3FB7] =	sst s10  }
0x38: {  	s10 =	sld [smem:$0x3FB8]  }
0x39: {  	_ = 	snop;
	(pc) =	sbr.ind lr, $3  }
0x3a: {  	_ = 	snop  }
0x3b: {  	_ = 	snop  }
0x3c: {  	p2 =	seq.s32 s10, $0x1;
	s10 =	sld [smem:$0x3FB7]  }
0x3d: {  	_ =	shalt  }
0x3e: {  	_ =	shalt  }
0x3f: {  	_ =	shalt  }
0x40: {  	_ =	shalt  }
0x41: {  	_ =	shalt  }
0x42: {  	_ =	shalt  }
0x43: {  	_ =	shalt  }
0x44: {  	_ =	shalt  }
0x45: {  	_ =	shalt  }
0x46: {  	_ =	shalt  }
0x47: {  	_ =	shalt  }
0x48: {  	_ =	shalt  }
0x49: {  	_ =	shalt  }
0x4a: {  	_ =	shalt  }
0x4b: {  	_ =	shalt  }
0x4c: {  	_ =	shalt  }
0x4d: {  	_ =	shalt  }
0x4e: {  	_ =	shalt  }
0x4f: {  	_ =	shalt  }
0x50: {  	_ =	shalt  }
0x51: {  	_ =	shalt  }
0x52: {  	_ =	shalt  }
0x53: {  	_ =	shalt  }
0x54: {  	_ =	shalt  }
0x55: {  	_ =	shalt  }
0x56: {  	_ =	shalt  }
0x57: {  	_ =	shalt  }
0x58: {  	_ =	shalt  }
0x59: {  	_ =	shalt  }
0x5a: {  	_ =	shalt  }
0x5b: {  	_ =	shalt  }
0x5c: {  	_ =	shalt  }
0x5d: {  	_ =	shalt  }
0x5e: {  	_ =	shalt  }
0x5f: {  	_ =	shalt  }
0x60: {  	_ =	shalt  }
0x61: {  	_ =	shalt  }
0x62: {  	_ =	shalt  }
0x63: {  	_ =	shalt  }
0x64: {  	_ =	shalt  }
0x65: {  	_ =	shalt  }
0x66: {  	_ =	shalt  }
0x67: {  	_ =	shalt  }
0x68: {  	_ =	shalt  }
0x69: {  	_ =	shalt  }
0x6a: {  	_ =	shalt  }
0x6b: {  	_ =	shalt  }
0x6c: {  	_ =	shalt  }
0x6d: {  	_ =	shalt  }
0x6e: {  	_ =	shalt  }
0x6f: {  	_ =	shalt  }
0x70: {  	_ =	shalt  }
0x71: {  	_ =	shalt  }
0x72: {  	_ =	shalt  }
0x73: {  	_ =	shalt  }
0x74: {  	_ =	shalt  }
0x75: {  	_ =	shalt  }
0x76: {  	_ =	shalt  }
0x77: {  	_ =	shalt  }
0x78: {  	_ =	shalt  }
0x79: {  	_ =	shalt  }
0x7a: {  	_ =	shalt  }
0x7b: {  	_ =	shalt  }
0x7c: {  	_ =	shalt  }
0x7d: {  	_ =	shalt  }
0x7e: {  	_ =	shalt  }
0x7f: {  	_ =	shalt  }
0x80: {  	_ =	shalt  }
0x81: {  	_ =	shalt  }
0x82: {  	_ =	shalt  }
0x83: {  	_ =	shalt  }
0x84: {  	_ =	shalt  }
0x85: {  	_ =	shalt  }
0x86: {  	_ =	shalt  }
0x87: {  	_ =	shalt  }
.Lfunc_end0:
.L_simem_size_0:
called_computation_lowered:
.L_overlay_start_0:
0x88: {  	s2 =	sld [smem:$0x3FD9]  }
0x89: {  	s3 =	sld [smem:$0x3FFE];
	_ =	sdelay $0x1  }
0x8a: {  	s1 =	srdreg.scid  }
0x8b: {  	s0 =	sand.u32 $0x1, s1  }
0x8c: {  	s17 =	sshll.u32 s0, $0xA;
	s2 =	sadd.s32 s3, s2  }
0x8d: {  	s2 =	sadd.s32 s2, s17  }
0x8e: {  	[smem:$0x3FC3] =	sst s2  }
0x8f: {  	_ = 	snop  }
0x90: {  	s2 =	sld [smem:$0x3FD0];
	(tm) =	ssettm $0x1  }
0x91: {  	s18 =	sld [smem:$0x3FFB];
	_ =	sdelay $0x3  }
0x92: {  	_ =	strace s18  }
0x93: {  	s3 =	sld [smem:$0x3FFC];
	_ =	sdelay $0x3  }
0x94: {  	_ =	strace s3  }
0x95: {  	s3 =	sld [smem:$0x3FFD];
	_ =	sdelay $0x3  }
0x96: {  	_ =	strace s3  }
0x97: {  	_ =	strace $0x8FFFFFFF  }
0x98: {  	s19 =	sld [smem:$0x3FDB];
	_ =	sdelay $0x1  }
0x99: {  	s4 =	simm.s32 $_scs_section_size  }
0x9a: {  	s5 =	simm.s32 $_size__tile_overlayer_lowered;
	s6 =	simm.s32 $_tile_overlayer_lowered  }
0x9b: {  	s22 =	simm.s32 $0x1BFF;
	s21 =	sshll.u32 s6, $0x1;
	s3 =	sadd.s32 s4, s19  }
0x9c: {  	s7 =	simm.s32 $0x0;
	s20 =	sshll.u32 s5, $0x1;
	s5 =	sadd.s32 s21, s3  }
0x9d: {  	[timem:s7], [sflag:s22] =	dma.local [hbm:s5], s20  }
0x9e: {  	_ =	swait.ge [sflag:s22], s20  }
0x9f: {  	s4 =	ssub.s32 $0x0, s20;
	[sflag:s22] =	ssyncset.done $0x0  }
0xa0: {  	[sflag:s22] =	ssyncadd.s32 s4;
	_ =	sdelay $0x1  }
0xa1: {  	s23 =	simm.s32 $0x1B8B  }
0xa2: {  	_ =	swait.ge [sflag:s23], $0x1  }
0xa3: {  	[sflag:s23] =	ssyncset.done $0x0  }
0xa4: {  	s25 =	simm.s32 $0x1B8E;
	s24 =	sld [smem:$0x3FFE];
	[sflag:s23] =	ssyncadd.s32 $0xFFFFFFFF  }
0xa5: {  	s26 =	simm.s32 $execute0_lowered;
	[smem:$0x3FD2] =	sst s25  }
0xa6: {  	s5 =	sshll.u32 s26, $0x1;
	_ =	strace $0x80000046;
	[dreg:$0x1] =	wrdreg $0xFFFFFFFF  }
0xa7: {  	s28 =	simm.s32 $_size_execute0_lowered;
	s3 =	sadd.s32 s3, s5;
	[dreg:$0x0] =	wrdreg $0x0  }
0xa8: {  	s5 =	sshll.u32 s28, $0x1;
	[dreg:$0x2] =	wrdreg s3  }
0xa9: {  	[dreg:$0x3] =	wrdreg s5  }
0xaa: {  	[dreg:$0x4] =	wrdreg $0xC0  }
0xab: {  	_ =	task [dreg:s7], $0x5FFFF  }
0xac: {  	[dreg:$0x1] =	wrdreg $0xFFFFFFFF  }
0xad: {  	[dreg:$0x0] =	wrdreg $0x60  }
0xae: {  	[dreg:$0x2] =	wrdreg s2  }
0xaf: {  	[dreg:$0x3] =	wrdreg s24  }
0xb0: {  	[dreg:$0x4] =	wrdreg $0x9  }
0xb1: {  	_ =	task.clear_ibuf [dreg:s7], $0x5FFFF;
	_ =	strace $0x90000046  }
0xb2: {  	s29 =	simm.s32 $0x9;
	_ =	strace $0x80000048  }
0xb3: {  	_ =	swait.ge [sflag:s29], $0x1  }
0xb4: {  	[sflag:s29] =	ssyncadd.s32 $0xFFFFFFFF  }
0xb5: {  	_ =	strace $0x90000048  }
0xb6: {  	_ =	sfence  }
0xb7: {  	s30 =	sld [smem:$0x0];
	_ =	sdelay $0x2  }
0xb8: {  	s31 =	sshll.u32 s1, $0xD;
	s1 =	sshrl.u32 s1, $0x2  }
0xb9: {  	s3 =	sand.u32 $0x4000, s31;
	s1 =	sadd.s32 s1, s30  }
0xba: {  	s0 =	sor.u32 s3, s0;
	s1 =	sshll.u32 s1, $0x11  }
0xbb: {  	s0 =	sor.u32 s1, s0  }
0xbc: {  	s0 =	sadd.s32 $0x8F2B, s0  }
0xbd: {  	[sflag:s0] =	ssyncadd.remote.s32 $0x1  }
0xbe: {  	_ =	sfence.sel $0xFFFF  }
0xbf: {  	[dreg:$0x0] =	wrdreg $0xFFFFFFFF;
	(pc) =	sbr.abs _section_cstart, $3  }
0xc0: {  	[dreg:$0x1] =	wrdreg $0xFFFFFFFF  }
0xc1: {  	_ =	task.clear_ibuf [dreg:s7], $0x2FFFF;
	_ =	strace $0x9FFFFFFF  }
0xc2: {  	(tm) =	ssettm $0x7FFFFFFF  }
0xc3: {  	_ =	shalt  }
tec
execute0_lowered:
.L_overlay_start_1:
0x0: {  	(tag) =	ssettag $0x1  }
0x1: {  	s1 =	rddreg [dreg:$0x0]  }
0x2: {  	s0 =	rddreg [dreg:$0x1];
	s3 =	simm.s32 $0x0  }
0x3: {  	s2 =	stileid.u32;
	s20 =	simm.f32 $7.760000000e+02;
	s31 =	srdreg.scid  }
0x4: {  	s23 =	simm.s32 $0x11;
	s24 =	simm.s32 $0x121;
	s13 =	simm.s32 $0x5  }
0x5: {  	s14 =	simm.s32 $0x4000;
	s15 =	simm.s32 $0x8000;
	s16 =	simm.s32 $0xC000  }
0x6: {  	s17 =	simm.s32 $0x10000;
	s18 =	simm.s32 $0x1;
	s19 =	simm.s32 $0x13000  }
0x7: {  	s21 =	simm.s32 $0x2;
	s22 =	simm.s32 $0x1A000;
	p0 =	seq.s32 s2, $0xE  }
0x8: {  	s25 =	simm.s32 $0x0;
	s20 =	simm.s32 @!p0 $0x447FC000;
	p0 =	seq.s32 s2, $0xD  }
0x9: {  	[smem:$0x7FF] =	sst s3;
	s20 =	simm.s32 @p0 $0x44130000;
	p0 =	seq.s32 s2, $0xC  }
0xa: {  	s4 =	sshll.u32 s2, $0xD;
	s20 =	simm.s32 @p0 $0x43DE8000;
	p0 =	seq.s32 s2, $0xB  }
0xb: {  	s11 =	sshll.u32 s2, $0xE;
	s20 =	simm.s32 @p0 $0x43A88000;
	p0 =	seq.s32 s2, $0xA  }
0xc: {  	_ =	strace $0x80000047;
	s20 =	simm.s32 @p0 $0x437F0000;
	p0 =	seq.s32 s2, $0x9  }
0xd: {  	s8 =	sadd.s32 s4, s0;
	s20 =	simm.s32 @p0 $0x43420000;
	p0 =	seq.s32 s2, $0x8  }
0xe: {  	s4 =	sadd.s32 $0x21400, s0;
	s20 =	simm.s32 @p0 $0x43130000;
	p0 =	seq.s32 s2, $0x7  }
0xf: {  	s0 =	sand.u32 $0x1, s31;
	s20 =	simm.s32 @p0 $0x42DE0000;
	p0 =	seq.s32 s2, $0x6  }
0x10: {  	s5 =	ssub.s32 $0x2, s0;
	s20 =	simm.s32 @p0 $0x42A80000;
	p0 =	seq.s32 s2, $0x5  }
0x11: {  	s7 =	sadd.s32 $0x2400, s8;
	s20 =	simm.s32 @p0 $0x427C0000;
	p0 =	seq.s32 s2, $0x4  }
0x12: {  	s10 =	smul.u32 $0x18000, s0;
	s20 =	simm.s32 @p0 $0x42400000;
	p0 =	seq.s32 s2, $0x3  }
0x13: {  	s9 =	sshll.u32 s0, $0x6;
	s20 =	simm.s32 @p0 $0x42100000;
	p0 =	seq.s32 s2, $0x2  }
0x14: {  	s0 =	simm.f32 $1.600000000e+01;
	s20 =	simm.s32 @p0 $0x41D80000;
	p0 =	seq.s32 s2, $0x0  }
.Ltmp0:
0x15: {  	s6 =	sshrl.u32 s5, $0x1;
	s23 =	simm.s32 @!p0 $0x16;
	v0 =	vmov s20;
	(pc) =	sbr.rel .LBB2_1-.Ltmp0, $4  }
0x16: {  	s12 =	ssub.s32 s5, s6;
	s5 =	sadd.s32 $0x1400, s8;
	s24 =	simm.s32 @!p0 $0x1E4;
	[tilespmem:$0x1FFC0] =	vst v0;
	v61 =	vmov s23  }
0x17: {  	s6 =	sadd.s32 $0x1C00, s8;
	s8 =	sadd.s32 $0x2C00, s8;
	s0 =	simm.s32 @!p0 $0x41A80000;
	v62 =	vmov s24;
	[tilespmem:$0x1FFD0] =	vst v61  }
0x18: {  	s10 =	sadd.s32 s1, s10;
	s12 =	smax.u32 s12, $0x1;
	p0 =	sgt.u32 s2, $0x1;
	v63 =	vmov s0;
	[tilespmem:$0x1FFE0] =	vst v62  }
0x19: {  	s20 =	simm.s32 $0x16000;
	s23 =	simm.s32 $0x4;
	s24 =	simm.s32 $0x3;
	[tilespmem:$0x1FFF0] =	vst v63  }
.LBB2_12:
0x1a: {  	s25 =	sadd.s32 $0x1, s25  }
0x1b: {  	_ =	swait.ge [sflag:s24], $0x4000;
	p1 =	sne.s32 s25, s12  }
.Ltmp1:
0x1c: {  	[sflag:s24] =	ssyncset.done $0x0;
	(pc) =	sbr.rel @!p1 .LBB2_13-.Ltmp1, $4  }
0x1d: {  	[sflag:s24] =	ssyncadd.s32 $0xFFFFC000  }
0x1e: {  	_ =	swait.ge [sflag:s23], $0x4000  }
0x1f: {  	[sflag:s23] =	ssyncset.done $0x0  }
0x20: {  	[sflag:s23] =	ssyncadd.s32 $0xFFFFC000  }
.LBB2_1:
0x21: {  	[tilespmem:s3], [sflag:$0x5] =	stream.linear.gather [hbm4b:s5+s3], $0x4000, $0x38;
	[tilespmem:$0x1E000] =	vst v63  }
0x22: {  	_ =	swait.ge [sflag:s13], $0x4000  }
0x23: {  	[sflag:s13] =	ssyncset.done $0x0  }
0x24: {  	[sflag:s13] =	ssyncadd.s32 $0xFFFFC000  }
0x25: {  	[tilespmem:s14], [sflag:$0x5] =	stream.linear.gather [hbm4b:s6+s3], $0x4000, $0x38;
	[tilespmem:$0x1E000] =	vst v63  }
0x26: {  	_ =	swait.ge [sflag:s13], $0x4000  }
0x27: {  	[sflag:s13] =	ssyncset.done $0x0  }
0x28: {  	[sflag:s13] =	ssyncadd.s32 $0xFFFFC000  }
0x29: {  	[tilespmem:s15], [sflag:$0x5] =	stream.linear.gather [hbm4b:s7+s3], $0x4000, $0x38;
	[tilespmem:$0x1E000] =	vst v63  }
0x2a: {  	_ =	swait.ge [sflag:s13], $0x4000  }
0x2b: {  	[sflag:s13] =	ssyncset.done $0x0  }
0x2c: {  	[sflag:s13] =	ssyncadd.s32 $0xFFFFC000  }
0x2d: {  	[tilespmem:s16], [sflag:$0x5] =	stream.linear.gather [hbm4b:s8+s3], $0x4000, $0x38;
	[tilespmem:$0x1E000] =	vst v63  }
.Ltmp2:
0x2e: {  	_ = 	snop;
	(pc) =	sbr.rel @p0 .LBB2_7-.Ltmp2, $4  }
0x2f: {  	_ =	swait.ge [sflag:s13], $0x4000  }
0x30: {  	[sflag:s13] =	ssyncset.done $0x0  }
0x31: {  	s28 =	simm.s32 $0x0;
	s26 =	simm.s32 $0x0;
	[sflag:s13] =	ssyncadd.s32 $0xFFFFC000  }
0x32: {  	[tilespmem:s17], [sflag:$0x1] =	stream.linear.gather [hbm4b:s10+s3], $0x3000, $0x38;
	[tilespmem:$0x1E000] =	vst v63  }
.LBB2_2:
0x33: {  	s0 =	sshll.u32 s28, $0x1  }
0x34: {  	s26 =	sor.u32 s9, s0  }
0x35: {  	s0 =	smul.u32 $0x3000, s26;
	_ =	sdelay $0x1  }
0x36: {  	_ =	swait.ge [sflag:s18], $0x3000;
	s0 =	sshrl.u32 s0, $0x3  }
0x37: {  	[sflag:s18] =	ssyncset.done $0x0;
	s0 =	sadd.s32 s1, s0  }
0x38: {  	p1 =	seq.s32 s28, $0x0;
	[sflag:s18] =	ssyncadd.s32 $0xFFFFD000;
	s0 =	sadd.s32 $0x600, s0  }
0x39: {  	[tilespmem:s19], [sflag:$0x2] =	stream.linear.gather [hbm4b:s0+s3], $0x3000, $0x38;
	[tilespmem:$0x1E000] =	vst v63  }
0x3a: {  	s0 =	simm.s32 @!p1 $0x3  }
0x3b: {  	_ =	swait.ge @!p1 [sflag:s0], $0x4000  }
0x3c: {  	[sflag:s0] =	ssyncset.done @!p1 $0x0  }
0x3d: {  	v17 =	vld [tilespmem:$0x1FFF0];
	[sflag:s0] =	ssyncadd.s32 @!p1 $0xFFFFC000;
	s0 =	simm.s32 $0x11020  }
0x3e: {  	v0 =	vld [tilespmem:s0+$0x10]  }
0x3f: {  	v1 =	vld [tilespmem:s0+$0x1010]  }
0x40: {  	v2 =	vld [tilespmem:s0+$0xFFFFF010];
	_ =	sdelay $0x1  }
0x41: {  	v23 =	vld [tilespmem:$0x1FFD0]  }
0x42: {  	v4 =	vld [tilespmem:s0+$0xFF0]  }
0x43: {  	v37 =	vld [tilespmem:$0x1FFE0];
	v0 =	vmul.f32 v0, v17;
	v1 =	vmul.f32 v1, v17  }
0x44: {  	v6 =	vld [tilespmem:s0+$0xFFFFFFE0];
	v2 =	vmul.f32 v2, v17  }
0x45: {  	v5 =	vld [tilespmem:s0+$0x1000];
	v9 =	vtrunc.f32 v0;
	v10 =	vtrunc.f32 v1  }
0x46: {  	v9 =	vcvt.f32.s32 v9;
	v13 =	vcvt.f32.s32 v10  }
0x47: {  	v34 =	vmul.f32 v4, v17;
	v12 =	vtrunc.f32 v2  }
0x48: {  	v18 =	vcvt.f32.s32 v12;
	v16 =	vmul.u32 v9, v23;
	v4 =	vmul.u32 v13, v37  }
0x49: {  	v54 =	vmul.f32 v6, v17  }
0x4a: {  	v12 =	vmul.f32 v5, v17;
	v5 =	vadd.s32 $0x1, v18;
	v6 =	vadd.s32 v16, v4  }
0x4b: {  	v20 =	vadd.s32 v5, v6;
	_ =	sdelay $0x3  }
0x4c: {  	v3 =	vld [tilespmem:s0+$0xFE0]  }
0x4d: {  	v10 =	vld.idx.msk [tilespmem:v20+s3+$0x0], $0xffff  }
0x4e: {  	v7 =	vld [tilespmem:s0+$0xFFFFFFF0]  }
0x4f: {  	v8 =	vld [tilespmem:s0+$0x0]  }
0x50: {  	v11 =	vld [tilespmem:s0+$0xFFFFEFE0]  }
0x51: {  	v14 =	vld [tilespmem:s0+$0xFFFFEFF0]  }
0x52: {  	v15 =	vld [tilespmem:s0+$0xFFFFF000];
	[tilespmem:$0x1FEA0] =	vst v10  }
0x53: {  	v10 =	vld.idx.msk [tilespmem:v20+s14+$0x0], $0xffff;
	_ =	sdelay $0x4  }
0x54: {  	[tilespmem:$0x1FEB0] =	vst v10  }
0x55: {  	v10 =	vld.idx.msk [tilespmem:v20+s15+$0x0], $0xffff  }
0x56: {  	v6 =	vadd.s32 v18, v6;
	_ =	sdelay $0x3  }
0x57: {  	[tilespmem:$0x1FEC0] =	vst v10  }
0x58: {  	v10 =	vld.idx.msk [tilespmem:v6+s3+$0x0], $0xffff;
	_ =	sdelay $0x3  }
0x59: {  	v9 =	vcvt.s32.f32 v9  }
0x5a: {  	v26 =	vmul.f32 v14, v17;
	v14 =	vld.idx.msk [tilespmem:v20+s16+$0x0], $0xffff;
	[tilespmem:$0x1FE20] =	vst v10  }
0x5b: {  	v42 =	vsub.f32 v0, v9;
	v0 =	vld.idx.msk [tilespmem:v6+s14+$0x0], $0xffff;
	_ =	sdelay $0x2  }
0x5c: {  	v19 =	vtrunc.f32 v12  }
0x5d: {  	v13 =	vcvt.s32.f32 v13;
	v29 =	vadd.s32 v23, v16;
	v30 =	vadd.s32 v37, v4  }
0x5e: {  	v63 =	vcvt.s32.f32 v18;
	v32 =	vadd.s32 v29, v30;
	v30 =	vadd.s32 v16, v30;
	[tilespmem:$0x1FE30] =	vst v0  }
0x5f: {  	v39 =	vcvt.f32.s32 v19;
	v43 =	vsub.f32 v1, v13;
	v19 =	vadd.s32 v18, v30;
	v1 =	vld.idx.msk [tilespmem:v6+s15+$0x0], $0xffff  }
0x60: {  	v35 =	vadd.s32 v5, v32  }
0x61: {  	v40 =	vsub.f32 v2, v63;
	_ =	sdelay $0x1  }
0x62: {  	v4 =	vadd.s32 v4, v29;
	v13 =	vsub.f32 $1.000000000e+00, v42;
	v0 =	vsub.f32 $1.000000000e+00, v40;
	v9 =	vld.idx.msk [tilespmem:v6+s16+$0x0], $0xffff  }
0x63: {  	v29 =	vadd.s32 v18, v4;
	v32 =	vadd.s32 v18, v32;
	v18 =	vld.idx.msk [tilespmem:v19+s16+$0x0], $0xffff;
	[tilespmem:$0x1FE40] =	vst v1  }
0x64: {  	v6 =	vadd.s32 v5, v4;
	v4 =	vmul.f32 v13, v0;
	v38 =	vmul.f32 v42, v0;
	v0 =	vld.idx.msk [tilespmem:v35+s3+$0x0], $0xffff  }
0x65: {  	v49 =	vmul.f32 v3, v17  }
0x66: {  	v15 =	vmul.f32 v15, v17  }
0x67: {  	v24 =	vmul.f32 v8, v17;
	v8 =	vtrunc.f32 v49  }
0x68: {  	v31 =	vcvt.f32.s32 v8;
	v8 =	vtrunc.f32 v15  }
0x69: {  	v20 =	vcvt.f32.s32 v8;
	v8 =	vld.idx.msk [tilespmem:v29+s16+$0x0], $0xffff;
	[tilespmem:$0x1FF80] =	vst v0  }
0x6a: {  	v0 =	vld.idx.msk [tilespmem:v35+s14+$0x0], $0xffff;
	_ =	sdelay $0x1  }
0x6b: {  	v3 =	vmul.f32 v11, v17;
	_ =	sdelay $0x1  }
0x6c: {  	v25 =	vtrunc.f32 v3  }
0x6d: {  	v10 =	vcvt.f32.s32 v25;
	v25 =	vld.idx.msk [tilespmem:v32+s16+$0x0], $0xffff;
	[tilespmem:$0x1FFA0] =	vst v0  }
0x6e: {  	v0 =	vld.idx.msk [tilespmem:v35+s15+$0x0], $0xffff;
	_ =	sdelay $0x4  }
0x6f: {  	[tilespmem:$0x1FFB0] =	vst v0  }
0x70: {  	v0 =	vld.idx.msk [tilespmem:v6+s3+$0x0], $0xffff;
	_ =	sdelay $0x4  }
0x71: {  	v35 =	vld.idx.msk [tilespmem:v35+s16+$0x0], $0xffff;
	[tilespmem:$0x1FF50] =	vst v0  }
0x72: {  	v0 =	vld.idx.msk [tilespmem:v6+s14+$0x0], $0xffff;
	_ =	sdelay $0x4  }
0x73: {  	v51 =	vadd.s32 v5, v30;
	[tilespmem:$0x1FF60] =	vst v0  }
0x74: {  	v0 =	vld.idx.msk [tilespmem:v6+s15+$0x0], $0xffff;
	_ =	sdelay $0x1  }
0x75: {  	v48 =	vcvt.s32.f32 v10  }
0x76: {  	v13 =	vmul.f32 v13, v40  }
0x77: {  	v1 =	vsub.f32 v3, v48;
	v52 =	vld.idx.msk [tilespmem:v51+s16+$0x0], $0xffff  }
0x78: {  	v63 =	vld.idx.msk [tilespmem:v6+s16+$0x0], $0xffff;
	[tilespmem:$0x1FF70] =	vst v0;
	v0 =	vmul.f32 v13, v43  }
0x79: {  	[tilespmem:$0x1FE80] =	vst v1  }
0x7a: {  	[tilespmem:$0x1FF40] =	vst v0  }
0x7b: {  	v7 =	vmul.f32 v7, v17;
	v3 =	vld.idx.msk [tilespmem:v29+s3+$0x0], $0xffff;
	_ =	sdelay $0x1  }
0x7c: {  	v21 =	vtrunc.f32 v54;
	v22 =	vtrunc.f32 v7  }
0x7d: {  	v27 =	vtrunc.f32 v24;
	v28 =	vtrunc.f32 v26  }
0x7e: {  	v17 =	vtrunc.f32 v34;
	v36 =	vcvt.f32.s32 v21  }
0x7f: {  	v22 =	vcvt.f32.s32 v22;
	v21 =	vcvt.f32.s32 v28;
	v28 =	vsub.f32 $1.000000000e+00, v43;
	[tilespmem:$0x1FE50] =	vst v3  }
0x80: {  	v27 =	vcvt.f32.s32 v27;
	v33 =	vcvt.f32.s32 v17;
	v44 =	vmul.u32 v31, v37;
	v3 =	vld.idx.msk [tilespmem:v29+s14+$0x0], $0xffff  }
0x81: {  	v47 =	vmul.u32 v36, v23;
	v11 =	vmul.f32 v28, v4;
	v55 =	vmul.f32 v4, v43  }
0x82: {  	v53 =	vmul.u32 v22, v23;
	v45 =	vmul.u32 v33, v37;
	v41 =	vmul.f32 v28, v38  }
0x83: {  	v56 =	vmul.u32 v27, v23;
	v9 =	vmul.f32 v11, v9;
	v18 =	vmul.f32 v18, v55  }
0x84: {  	v36 =	vcvt.s32.f32 v36;
	v60 =	vadd.s32 v37, v45;
	v38 =	vmul.f32 v43, v38  }
0x85: {  	v18 =	vadd.f32 v18, v9;
	v50 =	vmul.f32 v8, v41;
	[tilespmem:$0x1FE60] =	vst v3;
	v3 =	vadd.s32 v53, v60  }
0x86: {  	v58 =	vcvt.s32.f32 v21;
	v57 =	vadd.s32 v37, v44;
	v30 =	vmul.f32 v28, v13;
	[tilespmem:$0x1FED0] =	vst v3  }
0x87: {  	v18 =	vadd.f32 v50, v18;
	v50 =	vmul.f32 v25, v38;
	v25 =	vmul.f32 v52, v0;
	v0 =	vld.idx.msk [tilespmem:v29+s15+$0x0], $0xffff  }
0x88: {  	v59 =	vcvt.s32.f32 v22;
	v62 =	vadd.s32 v47, v57;
	v40 =	vmul.f32 v42, v40  }
0x89: {  	v42 =	vadd.s32 v10, v62;
	v22 =	vmul.f32 v14, v30;
	v18 =	vadd.f32 v50, v18  }
0x8a: {  	v46 =	vmul.u32 v39, v37;
	v16 =	vsub.f32 v54, v36;
	v61 =	vcvt.s32.f32 v20  }
0x8b: {  	v5 =	vsub.f32 v26, v58;
	v54 =	vmul.f32 v28, v40;
	v18 =	vadd.f32 v22, v18  }
0x8c: {  	v4 =	vsub.f32 v15, v61;
	v9 =	vadd.s32 v37, v46;
	[tilespmem:$0x1FE70] =	vst v0;
	v0 =	vmul.f32 v43, v40  }
0x8d: {  	v6 =	vadd.s32 v56, v9;
	v50 =	vmul.f32 v63, v54;
	v18 =	vadd.f32 v25, v18;
	[tilespmem:$0x1FEF0] =	vst v5  }
0x8e: {  	v52 =	vsub.f32 v7, v59;
	v22 =	vadd.s32 v21, v3;
	v59 =	vld.idx.msk [tilespmem:v42+s3+$0x0], $0xffff;
	[tilespmem:$0x1FF90] =	vst v0  }
0x8f: {  	v15 =	vadd.f32 v50, v18;
	v18 =	vmul.f32 v35, v0;
	v43 =	vld.idx.msk [tilespmem:v42+s14+$0x0], $0xffff;
	[tilespmem:$0x1FF10] =	vst v4  }
0x90: {  	v63 =	vsub.f32 $1.000000000e+00, v1;
	v1 =	vsub.f32 $1.000000000e+00, v16;
	[tilespmem:$0x1FEE0] =	vst v6  }
0x91: {  	v27 =	vcvt.s32.f32 v27;
	v61 =	vld.idx.msk [tilespmem:v42+s15+$0x0], $0xffff;
	v0 =	vadd.f32 v18, v15  }
0x92: {  	v31 =	vcvt.s32.f32 v31;
	v35 =	vadd.s32 v20, v6;
	v58 =	vld.idx.msk [tilespmem:v42+s16+$0x0], $0xffff;
	[tilespmem:$0x1FE90] =	vst v1  }
0x93: {  	v33 =	vcvt.s32.f32 v33;
	v3 =	vsub.f32 v24, v27;
	v40 =	vld.idx.msk [tilespmem:v22+s3+$0x0], $0xffff;
	[tilespmem:$0x1FF30] =	vst v0  }
0x94: {  	v39 =	vcvt.s32.f32 v39;
	v26 =	vsub.f32 v49, v31;
	v2 =	vsub.f32 $1.000000000e+00, v52;
	v14 =	vld.idx.msk [tilespmem:v22+s14+$0x0], $0xffff  }
0x95: {  	v31 =	vmul.f32 v1, v63;
	v27 =	vsub.f32 v34, v33;
	v1 =	vsub.f32 $1.000000000e+00, v3;
	v33 =	vld.idx.msk [tilespmem:v22+s15+$0x0], $0xffff  }
0x96: {  	v22 =	vld.idx.msk [tilespmem:v22+s16+$0x0], $0xffff;
	[tilespmem:$0x1FF00] =	vst v2  }
0x97: {  	v29 =	vld.idx.msk [tilespmem:v35+s3+$0x0], $0xffff;
	[tilespmem:$0x1FF20] =	vst v1  }
0x98: {  	v50 =	vsub.f32 v12, v39;
	v15 =	vsub.f32 $1.000000000e+00, v5;
	v6 =	vld.idx.msk [tilespmem:v35+s14+$0x0], $0xffff  }
0x99: {  	v24 =	vsub.f32 $1.000000000e+00, v4;
	v39 =	vmovc v3;
	v0 =	vadd.s32 v23, v47;
	v47 =	vadd.s32 v47, v44;
	v3 =	vld.idx.msk [tilespmem:v35+s15+$0x0], $0xffff  }
0x9a: {  	v8 =	vmul.f32 v2, v15;
	v2 =	vadd.s32 v10, v47;
	v35 =	vld.idx.msk [tilespmem:v35+s16+$0x0], $0xffff  }
0x9b: {  	v4 =	vadd.s32 v0, v57;
	v57 =	vmul.f32 v1, v24;
	v7 =	vld.idx.msk [tilespmem:v19+s3+$0x0], $0xffff  }
0x9c: {  	v44 =	vadd.s32 v44, v0;
	v0 =	vmul.f32 v8, v27;
	v5 =	vld.idx.msk [tilespmem:v19+s14+$0x0], $0xffff  }
0x9d: {  	v48 =	vadd.s32 v53, v45;
	v28 =	vmul.f32 v31, v26;
	v1 =	vmul.f32 v57, v50;
	v19 =	vld.idx.msk [tilespmem:v19+s15+$0x0], $0xffff  }
0x9e: {  	v25 =	vsub.f32 $1.000000000e+00, v26;
	v40 =	vmul.f32 v0, v40;
	v13 =	vmul.f32 v14, v0  }
0x9f: {  	v53 =	vadd.s32 v23, v53;
	v17 =	vmul.f32 v33, v0;
	v14 =	vmul.f32 v22, v0;
	v0 =	vld.idx.msk [tilespmem:v2+s16+$0x0], $0xffff  }
0xa0: {  	v37 =	vadd.s32 v45, v53;
	v45 =	vadd.s32 v53, v60;
	v22 =	vmul.f32 v35, v1  }
0xa1: {  	v33 =	vadd.s32 v21, v48;
	v34 =	vld.idx.msk [tilespmem:v2+s3+$0x0], $0xffff;
	v35 =	vmul.f32 v55, v7;
	v12 =	vmul.f32 v5, v55  }
0xa2: {  	v42 =	vadd.s32 v23, v56;
	v53 =	vld.idx.msk [tilespmem:v2+s14+$0x0], $0xffff;
	v55 =	vmul.f32 v19, v55;
	v19 =	vmul.f32 v25, v31  }
0xa3: {  	v49 =	vmul.f32 v1, v29;
	v29 =	vadd.s32 v56, v46;
	v56 =	vld.idx.msk [tilespmem:v2+s15+$0x0], $0xffff;
	v60 =	vmul.f32 v6, v1  }
0xa4: {  	v18 =	vmul.f32 v3, v1;
	v1 =	vmul.f32 v19, v0;
	v0 =	vld [tilespmem:$0x1FE20]  }
0xa5: {  	v36 =	vadd.s32 v42, v9;
	v23 =	vadd.s32 $0x1, v10;
	v46 =	vadd.s32 v46, v42;
	v42 =	vld [tilespmem:$0x1FE40]  }
0xa6: {  	v47 =	vadd.s32 v23, v47;
	v2 =	vadd.s32 v20, v29;
	v7 =	vld.idx.msk [tilespmem:v33+s3+$0x0], $0xffff  }
0xa7: {  	v62 =	vadd.s32 v23, v62;
	v43 =	vmul.f32 v43, v28;
	v9 =	vld.idx.msk [tilespmem:v33+s14+$0x0], $0xffff;
	v53 =	vmul.f32 v19, v53  }
0xa8: {  	v5 =	vadd.s32 v10, v44;
	v44 =	vadd.s32 v23, v44;
	v31 =	vadd.s32 v23, v4;
	v6 =	vld.idx.msk [tilespmem:v33+s15+$0x0], $0xffff  }
0xa9: {  	v23 =	vsub.f32 $1.000000000e+00, v27;
	v43 =	vadd.f32 v43, v53;
	v53 =	vmul.f32 v11, v0;
	v0 =	vld [tilespmem:$0x1FE30]  }
0xaa: {  	v59 =	vmul.f32 v28, v59;
	v34 =	vmul.f32 v19, v34;
	v33 =	vld.idx.msk [tilespmem:v33+s16+$0x0], $0xffff  }
0xab: {  	v61 =	vmul.f32 v61, v28;
	v8 =	vmul.f32 v23, v8;
	v3 =	vld.idx.msk [tilespmem:v2+s3+$0x0], $0xffff  }
0xac: {  	v58 =	vmul.f32 v58, v28;
	v56 =	vmul.f32 v19, v56;
	v19 =	vadd.f32 v59, v34;
	v59 =	vld.idx.msk [tilespmem:v2+s14+$0x0], $0xffff  }
0xad: {  	v28 =	vsub.f32 $1.000000000e+00, v50;
	v10 =	vadd.s32 v10, v4;
	v34 =	vld.idx.msk [tilespmem:v2+s15+$0x0], $0xffff;
	v7 =	vmul.f32 v8, v7  }
0xae: {  	v2 =	vld.idx.msk [tilespmem:v2+s16+$0x0], $0xffff;
	v9 =	vmul.f32 v8, v9;
	v4 =	vmul.f32 v11, v0;
	v0 =	vadd.s32 v21, v37  }
0xaf: {  	v1 =	vadd.f32 v58, v1;
	v58 =	vld.idx.msk [tilespmem:v5+s14+$0x0], $0xffff;
	v6 =	vmul.f32 v8, v6;
	v8 =	vmul.f32 v8, v33  }
0xb0: {  	v57 =	vmul.f32 v28, v57;
	v56 =	vadd.f32 v61, v56;
	v61 =	vld.idx.msk [tilespmem:v5+s3+$0x0], $0xffff;
	v9 =	vadd.f32 v13, v9  }
0xb1: {  	v33 =	vld.idx.msk [tilespmem:v5+s15+$0x0], $0xffff;
	v13 =	vadd.s32 v20, v46;
	v8 =	vadd.f32 v14, v8;
	v14 =	vmul.f32 v16, v63  }
0xb2: {  	v15 =	vmul.f32 v52, v15;
	v5 =	vld.idx.msk [tilespmem:v5+s16+$0x0], $0xffff;
	v3 =	vmul.f32 v57, v3;
	v63 =	vmov v16  }
0xb3: {  	v4 =	vadd.f32 v12, v4;
	v12 =	vmul.f32 v57, v34;
	v34 =	vmul.f32 v25, v14;
	v16 =	vld.idx.msk [tilespmem:v0+s3+$0x0], $0xffff  }
0xb4: {  	v7 =	vadd.f32 v40, v7;
	v3 =	vadd.f32 v49, v3;
	v11 =	vmul.f32 v11, v42;
	v49 =	vld.idx.msk [tilespmem:v0+s14+$0x0], $0xffff  }
0xb5: {  	v35 =	vadd.f32 v35, v53;
	v12 =	vadd.f32 v18, v12;
	v18 =	vmul.f32 v61, v34  }
0xb6: {  	v59 =	vmul.f32 v57, v59;
	v2 =	vmul.f32 v57, v2;
	v11 =	vadd.f32 v55, v11;
	v55 =	vld.idx.msk [tilespmem:v13+s3+$0x0], $0xffff  }
0xb7: {  	v57 =	vld.idx.msk [tilespmem:v13+s14+$0x0], $0xffff;
	v5 =	vmul.f32 v5, v34;
	v18 =	vadd.f32 v18, v19;
	v19 =	vmul.f32 v23, v15  }
0xb8: {  	v40 =	vadd.f32 v60, v59;
	v60 =	vmul.f32 v58, v34;
	v33 =	vmul.f32 v33, v34;
	v34 =	vld.idx.msk [tilespmem:v13+s15+$0x0], $0xffff  }
0xb9: {  	v53 =	vld.idx.msk [tilespmem:v0+s15+$0x0], $0xffff;
	v1 =	vadd.f32 v5, v1;
	v5 =	vmul.f32 v16, v19;
	v16 =	vmul.f32 v49, v19  }
0xba: {  	v0 =	vld.idx.msk [tilespmem:v0+s16+$0x0], $0xffff  }
0xbb: {  	v9 =	vadd.f32 v16, v9;
	v16 =	vld [tilespmem:$0x1FE60]  }
0xbc: {  	v13 =	vld.idx.msk [tilespmem:v13+s16+$0x0], $0xffff  }
0xbd: {  	v2 =	vadd.f32 v22, v2;
	v58 =	vld.idx.msk [tilespmem:v10+s14+$0x0], $0xffff  }
0xbe: {  	v22 =	vadd.f32 v60, v43;
	v43 =	vld.idx.msk [tilespmem:v10+s3+$0x0], $0xffff;
	v61 =	vmul.f32 v53, v19;
	v53 =	vadd.s32 v21, v45  }
0xbf: {  	v6 =	vadd.f32 v17, v6;
	v17 =	vmul.f32 v39, v24;
	v5 =	vadd.f32 v5, v7;
	v7 =	vld [tilespmem:$0x1FE50]  }
0xc0: {  	v0 =	vmul.f32 v0, v19;
	v19 =	vld.idx.msk [tilespmem:v10+s15+$0x0], $0xffff;
	v16 =	vmul.f32 v16, v41  }
0xc1: {  	v33 =	vadd.f32 v33, v56;
	v56 =	vmul.f32 v28, v17;
	v10 =	vld.idx.msk [tilespmem:v10+s16+$0x0], $0xffff  }
0xc2: {  	v0 =	vadd.f32 v0, v8;
	v8 =	vld.idx.msk [tilespmem:v32+s3+$0x0], $0xffff;
	v4 =	vadd.f32 v16, v4;
	v16 =	vadd.s32 v20, v36  }
0xc3: {  	v13 =	vmul.f32 v13, v56;
	v24 =	vld.idx.msk [tilespmem:v53+s3+$0x0], $0xffff  }
0xc4: {  	v6 =	vadd.f32 v61, v6;
	v61 =	vmul.f32 v57, v56;
	v57 =	vld.idx.msk [tilespmem:v53+s14+$0x0], $0xffff;
	v7 =	vmul.f32 v7, v41  }
0xc5: {  	v14 =	vmul.f32 v26, v14;
	v2 =	vadd.f32 v13, v2;
	v13 =	vld.idx.msk [tilespmem:v53+s16+$0x0], $0xffff  }
0xc6: {  	v55 =	vmul.f32 v55, v56;
	v7 =	vadd.f32 v7, v35;
	v35 =	vadd.f32 v61, v40;
	v61 =	vld.idx.msk [tilespmem:v53+s15+$0x0], $0xffff  }
0xc7: {  	v34 =	vmul.f32 v34, v56;
	v56 =	vmul.f32 v43, v14;
	v53 =	vld.idx.msk [tilespmem:v16+s3+$0x0], $0xffff  }
0xc8: {  	v3 =	vadd.f32 v55, v3;
	v55 =	vld.idx.msk [tilespmem:v16+s14+$0x0], $0xffff  }
0xc9: {  	v15 =	vmul.f32 v27, v15;
	v18 =	vadd.f32 v56, v18;
	v10 =	vmul.f32 v10, v14;
	v56 =	vld.idx.msk [tilespmem:v16+s15+$0x0], $0xffff  }
0xca: {  	v8 =	vmul.f32 v8, v38;
	v16 =	vld.idx.msk [tilespmem:v16+s16+$0x0], $0xffff  }
0xcb: {  	v19 =	vmul.f32 v19, v14;
	v10 =	vadd.f32 v10, v1;
	v1 =	vmul.f32 v57, v15  }
0xcc: {  	v24 =	vmul.f32 v24, v15;
	v7 =	vadd.f32 v8, v7;
	v8 =	vmul.f32 v50, v17  }
0xcd: {  	v9 =	vadd.f32 v1, v9;
	v1 =	vmul.f32 v13, v15;
	v17 =	vmul.f32 v61, v15  }
0xce: {  	v19 =	vadd.f32 v19, v33;
	v15 =	vmul.f32 v53, v8;
	v33 =	vmul.f32 v55, v8;
	v53 =	vld [tilespmem:$0x1FE80]  }
0xcf: {  	v0 =	vadd.f32 v1, v0;
	v1 =	vmul.f32 v56, v8;
	v8 =	vmul.f32 v16, v8;
	v16 =	vld [tilespmem:$0x1FE90];
	_ =	sdelay $0x1  }
0xd0: {  	v60 =	vld [tilespmem:$0x1FE70]  }
0xd1: {  	v49 =	vld.idx.msk [tilespmem:v32+s14+$0x0], $0xffff  }
0xd2: {  	v32 =	vld.idx.msk [tilespmem:v32+s15+$0x0], $0xffff  }
0xd3: {  	v12 =	vadd.f32 v34, v12;
	v34 =	vmul.f32 v16, v53;
	v16 =	vld [tilespmem:$0x1FEA0];
	_ =	sdelay $0x2  }
0xd4: {  	v41 =	vmul.f32 v60, v41  }
0xd5: {  	v60 =	vmul.f32 v58, v14;
	v14 =	vmul.f32 v49, v38  }
0xd6: {  	v32 =	vmul.f32 v32, v38;
	v38 =	vmul.f32 v16, v30;
	v16 =	vld [tilespmem:$0x1FEB0];
	_ =	sdelay $0x4  }
0xd7: {  	v40 =	vmul.f32 v16, v30;
	v16 =	vld [tilespmem:$0x1FEC0]  }
0xd8: {  	v58 =	vld.idx.msk [tilespmem:v47+s15+$0x0], $0xffff  }
0xd9: {  	v49 =	vld [tilespmem:$0x1FEF0];
	v20 =	vadd.s32 $0x1, v20  }
0xda: {  	v22 =	vadd.f32 v60, v22;
	v60 =	vld.idx.msk [tilespmem:v47+s16+$0x0], $0xffff;
	v29 =	vadd.s32 v20, v29  }
0xdb: {  	v57 =	vld.idx.msk [tilespmem:v47+s14+$0x0], $0xffff  }
0xdc: {  	v11 =	vadd.f32 v41, v11;
	v30 =	vmul.f32 v16, v30;
	v16 =	vld [tilespmem:$0x1FED0]  }
0xdd: {  	v4 =	vadd.f32 v14, v4;
	v14 =	vadd.s32 $0x1, v21;
	v21 =	vld.idx.msk [tilespmem:v51+s15+$0x0], $0xffff  }
0xde: {  	v11 =	vadd.f32 v32, v11;
	v13 =	vld.idx.msk [tilespmem:v51+s3+$0x0], $0xffff;
	v32 =	vadd.s32 v14, v48  }
0xdf: {  	v41 =	vld.idx.msk [tilespmem:v29+s3+$0x0], $0xffff  }
0xe0: {  	v3 =	vadd.f32 v15, v3;
	v15 =	vld.idx.msk [tilespmem:v47+s3+$0x0], $0xffff  }
0xe1: {  	v37 =	vadd.s32 v14, v37;
	v42 =	vadd.s32 v14, v16;
	v16 =	vadd.s32 v14, v45;
	v14 =	vld [tilespmem:$0x1FF00]  }
0xe2: {  	v6 =	vadd.f32 v17, v6;
	v17 =	vld.idx.msk [tilespmem:v51+s14+$0x0], $0xffff  }
0xe3: {  	v5 =	vadd.f32 v24, v5;
	v24 =	vld.idx.msk [tilespmem:v32+s3+$0x0], $0xffff  }
0xe4: {  	v48 =	vld.idx.msk [tilespmem:v32+s14+$0x0], $0xffff;
	v61 =	vmul.f32 v25, v34  }
0xe5: {  	v55 =	vld.idx.msk [tilespmem:v32+s15+$0x0], $0xffff  }
0xe6: {  	v59 =	vmov v39;
	v32 =	vld.idx.msk [tilespmem:v32+s16+$0x0], $0xffff;
	v15 =	vmul.f32 v15, v61;
	v39 =	vmul.f32 v14, v49  }
0xe7: {  	v12 =	vadd.f32 v1, v12;
	v1 =	vld [tilespmem:$0x1FEE0];
	v56 =	vmul.f32 v57, v61;
	v57 =	vmul.f32 v58, v61  }
0xe8: {  	v15 =	vadd.f32 v15, v18;
	v18 =	vmul.f32 v60, v61;
	v60 =	vld [tilespmem:$0x1FF10];
	v58 =	vmul.f32 v23, v39  }
0xe9: {  	v61 =	vld [tilespmem:$0x1FF20]  }
0xea: {  	v43 =	vmul.f32 v63, v53;
	v63 =	vld.idx.msk [tilespmem:v29+s14+$0x0], $0xffff;
	v24 =	vmul.f32 v24, v58  }
0xeb: {  	v53 =	vld.idx.msk [tilespmem:v29+s15+$0x0], $0xffff  }
0xec: {  	v2 =	vadd.f32 v8, v2;
	v5 =	vadd.f32 v24, v5;
	v24 =	vld [tilespmem:$0x1FF30]  }
0xed: {  	v29 =	vld.idx.msk [tilespmem:v29+s16+$0x0], $0xffff;
	v8 =	vadd.s32 v20, v1;
	v1 =	vadd.s32 v20, v46;
	v19 =	vadd.f32 v57, v19  }
0xee: {  	v57 =	vld.idx.msk [tilespmem:v62+s14+$0x0], $0xffff;
	v14 =	vadd.s32 v20, v36;
	v20 =	vadd.f32 v56, v22;
	v22 =	vmul.f32 v61, v60  }
0xef: {  	v10 =	vadd.f32 v18, v10;
	v56 =	vld.idx.msk [tilespmem:v62+s3+$0x0], $0xffff;
	v18 =	vmul.f32 v48, v58;
	v46 =	vmul.f32 v55, v58  }
0xf0: {  	s29 =	simm.s32 $0x18000;
	v55 =	vmul.f32 v28, v22;
	v32 =	vmul.f32 v32, v58;
	v58 =	vld.idx.msk [tilespmem:v62+s15+$0x0], $0xffff  }
0xf1: {  	v9 =	vadd.f32 v18, v9;
	v18 =	vmul.f32 v59, v60;
	v60 =	vld.idx.msk [tilespmem:v62+s16+$0x0], $0xffff;
	[tilespmem:s29+$0x1030] =	vst v24  }
0xf2: {  	v34 =	vmul.f32 v34, v26;
	v62 =	vmul.f32 v53, v55;
	v53 =	vld [tilespmem:$0x1FF40]  }
0xf3: {  	v47 =	vmul.f32 v52, v49;
	v52 =	vld.idx.msk [tilespmem:v42+s15+$0x0], $0xffff  }
0xf4: {  	v49 =	vmul.f32 v57, v34;
	v57 =	vld.idx.msk [tilespmem:v8+s15+$0x0], $0xffff  }
0xf5: {  	v33 =	vadd.f32 v33, v35;
	v7 =	vadd.f32 v38, v7;
	v48 =	vld.idx.msk [tilespmem:v42+s14+$0x0], $0xffff  }
0xf6: {  	v4 =	vadd.f32 v40, v4;
	v51 =	vmul.f32 v39, v27;
	v45 =	vmul.f32 v56, v34;
	v56 =	vld.idx.msk [tilespmem:v8+s3+$0x0], $0xffff  }
0xf7: {  	v11 =	vadd.f32 v30, v11;
	v61 =	vmul.f32 v63, v55;
	v63 =	vld.idx.msk [tilespmem:v42+s3+$0x0], $0xffff;
	v13 =	vmul.f32 v13, v53  }
0xf8: {  	v20 =	vadd.f32 v49, v20;
	v59 =	vmul.f32 v41, v55;
	v29 =	vmul.f32 v29, v55;
	v55 =	vld.idx.msk [tilespmem:v42+s16+$0x0], $0xffff  }
0xf9: {  	v22 =	vmul.f32 v22, v50;
	v6 =	vadd.f32 v46, v6;
	v7 =	vadd.f32 v13, v7;
	v13 =	vld.idx.msk [tilespmem:v8+s14+$0x0], $0xffff  }
0xfa: {  	v0 =	vadd.f32 v32, v0;
	v42 =	vmul.f32 v26, v43;
	v15 =	vadd.f32 v45, v15;
	v8 =	vld.idx.msk [tilespmem:v8+s16+$0x0], $0xffff  }
0xfb: {  	v49 =	vld.idx.msk [tilespmem:v37+s14+$0x0], $0xffff;
	v3 =	vadd.f32 v59, v3;
	v2 =	vadd.f32 v29, v2;
	v29 =	vmul.f32 v48, v51  }
0xfc: {  	v46 =	vld.idx.msk [tilespmem:v44+s16+$0x0], $0xffff;
	v30 =	vadd.f32 v61, v33;
	v12 =	vadd.f32 v62, v12;
	v32 =	vmul.f32 v58, v34  }
0xfd: {  	v59 =	vld.idx.msk [tilespmem:v44+s3+$0x0], $0xffff;
	v58 =	vmul.f32 v52, v51;
	v29 =	vadd.f32 v29, v9;
	v9 =	vmul.f32 v55, v51  }
0xfe: {  	v48 =	vld.idx.msk [tilespmem:v37+s3+$0x0], $0xffff;
	v19 =	vadd.f32 v32, v19;
	v35 =	vmul.f32 v63, v51;
	v17 =	vmul.f32 v17, v53  }
0xff: {  	v63 =	vld.idx.msk [tilespmem:v44+s14+$0x0], $0xffff;
	v32 =	vmul.f32 v56, v22;
	v45 =	vadd.f32 v9, v0;
	v8 =	vmul.f32 v8, v22  }
0x100: {  	v21 =	vmul.f32 v21, v53;
	v4 =	vadd.f32 v17, v4;
	v17 =	vmul.f32 v25, v43;
	v43 =	vld.idx.msk [tilespmem:v44+s15+$0x0], $0xffff  }
0x101: {  	v53 =	vmul.f32 v28, v18;
	v9 =	vmul.f32 v13, v22;
	v52 =	vadd.f32 v8, v2;
	v2 =	vld.idx.msk [tilespmem:v37+s15+$0x0], $0xffff  }
0x102: {  	v13 =	vadd.f32 v32, v3;
	v3 =	vmul.f32 v57, v22;
	v8 =	vmul.f32 v50, v18;
	v18 =	vld.idx.msk [tilespmem:v37+s16+$0x0], $0xffff  }
0x103: {  	v34 =	vmul.f32 v60, v34;
	v6 =	vadd.f32 v58, v6;
	v60 =	vld [tilespmem:$0x1FF50];
	v0 =	vmul.f32 v23, v47  }
0x104: {  	v61 =	vld [tilespmem:$0x1FF60];
	v51 =	vmul.f32 v59, v17;
	v12 =	vadd.f32 v3, v12;
	v3 =	vmul.f32 v63, v17  }
0x105: {  	v58 =	vld [tilespmem:$0x1FF90];
	v10 =	vadd.f32 v34, v10;
	v26 =	vmul.f32 v43, v17;
	v17 =	vmul.f32 v46, v17  }
0x106: {  	v56 =	vmul.f32 v49, v0;
	v22 =	vmul.f32 v48, v0;
	v20 =	vadd.f32 v3, v20;
	v3 =	vld.idx.msk [tilespmem:v1+s3+$0x0], $0xffff  }
0x107: {  	v17 =	vadd.f32 v17, v10;
	v10 =	vmul.f32 v2, v0;
	v18 =	vmul.f32 v18, v0;
	v0 =	vld [tilespmem:$0x1FFA0]  }
0x108: {  	v62 =	vld [tilespmem:$0x1FF70]  }
0x109: {  	v5 =	vadd.f32 v35, v5;
	v57 =	vld [tilespmem:$0x1FF80]  }
0x10a: {  	v55 =	vld.idx.msk [tilespmem:v1+s15+$0x0], $0xffff;
	v35 =	vmul.f32 v60, v54  }
0x10b: {  	v11 =	vadd.f32 v21, v11;
	v21 =	vmul.f32 v61, v54;
	v22 =	vadd.f32 v22, v5;
	v5 =	vld.idx.msk [tilespmem:v31+s3+$0x0], $0xffff  }
0x10c: {  	v60 =	vmul.f32 v0, v58;
	v0 =	vadd.f32 v10, v6;
	v10 =	vmul.f32 v3, v53;
	v3 =	vld [tilespmem:$0x1FFB0]  }
0x10d: {  	v36 =	vmul.f32 v62, v54;
	v62 =	vld.idx.msk [tilespmem:v16+s14+$0x0], $0xffff;
	v7 =	vadd.f32 v35, v7  }
0x10e: {  	v54 =	vld.idx.msk [tilespmem:v1+s14+$0x0], $0xffff;
	v4 =	vadd.f32 v21, v4;
	v19 =	vadd.f32 v26, v19;
	v26 =	vmul.f32 v57, v58  }
0x10f: {  	v11 =	vadd.f32 v36, v11;
	v15 =	vadd.f32 v51, v15;
	v6 =	vld.idx.msk [tilespmem:v31+s15+$0x0], $0xffff  }
0x110: {  	v59 =	vld.idx.msk [tilespmem:v31+s14+$0x0], $0xffff;
	v2 =	vadd.f32 v56, v29;
	v7 =	vadd.f32 v26, v7  }
0x111: {  	v5 =	vmul.f32 v5, v42;
	v29 =	vmul.f32 v3, v58;
	v3 =	vadd.f32 v18, v45;
	v18 =	vld.idx.msk [tilespmem:v1+s16+$0x0], $0xffff  }
0x112: {  	v23 =	vmul.f32 v55, v53;
	v61 =	vadd.f32 v60, v4;
	v1 =	vadd.f32 v10, v13;
	v10 =	vld.idx.msk [tilespmem:v31+s16+$0x0], $0xffff  }
0x113: {  	v30 =	vadd.f32 v9, v30;
	v5 =	vadd.f32 v5, v15;
	[tilespmem:s29+$0xFFFFE030] =	vst v7;
	v13 =	vld.idx.msk [tilespmem:v16+s3+$0x0], $0xffff  }
0x114: {  	v4 =	vmul.f32 v54, v53;
	[tilespmem:s29+$0xFFFFF030] =	vst v61;
	v6 =	vmul.f32 v6, v42;
	v11 =	vadd.f32 v29, v11  }
0x115: {  	v9 =	vmul.f32 v27, v47;
	v63 =	vld.idx.msk [tilespmem:v16+s15+$0x0], $0xffff;
	v7 =	vmul.f32 v59, v42;
	[tilespmem:s29+$0xFFFFE000] =	vst v5  }
0x116: {  	v4 =	vadd.f32 v4, v30;
	v19 =	vadd.f32 v6, v19;
	[tilespmem:s29+$0x30] =	vst v11;
	v11 =	vld.idx.msk [tilespmem:v14+s3+$0x0], $0xffff  }
0x117: {  	v15 =	vmul.f32 v18, v53;
	v18 =	vadd.f32 v7, v20;
	v7 =	vld.idx.msk [tilespmem:v16+s16+$0x0], $0xffff;
	v16 =	vmul.f32 v10, v42  }
0x118: {  	v5 =	vadd.f32 v23, v12;
	[tilespmem:s29+$0x0] =	vst v19;
	v10 =	vld.idx.msk [tilespmem:v14+s14+$0x0], $0xffff;
	v12 =	vmul.f32 v13, v9  }
0x119: {  	s30 =	simm.s32 $0x0;
	v13 =	vld.idx.msk [tilespmem:v14+s15+$0x0], $0xffff;
	[tilespmem:s29+$0xFFFFF000] =	vst v18;
	v6 =	vadd.f32 v15, v52;
	v15 =	vadd.f32 v16, v17  }
0x11a: {  	s31 =	simm.s32 $0x11060;
	s0 =	sand.u32 $0xFC0, s30;
	v16 =	vadd.f32 v12, v22;
	v17 =	vmul.f32 v62, v9;
	v12 =	vld.idx.msk [tilespmem:v14+s16+$0x0], $0xffff;
	v14 =	vmul.f32 v63, v9  }
.LBB2_3:
0x11b: {  	v18 =	vld [tilespmem:s31+$0x10]  }
0x11c: {  	v7 =	vmul.f32 v7, v9;
	v9 =	vld [tilespmem:s31+$0x1010]  }
0x11d: {  	v19 =	vld [tilespmem:$0x1FFF0]  }
0x11e: {  	v2 =	vadd.f32 v17, v2;
	v0 =	vadd.f32 v14, v0;
	v14 =	vld [tilespmem:s31+$0xFFFFF010]  }
0x11f: {  	[tilespmem:s29+$0xFFFFE010] =	vst v16;
	v11 =	vmul.f32 v11, v8  }
0x120: {  	v3 =	vadd.f32 v7, v3;
	[tilespmem:s29+$0xFFFFF010] =	vst v2  }
0x121: {  	v20 =	vld [tilespmem:$0x1FFE0];
	[tilespmem:s29+$0x10] =	vst v0;
	v2 =	vmul.f32 v10, v8;
	v0 =	vadd.f32 v11, v1;
	v1 =	vmul.f32 v13, v8  }
0x122: {  	v10 =	vld [tilespmem:s31+$0xFF0];
	[tilespmem:s29+$0x1010] =	vst v3;
	v3 =	vmul.f32 v12, v8;
	v8 =	vmul.f32 v9, v19  }
0x123: {  	v9 =	vmul.f32 v14, v19;
	v14 =	vld [tilespmem:$0x1FFD0];
	v1 =	vadd.f32 v1, v5;
	v5 =	vmul.f32 v18, v19  }
0x124: {  	[tilespmem:s0+$0x19000] =	vst v15;
	v2 =	vadd.f32 v2, v4;
	v4 =	vld [tilespmem:s31+$0x1000]  }
0x125: {  	v3 =	vadd.f32 v3, v6;
	[tilespmem:s29+$0xFFFFE020] =	vst v0;
	v0 =	vld [tilespmem:s31+$0xFFFFFFE0];
	v11 =	vtrunc.f32 v8;
	v6 =	vtrunc.f32 v5  }
0x126: {  	[tilespmem:s29+$0xFFFFF020] =	vst v2;
	v2 =	vld [tilespmem:s31+$0xFFFFFFF0];
	v16 =	vcvt.f32.s32 v11;
	v15 =	vcvt.f32.s32 v6  }
0x127: {  	v6 =	vtrunc.f32 v9  }
0x128: {  	v21 =	vmul.u32 v16, v20;
	v17 =	vcvt.f32.s32 v6;
	v18 =	vmul.u32 v15, v14  }
0x129: {  	v45 =	vmul.f32 v4, v19  }
0x12a: {  	[tilespmem:s29+$0x20] =	vst v1;
	v11 =	vmul.f32 v0, v19;
	v4 =	vadd.s32 $0x1, v17;
	v0 =	vadd.s32 v18, v21  }
0x12b: {  	v1 =	vld [tilespmem:s31+$0x0];
	v6 =	vmul.f32 v2, v19;
	v2 =	vadd.s32 v4, v0;
	_ =	sdelay $0x4  }
0x12c: {  	v13 =	vmul.f32 v1, v19;
	v1 =	vld.idx.msk [tilespmem:v2+s3+$0x0], $0xffff;
	_ =	sdelay $0x4  }
0x12d: {  	[tilespmem:$0x1FCD0] =	vst v1;
	v1 =	vld.idx.msk [tilespmem:v2+s14+$0x0], $0xffff;
	_ =	sdelay $0x4  }
0x12e: {  	v0 =	vadd.s32 v17, v0;
	[tilespmem:$0x1FCF0] =	vst v1;
	v1 =	vld.idx.msk [tilespmem:v2+s15+$0x0], $0xffff;
	_ =	sdelay $0x4  }
0x12f: {  	[tilespmem:$0x1FD00] =	vst v1;
	v1 =	vld.idx.msk [tilespmem:v0+s3+$0x0], $0xffff;
	_ =	sdelay $0x3  }
0x130: {  	v32 =	vadd.s32 v20, v21;
	v31 =	vadd.s32 v14, v18  }
0x131: {  	v34 =	vadd.s32 v31, v32;
	[tilespmem:$0x1FC10] =	vst v1;
	v1 =	vld.idx.msk [tilespmem:v0+s14+$0x0], $0xffff  }
0x132: {  	v60 =	vadd.s32 v4, v34  }
0x133: {  	v15 =	vcvt.s32.f32 v15  }
0x134: {  	v7 =	vld [tilespmem:s31+$0xFE0]  }
0x135: {  	v15 =	vsub.f32 v5, v15;
	v5 =	vld.idx.msk [tilespmem:v0+s16+$0x0], $0xffff  }
0x136: {  	[tilespmem:$0x1FC20] =	vst v1;
	v1 =	vld.idx.msk [tilespmem:v0+s15+$0x0], $0xffff  }
0x137: {  	v0 =	vld.idx.msk [tilespmem:v60+s3+$0x0], $0xffff;
	_ =	sdelay $0x2  }
0x138: {  	[tilespmem:s29+$0x1020] =	vst v3;
	v3 =	vld [tilespmem:s31+$0xFFFFEFE0]  }
0x139: {  	v29 =	vmul.f32 v10, v19;
	v12 =	vld [tilespmem:s31+$0xFFFFF000]  }
0x13a: {  	v44 =	vmul.f32 v7, v19;
	[tilespmem:$0x1FDE0] =	vst v0;
	v0 =	vld.idx.msk [tilespmem:v60+s14+$0x0], $0xffff  }
0x13b: {  	v23 =	vtrunc.f32 v29  }
0x13c: {  	v7 =	vld [tilespmem:s31+$0xFFFFEFF0];
	v10 =	vtrunc.f32 v44;
	v42 =	vcvt.f32.s32 v23  }
0x13d: {  	v18 =	vadd.s32 v18, v32;
	v22 =	vmul.f32 v3, v19;
	v21 =	vadd.s32 v21, v31  }
0x13e: {  	v3 =	vmul.f32 v12, v19;
	v12 =	vadd.s32 v17, v18;
	v31 =	vadd.s32 v17, v21;
	v23 =	vld.idx.msk [tilespmem:v2+s16+$0x0], $0xffff  }
0x13f: {  	v47 =	vadd.s32 v17, v34;
	v2 =	vcvt.s32.f32 v17;
	v17 =	vadd.s32 v4, v21;
	[tilespmem:$0x1FE00] =	vst v0;
	v0 =	vld.idx.msk [tilespmem:v60+s15+$0x0], $0xffff  }
0x140: {  	v39 =	vcvt.f32.s32 v10;
	v16 =	vcvt.s32.f32 v16  }
0x141: {  	v7 =	vmul.f32 v7, v19;
	v24 =	vtrunc.f32 v45  }
0x142: {  	v18 =	vadd.s32 v4, v18;
	v27 =	vtrunc.f32 v22;
	v38 =	vsub.f32 v9, v2  }
0x143: {  	v36 =	vcvt.f32.s32 v27;
	v27 =	vsub.f32 v8, v16;
	v9 =	vsub.f32 $1.000000000e+00, v15  }
0x144: {  	v30 =	vtrunc.f32 v7;
	v46 =	vcvt.f32.s32 v24;
	v8 =	vsub.f32 $1.000000000e+00, v38;
	[tilespmem:$0x1FE10] =	vst v0;
	v0 =	vld.idx.msk [tilespmem:v17+s3+$0x0], $0xffff  }
0x145: {  	v37 =	vcvt.f32.s32 v30;
	v40 =	vsub.f32 $1.000000000e+00, v27;
	v56 =	vmul.f32 v9, v38  }
0x146: {  	v33 =	vtrunc.f32 v3;
	v49 =	vmul.f32 v15, v8  }
0x147: {  	v30 =	vmul.u32 v39, v20;
	v62 =	vmul.f32 v9, v8;
	v2 =	vmul.f32 v40, v56  }
0x148: {  	v21 =	vmul.u32 v42, v20;
	v41 =	vmul.f32 v40, v49;
	v34 =	vmul.f32 v27, v49;
	v49 =	vld.idx.msk [tilespmem:v18+s16+$0x0], $0xffff  }
0x149: {  	v48 =	vmul.u32 v46, v20;
	v55 =	vadd.s32 v20, v30;
	v35 =	vcvt.f32.s32 v33;
	[tilespmem:$0x1FDA0] =	vst v0;
	v0 =	vld.idx.msk [tilespmem:v17+s14+$0x0], $0xffff  }
0x14a: {  	v52 =	vmul.f32 v40, v62;
	v33 =	vmul.f32 v62, v27;
	v62 =	vadd.s32 v20, v21;
	[tilespmem:$0x1FCE0] =	vst v2  }
0x14b: {  	[tilespmem:$0x1FC30] =	vst v1;
	v1 =	vadd.s32 v20, v48;
	v20 =	vmul.f32 v23, v2;
	v2 =	vmul.f32 v56, v27;
	_ =	sdelay $0x1  }
0x14c: {  	[tilespmem:$0x1FD60] =	vst v2;
	v49 =	vmul.f32 v49, v2;
	v2 =	vld.idx.msk [tilespmem:v47+s14+$0x0], $0xffff  }
0x14d: {  	[tilespmem:$0x1FDC0] =	vst v0;
	v0 =	vld.idx.msk [tilespmem:v17+s15+$0x0], $0xffff;
	_ =	sdelay $0x3  }
0x14e: {  	[tilespmem:$0x1FCB0] =	vst v2;
	v2 =	vld.idx.msk [tilespmem:v47+s15+$0x0], $0xffff  }
0x14f: {  	[tilespmem:$0x1FDD0] =	vst v0;
	v0 =	vld.idx.msk [tilespmem:v18+s3+$0x0], $0xffff;
	_ =	sdelay $0x1  }
0x150: {  	v16 =	vld.idx.msk [tilespmem:v12+s16+$0x0], $0xffff  }
0x151: {  	v25 =	vtrunc.f32 v11;
	v63 =	vld.idx.msk [tilespmem:v31+s16+$0x0], $0xffff  }
0x152: {  	v26 =	vtrunc.f32 v6;
	v25 =	vcvt.f32.s32 v25;
	[tilespmem:$0x1FCC0] =	vst v2;
	v2 =	vld.idx.msk [tilespmem:v31+s3+$0x0], $0xffff  }
0x153: {  	v61 =	vcvt.f32.s32 v26;
	v58 =	vcvt.s32.f32 v37;
	[tilespmem:$0x1FD70] =	vst v0;
	v0 =	vld.idx.msk [tilespmem:v18+s14+$0x0], $0xffff  }
0x154: {  	v28 =	vtrunc.f32 v13;
	v50 =	vmul.u32 v25, v14;
	v25 =	vcvt.s32.f32 v25  }
0x155: {  	v53 =	vmul.u32 v61, v14;
	v26 =	vcvt.f32.s32 v28;
	v51 =	vcvt.s32.f32 v36;
	v28 =	vld.idx.msk [tilespmem:v47+s16+$0x0], $0xffff  }
0x156: {  	v7 =	vsub.f32 v7, v58;
	v5 =	vmul.f32 v52, v5;
	v16 =	vmul.f32 v16, v33  }
0x157: {  	v59 =	vcvt.s32.f32 v61;
	v4 =	vsub.f32 v22, v51;
	v22 =	vadd.s32 v53, v62;
	[tilespmem:$0x1FC40] =	vst v2;
	v2 =	vld.idx.msk [tilespmem:v31+s14+$0x0], $0xffff  }
0x158: {  	v61 =	vcvt.s32.f32 v35;
	v57 =	vmul.f32 v63, v41;
	v16 =	vadd.f32 v16, v5;
	[tilespmem:$0x1FD80] =	vst v0;
	v0 =	vld.idx.msk [tilespmem:v18+s15+$0x0], $0xffff  }
0x159: {  	v54 =	vmul.u32 v26, v14;
	v51 =	vadd.s32 v37, v22;
	v23 =	vcvt.s32.f32 v26  }
0x15a: {  	v32 =	vld.idx.msk [tilespmem:v60+s16+$0x0], $0xffff;
	v3 =	vsub.f32 v3, v61;
	v43 =	vmul.f32 v28, v34;
	v24 =	vadd.f32 v57, v16  }
0x15b: {  	[tilespmem:$0x1FC70] =	vst v4;
	v16 =	vsub.f32 v11, v25;
	v11 =	vsub.f32 v13, v23;
	v23 =	vadd.s32 v54, v1  }
0x15c: {  	v19 =	vsub.f32 $1.000000000e+00, v4;
	v24 =	vadd.f32 v43, v24;
	v43 =	vld.idx.msk [tilespmem:v12+s3+$0x0], $0xffff;
	[tilespmem:$0x1FC50] =	vst v2;
	v2 =	vadd.s32 v35, v23  }
0x15d: {  	v4 =	vsub.f32 $1.000000000e+00, v7;
	v8 =	vsub.f32 v6, v59;
	v18 =	vcvt.s32.f32 v46;
	[tilespmem:$0x1FD90] =	vst v0;
	v0 =	vld.idx.msk [tilespmem:v47+s3+$0x0], $0xffff  }
0x15e: {  	[tilespmem:$0x1FC80] =	vst v7;
	v9 =	vsub.f32 $1.000000000e+00, v3;
	v28 =	vadd.f32 v20, v24;
	v13 =	vld.idx.msk [tilespmem:v51+s3+$0x0], $0xffff  }
0x15f: {  	v59 =	vsub.f32 $1.000000000e+00, v8;
	v63 =	vmul.f32 v15, v38;
	v26 =	vmovc v8;
	v60 =	vld.idx.msk [tilespmem:v17+s16+$0x0], $0xffff;
	v45 =	vsub.f32 v45, v18  }
0x160: {  	[tilespmem:$0x1FC90] =	vst v3;
	v38 =	vcvt.s32.f32 v39;
	v26 =	vmul.f32 v26, v4;
	v6 =	vadd.f32 v49, v28;
	v28 =	vld.idx.msk [tilespmem:v12+s15+$0x0], $0xffff  }
0x161: {  	[tilespmem:$0x1FD40] =	vst v8;
	v8 =	vld.idx.msk [tilespmem:v2+s3+$0x0], $0xffff;
	v46 =	vadd.s32 v50, v55;
	v18 =	vmul.f32 v59, v4;
	v57 =	vsub.f32 $1.000000000e+00, v45  }
0x162: {  	v47 =	vadd.s32 v53, v21;
	v53 =	vadd.s32 v14, v53;
	[tilespmem:$0x1FCA0] =	vst v0;
	v0 =	vmul.f32 v40, v63  }
0x163: {  	v7 =	vld.idx.msk [tilespmem:v2+s14+$0x0], $0xffff;
	v5 =	vadd.s32 v37, v47;
	v21 =	vadd.s32 v21, v53;
	v3 =	vadd.s32 v53, v62  }
0x164: {  	v62 =	vadd.s32 v37, v3;
	[tilespmem:$0x1FDB0] =	vst v0;
	v49 =	vmul.f32 v60, v0;
	v0 =	vmul.f32 v27, v63  }
0x165: {  	v40 =	vld.idx.msk [tilespmem:v12+s14+$0x0], $0xffff;
	v12 =	vadd.s32 v37, v21;
	v63 =	vcvt.s32.f32 v42;
	v60 =	vsub.f32 $1.000000000e+00, v11  }
0x166: {  	v4 =	vld.idx.msk [tilespmem:v2+s15+$0x0], $0xffff;
	v27 =	vadd.s32 $0x1, v37;
	[tilespmem:$0x1FDF0] =	vst v0;
	v6 =	vadd.f32 v49, v6;
	v32 =	vmul.f32 v32, v0  }
0x167: {  	v0 =	vld.idx.msk [tilespmem:v31+s15+$0x0], $0xffff;
	v49 =	vadd.s32 v50, v30;
	v31 =	vadd.s32 v36, v46;
	v39 =	vsub.f32 v29, v63  }
0x168: {  	v2 =	vld.idx.msk [tilespmem:v2+s16+$0x0], $0xffff;
	v50 =	vadd.s32 v14, v50;
	v25 =	vmul.f32 v60, v9;
	v6 =	vadd.f32 v32, v6  }
0x169: {  	v53 =	vld.idx.msk [tilespmem:v51+s14+$0x0], $0xffff;
	v32 =	vadd.s32 v54, v48;
	v54 =	vadd.s32 v14, v54;
	v58 =	vsub.f32 $1.000000000e+00, v39  }
0x16a: {  	[tilespmem:$0x1FD10] =	vst v3;
	v37 =	vmul.f32 v57, v25;
	v25 =	vmul.f32 v25, v45;
	v1 =	vadd.s32 v54, v1  }
0x16b: {  	v15 =	vadd.s32 v30, v50;
	v50 =	vadd.s32 v50, v55;
	[tilespmem:$0x1FD20] =	vst v1;
	v3 =	vmul.f32 v58, v18  }
0x16c: {  	s29 =	sadd.s32 $0x40, s29;
	v55 =	vadd.s32 v35, v1;
	v1 =	vmul.f32 v18, v39;
	v18 =	vmul.f32 v25, v8;
	v8 =	vld.idx.msk [tilespmem:v5+s3+$0x0], $0xffff  }
0x16d: {  	v38 =	vsub.f32 v44, v38;
	[tilespmem:s29+$0x1030] =	vst v6;
	v6 =	vld.idx.msk [tilespmem:v31+s3+$0x0], $0xffff  }
0x16e: {  	v42 =	vadd.s32 v36, v49;
	v20 =	vld.idx.msk [tilespmem:v31+s14+$0x0], $0xffff  }
0x16f: {  	v61 =	vsub.f32 $1.000000000e+00, v16;
	v56 =	vsub.f32 $1.000000000e+00, v38;
	v24 =	vmul.f32 v16, v19;
	v44 =	vld.idx.msk [tilespmem:v31+s15+$0x0], $0xffff  }
0x170: {  	v17 =	vadd.s32 v36, v15;
	v63 =	vadd.s32 v36, v50;
	v10 =	vadd.s32 v35, v32;
	v14 =	vld.idx.msk [tilespmem:v31+s16+$0x0], $0xffff  }
0x171: {  	v36 =	vadd.s32 $0x1, v36;
	v48 =	vadd.s32 v48, v54;
	[tilespmem:$0x1FC60] =	vst v0;
	v0 =	vmul.f32 v61, v19;
	v31 =	vld.idx.msk [tilespmem:v51+s15+$0x0], $0xffff  }
0x172: {  	v29 =	vadd.s32 v35, v48;
	v51 =	vld.idx.msk [tilespmem:v51+s16+$0x0], $0xffff;
	v19 =	vadd.s32 v36, v49;
	v49 =	vmul.f32 v11, v9  }
0x173: {  	v35 =	vadd.s32 $0x1, v35;
	v9 =	vld.idx.msk [tilespmem:v42+s3+$0x0], $0xffff;
	v54 =	vmul.f32 v56, v0;
	v0 =	vmul.f32 v0, v38  }
0x174: {  	v43 =	vmul.f32 v33, v43;
	v7 =	vmul.f32 v7, v25;
	v30 =	vadd.s32 v35, v32;
	v32 =	vld.idx.msk [tilespmem:v42+s15+$0x0], $0xffff  }
0x175: {  	[tilespmem:$0x1FD30] =	vst v16;
	v13 =	vmul.f32 v1, v13;
	v16 =	vmul.f32 v0, v6;
	v6 =	vld.idx.msk [tilespmem:v42+s14+$0x0], $0xffff  }
0x176: {  	v53 =	vmul.f32 v53, v1;
	v20 =	vmul.f32 v20, v0;
	v42 =	vld.idx.msk [tilespmem:v42+s16+$0x0], $0xffff  }
0x177: {  	v44 =	vmul.f32 v44, v0;
	v14 =	vmul.f32 v14, v0;
	v0 =	vld.idx.msk [tilespmem:v5+s14+$0x0], $0xffff  }
0x178: {  	[tilespmem:$0x1FD50] =	vst v11;
	v11 =	vmul.f32 v31, v1;
	v51 =	vmul.f32 v51, v1;
	v1 =	vld [tilespmem:$0x1FC10]  }
0x179: {  	v31 =	vadd.s32 v27, v22;
	v22 =	vmul.f32 v4, v25;
	v25 =	vmul.f32 v2, v25;
	v2 =	vld.idx.msk [tilespmem:v5+s15+$0x0], $0xffff  }
0x17a: {  	v28 =	vmul.f32 v28, v33;
	v40 =	vmul.f32 v40, v33;
	v5 =	vld.idx.msk [tilespmem:v5+s16+$0x0], $0xffff  }
0x17b: {  	v46 =	vadd.s32 v36, v46;
	v15 =	vadd.s32 v36, v15;
	v33 =	vadd.s32 v35, v48;
	v4 =	vld.idx.msk [tilespmem:v17+s14+$0x0], $0xffff  }
0x17c: {  	v9 =	vmul.f32 v54, v9;
	v48 =	vmul.f32 v54, v32;
	v32 =	vadd.s32 v36, v50;
	v36 =	vld.idx.msk [tilespmem:v10+s3+$0x0], $0xffff  }
0x17d: {  	v6 =	vmul.f32 v54, v6;
	v50 =	vmul.f32 v52, v1;
	v1 =	vld [tilespmem:$0x1FC20]  }
0x17e: {  	v9 =	vadd.f32 v16, v9;
	v16 =	vld.idx.msk [tilespmem:v10+s14+$0x0], $0xffff  }
0x17f: {  	v42 =	vmul.f32 v54, v42;
	v2 =	vmul.f32 v3, v2;
	v6 =	vadd.f32 v20, v6;
	v20 =	vld.idx.msk [tilespmem:v10+s15+$0x0], $0xffff  }
0x180: {  	v10 =	vld.idx.msk [tilespmem:v10+s16+$0x0], $0xffff  }
0x181: {  	v14 =	vadd.f32 v14, v42;
	v42 =	vld.idx.msk [tilespmem:v17+s3+$0x0], $0xffff;
	v2 =	vadd.f32 v11, v2  }
0x182: {  	v11 =	vmul.f32 v37, v36;
	v36 =	vadd.f32 v43, v50;
	v43 =	vld.idx.msk [tilespmem:v12+s3+$0x0], $0xffff;
	v54 =	vmul.f32 v52, v1  }
0x183: {  	v44 =	vadd.f32 v44, v48;
	v48 =	vmul.f32 v56, v24;
	v1 =	vld [tilespmem:$0x1FC30]  }
0x184: {  	v16 =	vmul.f32 v37, v16;
	v11 =	vadd.f32 v18, v11;
	v18 =	vadd.f32 v40, v54;
	v40 =	vld.idx.msk [tilespmem:v12+s14+$0x0], $0xffff  }
0x185: {  	v20 =	vmul.f32 v37, v20;
	v10 =	vmul.f32 v37, v10;
	v37 =	vld.idx.msk [tilespmem:v12+s15+$0x0], $0xffff  }
0x186: {  	v50 =	vmul.f32 v42, v48;
	v12 =	vld.idx.msk [tilespmem:v12+s16+$0x0], $0xffff  }
0x187: {  	v8 =	vmul.f32 v3, v8;
	v42 =	vld.idx.msk [tilespmem:v63+s14+$0x0], $0xffff  }
0x188: {  	v9 =	vadd.f32 v50, v9;
	v50 =	vld [tilespmem:$0x1FC70];
	v52 =	vmul.f32 v52, v1  }
0x189: {  	v1 =	vmul.f32 v3, v0;
	v3 =	vmul.f32 v3, v5;
	v5 =	vadd.f32 v13, v8;
	v13 =	vld.idx.msk [tilespmem:v17+s15+$0x0], $0xffff  }
0x18a: {  	v17 =	vld.idx.msk [tilespmem:v17+s16+$0x0], $0xffff  }
0x18b: {  	v3 =	vadd.f32 v51, v3;
	v51 =	vld [tilespmem:$0x1FC40]  }
0x18c: {  	v7 =	vadd.f32 v7, v16;
	v0 =	vmul.f32 v58, v26;
	v16 =	vadd.f32 v28, v52;
	v52 =	vld [tilespmem:$0x1FC50]  }
0x18d: {  	v28 =	vld.idx.msk [tilespmem:v29+s3+$0x0], $0xffff  }
0x18e: {  	v1 =	vadd.f32 v53, v1;
	v53 =	vld [tilespmem:$0x1FC60];
	v54 =	vmul.f32 v43, v0  }
0x18f: {  	v4 =	vmul.f32 v4, v48;
	v43 =	vld.idx.msk [tilespmem:v29+s15+$0x0], $0xffff  }
0x190: {  	v5 =	vadd.f32 v54, v5;
	v54 =	vld [tilespmem:$0x1FCC0]  }
0x191: {  	v4 =	vadd.f32 v4, v6;
	v6 =	vmul.f32 v17, v48;
	v17 =	vmul.f32 v38, v24;
	v24 =	vld.idx.msk [tilespmem:v29+s14+$0x0], $0xffff  }
0x192: {  	v13 =	vmul.f32 v13, v48;
	v29 =	vld.idx.msk [tilespmem:v29+s16+$0x0], $0xffff  }
0x193: {  	v48 =	vmul.f32 v61, v50;
	v61 =	vld [tilespmem:$0x1FCA0]  }
0x194: {  	v13 =	vadd.f32 v13, v44;
	v44 =	vld.idx.msk [tilespmem:v63+s3+$0x0], $0xffff  }
0x195: {  	v20 =	vadd.f32 v22, v20;
	v37 =	vmul.f32 v37, v0;
	v22 =	vmul.f32 v51, v41;
	v51 =	vld [tilespmem:$0x1FC80]  }
0x196: {  	v6 =	vadd.f32 v6, v14;
	v14 =	vmul.f32 v40, v0;
	v0 =	vmul.f32 v12, v0;
	v12 =	vld.idx.msk [tilespmem:v63+s15+$0x0], $0xffff  }
0x197: {  	v10 =	vadd.f32 v25, v10;
	v25 =	vmul.f32 v52, v41;
	v52 =	vld [tilespmem:$0x1FC90]  }
0x198: {  	v8 =	vmul.f32 v57, v49;
	v40 =	vmul.f32 v45, v49;
	v49 =	vld.idx.msk [tilespmem:v63+s16+$0x0], $0xffff  }
0x199: {  	v41 =	vmul.f32 v53, v41;
	v63 =	vmul.f32 v42, v17;
	v53 =	vld.idx.msk [tilespmem:v62+s16+$0x0], $0xffff  }
0x19a: {  	v42 =	vld.idx.msk [tilespmem:v46+s14+$0x0], $0xffff  }
0x19b: {  	v28 =	vmul.f32 v28, v8;
	v4 =	vadd.f32 v63, v4;
	v63 =	vld [tilespmem:$0x1FCE0]  }
0x19c: {  	v0 =	vadd.f32 v0, v3;
	v3 =	vmul.f32 v24, v8;
	v24 =	vld.idx.msk [tilespmem:v62+s3+$0x0], $0xffff  }
0x19d: {  	v47 =	vadd.s32 v27, v47;
	v11 =	vadd.f32 v28, v11;
	v28 =	vmul.f32 v61, v34;
	v61 =	vld.idx.msk [tilespmem:v19+s3+$0x0], $0xffff  }
0x19e: {  	v2 =	vadd.f32 v37, v2;
	v1 =	vadd.f32 v14, v1;
	v37 =	vmul.f32 v60, v52;
	v60 =	vld.idx.msk [tilespmem:v62+s14+$0x0], $0xffff  }
0x19f: {  	v14 =	vmul.f32 v59, v51;
	v3 =	vadd.f32 v3, v7;
	v7 =	vmul.f32 v29, v8;
	v29 =	vld.idx.msk [tilespmem:v62+s15+$0x0], $0xffff  }
0x1a0: {  	v59 =	vmul.f32 v43, v8;
	v8 =	vadd.f32 v41, v16;
	v16 =	vmul.f32 v44, v17;
	v62 =	vld.idx.msk [tilespmem:v19+s14+$0x0], $0xffff  }
0x1a1: {  	v26 =	vmul.f32 v39, v26;
	v12 =	vmul.f32 v12, v17;
	v7 =	vadd.f32 v7, v10;
	v10 =	vld [tilespmem:$0x1FCB0]  }
0x1a2: {  	v17 =	vmul.f32 v49, v17;
	v9 =	vadd.f32 v16, v9;
	v16 =	vld.idx.msk [tilespmem:v55+s3+$0x0], $0xffff  }
0x1a3: {  	v20 =	vadd.f32 v59, v20;
	v59 =	vld.idx.msk [tilespmem:v55+s14+$0x0], $0xffff;
	v43 =	vadd.f32 v12, v13;
	v12 =	vmul.f32 v24, v26  }
0x1a4: {  	v22 =	vadd.f32 v22, v36;
	v36 =	vmul.f32 v56, v48;
	v13 =	vld.idx.msk [tilespmem:v55+s15+$0x0], $0xffff;
	v6 =	vadd.f32 v17, v6  }
0x1a5: {  	v17 =	vmul.f32 v60, v26;
	v60 =	vld.idx.msk [tilespmem:v55+s16+$0x0], $0xffff;
	v5 =	vadd.f32 v12, v5;
	v12 =	vmul.f32 v29, v26  }
0x1a6: {  	v55 =	vmul.f32 v61, v36;
	v61 =	vld.idx.msk [tilespmem:v47+s16+$0x0], $0xffff  }
0x1a7: {  	v18 =	vadd.f32 v25, v18;
	v2 =	vadd.f32 v12, v2;
	v12 =	vmul.f32 v16, v40;
	v16 =	vld.idx.msk [tilespmem:v19+s16+$0x0], $0xffff  }
0x1a8: {  	v10 =	vmul.f32 v10, v34;
	v1 =	vadd.f32 v17, v1;
	v17 =	vmul.f32 v53, v26;
	v53 =	vld.idx.msk [tilespmem:v47+s3+$0x0], $0xffff  }
0x1a9: {  	v34 =	vmul.f32 v54, v34;
	v54 =	vld.idx.msk [tilespmem:v47+s14+$0x0], $0xffff  }
0x1aa: {  	v10 =	vadd.f32 v10, v18;
	v18 =	vld.idx.msk [tilespmem:v19+s15+$0x0], $0xffff  }
0x1ab: {  	v19 =	vld [tilespmem:$0x1FCD0]  }
0x1ac: {  	v11 =	vadd.f32 v12, v11;
	v12 =	vmul.f32 v13, v40;
	v13 =	vld [tilespmem:$0x1FCF0]  }
0x1ad: {  	v0 =	vadd.f32 v17, v0;
	v17 =	vmul.f32 v59, v40;
	v59 =	vld.idx.msk [tilespmem:v47+s15+$0x0], $0xffff  }
0x1ae: {  	v47 =	vld.idx.msk [tilespmem:v30+s15+$0x0], $0xffff  }
0x1af: {  	v24 =	vmul.f32 v58, v14;
	v20 =	vadd.f32 v12, v20;
	v12 =	vld [tilespmem:$0x1FD20]  }
0x1b0: {  	v3 =	vadd.f32 v17, v3;
	v17 =	vmul.f32 v60, v40;
	v60 =	vmul.f32 v62, v36;
	v62 =	vld.idx.msk [tilespmem:v30+s3+$0x0], $0xffff  }
0x1b1: {  	v26 =	vmul.f32 v53, v24;
	v53 =	vld [tilespmem:$0x1FD50]  }
0x1b2: {  	v8 =	vadd.f32 v34, v8;
	v16 =	vmul.f32 v16, v36;
	v34 =	vmul.f32 v54, v24;
	v54 =	vld.idx.msk [tilespmem:v46+s15+$0x0], $0xffff  }
0x1b3: {  	v29 =	vmul.f32 v13, v63;
	v13 =	vld [tilespmem:$0x1FD00]  }
0x1b4: {  	v6 =	vadd.f32 v16, v6;
	v16 =	vld [tilespmem:$0x1FD30]  }
0x1b5: {  	v7 =	vadd.f32 v17, v7;
	v17 =	vmul.f32 v18, v36;
	v18 =	vmul.f32 v48, v38;
	v48 =	vld.idx.msk [tilespmem:v46+s3+$0x0], $0xffff  }
0x1b6: {  	v49 =	vmul.f32 v59, v24;
	v59 =	vld.idx.msk [tilespmem:v46+s16+$0x0], $0xffff  }
0x1b7: {  	v44 =	vmul.f32 v57, v37;
	v24 =	vmul.f32 v61, v24;
	v61 =	vld.idx.msk [tilespmem:v31+s3+$0x0], $0xffff  }
0x1b8: {  	v46 =	vld [tilespmem:$0x1FD60]  }
0x1b9: {  	v9 =	vadd.f32 v55, v9;
	v55 =	vmul.f32 v62, v44;
	v62 =	vmul.f32 v47, v44;
	v47 =	vld [tilespmem:$0x1FD70]  }
0x1ba: {  	v23 =	vadd.s32 v35, v23;
	v2 =	vadd.f32 v49, v2;
	v49 =	vld.idx.msk [tilespmem:v31+s15+$0x0], $0xffff  }
0x1bb: {  	v22 =	vadd.f32 v28, v22;
	v28 =	vmul.f32 v53, v52;
	v53 =	vld [tilespmem:$0x1FD90]  }
0x1bc: {  	v19 =	vmul.f32 v19, v63;
	v25 =	vmul.f32 v13, v63;
	v63 =	vld.idx.msk [tilespmem:v30+s14+$0x0], $0xffff  }
0x1bd: {  	v16 =	vmul.f32 v16, v50;
	v50 =	vld [tilespmem:$0x1FD40]  }
0x1be: {  	v30 =	vld.idx.msk [tilespmem:v30+s16+$0x0], $0xffff  }
0x1bf: {  	v11 =	vadd.f32 v55, v11;
	v55 =	vld.idx.msk [tilespmem:v23+s3+$0x0], $0xffff  }
0x1c0: {  	v13 =	vld [tilespmem:$0x1FD10]  }
0x1c1: {  	v21 =	vadd.s32 v27, v21;
	v4 =	vadd.f32 v60, v4;
	v60 =	vmul.f32 v63, v44;
	v63 =	vld.idx.msk [tilespmem:v31+s14+$0x0], $0xffff  }
0x1c2: {  	v48 =	vmul.f32 v48, v18;
	v41 =	vmul.f32 v50, v51;
	v50 =	vld [tilespmem:$0x1FD80]  }
0x1c3: {  	v44 =	vmul.f32 v30, v44;
	v31 =	vld.idx.msk [tilespmem:v31+s16+$0x0], $0xffff  }
0x1c4: {  	v30 =	vadd.f32 v48, v9;
	v9 =	vmul.f32 v54, v18;
	v54 =	vmul.f32 v56, v16;
	v56 =	vld.idx.msk [tilespmem:v23+s14+$0x0], $0xffff  }
0x1c5: {  	v52 =	vmul.f32 v42, v18;
	v18 =	vmul.f32 v59, v18;
	v59 =	vld.idx.msk [tilespmem:v15+s3+$0x0], $0xffff  }
0x1c6: {  	v14 =	vmul.f32 v14, v39;
	v5 =	vadd.f32 v26, v5;
	v1 =	vadd.f32 v34, v1;
	v48 =	vld.idx.msk [tilespmem:v21+s14+$0x0], $0xffff  }
0x1c7: {  	v17 =	vadd.f32 v17, v43;
	v19 =	vadd.f32 v19, v22;
	v22 =	vmul.f32 v58, v41;
	v58 =	vld.idx.msk [tilespmem:v23+s15+$0x0], $0xffff  }
0x1c8: {  	v0 =	vadd.f32 v24, v0;
	v10 =	vadd.f32 v29, v10;
	v23 =	vld.idx.msk [tilespmem:v23+s16+$0x0], $0xffff  }
0x1c9: {  	v3 =	vadd.f32 v60, v3;
	v17 =	vadd.f32 v9, v17;
	v9 =	vmul.f32 v61, v14;
	v60 =	vld.idx.msk [tilespmem:v15+s14+$0x0], $0xffff  }
0x1ca: {  	v8 =	vadd.f32 v25, v8;
	v29 =	vmul.f32 v47, v46;
	v51 =	vmov v46;
	v61 =	vld.idx.msk [tilespmem:v15+s15+$0x0], $0xffff  }
0x1cb: {  	v24 =	vmul.f32 v53, v51;
	v15 =	vld.idx.msk [tilespmem:v15+s16+$0x0], $0xffff;
	v5 =	vadd.f32 v9, v5;
	v9 =	vmul.f32 v49, v14  }
0x1cc: {  	v6 =	vadd.f32 v18, v6;
	v26 =	vmul.f32 v50, v46;
	v18 =	vmul.f32 v63, v14;
	v46 =	vld.idx.msk [tilespmem:v21+s3+$0x0], $0xffff  }
0x1cd: {  	v37 =	vmul.f32 v37, v45;
	v20 =	vadd.f32 v62, v20;
	v62 =	vadd.f32 v9, v2;
	v9 =	vld [tilespmem:$0x1FDB0]  }
0x1ce: {  	v14 =	vmul.f32 v31, v14;
	v1 =	vadd.f32 v18, v1;
	v18 =	vadd.f32 v24, v8;
	v8 =	vld [tilespmem:$0x1FDA0]  }
0x1cf: {  	v4 =	vadd.f32 v52, v4;
	v50 =	vld.idx.msk [tilespmem:v21+s15+$0x0], $0xffff;
	v2 =	vmul.f32 v55, v37  }
0x1d0: {  	v19 =	vadd.f32 v29, v19;
	v21 =	vld.idx.msk [tilespmem:v21+s16+$0x0], $0xffff;
	v14 =	vadd.f32 v14, v0;
	v0 =	vmul.f32 v56, v37  }
0x1d1: {  	v7 =	vadd.f32 v44, v7;
	v55 =	vld [tilespmem:$0x1FDF0];
	v11 =	vadd.f32 v2, v11;
	v2 =	vmul.f32 v58, v37  }
0x1d2: {  	v56 =	vld.idx.msk [tilespmem:v32+s3+$0x0], $0xffff;
	v49 =	vadd.f32 v0, v3;
	v0 =	vmul.f32 v23, v37;
	v3 =	vmul.f32 v59, v54  }
0x1d3: {  	v58 =	vld.idx.msk [tilespmem:v32+s14+$0x0], $0xffff;
	v20 =	vadd.f32 v2, v20;
	v2 =	vmul.f32 v60, v54;
	v63 =	vmul.f32 v8, v9  }
0x1d4: {  	v51 =	vadd.f32 v0, v7;
	v52 =	vadd.f32 v3, v30;
	v0 =	vmul.f32 v61, v54;
	v8 =	vld [tilespmem:$0x1FDC0]  }
0x1d5: {  	v59 =	vld [tilespmem:$0x1FE10];
	v7 =	vadd.f32 v63, v19;
	v19 =	vadd.f32 v2, v4  }
0x1d6: {  	v3 =	vld.idx.msk [tilespmem:v33+s3+$0x0], $0xffff;
	v2 =	vmul.f32 v15, v54;
	v15 =	vadd.f32 v0, v17;
	v0 =	vmul.f32 v46, v22  }
0x1d7: {  	v54 =	vld [tilespmem:$0x1FDE0]  }
0x1d8: {  	v42 =	vmul.f32 v57, v28;
	v57 =	vadd.f32 v0, v5;
	v5 =	vld [tilespmem:$0x1FE00]  }
0x1d9: {  	v13 =	vadd.s32 v27, v13;
	v44 =	vmul.f32 v8, v9;
	v8 =	vld [tilespmem:$0x1FDD0]  }
0x1da: {  	v12 =	vadd.s32 v35, v12;
	v4 =	vld.idx.msk [tilespmem:v33+s14+$0x0], $0xffff;
	v53 =	vadd.f32 v2, v6;
	v2 =	vmul.f32 v48, v22  }
0x1db: {  	v16 =	vmul.f32 v38, v16;
	v10 =	vadd.f32 v26, v10;
	v17 =	vld.idx.msk [tilespmem:v33+s15+$0x0], $0xffff;
	v0 =	vmul.f32 v50, v22  }
0x1dc: {  	v6 =	vld.idx.msk [tilespmem:v33+s16+$0x0], $0xffff;
	v61 =	vmul.f32 v3, v42;
	v2 =	vadd.f32 v2, v1;
	v1 =	vmul.f32 v21, v22  }
0x1dd: {  	v60 =	vld.idx.msk [tilespmem:v32+s15+$0x0], $0xffff;
	v0 =	vadd.f32 v0, v62;
	v10 =	vadd.f32 v44, v10;
	v27 =	vmul.f32 v54, v55  }
0x1de: {  	v63 =	vld.idx.msk [tilespmem:v13+s15+$0x0], $0xffff;
	v3 =	vadd.f32 v1, v14;
	v5 =	vmul.f32 v5, v55;
	v47 =	vmul.f32 v8, v9  }
0x1df: {  	v62 =	vld.idx.msk [tilespmem:v32+s16+$0x0], $0xffff;
	v4 =	vmul.f32 v4, v42;
	v1 =	vadd.f32 v61, v11;
	v7 =	vadd.f32 v27, v7  }
0x1e0: {  	v21 =	vmul.f32 v59, v55;
	v14 =	vld.idx.msk [tilespmem:v13+s3+$0x0], $0xffff;
	v10 =	vadd.f32 v5, v10;
	v18 =	vadd.f32 v47, v18  }
0x1e1: {  	v4 =	vadd.f32 v4, v49;
	v6 =	vmul.f32 v6, v42;
	v5 =	vmul.f32 v17, v42;
	v17 =	vld.idx.msk [tilespmem:v13+s14+$0x0], $0xffff  }
0x1e2: {  	s30 =	sadd.s32 $0x40, s30;
	[tilespmem:s29+$0xFFFFF030] =	vst v10;
	v10 =	vmul.f32 v58, v16;
	v11 =	vadd.f32 v21, v18;
	v18 =	vmul.f32 v56, v16  }
0x1e3: {  	p1 =	slt.u32 s30, $0xFC0;
	v9 =	vmul.f32 v39, v41;
	v8 =	vmul.f32 v45, v28;
	[tilespmem:s29+$0xFFFFE030] =	vst v7;
	v6 =	vadd.f32 v6, v51  }
.Ltmp3:
0x1e4: {  	v7 =	vld.idx.msk [tilespmem:v13+s16+$0x0], $0xffff;
	v19 =	vadd.f32 v10, v19;
	v13 =	vadd.f32 v18, v52;
	v18 =	vmul.f32 v60, v16;
	(pc) =	sbr.rel @p1 .LBB2_3-.Ltmp3, $4  }
0x1e5: {  	v5 =	vadd.f32 v5, v20;
	v10 =	vld.idx.msk [tilespmem:v12+s14+$0x0], $0xffff;
	[tilespmem:s29+$0x30] =	vst v11;
	v16 =	vmul.f32 v62, v16  }
0x1e6: {  	v14 =	vmul.f32 v14, v9;
	v11 =	vld.idx.msk [tilespmem:v12+s3+$0x0], $0xffff;
	[tilespmem:s29+$0xFFFFF000] =	vst v19;
	v18 =	vadd.f32 v18, v15  }
0x1e7: {  	v17 =	vmul.f32 v17, v9;
	[tilespmem:s29+$0xFFFFE000] =	vst v13;
	v13 =	vld.idx.msk [tilespmem:v12+s15+$0x0], $0xffff;
	v15 =	vadd.f32 v16, v53  }
0x1e8: {  	s0 =	sand.u32 $0xFC0, s30;
	s31 =	sadd.s32 $0x40, s31;
	v12 =	vld.idx.msk [tilespmem:v12+s16+$0x0], $0xffff;
	v16 =	vadd.f32 v14, v57;
	v14 =	vmul.f32 v63, v9;
	[tilespmem:s29+$0x0] =	vst v18  }
0x1e9: {  	_ = 	snop  }
0x1ea: {  	[tilespmem:s0+$0x19000] =	vst v15;
	v2 =	vadd.f32 v17, v2;
	v7 =	vmul.f32 v7, v9  }
0x1eb: {  	v0 =	vadd.f32 v14, v0;
	[tilespmem:s29+$0xFFFFE010] =	vst v16;
	v9 =	vmul.f32 v11, v8  }
0x1ec: {  	v3 =	vadd.f32 v7, v3;
	[tilespmem:s29+$0xFFFFF010] =	vst v2;
	v2 =	vmul.f32 v10, v8  }
0x1ed: {  	[tilespmem:s29+$0x10] =	vst v0;
	v0 =	vadd.f32 v9, v1;
	v1 =	vmul.f32 v13, v8  }
0x1ee: {  	[tilespmem:s29+$0x1010] =	vst v3;
	v2 =	vadd.f32 v2, v4;
	v3 =	vmul.f32 v12, v8  }
0x1ef: {  	s0 =	sshll.u32 s26, $0x12;
	v1 =	vadd.f32 v1, v5;
	[tilespmem:s29+$0xFFFFE020] =	vst v0  }
0x1f0: {  	s0 =	sor.u32 s11, s0;
	v0 =	vadd.f32 v3, v6;
	[tilespmem:s29+$0xFFFFF020] =	vst v2  }
0x1f1: {  	s0 =	sshrl.u32 s0, $0x3;
	[tilespmem:s29+$0x20] =	vst v1  }
0x1f2: {  	s26 =	sor.u32 $0x1, s26;
	p1 =	seq.s32 s28, $0x1F;
	s0 =	sadd.s32 s4, s0;
	[tilespmem:s29+$0x1020] =	vst v0  }
0x1f3: {  	[hbm4b:s0+s3] =	stream.linear.scatter [tilespmem:s20], [sflag:$0x3], $0x4000, $0x38;
	[tilespmem:$0x1E000] =	vst v63  }
0x1f4: {  	s0 =	smul.u32 @!p1 $0x3000, s26;
	_ =	sdelay $0x1  }
0x1f5: {  	p2 =	seq.s32 @!p1 s28, $0x0;
	_ =	swait.ge [sflag:s21], $0x3000;
	s0 =	sshrl.u32 @!p1 s0, $0x3  }
0x1f6: {  	s30 =	simm.s32 @!p1 $0x10000;
	[sflag:s21] =	ssyncset.done $0x0;
	s0 =	sadd.s32 @!p1 s1, s0  }
0x1f7: {  	s29 =	simm.s32 @!p1 $0x0;
	[sflag:s21] =	ssyncadd.s32 $0xFFFFD000;
	s0 =	sadd.s32 @!p1 $0x600, s0  }
0x1f8: {  	[tilespmem:s30], [sflag:$0x1] =	stream.linear.gather @!p1 [hbm4b:s0+s29], $0x3000, $0x38;
	[tilespmem:$0x1E000] =	vst v63  }
0x1f9: {  	p1 =	por p1, !p2  }
0x1fa: {  	_ =	swait.ge @p1 [sflag:s23], $0x4000  }
0x1fb: {  	[sflag:s23] =	ssyncset.done @p1 $0x0  }
0x1fc: {  	s0 =	simm.s32 $0x14020;
	v17 =	vld [tilespmem:$0x1FFF0];
	[sflag:s23] =	ssyncadd.s32 @p1 $0xFFFFC000  }
0x1fd: {  	v0 =	vld [tilespmem:s0+$0x10]  }
0x1fe: {  	v1 =	vld [tilespmem:s0+$0x1010]  }
0x1ff: {  	v2 =	vld [tilespmem:s0+$0xFFFFF010];
	_ =	sdelay $0x1  }
0x200: {  	v23 =	vld [tilespmem:$0x1FFD0]  }
0x201: {  	v4 =	vld [tilespmem:s0+$0xFF0]  }
0x202: {  	v37 =	vld [tilespmem:$0x1FFE0];
	v0 =	vmul.f32 v0, v17;
	v1 =	vmul.f32 v1, v17  }
0x203: {  	v6 =	vld [tilespmem:s0+$0xFFFFFFE0];
	v2 =	vmul.f32 v2, v17  }
0x204: {  	v5 =	vld [tilespmem:s0+$0x1000];
	v9 =	vtrunc.f32 v0;
	v10 =	vtrunc.f32 v1  }
0x205: {  	v9 =	vcvt.f32.s32 v9;
	v13 =	vcvt.f32.s32 v10  }
0x206: {  	v34 =	vmul.f32 v4, v17;
	v12 =	vtrunc.f32 v2  }
0x207: {  	v18 =	vcvt.f32.s32 v12;
	v16 =	vmul.u32 v9, v23;
	v4 =	vmul.u32 v13, v37  }
0x208: {  	v54 =	vmul.f32 v6, v17  }
0x209: {  	v12 =	vmul.f32 v5, v17;
	v5 =	vadd.s32 $0x1, v18;
	v6 =	vadd.s32 v16, v4  }
0x20a: {  	v20 =	vadd.s32 v5, v6;
	_ =	sdelay $0x3  }
0x20b: {  	v3 =	vld [tilespmem:s0+$0xFE0]  }
0x20c: {  	v10 =	vld.idx.msk [tilespmem:v20+s3+$0x0], $0xffff  }
0x20d: {  	v7 =	vld [tilespmem:s0+$0xFFFFFFF0]  }
0x20e: {  	v8 =	vld [tilespmem:s0+$0x0]  }
0x20f: {  	v11 =	vld [tilespmem:s0+$0xFFFFEFE0]  }
0x210: {  	v14 =	vld [tilespmem:s0+$0xFFFFEFF0]  }
0x211: {  	v15 =	vld [tilespmem:s0+$0xFFFFF000];
	[tilespmem:$0x1FAF0] =	vst v10  }
0x212: {  	v10 =	vld.idx.msk [tilespmem:v20+s14+$0x0], $0xffff;
	_ =	sdelay $0x4  }
0x213: {  	[tilespmem:$0x1FB00] =	vst v10  }
0x214: {  	v10 =	vld.idx.msk [tilespmem:v20+s15+$0x0], $0xffff  }
0x215: {  	v6 =	vadd.s32 v18, v6;
	_ =	sdelay $0x3  }
0x216: {  	[tilespmem:$0x1FB10] =	vst v10  }
0x217: {  	v10 =	vld.idx.msk [tilespmem:v6+s3+$0x0], $0xffff;
	_ =	sdelay $0x3  }
0x218: {  	v9 =	vcvt.s32.f32 v9  }
0x219: {  	v26 =	vmul.f32 v14, v17;
	v14 =	vld.idx.msk [tilespmem:v20+s16+$0x0], $0xffff;
	[tilespmem:$0x1FA70] =	vst v10  }
0x21a: {  	v42 =	vsub.f32 v0, v9;
	v0 =	vld.idx.msk [tilespmem:v6+s14+$0x0], $0xffff;
	_ =	sdelay $0x2  }
0x21b: {  	v19 =	vtrunc.f32 v12  }
0x21c: {  	v13 =	vcvt.s32.f32 v13;
	v29 =	vadd.s32 v23, v16;
	v30 =	vadd.s32 v37, v4  }
0x21d: {  	v63 =	vcvt.s32.f32 v18;
	v32 =	vadd.s32 v29, v30;
	v30 =	vadd.s32 v16, v30;
	[tilespmem:$0x1FA80] =	vst v0  }
0x21e: {  	v39 =	vcvt.f32.s32 v19;
	v43 =	vsub.f32 v1, v13;
	v19 =	vadd.s32 v18, v30;
	v1 =	vld.idx.msk [tilespmem:v6+s15+$0x0], $0xffff  }
0x21f: {  	v35 =	vadd.s32 v5, v32  }
0x220: {  	v40 =	vsub.f32 v2, v63;
	_ =	sdelay $0x1  }
0x221: {  	v4 =	vadd.s32 v4, v29;
	v13 =	vsub.f32 $1.000000000e+00, v42;
	v0 =	vsub.f32 $1.000000000e+00, v40;
	v9 =	vld.idx.msk [tilespmem:v6+s16+$0x0], $0xffff  }
0x222: {  	v29 =	vadd.s32 v18, v4;
	v32 =	vadd.s32 v18, v32;
	v18 =	vld.idx.msk [tilespmem:v19+s16+$0x0], $0xffff;
	[tilespmem:$0x1FA90] =	vst v1  }
0x223: {  	v6 =	vadd.s32 v5, v4;
	v4 =	vmul.f32 v13, v0;
	v38 =	vmul.f32 v42, v0;
	v0 =	vld.idx.msk [tilespmem:v35+s3+$0x0], $0xffff  }
0x224: {  	v49 =	vmul.f32 v3, v17  }
0x225: {  	v15 =	vmul.f32 v15, v17  }
0x226: {  	v24 =	vmul.f32 v8, v17;
	v8 =	vtrunc.f32 v49  }
0x227: {  	v31 =	vcvt.f32.s32 v8;
	v8 =	vtrunc.f32 v15  }
0x228: {  	v20 =	vcvt.f32.s32 v8;
	v8 =	vld.idx.msk [tilespmem:v29+s16+$0x0], $0xffff;
	[tilespmem:$0x1FBD0] =	vst v0  }
0x229: {  	v0 =	vld.idx.msk [tilespmem:v35+s14+$0x0], $0xffff;
	_ =	sdelay $0x1  }
0x22a: {  	v3 =	vmul.f32 v11, v17;
	_ =	sdelay $0x1  }
0x22b: {  	v25 =	vtrunc.f32 v3  }
0x22c: {  	v10 =	vcvt.f32.s32 v25;
	v25 =	vld.idx.msk [tilespmem:v32+s16+$0x0], $0xffff;
	[tilespmem:$0x1FBF0] =	vst v0  }
0x22d: {  	v0 =	vld.idx.msk [tilespmem:v35+s15+$0x0], $0xffff;
	_ =	sdelay $0x4  }
0x22e: {  	[tilespmem:$0x1FC00] =	vst v0  }
0x22f: {  	v0 =	vld.idx.msk [tilespmem:v6+s3+$0x0], $0xffff;
	_ =	sdelay $0x4  }
0x230: {  	v35 =	vld.idx.msk [tilespmem:v35+s16+$0x0], $0xffff;
	[tilespmem:$0x1FBA0] =	vst v0  }
0x231: {  	v0 =	vld.idx.msk [tilespmem:v6+s14+$0x0], $0xffff;
	_ =	sdelay $0x4  }
0x232: {  	v51 =	vadd.s32 v5, v30;
	[tilespmem:$0x1FBB0] =	vst v0  }
0x233: {  	v0 =	vld.idx.msk [tilespmem:v6+s15+$0x0], $0xffff;
	_ =	sdelay $0x1  }
0x234: {  	v48 =	vcvt.s32.f32 v10  }
0x235: {  	v13 =	vmul.f32 v13, v40  }
0x236: {  	v1 =	vsub.f32 v3, v48;
	v52 =	vld.idx.msk [tilespmem:v51+s16+$0x0], $0xffff  }
0x237: {  	v63 =	vld.idx.msk [tilespmem:v6+s16+$0x0], $0xffff;
	[tilespmem:$0x1FBC0] =	vst v0;
	v0 =	vmul.f32 v13, v43  }
0x238: {  	[tilespmem:$0x1FAD0] =	vst v1  }
0x239: {  	[tilespmem:$0x1FB90] =	vst v0  }
0x23a: {  	v7 =	vmul.f32 v7, v17;
	v3 =	vld.idx.msk [tilespmem:v29+s3+$0x0], $0xffff;
	_ =	sdelay $0x1  }
0x23b: {  	v21 =	vtrunc.f32 v54;
	v22 =	vtrunc.f32 v7  }
0x23c: {  	v27 =	vtrunc.f32 v24;
	v28 =	vtrunc.f32 v26  }
0x23d: {  	v17 =	vtrunc.f32 v34;
	v36 =	vcvt.f32.s32 v21  }
0x23e: {  	v22 =	vcvt.f32.s32 v22;
	v21 =	vcvt.f32.s32 v28;
	v28 =	vsub.f32 $1.000000000e+00, v43;
	[tilespmem:$0x1FAA0] =	vst v3  }
0x23f: {  	v27 =	vcvt.f32.s32 v27;
	v33 =	vcvt.f32.s32 v17;
	v44 =	vmul.u32 v31, v37;
	v3 =	vld.idx.msk [tilespmem:v29+s14+$0x0], $0xffff  }
0x240: {  	v47 =	vmul.u32 v36, v23;
	v11 =	vmul.f32 v28, v4;
	v55 =	vmul.f32 v4, v43  }
0x241: {  	v53 =	vmul.u32 v22, v23;
	v45 =	vmul.u32 v33, v37;
	v41 =	vmul.f32 v28, v38  }
0x242: {  	v56 =	vmul.u32 v27, v23;
	v9 =	vmul.f32 v11, v9;
	v18 =	vmul.f32 v18, v55  }
0x243: {  	v36 =	vcvt.s32.f32 v36;
	v60 =	vadd.s32 v37, v45;
	v38 =	vmul.f32 v43, v38  }
0x244: {  	v18 =	vadd.f32 v18, v9;
	v50 =	vmul.f32 v8, v41;
	[tilespmem:$0x1FAB0] =	vst v3;
	v3 =	vadd.s32 v53, v60  }
0x245: {  	v58 =	vcvt.s32.f32 v21;
	v57 =	vadd.s32 v37, v44;
	v30 =	vmul.f32 v28, v13;
	[tilespmem:$0x1FB20] =	vst v3  }
0x246: {  	v18 =	vadd.f32 v50, v18;
	v50 =	vmul.f32 v25, v38;
	v25 =	vmul.f32 v52, v0;
	v0 =	vld.idx.msk [tilespmem:v29+s15+$0x0], $0xffff  }
0x247: {  	v59 =	vcvt.s32.f32 v22;
	v62 =	vadd.s32 v47, v57;
	v40 =	vmul.f32 v42, v40  }
0x248: {  	v42 =	vadd.s32 v10, v62;
	v22 =	vmul.f32 v14, v30;
	v18 =	vadd.f32 v50, v18  }
0x249: {  	v46 =	vmul.u32 v39, v37;
	v16 =	vsub.f32 v54, v36;
	v61 =	vcvt.s32.f32 v20  }
0x24a: {  	v5 =	vsub.f32 v26, v58;
	v54 =	vmul.f32 v28, v40;
	v18 =	vadd.f32 v22, v18  }
0x24b: {  	v4 =	vsub.f32 v15, v61;
	v9 =	vadd.s32 v37, v46;
	[tilespmem:$0x1FAC0] =	vst v0;
	v0 =	vmul.f32 v43, v40  }
0x24c: {  	v6 =	vadd.s32 v56, v9;
	v50 =	vmul.f32 v63, v54;
	v18 =	vadd.f32 v25, v18;
	[tilespmem:$0x1FB40] =	vst v5  }
0x24d: {  	v52 =	vsub.f32 v7, v59;
	v22 =	vadd.s32 v21, v3;
	v59 =	vld.idx.msk [tilespmem:v42+s3+$0x0], $0xffff;
	[tilespmem:$0x1FBE0] =	vst v0  }
0x24e: {  	v15 =	vadd.f32 v50, v18;
	v18 =	vmul.f32 v35, v0;
	v43 =	vld.idx.msk [tilespmem:v42+s14+$0x0], $0xffff;
	[tilespmem:$0x1FB60] =	vst v4  }
0x24f: {  	v63 =	vsub.f32 $1.000000000e+00, v1;
	v1 =	vsub.f32 $1.000000000e+00, v16;
	[tilespmem:$0x1FB30] =	vst v6  }
0x250: {  	v27 =	vcvt.s32.f32 v27;
	v61 =	vld.idx.msk [tilespmem:v42+s15+$0x0], $0xffff;
	v0 =	vadd.f32 v18, v15  }
0x251: {  	v31 =	vcvt.s32.f32 v31;
	v35 =	vadd.s32 v20, v6;
	v58 =	vld.idx.msk [tilespmem:v42+s16+$0x0], $0xffff;
	[tilespmem:$0x1FAE0] =	vst v1  }
0x252: {  	v33 =	vcvt.s32.f32 v33;
	v3 =	vsub.f32 v24, v27;
	v40 =	vld.idx.msk [tilespmem:v22+s3+$0x0], $0xffff;
	[tilespmem:$0x1FB80] =	vst v0  }
0x253: {  	v39 =	vcvt.s32.f32 v39;
	v26 =	vsub.f32 v49, v31;
	v2 =	vsub.f32 $1.000000000e+00, v52;
	v14 =	vld.idx.msk [tilespmem:v22+s14+$0x0], $0xffff  }
0x254: {  	v31 =	vmul.f32 v1, v63;
	v27 =	vsub.f32 v34, v33;
	v1 =	vsub.f32 $1.000000000e+00, v3;
	v33 =	vld.idx.msk [tilespmem:v22+s15+$0x0], $0xffff  }
0x255: {  	v22 =	vld.idx.msk [tilespmem:v22+s16+$0x0], $0xffff;
	[tilespmem:$0x1FB50] =	vst v2  }
0x256: {  	v29 =	vld.idx.msk [tilespmem:v35+s3+$0x0], $0xffff;
	[tilespmem:$0x1FB70] =	vst v1  }
0x257: {  	v50 =	vsub.f32 v12, v39;
	v15 =	vsub.f32 $1.000000000e+00, v5;
	v6 =	vld.idx.msk [tilespmem:v35+s14+$0x0], $0xffff  }
0x258: {  	v24 =	vsub.f32 $1.000000000e+00, v4;
	v39 =	vmovc v3;
	v0 =	vadd.s32 v23, v47;
	v47 =	vadd.s32 v47, v44;
	v3 =	vld.idx.msk [tilespmem:v35+s15+$0x0], $0xffff  }
0x259: {  	v8 =	vmul.f32 v2, v15;
	v2 =	vadd.s32 v10, v47;
	v35 =	vld.idx.msk [tilespmem:v35+s16+$0x0], $0xffff  }
0x25a: {  	v4 =	vadd.s32 v0, v57;
	v57 =	vmul.f32 v1, v24;
	v7 =	vld.idx.msk [tilespmem:v19+s3+$0x0], $0xffff  }
0x25b: {  	v44 =	vadd.s32 v44, v0;
	v0 =	vmul.f32 v8, v27;
	v5 =	vld.idx.msk [tilespmem:v19+s14+$0x0], $0xffff  }
0x25c: {  	v48 =	vadd.s32 v53, v45;
	v28 =	vmul.f32 v31, v26;
	v1 =	vmul.f32 v57, v50;
	v19 =	vld.idx.msk [tilespmem:v19+s15+$0x0], $0xffff  }
0x25d: {  	v25 =	vsub.f32 $1.000000000e+00, v26;
	v40 =	vmul.f32 v0, v40;
	v13 =	vmul.f32 v14, v0  }
0x25e: {  	v53 =	vadd.s32 v23, v53;
	v17 =	vmul.f32 v33, v0;
	v14 =	vmul.f32 v22, v0;
	v0 =	vld.idx.msk [tilespmem:v2+s16+$0x0], $0xffff  }
0x25f: {  	v37 =	vadd.s32 v45, v53;
	v45 =	vadd.s32 v53, v60;
	v22 =	vmul.f32 v35, v1  }
0x260: {  	v33 =	vadd.s32 v21, v48;
	v34 =	vld.idx.msk [tilespmem:v2+s3+$0x0], $0xffff;
	v35 =	vmul.f32 v55, v7;
	v12 =	vmul.f32 v5, v55  }
0x261: {  	v42 =	vadd.s32 v23, v56;
	v53 =	vld.idx.msk [tilespmem:v2+s14+$0x0], $0xffff;
	v55 =	vmul.f32 v19, v55;
	v19 =	vmul.f32 v25, v31  }
0x262: {  	v49 =	vmul.f32 v1, v29;
	v29 =	vadd.s32 v56, v46;
	v56 =	vld.idx.msk [tilespmem:v2+s15+$0x0], $0xffff;
	v60 =	vmul.f32 v6, v1  }
0x263: {  	v18 =	vmul.f32 v3, v1;
	v1 =	vmul.f32 v19, v0;
	v0 =	vld [tilespmem:$0x1FA70]  }
0x264: {  	v36 =	vadd.s32 v42, v9;
	v23 =	vadd.s32 $0x1, v10;
	v46 =	vadd.s32 v46, v42;
	v42 =	vld [tilespmem:$0x1FA90]  }
0x265: {  	v47 =	vadd.s32 v23, v47;
	v2 =	vadd.s32 v20, v29;
	v7 =	vld.idx.msk [tilespmem:v33+s3+$0x0], $0xffff  }
0x266: {  	v62 =	vadd.s32 v23, v62;
	v43 =	vmul.f32 v43, v28;
	v9 =	vld.idx.msk [tilespmem:v33+s14+$0x0], $0xffff;
	v53 =	vmul.f32 v19, v53  }
0x267: {  	v5 =	vadd.s32 v10, v44;
	v44 =	vadd.s32 v23, v44;
	v31 =	vadd.s32 v23, v4;
	v6 =	vld.idx.msk [tilespmem:v33+s15+$0x0], $0xffff  }
0x268: {  	v23 =	vsub.f32 $1.000000000e+00, v27;
	v43 =	vadd.f32 v43, v53;
	v53 =	vmul.f32 v11, v0;
	v0 =	vld [tilespmem:$0x1FA80]  }
0x269: {  	v59 =	vmul.f32 v28, v59;
	v34 =	vmul.f32 v19, v34;
	v33 =	vld.idx.msk [tilespmem:v33+s16+$0x0], $0xffff  }
0x26a: {  	v61 =	vmul.f32 v61, v28;
	v8 =	vmul.f32 v23, v8;
	v3 =	vld.idx.msk [tilespmem:v2+s3+$0x0], $0xffff  }
0x26b: {  	v58 =	vmul.f32 v58, v28;
	v56 =	vmul.f32 v19, v56;
	v19 =	vadd.f32 v59, v34;
	v59 =	vld.idx.msk [tilespmem:v2+s14+$0x0], $0xffff  }
0x26c: {  	v28 =	vsub.f32 $1.000000000e+00, v50;
	v10 =	vadd.s32 v10, v4;
	v34 =	vld.idx.msk [tilespmem:v2+s15+$0x0], $0xffff;
	v7 =	vmul.f32 v8, v7  }
0x26d: {  	v2 =	vld.idx.msk [tilespmem:v2+s16+$0x0], $0xffff;
	v9 =	vmul.f32 v8, v9;
	v4 =	vmul.f32 v11, v0;
	v0 =	vadd.s32 v21, v37  }
0x26e: {  	v1 =	vadd.f32 v58, v1;
	v58 =	vld.idx.msk [tilespmem:v5+s14+$0x0], $0xffff;
	v6 =	vmul.f32 v8, v6;
	v8 =	vmul.f32 v8, v33  }
0x26f: {  	v57 =	vmul.f32 v28, v57;
	v56 =	vadd.f32 v61, v56;
	v61 =	vld.idx.msk [tilespmem:v5+s3+$0x0], $0xffff;
	v9 =	vadd.f32 v13, v9  }
0x270: {  	v33 =	vld.idx.msk [tilespmem:v5+s15+$0x0], $0xffff;
	v13 =	vadd.s32 v20, v46;
	v8 =	vadd.f32 v14, v8;
	v14 =	vmul.f32 v16, v63  }
0x271: {  	v15 =	vmul.f32 v52, v15;
	v5 =	vld.idx.msk [tilespmem:v5+s16+$0x0], $0xffff;
	v3 =	vmul.f32 v57, v3;
	v63 =	vmov v16  }
0x272: {  	v4 =	vadd.f32 v12, v4;
	v12 =	vmul.f32 v57, v34;
	v34 =	vmul.f32 v25, v14;
	v16 =	vld.idx.msk [tilespmem:v0+s3+$0x0], $0xffff  }
0x273: {  	v7 =	vadd.f32 v40, v7;
	v3 =	vadd.f32 v49, v3;
	v11 =	vmul.f32 v11, v42;
	v49 =	vld.idx.msk [tilespmem:v0+s14+$0x0], $0xffff  }
0x274: {  	v35 =	vadd.f32 v35, v53;
	v12 =	vadd.f32 v18, v12;
	v18 =	vmul.f32 v61, v34  }
0x275: {  	v59 =	vmul.f32 v57, v59;
	v2 =	vmul.f32 v57, v2;
	v11 =	vadd.f32 v55, v11;
	v55 =	vld.idx.msk [tilespmem:v13+s3+$0x0], $0xffff  }
0x276: {  	v57 =	vld.idx.msk [tilespmem:v13+s14+$0x0], $0xffff;
	v5 =	vmul.f32 v5, v34;
	v18 =	vadd.f32 v18, v19;
	v19 =	vmul.f32 v23, v15  }
0x277: {  	v40 =	vadd.f32 v60, v59;
	v60 =	vmul.f32 v58, v34;
	v33 =	vmul.f32 v33, v34;
	v34 =	vld.idx.msk [tilespmem:v13+s15+$0x0], $0xffff  }
0x278: {  	v53 =	vld.idx.msk [tilespmem:v0+s15+$0x0], $0xffff;
	v1 =	vadd.f32 v5, v1;
	v5 =	vmul.f32 v16, v19;
	v16 =	vmul.f32 v49, v19  }
0x279: {  	v0 =	vld.idx.msk [tilespmem:v0+s16+$0x0], $0xffff  }
0x27a: {  	v9 =	vadd.f32 v16, v9;
	v16 =	vld [tilespmem:$0x1FAB0]  }
0x27b: {  	v13 =	vld.idx.msk [tilespmem:v13+s16+$0x0], $0xffff  }
0x27c: {  	v2 =	vadd.f32 v22, v2;
	v58 =	vld.idx.msk [tilespmem:v10+s14+$0x0], $0xffff  }
0x27d: {  	v22 =	vadd.f32 v60, v43;
	v43 =	vld.idx.msk [tilespmem:v10+s3+$0x0], $0xffff;
	v61 =	vmul.f32 v53, v19;
	v53 =	vadd.s32 v21, v45  }
0x27e: {  	v6 =	vadd.f32 v17, v6;
	v17 =	vmul.f32 v39, v24;
	v5 =	vadd.f32 v5, v7;
	v7 =	vld [tilespmem:$0x1FAA0]  }
0x27f: {  	v0 =	vmul.f32 v0, v19;
	v19 =	vld.idx.msk [tilespmem:v10+s15+$0x0], $0xffff;
	v16 =	vmul.f32 v16, v41  }
0x280: {  	v33 =	vadd.f32 v33, v56;
	v56 =	vmul.f32 v28, v17;
	v10 =	vld.idx.msk [tilespmem:v10+s16+$0x0], $0xffff  }
0x281: {  	v0 =	vadd.f32 v0, v8;
	v8 =	vld.idx.msk [tilespmem:v32+s3+$0x0], $0xffff;
	v4 =	vadd.f32 v16, v4;
	v16 =	vadd.s32 v20, v36  }
0x282: {  	v13 =	vmul.f32 v13, v56;
	v24 =	vld.idx.msk [tilespmem:v53+s3+$0x0], $0xffff  }
0x283: {  	v6 =	vadd.f32 v61, v6;
	v61 =	vmul.f32 v57, v56;
	v57 =	vld.idx.msk [tilespmem:v53+s14+$0x0], $0xffff;
	v7 =	vmul.f32 v7, v41  }
0x284: {  	v14 =	vmul.f32 v26, v14;
	v2 =	vadd.f32 v13, v2;
	v13 =	vld.idx.msk [tilespmem:v53+s16+$0x0], $0xffff  }
0x285: {  	v55 =	vmul.f32 v55, v56;
	v7 =	vadd.f32 v7, v35;
	v35 =	vadd.f32 v61, v40;
	v61 =	vld.idx.msk [tilespmem:v53+s15+$0x0], $0xffff  }
0x286: {  	v34 =	vmul.f32 v34, v56;
	v56 =	vmul.f32 v43, v14;
	v53 =	vld.idx.msk [tilespmem:v16+s3+$0x0], $0xffff  }
0x287: {  	v3 =	vadd.f32 v55, v3;
	v55 =	vld.idx.msk [tilespmem:v16+s14+$0x0], $0xffff  }
0x288: {  	v15 =	vmul.f32 v27, v15;
	v18 =	vadd.f32 v56, v18;
	v10 =	vmul.f32 v10, v14;
	v56 =	vld.idx.msk [tilespmem:v16+s15+$0x0], $0xffff  }
0x289: {  	v8 =	vmul.f32 v8, v38;
	v16 =	vld.idx.msk [tilespmem:v16+s16+$0x0], $0xffff  }
0x28a: {  	v19 =	vmul.f32 v19, v14;
	v10 =	vadd.f32 v10, v1;
	v1 =	vmul.f32 v57, v15  }
0x28b: {  	v24 =	vmul.f32 v24, v15;
	v7 =	vadd.f32 v8, v7;
	v8 =	vmul.f32 v50, v17  }
0x28c: {  	v9 =	vadd.f32 v1, v9;
	v1 =	vmul.f32 v13, v15;
	v17 =	vmul.f32 v61, v15  }
0x28d: {  	v19 =	vadd.f32 v19, v33;
	v15 =	vmul.f32 v53, v8;
	v33 =	vmul.f32 v55, v8;
	v53 =	vld [tilespmem:$0x1FAD0]  }
0x28e: {  	v0 =	vadd.f32 v1, v0;
	v1 =	vmul.f32 v56, v8;
	v8 =	vmul.f32 v16, v8;
	v16 =	vld [tilespmem:$0x1FAE0];
	_ =	sdelay $0x1  }
0x28f: {  	v60 =	vld [tilespmem:$0x1FAC0]  }
0x290: {  	v49 =	vld.idx.msk [tilespmem:v32+s14+$0x0], $0xffff  }
0x291: {  	v32 =	vld.idx.msk [tilespmem:v32+s15+$0x0], $0xffff  }
0x292: {  	v12 =	vadd.f32 v34, v12;
	v34 =	vmul.f32 v16, v53;
	v16 =	vld [tilespmem:$0x1FAF0];
	_ =	sdelay $0x2  }
0x293: {  	v41 =	vmul.f32 v60, v41  }
0x294: {  	v60 =	vmul.f32 v58, v14;
	v14 =	vmul.f32 v49, v38  }
0x295: {  	v32 =	vmul.f32 v32, v38;
	v38 =	vmul.f32 v16, v30;
	v16 =	vld [tilespmem:$0x1FB00];
	_ =	sdelay $0x4  }
0x296: {  	v40 =	vmul.f32 v16, v30;
	v16 =	vld [tilespmem:$0x1FB10]  }
0x297: {  	v58 =	vld.idx.msk [tilespmem:v47+s15+$0x0], $0xffff  }
0x298: {  	v49 =	vld [tilespmem:$0x1FB40];
	v20 =	vadd.s32 $0x1, v20  }
0x299: {  	v22 =	vadd.f32 v60, v22;
	v60 =	vld.idx.msk [tilespmem:v47+s16+$0x0], $0xffff;
	v29 =	vadd.s32 v20, v29  }
0x29a: {  	v57 =	vld.idx.msk [tilespmem:v47+s14+$0x0], $0xffff  }
0x29b: {  	v11 =	vadd.f32 v41, v11;
	v30 =	vmul.f32 v16, v30;
	v16 =	vld [tilespmem:$0x1FB20]  }
0x29c: {  	v4 =	vadd.f32 v14, v4;
	v14 =	vadd.s32 $0x1, v21;
	v21 =	vld.idx.msk [tilespmem:v51+s15+$0x0], $0xffff  }
0x29d: {  	v11 =	vadd.f32 v32, v11;
	v13 =	vld.idx.msk [tilespmem:v51+s3+$0x0], $0xffff;
	v32 =	vadd.s32 v14, v48  }
0x29e: {  	v41 =	vld.idx.msk [tilespmem:v29+s3+$0x0], $0xffff  }
0x29f: {  	v3 =	vadd.f32 v15, v3;
	v15 =	vld.idx.msk [tilespmem:v47+s3+$0x0], $0xffff  }
0x2a0: {  	v37 =	vadd.s32 v14, v37;
	v42 =	vadd.s32 v14, v16;
	v16 =	vadd.s32 v14, v45;
	v14 =	vld [tilespmem:$0x1FB50]  }
0x2a1: {  	v6 =	vadd.f32 v17, v6;
	v17 =	vld.idx.msk [tilespmem:v51+s14+$0x0], $0xffff  }
0x2a2: {  	v5 =	vadd.f32 v24, v5;
	v24 =	vld.idx.msk [tilespmem:v32+s3+$0x0], $0xffff  }
0x2a3: {  	v48 =	vld.idx.msk [tilespmem:v32+s14+$0x0], $0xffff;
	v61 =	vmul.f32 v25, v34  }
0x2a4: {  	v55 =	vld.idx.msk [tilespmem:v32+s15+$0x0], $0xffff  }
0x2a5: {  	v59 =	vmov v39;
	v32 =	vld.idx.msk [tilespmem:v32+s16+$0x0], $0xffff;
	v15 =	vmul.f32 v15, v61;
	v39 =	vmul.f32 v14, v49  }
0x2a6: {  	v12 =	vadd.f32 v1, v12;
	v1 =	vld [tilespmem:$0x1FB30];
	v56 =	vmul.f32 v57, v61;
	v57 =	vmul.f32 v58, v61  }
0x2a7: {  	v15 =	vadd.f32 v15, v18;
	v18 =	vmul.f32 v60, v61;
	v60 =	vld [tilespmem:$0x1FB60];
	v58 =	vmul.f32 v23, v39  }
0x2a8: {  	v61 =	vld [tilespmem:$0x1FB70]  }
0x2a9: {  	v43 =	vmul.f32 v63, v53;
	v63 =	vld.idx.msk [tilespmem:v29+s14+$0x0], $0xffff;
	v24 =	vmul.f32 v24, v58  }
0x2aa: {  	v53 =	vld.idx.msk [tilespmem:v29+s15+$0x0], $0xffff  }
0x2ab: {  	v2 =	vadd.f32 v8, v2;
	v5 =	vadd.f32 v24, v5;
	v24 =	vld [tilespmem:$0x1FB80]  }
0x2ac: {  	v29 =	vld.idx.msk [tilespmem:v29+s16+$0x0], $0xffff;
	v8 =	vadd.s32 v20, v1;
	v1 =	vadd.s32 v20, v46;
	v19 =	vadd.f32 v57, v19  }
0x2ad: {  	v57 =	vld.idx.msk [tilespmem:v62+s14+$0x0], $0xffff;
	v14 =	vadd.s32 v20, v36;
	v20 =	vadd.f32 v56, v22;
	v22 =	vmul.f32 v61, v60  }
0x2ae: {  	v10 =	vadd.f32 v18, v10;
	v56 =	vld.idx.msk [tilespmem:v62+s3+$0x0], $0xffff;
	v18 =	vmul.f32 v48, v58;
	v46 =	vmul.f32 v55, v58  }
0x2af: {  	s29 =	simm.s32 $0x1C000;
	v55 =	vmul.f32 v28, v22;
	v32 =	vmul.f32 v32, v58;
	v58 =	vld.idx.msk [tilespmem:v62+s15+$0x0], $0xffff  }
0x2b0: {  	v9 =	vadd.f32 v18, v9;
	v18 =	vmul.f32 v59, v60;
	v60 =	vld.idx.msk [tilespmem:v62+s16+$0x0], $0xffff;
	[tilespmem:s29+$0x1030] =	vst v24  }
0x2b1: {  	v34 =	vmul.f32 v34, v26;
	v62 =	vmul.f32 v53, v55;
	v53 =	vld [tilespmem:$0x1FB90]  }
0x2b2: {  	v47 =	vmul.f32 v52, v49;
	v52 =	vld.idx.msk [tilespmem:v42+s15+$0x0], $0xffff  }
0x2b3: {  	v49 =	vmul.f32 v57, v34;
	v57 =	vld.idx.msk [tilespmem:v8+s15+$0x0], $0xffff  }
0x2b4: {  	v33 =	vadd.f32 v33, v35;
	v7 =	vadd.f32 v38, v7;
	v48 =	vld.idx.msk [tilespmem:v42+s14+$0x0], $0xffff  }
0x2b5: {  	v4 =	vadd.f32 v40, v4;
	v51 =	vmul.f32 v39, v27;
	v45 =	vmul.f32 v56, v34;
	v56 =	vld.idx.msk [tilespmem:v8+s3+$0x0], $0xffff  }
0x2b6: {  	v11 =	vadd.f32 v30, v11;
	v61 =	vmul.f32 v63, v55;
	v63 =	vld.idx.msk [tilespmem:v42+s3+$0x0], $0xffff;
	v13 =	vmul.f32 v13, v53  }
0x2b7: {  	v20 =	vadd.f32 v49, v20;
	v59 =	vmul.f32 v41, v55;
	v29 =	vmul.f32 v29, v55;
	v55 =	vld.idx.msk [tilespmem:v42+s16+$0x0], $0xffff  }
0x2b8: {  	v22 =	vmul.f32 v22, v50;
	v6 =	vadd.f32 v46, v6;
	v7 =	vadd.f32 v13, v7;
	v13 =	vld.idx.msk [tilespmem:v8+s14+$0x0], $0xffff  }
0x2b9: {  	v0 =	vadd.f32 v32, v0;
	v42 =	vmul.f32 v26, v43;
	v15 =	vadd.f32 v45, v15;
	v8 =	vld.idx.msk [tilespmem:v8+s16+$0x0], $0xffff  }
0x2ba: {  	v49 =	vld.idx.msk [tilespmem:v37+s14+$0x0], $0xffff;
	v3 =	vadd.f32 v59, v3;
	v2 =	vadd.f32 v29, v2;
	v29 =	vmul.f32 v48, v51  }
0x2bb: {  	v46 =	vld.idx.msk [tilespmem:v44+s16+$0x0], $0xffff;
	v30 =	vadd.f32 v61, v33;
	v12 =	vadd.f32 v62, v12;
	v32 =	vmul.f32 v58, v34  }
0x2bc: {  	v59 =	vld.idx.msk [tilespmem:v44+s3+$0x0], $0xffff;
	v58 =	vmul.f32 v52, v51;
	v29 =	vadd.f32 v29, v9;
	v9 =	vmul.f32 v55, v51  }
0x2bd: {  	v48 =	vld.idx.msk [tilespmem:v37+s3+$0x0], $0xffff;
	v19 =	vadd.f32 v32, v19;
	v35 =	vmul.f32 v63, v51;
	v17 =	vmul.f32 v17, v53  }
0x2be: {  	v63 =	vld.idx.msk [tilespmem:v44+s14+$0x0], $0xffff;
	v32 =	vmul.f32 v56, v22;
	v45 =	vadd.f32 v9, v0;
	v8 =	vmul.f32 v8, v22  }
0x2bf: {  	v21 =	vmul.f32 v21, v53;
	v4 =	vadd.f32 v17, v4;
	v17 =	vmul.f32 v25, v43;
	v43 =	vld.idx.msk [tilespmem:v44+s15+$0x0], $0xffff  }
0x2c0: {  	v53 =	vmul.f32 v28, v18;
	v9 =	vmul.f32 v13, v22;
	v52 =	vadd.f32 v8, v2;
	v2 =	vld.idx.msk [tilespmem:v37+s15+$0x0], $0xffff  }
0x2c1: {  	v13 =	vadd.f32 v32, v3;
	v3 =	vmul.f32 v57, v22;
	v8 =	vmul.f32 v50, v18;
	v18 =	vld.idx.msk [tilespmem:v37+s16+$0x0], $0xffff  }
0x2c2: {  	v34 =	vmul.f32 v60, v34;
	v6 =	vadd.f32 v58, v6;
	v60 =	vld [tilespmem:$0x1FBA0];
	v0 =	vmul.f32 v23, v47  }
0x2c3: {  	v61 =	vld [tilespmem:$0x1FBB0];
	v51 =	vmul.f32 v59, v17;
	v12 =	vadd.f32 v3, v12;
	v3 =	vmul.f32 v63, v17  }
0x2c4: {  	v58 =	vld [tilespmem:$0x1FBE0];
	v10 =	vadd.f32 v34, v10;
	v26 =	vmul.f32 v43, v17;
	v17 =	vmul.f32 v46, v17  }
0x2c5: {  	v56 =	vmul.f32 v49, v0;
	v22 =	vmul.f32 v48, v0;
	v20 =	vadd.f32 v3, v20;
	v3 =	vld.idx.msk [tilespmem:v1+s3+$0x0], $0xffff  }
0x2c6: {  	v17 =	vadd.f32 v17, v10;
	v10 =	vmul.f32 v2, v0;
	v18 =	vmul.f32 v18, v0;
	v0 =	vld [tilespmem:$0x1FBF0]  }
0x2c7: {  	v62 =	vld [tilespmem:$0x1FBC0]  }
0x2c8: {  	v5 =	vadd.f32 v35, v5;
	v57 =	vld [tilespmem:$0x1FBD0]  }
0x2c9: {  	v55 =	vld.idx.msk [tilespmem:v1+s15+$0x0], $0xffff;
	v35 =	vmul.f32 v60, v54  }
0x2ca: {  	v11 =	vadd.f32 v21, v11;
	v21 =	vmul.f32 v61, v54;
	v22 =	vadd.f32 v22, v5;
	v5 =	vld.idx.msk [tilespmem:v31+s3+$0x0], $0xffff  }
0x2cb: {  	v60 =	vmul.f32 v0, v58;
	v0 =	vadd.f32 v10, v6;
	v10 =	vmul.f32 v3, v53;
	v3 =	vld [tilespmem:$0x1FC00]  }
0x2cc: {  	v36 =	vmul.f32 v62, v54;
	v62 =	vld.idx.msk [tilespmem:v16+s14+$0x0], $0xffff;
	v7 =	vadd.f32 v35, v7  }
0x2cd: {  	v54 =	vld.idx.msk [tilespmem:v1+s14+$0x0], $0xffff;
	v4 =	vadd.f32 v21, v4;
	v19 =	vadd.f32 v26, v19;
	v26 =	vmul.f32 v57, v58  }
0x2ce: {  	v11 =	vadd.f32 v36, v11;
	v15 =	vadd.f32 v51, v15;
	v6 =	vld.idx.msk [tilespmem:v31+s15+$0x0], $0xffff  }
0x2cf: {  	v59 =	vld.idx.msk [tilespmem:v31+s14+$0x0], $0xffff;
	v2 =	vadd.f32 v56, v29;
	v7 =	vadd.f32 v26, v7  }
0x2d0: {  	v5 =	vmul.f32 v5, v42;
	v29 =	vmul.f32 v3, v58;
	v3 =	vadd.f32 v18, v45;
	v18 =	vld.idx.msk [tilespmem:v1+s16+$0x0], $0xffff  }
0x2d1: {  	v23 =	vmul.f32 v55, v53;
	v61 =	vadd.f32 v60, v4;
	v1 =	vadd.f32 v10, v13;
	v10 =	vld.idx.msk [tilespmem:v31+s16+$0x0], $0xffff  }
0x2d2: {  	v30 =	vadd.f32 v9, v30;
	v5 =	vadd.f32 v5, v15;
	[tilespmem:s29+$0xFFFFE030] =	vst v7;
	v13 =	vld.idx.msk [tilespmem:v16+s3+$0x0], $0xffff  }
0x2d3: {  	v4 =	vmul.f32 v54, v53;
	[tilespmem:s29+$0xFFFFF030] =	vst v61;
	v6 =	vmul.f32 v6, v42;
	v11 =	vadd.f32 v29, v11  }
0x2d4: {  	v9 =	vmul.f32 v27, v47;
	v63 =	vld.idx.msk [tilespmem:v16+s15+$0x0], $0xffff;
	v7 =	vmul.f32 v59, v42;
	[tilespmem:s29+$0xFFFFE000] =	vst v5  }
0x2d5: {  	v4 =	vadd.f32 v4, v30;
	v19 =	vadd.f32 v6, v19;
	[tilespmem:s29+$0x30] =	vst v11;
	v11 =	vld.idx.msk [tilespmem:v14+s3+$0x0], $0xffff  }
0x2d6: {  	v15 =	vmul.f32 v18, v53;
	v18 =	vadd.f32 v7, v20;
	v7 =	vld.idx.msk [tilespmem:v16+s16+$0x0], $0xffff;
	v16 =	vmul.f32 v10, v42  }
0x2d7: {  	v5 =	vadd.f32 v23, v12;
	[tilespmem:s29+$0x0] =	vst v19;
	v10 =	vld.idx.msk [tilespmem:v14+s14+$0x0], $0xffff;
	v12 =	vmul.f32 v13, v9  }
0x2d8: {  	s30 =	simm.s32 $0x0;
	v13 =	vld.idx.msk [tilespmem:v14+s15+$0x0], $0xffff;
	[tilespmem:s29+$0xFFFFF000] =	vst v18;
	v6 =	vadd.f32 v15, v52;
	v15 =	vadd.f32 v16, v17  }
0x2d9: {  	s31 =	simm.s32 $0x14060;
	s0 =	sand.u32 $0xFC0, s30;
	v16 =	vadd.f32 v12, v22;
	v17 =	vmul.f32 v62, v9;
	v12 =	vld.idx.msk [tilespmem:v14+s16+$0x0], $0xffff;
	v14 =	vmul.f32 v63, v9  }
.LBB2_5:
0x2da: {  	v18 =	vld [tilespmem:s31+$0x10]  }
0x2db: {  	v7 =	vmul.f32 v7, v9;
	v9 =	vld [tilespmem:s31+$0x1010]  }
0x2dc: {  	v19 =	vld [tilespmem:$0x1FFF0]  }
0x2dd: {  	v2 =	vadd.f32 v17, v2;
	v0 =	vadd.f32 v14, v0;
	v14 =	vld [tilespmem:s31+$0xFFFFF010]  }
0x2de: {  	[tilespmem:s29+$0xFFFFE010] =	vst v16;
	v11 =	vmul.f32 v11, v8  }
0x2df: {  	v3 =	vadd.f32 v7, v3;
	[tilespmem:s29+$0xFFFFF010] =	vst v2  }
0x2e0: {  	v20 =	vld [tilespmem:$0x1FFE0];
	[tilespmem:s29+$0x10] =	vst v0;
	v2 =	vmul.f32 v10, v8;
	v0 =	vadd.f32 v11, v1;
	v1 =	vmul.f32 v13, v8  }
0x2e1: {  	v10 =	vld [tilespmem:s31+$0xFF0];
	[tilespmem:s29+$0x1010] =	vst v3;
	v3 =	vmul.f32 v12, v8;
	v8 =	vmul.f32 v9, v19  }
0x2e2: {  	v9 =	vmul.f32 v14, v19;
	v14 =	vld [tilespmem:$0x1FFD0];
	v1 =	vadd.f32 v1, v5;
	v5 =	vmul.f32 v18, v19  }
0x2e3: {  	[tilespmem:s0+$0x1D000] =	vst v15;
	v2 =	vadd.f32 v2, v4;
	v4 =	vld [tilespmem:s31+$0x1000]  }
0x2e4: {  	v3 =	vadd.f32 v3, v6;
	[tilespmem:s29+$0xFFFFE020] =	vst v0;
	v0 =	vld [tilespmem:s31+$0xFFFFFFE0];
	v11 =	vtrunc.f32 v8;
	v6 =	vtrunc.f32 v5  }
0x2e5: {  	[tilespmem:s29+$0xFFFFF020] =	vst v2;
	v2 =	vld [tilespmem:s31+$0xFFFFFFF0];
	v16 =	vcvt.f32.s32 v11;
	v15 =	vcvt.f32.s32 v6  }
0x2e6: {  	v6 =	vtrunc.f32 v9  }
0x2e7: {  	v21 =	vmul.u32 v16, v20;
	v17 =	vcvt.f32.s32 v6;
	v18 =	vmul.u32 v15, v14  }
0x2e8: {  	v45 =	vmul.f32 v4, v19  }
0x2e9: {  	[tilespmem:s29+$0x20] =	vst v1;
	v11 =	vmul.f32 v0, v19;
	v4 =	vadd.s32 $0x1, v17;
	v0 =	vadd.s32 v18, v21  }
0x2ea: {  	v1 =	vld [tilespmem:s31+$0x0];
	v6 =	vmul.f32 v2, v19;
	v2 =	vadd.s32 v4, v0;
	_ =	sdelay $0x4  }
0x2eb: {  	v13 =	vmul.f32 v1, v19;
	v1 =	vld.idx.msk [tilespmem:v2+s3+$0x0], $0xffff;
	_ =	sdelay $0x4  }
0x2ec: {  	[tilespmem:$0x1F920] =	vst v1;
	v1 =	vld.idx.msk [tilespmem:v2+s14+$0x0], $0xffff;
	_ =	sdelay $0x4  }
0x2ed: {  	v0 =	vadd.s32 v17, v0;
	[tilespmem:$0x1F940] =	vst v1;
	v1 =	vld.idx.msk [tilespmem:v2+s15+$0x0], $0xffff;
	_ =	sdelay $0x4  }
0x2ee: {  	[tilespmem:$0x1F950] =	vst v1;
	v1 =	vld.idx.msk [tilespmem:v0+s3+$0x0], $0xffff;
	_ =	sdelay $0x3  }
0x2ef: {  	v32 =	vadd.s32 v20, v21;
	v31 =	vadd.s32 v14, v18  }
0x2f0: {  	v34 =	vadd.s32 v31, v32;
	[tilespmem:$0x1F860] =	vst v1;
	v1 =	vld.idx.msk [tilespmem:v0+s14+$0x0], $0xffff  }
0x2f1: {  	v60 =	vadd.s32 v4, v34  }
0x2f2: {  	v15 =	vcvt.s32.f32 v15  }
0x2f3: {  	v7 =	vld [tilespmem:s31+$0xFE0]  }
0x2f4: {  	v15 =	vsub.f32 v5, v15;
	v5 =	vld.idx.msk [tilespmem:v0+s16+$0x0], $0xffff  }
0x2f5: {  	[tilespmem:$0x1F870] =	vst v1;
	v1 =	vld.idx.msk [tilespmem:v0+s15+$0x0], $0xffff  }
0x2f6: {  	v0 =	vld.idx.msk [tilespmem:v60+s3+$0x0], $0xffff;
	_ =	sdelay $0x2  }
0x2f7: {  	[tilespmem:s29+$0x1020] =	vst v3;
	v3 =	vld [tilespmem:s31+$0xFFFFEFE0]  }
0x2f8: {  	v29 =	vmul.f32 v10, v19;
	v12 =	vld [tilespmem:s31+$0xFFFFF000]  }
0x2f9: {  	v44 =	vmul.f32 v7, v19;
	[tilespmem:$0x1FA30] =	vst v0;
	v0 =	vld.idx.msk [tilespmem:v60+s14+$0x0], $0xffff  }
0x2fa: {  	v23 =	vtrunc.f32 v29  }
0x2fb: {  	v7 =	vld [tilespmem:s31+$0xFFFFEFF0];
	v10 =	vtrunc.f32 v44;
	v42 =	vcvt.f32.s32 v23  }
0x2fc: {  	v18 =	vadd.s32 v18, v32;
	v22 =	vmul.f32 v3, v19;
	v21 =	vadd.s32 v21, v31  }
0x2fd: {  	v3 =	vmul.f32 v12, v19;
	v12 =	vadd.s32 v17, v18;
	v31 =	vadd.s32 v17, v21;
	v23 =	vld.idx.msk [tilespmem:v2+s16+$0x0], $0xffff  }
0x2fe: {  	v47 =	vadd.s32 v17, v34;
	v2 =	vcvt.s32.f32 v17;
	v17 =	vadd.s32 v4, v21;
	[tilespmem:$0x1FA50] =	vst v0;
	v0 =	vld.idx.msk [tilespmem:v60+s15+$0x0], $0xffff  }
0x2ff: {  	v39 =	vcvt.f32.s32 v10;
	v16 =	vcvt.s32.f32 v16  }
0x300: {  	v7 =	vmul.f32 v7, v19;
	v24 =	vtrunc.f32 v45  }
0x301: {  	v18 =	vadd.s32 v4, v18;
	v27 =	vtrunc.f32 v22;
	v38 =	vsub.f32 v9, v2  }
0x302: {  	v36 =	vcvt.f32.s32 v27;
	v27 =	vsub.f32 v8, v16;
	v9 =	vsub.f32 $1.000000000e+00, v15  }
0x303: {  	v30 =	vtrunc.f32 v7;
	v46 =	vcvt.f32.s32 v24;
	v8 =	vsub.f32 $1.000000000e+00, v38;
	[tilespmem:$0x1FA60] =	vst v0;
	v0 =	vld.idx.msk [tilespmem:v17+s3+$0x0], $0xffff  }
0x304: {  	v37 =	vcvt.f32.s32 v30;
	v40 =	vsub.f32 $1.000000000e+00, v27;
	v56 =	vmul.f32 v9, v38  }
0x305: {  	v33 =	vtrunc.f32 v3;
	v49 =	vmul.f32 v15, v8  }
0x306: {  	v30 =	vmul.u32 v39, v20;
	v62 =	vmul.f32 v9, v8;
	v2 =	vmul.f32 v40, v56  }
0x307: {  	v21 =	vmul.u32 v42, v20;
	v41 =	vmul.f32 v40, v49;
	v34 =	vmul.f32 v27, v49;
	v49 =	vld.idx.msk [tilespmem:v18+s16+$0x0], $0xffff  }
0x308: {  	v48 =	vmul.u32 v46, v20;
	v55 =	vadd.s32 v20, v30;
	v35 =	vcvt.f32.s32 v33;
	[tilespmem:$0x1F9F0] =	vst v0;
	v0 =	vld.idx.msk [tilespmem:v17+s14+$0x0], $0xffff  }
0x309: {  	v52 =	vmul.f32 v40, v62;
	v33 =	vmul.f32 v62, v27;
	v62 =	vadd.s32 v20, v21;
	[tilespmem:$0x1F930] =	vst v2  }
0x30a: {  	[tilespmem:$0x1F880] =	vst v1;
	v1 =	vadd.s32 v20, v48;
	v20 =	vmul.f32 v23, v2;
	v2 =	vmul.f32 v56, v27;
	_ =	sdelay $0x1  }
0x30b: {  	[tilespmem:$0x1F9B0] =	vst v2;
	v49 =	vmul.f32 v49, v2;
	v2 =	vld.idx.msk [tilespmem:v47+s14+$0x0], $0xffff  }
0x30c: {  	[tilespmem:$0x1FA10] =	vst v0;
	v0 =	vld.idx.msk [tilespmem:v17+s15+$0x0], $0xffff;
	_ =	sdelay $0x3  }
0x30d: {  	[tilespmem:$0x1F900] =	vst v2;
	v2 =	vld.idx.msk [tilespmem:v47+s15+$0x0], $0xffff  }
0x30e: {  	[tilespmem:$0x1FA20] =	vst v0;
	v0 =	vld.idx.msk [tilespmem:v18+s3+$0x0], $0xffff;
	_ =	sdelay $0x1  }
0x30f: {  	v16 =	vld.idx.msk [tilespmem:v12+s16+$0x0], $0xffff  }
0x310: {  	v25 =	vtrunc.f32 v11;
	v63 =	vld.idx.msk [tilespmem:v31+s16+$0x0], $0xffff  }
0x311: {  	v26 =	vtrunc.f32 v6;
	v25 =	vcvt.f32.s32 v25;
	[tilespmem:$0x1F910] =	vst v2;
	v2 =	vld.idx.msk [tilespmem:v31+s3+$0x0], $0xffff  }
0x312: {  	v61 =	vcvt.f32.s32 v26;
	v58 =	vcvt.s32.f32 v37;
	[tilespmem:$0x1F9C0] =	vst v0;
	v0 =	vld.idx.msk [tilespmem:v18+s14+$0x0], $0xffff  }
0x313: {  	v28 =	vtrunc.f32 v13;
	v50 =	vmul.u32 v25, v14;
	v25 =	vcvt.s32.f32 v25  }
0x314: {  	v53 =	vmul.u32 v61, v14;
	v26 =	vcvt.f32.s32 v28;
	v51 =	vcvt.s32.f32 v36;
	v28 =	vld.idx.msk [tilespmem:v47+s16+$0x0], $0xffff  }
0x315: {  	v7 =	vsub.f32 v7, v58;
	v5 =	vmul.f32 v52, v5;
	v16 =	vmul.f32 v16, v33  }
0x316: {  	v59 =	vcvt.s32.f32 v61;
	v4 =	vsub.f32 v22, v51;
	v22 =	vadd.s32 v53, v62;
	[tilespmem:$0x1F890] =	vst v2;
	v2 =	vld.idx.msk [tilespmem:v31+s14+$0x0], $0xffff  }
0x317: {  	v61 =	vcvt.s32.f32 v35;
	v57 =	vmul.f32 v63, v41;
	v16 =	vadd.f32 v16, v5;
	[tilespmem:$0x1F9D0] =	vst v0;
	v0 =	vld.idx.msk [tilespmem:v18+s15+$0x0], $0xffff  }
0x318: {  	v54 =	vmul.u32 v26, v14;
	v51 =	vadd.s32 v37, v22;
	v23 =	vcvt.s32.f32 v26  }
0x319: {  	v32 =	vld.idx.msk [tilespmem:v60+s16+$0x0], $0xffff;
	v3 =	vsub.f32 v3, v61;
	v43 =	vmul.f32 v28, v34;
	v24 =	vadd.f32 v57, v16  }
0x31a: {  	[tilespmem:$0x1F8C0] =	vst v4;
	v16 =	vsub.f32 v11, v25;
	v11 =	vsub.f32 v13, v23;
	v23 =	vadd.s32 v54, v1  }
0x31b: {  	v19 =	vsub.f32 $1.000000000e+00, v4;
	v24 =	vadd.f32 v43, v24;
	v43 =	vld.idx.msk [tilespmem:v12+s3+$0x0], $0xffff;
	[tilespmem:$0x1F8A0] =	vst v2;
	v2 =	vadd.s32 v35, v23  }
0x31c: {  	v4 =	vsub.f32 $1.000000000e+00, v7;
	v8 =	vsub.f32 v6, v59;
	v18 =	vcvt.s32.f32 v46;
	[tilespmem:$0x1F9E0] =	vst v0;
	v0 =	vld.idx.msk [tilespmem:v47+s3+$0x0], $0xffff  }
0x31d: {  	[tilespmem:$0x1F8D0] =	vst v7;
	v9 =	vsub.f32 $1.000000000e+00, v3;
	v28 =	vadd.f32 v20, v24;
	v13 =	vld.idx.msk [tilespmem:v51+s3+$0x0], $0xffff  }
0x31e: {  	v59 =	vsub.f32 $1.000000000e+00, v8;
	v63 =	vmul.f32 v15, v38;
	v26 =	vmovc v8;
	v60 =	vld.idx.msk [tilespmem:v17+s16+$0x0], $0xffff;
	v45 =	vsub.f32 v45, v18  }
0x31f: {  	[tilespmem:$0x1F8E0] =	vst v3;
	v38 =	vcvt.s32.f32 v39;
	v26 =	vmul.f32 v26, v4;
	v6 =	vadd.f32 v49, v28;
	v28 =	vld.idx.msk [tilespmem:v12+s15+$0x0], $0xffff  }
0x320: {  	[tilespmem:$0x1F990] =	vst v8;
	v8 =	vld.idx.msk [tilespmem:v2+s3+$0x0], $0xffff;
	v46 =	vadd.s32 v50, v55;
	v18 =	vmul.f32 v59, v4;
	v57 =	vsub.f32 $1.000000000e+00, v45  }
0x321: {  	v47 =	vadd.s32 v53, v21;
	v53 =	vadd.s32 v14, v53;
	[tilespmem:$0x1F8F0] =	vst v0;
	v0 =	vmul.f32 v40, v63  }
0x322: {  	v7 =	vld.idx.msk [tilespmem:v2+s14+$0x0], $0xffff;
	v5 =	vadd.s32 v37, v47;
	v21 =	vadd.s32 v21, v53;
	v3 =	vadd.s32 v53, v62  }
0x323: {  	v62 =	vadd.s32 v37, v3;
	[tilespmem:$0x1FA00] =	vst v0;
	v49 =	vmul.f32 v60, v0;
	v0 =	vmul.f32 v27, v63  }
0x324: {  	v40 =	vld.idx.msk [tilespmem:v12+s14+$0x0], $0xffff;
	v12 =	vadd.s32 v37, v21;
	v63 =	vcvt.s32.f32 v42;
	v60 =	vsub.f32 $1.000000000e+00, v11  }
0x325: {  	v4 =	vld.idx.msk [tilespmem:v2+s15+$0x0], $0xffff;
	v27 =	vadd.s32 $0x1, v37;
	[tilespmem:$0x1FA40] =	vst v0;
	v6 =	vadd.f32 v49, v6;
	v32 =	vmul.f32 v32, v0  }
0x326: {  	v0 =	vld.idx.msk [tilespmem:v31+s15+$0x0], $0xffff;
	v49 =	vadd.s32 v50, v30;
	v31 =	vadd.s32 v36, v46;
	v39 =	vsub.f32 v29, v63  }
0x327: {  	v2 =	vld.idx.msk [tilespmem:v2+s16+$0x0], $0xffff;
	v50 =	vadd.s32 v14, v50;
	v25 =	vmul.f32 v60, v9;
	v6 =	vadd.f32 v32, v6  }
0x328: {  	v53 =	vld.idx.msk [tilespmem:v51+s14+$0x0], $0xffff;
	v32 =	vadd.s32 v54, v48;
	v54 =	vadd.s32 v14, v54;
	v58 =	vsub.f32 $1.000000000e+00, v39  }
0x329: {  	[tilespmem:$0x1F960] =	vst v3;
	v37 =	vmul.f32 v57, v25;
	v25 =	vmul.f32 v25, v45;
	v1 =	vadd.s32 v54, v1  }
0x32a: {  	v15 =	vadd.s32 v30, v50;
	v50 =	vadd.s32 v50, v55;
	[tilespmem:$0x1F970] =	vst v1;
	v3 =	vmul.f32 v58, v18  }
0x32b: {  	s29 =	sadd.s32 $0x40, s29;
	v55 =	vadd.s32 v35, v1;
	v1 =	vmul.f32 v18, v39;
	v18 =	vmul.f32 v25, v8;
	v8 =	vld.idx.msk [tilespmem:v5+s3+$0x0], $0xffff  }
0x32c: {  	v38 =	vsub.f32 v44, v38;
	[tilespmem:s29+$0x1030] =	vst v6;
	v6 =	vld.idx.msk [tilespmem:v31+s3+$0x0], $0xffff  }
0x32d: {  	v42 =	vadd.s32 v36, v49;
	v20 =	vld.idx.msk [tilespmem:v31+s14+$0x0], $0xffff  }
0x32e: {  	v61 =	vsub.f32 $1.000000000e+00, v16;
	v56 =	vsub.f32 $1.000000000e+00, v38;
	v24 =	vmul.f32 v16, v19;
	v44 =	vld.idx.msk [tilespmem:v31+s15+$0x0], $0xffff  }
0x32f: {  	v17 =	vadd.s32 v36, v15;
	v63 =	vadd.s32 v36, v50;
	v10 =	vadd.s32 v35, v32;
	v14 =	vld.idx.msk [tilespmem:v31+s16+$0x0], $0xffff  }
0x330: {  	v36 =	vadd.s32 $0x1, v36;
	v48 =	vadd.s32 v48, v54;
	[tilespmem:$0x1F8B0] =	vst v0;
	v0 =	vmul.f32 v61, v19;
	v31 =	vld.idx.msk [tilespmem:v51+s15+$0x0], $0xffff  }
0x331: {  	v29 =	vadd.s32 v35, v48;
	v51 =	vld.idx.msk [tilespmem:v51+s16+$0x0], $0xffff;
	v19 =	vadd.s32 v36, v49;
	v49 =	vmul.f32 v11, v9  }
0x332: {  	v35 =	vadd.s32 $0x1, v35;
	v9 =	vld.idx.msk [tilespmem:v42+s3+$0x0], $0xffff;
	v54 =	vmul.f32 v56, v0;
	v0 =	vmul.f32 v0, v38  }
0x333: {  	v43 =	vmul.f32 v33, v43;
	v7 =	vmul.f32 v7, v25;
	v30 =	vadd.s32 v35, v32;
	v32 =	vld.idx.msk [tilespmem:v42+s15+$0x0], $0xffff  }
0x334: {  	[tilespmem:$0x1F980] =	vst v16;
	v13 =	vmul.f32 v1, v13;
	v16 =	vmul.f32 v0, v6;
	v6 =	vld.idx.msk [tilespmem:v42+s14+$0x0], $0xffff  }
0x335: {  	v53 =	vmul.f32 v53, v1;
	v20 =	vmul.f32 v20, v0;
	v42 =	vld.idx.msk [tilespmem:v42+s16+$0x0], $0xffff  }
0x336: {  	v44 =	vmul.f32 v44, v0;
	v14 =	vmul.f32 v14, v0;
	v0 =	vld.idx.msk [tilespmem:v5+s14+$0x0], $0xffff  }
0x337: {  	[tilespmem:$0x1F9A0] =	vst v11;
	v11 =	vmul.f32 v31, v1;
	v51 =	vmul.f32 v51, v1;
	v1 =	vld [tilespmem:$0x1F860]  }
0x338: {  	v31 =	vadd.s32 v27, v22;
	v22 =	vmul.f32 v4, v25;
	v25 =	vmul.f32 v2, v25;
	v2 =	vld.idx.msk [tilespmem:v5+s15+$0x0], $0xffff  }
0x339: {  	v28 =	vmul.f32 v28, v33;
	v40 =	vmul.f32 v40, v33;
	v5 =	vld.idx.msk [tilespmem:v5+s16+$0x0], $0xffff  }
0x33a: {  	v46 =	vadd.s32 v36, v46;
	v15 =	vadd.s32 v36, v15;
	v33 =	vadd.s32 v35, v48;
	v4 =	vld.idx.msk [tilespmem:v17+s14+$0x0], $0xffff  }
0x33b: {  	v9 =	vmul.f32 v54, v9;
	v48 =	vmul.f32 v54, v32;
	v32 =	vadd.s32 v36, v50;
	v36 =	vld.idx.msk [tilespmem:v10+s3+$0x0], $0xffff  }
0x33c: {  	v6 =	vmul.f32 v54, v6;
	v50 =	vmul.f32 v52, v1;
	v1 =	vld [tilespmem:$0x1F870]  }
0x33d: {  	v9 =	vadd.f32 v16, v9;
	v16 =	vld.idx.msk [tilespmem:v10+s14+$0x0], $0xffff  }
0x33e: {  	v42 =	vmul.f32 v54, v42;
	v2 =	vmul.f32 v3, v2;
	v6 =	vadd.f32 v20, v6;
	v20 =	vld.idx.msk [tilespmem:v10+s15+$0x0], $0xffff  }
0x33f: {  	v10 =	vld.idx.msk [tilespmem:v10+s16+$0x0], $0xffff  }
0x340: {  	v14 =	vadd.f32 v14, v42;
	v42 =	vld.idx.msk [tilespmem:v17+s3+$0x0], $0xffff;
	v2 =	vadd.f32 v11, v2  }
0x341: {  	v11 =	vmul.f32 v37, v36;
	v36 =	vadd.f32 v43, v50;
	v43 =	vld.idx.msk [tilespmem:v12+s3+$0x0], $0xffff;
	v54 =	vmul.f32 v52, v1  }
0x342: {  	v44 =	vadd.f32 v44, v48;
	v48 =	vmul.f32 v56, v24;
	v1 =	vld [tilespmem:$0x1F880]  }
0x343: {  	v16 =	vmul.f32 v37, v16;
	v11 =	vadd.f32 v18, v11;
	v18 =	vadd.f32 v40, v54;
	v40 =	vld.idx.msk [tilespmem:v12+s14+$0x0], $0xffff  }
0x344: {  	v20 =	vmul.f32 v37, v20;
	v10 =	vmul.f32 v37, v10;
	v37 =	vld.idx.msk [tilespmem:v12+s15+$0x0], $0xffff  }
0x345: {  	v50 =	vmul.f32 v42, v48;
	v12 =	vld.idx.msk [tilespmem:v12+s16+$0x0], $0xffff  }
0x346: {  	v8 =	vmul.f32 v3, v8;
	v42 =	vld.idx.msk [tilespmem:v63+s14+$0x0], $0xffff  }
0x347: {  	v9 =	vadd.f32 v50, v9;
	v50 =	vld [tilespmem:$0x1F8C0];
	v52 =	vmul.f32 v52, v1  }
0x348: {  	v1 =	vmul.f32 v3, v0;
	v3 =	vmul.f32 v3, v5;
	v5 =	vadd.f32 v13, v8;
	v13 =	vld.idx.msk [tilespmem:v17+s15+$0x0], $0xffff  }
0x349: {  	v17 =	vld.idx.msk [tilespmem:v17+s16+$0x0], $0xffff  }
0x34a: {  	v3 =	vadd.f32 v51, v3;
	v51 =	vld [tilespmem:$0x1F890]  }
0x34b: {  	v7 =	vadd.f32 v7, v16;
	v0 =	vmul.f32 v58, v26;
	v16 =	vadd.f32 v28, v52;
	v52 =	vld [tilespmem:$0x1F8A0]  }
0x34c: {  	v28 =	vld.idx.msk [tilespmem:v29+s3+$0x0], $0xffff  }
0x34d: {  	v1 =	vadd.f32 v53, v1;
	v53 =	vld [tilespmem:$0x1F8B0];
	v54 =	vmul.f32 v43, v0  }
0x34e: {  	v4 =	vmul.f32 v4, v48;
	v43 =	vld.idx.msk [tilespmem:v29+s15+$0x0], $0xffff  }
0x34f: {  	v5 =	vadd.f32 v54, v5;
	v54 =	vld [tilespmem:$0x1F910]  }
0x350: {  	v4 =	vadd.f32 v4, v6;
	v6 =	vmul.f32 v17, v48;
	v17 =	vmul.f32 v38, v24;
	v24 =	vld.idx.msk [tilespmem:v29+s14+$0x0], $0xffff  }
0x351: {  	v13 =	vmul.f32 v13, v48;
	v29 =	vld.idx.msk [tilespmem:v29+s16+$0x0], $0xffff  }
0x352: {  	v48 =	vmul.f32 v61, v50;
	v61 =	vld [tilespmem:$0x1F8F0]  }
0x353: {  	v13 =	vadd.f32 v13, v44;
	v44 =	vld.idx.msk [tilespmem:v63+s3+$0x0], $0xffff  }
0x354: {  	v20 =	vadd.f32 v22, v20;
	v37 =	vmul.f32 v37, v0;
	v22 =	vmul.f32 v51, v41;
	v51 =	vld [tilespmem:$0x1F8D0]  }
0x355: {  	v6 =	vadd.f32 v6, v14;
	v14 =	vmul.f32 v40, v0;
	v0 =	vmul.f32 v12, v0;
	v12 =	vld.idx.msk [tilespmem:v63+s15+$0x0], $0xffff  }
0x356: {  	v10 =	vadd.f32 v25, v10;
	v25 =	vmul.f32 v52, v41;
	v52 =	vld [tilespmem:$0x1F8E0]  }
0x357: {  	v8 =	vmul.f32 v57, v49;
	v40 =	vmul.f32 v45, v49;
	v49 =	vld.idx.msk [tilespmem:v63+s16+$0x0], $0xffff  }
0x358: {  	v41 =	vmul.f32 v53, v41;
	v63 =	vmul.f32 v42, v17;
	v53 =	vld.idx.msk [tilespmem:v62+s16+$0x0], $0xffff  }
0x359: {  	v42 =	vld.idx.msk [tilespmem:v46+s14+$0x0], $0xffff  }
0x35a: {  	v28 =	vmul.f32 v28, v8;
	v4 =	vadd.f32 v63, v4;
	v63 =	vld [tilespmem:$0x1F930]  }
0x35b: {  	v0 =	vadd.f32 v0, v3;
	v3 =	vmul.f32 v24, v8;
	v24 =	vld.idx.msk [tilespmem:v62+s3+$0x0], $0xffff  }
0x35c: {  	v47 =	vadd.s32 v27, v47;
	v11 =	vadd.f32 v28, v11;
	v28 =	vmul.f32 v61, v34;
	v61 =	vld.idx.msk [tilespmem:v19+s3+$0x0], $0xffff  }
0x35d: {  	v2 =	vadd.f32 v37, v2;
	v1 =	vadd.f32 v14, v1;
	v37 =	vmul.f32 v60, v52;
	v60 =	vld.idx.msk [tilespmem:v62+s14+$0x0], $0xffff  }
0x35e: {  	v14 =	vmul.f32 v59, v51;
	v3 =	vadd.f32 v3, v7;
	v7 =	vmul.f32 v29, v8;
	v29 =	vld.idx.msk [tilespmem:v62+s15+$0x0], $0xffff  }
0x35f: {  	v59 =	vmul.f32 v43, v8;
	v8 =	vadd.f32 v41, v16;
	v16 =	vmul.f32 v44, v17;
	v62 =	vld.idx.msk [tilespmem:v19+s14+$0x0], $0xffff  }
0x360: {  	v26 =	vmul.f32 v39, v26;
	v12 =	vmul.f32 v12, v17;
	v7 =	vadd.f32 v7, v10;
	v10 =	vld [tilespmem:$0x1F900]  }
0x361: {  	v17 =	vmul.f32 v49, v17;
	v9 =	vadd.f32 v16, v9;
	v16 =	vld.idx.msk [tilespmem:v55+s3+$0x0], $0xffff  }
0x362: {  	v20 =	vadd.f32 v59, v20;
	v59 =	vld.idx.msk [tilespmem:v55+s14+$0x0], $0xffff;
	v43 =	vadd.f32 v12, v13;
	v12 =	vmul.f32 v24, v26  }
0x363: {  	v22 =	vadd.f32 v22, v36;
	v36 =	vmul.f32 v56, v48;
	v13 =	vld.idx.msk [tilespmem:v55+s15+$0x0], $0xffff;
	v6 =	vadd.f32 v17, v6  }
0x364: {  	v17 =	vmul.f32 v60, v26;
	v60 =	vld.idx.msk [tilespmem:v55+s16+$0x0], $0xffff;
	v5 =	vadd.f32 v12, v5;
	v12 =	vmul.f32 v29, v26  }
0x365: {  	v55 =	vmul.f32 v61, v36;
	v61 =	vld.idx.msk [tilespmem:v47+s16+$0x0], $0xffff  }
0x366: {  	v18 =	vadd.f32 v25, v18;
	v2 =	vadd.f32 v12, v2;
	v12 =	vmul.f32 v16, v40;
	v16 =	vld.idx.msk [tilespmem:v19+s16+$0x0], $0xffff  }
0x367: {  	v10 =	vmul.f32 v10, v34;
	v1 =	vadd.f32 v17, v1;
	v17 =	vmul.f32 v53, v26;
	v53 =	vld.idx.msk [tilespmem:v47+s3+$0x0], $0xffff  }
0x368: {  	v34 =	vmul.f32 v54, v34;
	v54 =	vld.idx.msk [tilespmem:v47+s14+$0x0], $0xffff  }
0x369: {  	v10 =	vadd.f32 v10, v18;
	v18 =	vld.idx.msk [tilespmem:v19+s15+$0x0], $0xffff  }
0x36a: {  	v19 =	vld [tilespmem:$0x1F920]  }
0x36b: {  	v11 =	vadd.f32 v12, v11;
	v12 =	vmul.f32 v13, v40;
	v13 =	vld [tilespmem:$0x1F940]  }
0x36c: {  	v0 =	vadd.f32 v17, v0;
	v17 =	vmul.f32 v59, v40;
	v59 =	vld.idx.msk [tilespmem:v47+s15+$0x0], $0xffff  }
0x36d: {  	v47 =	vld.idx.msk [tilespmem:v30+s15+$0x0], $0xffff  }
0x36e: {  	v24 =	vmul.f32 v58, v14;
	v20 =	vadd.f32 v12, v20;
	v12 =	vld [tilespmem:$0x1F970]  }
0x36f: {  	v3 =	vadd.f32 v17, v3;
	v17 =	vmul.f32 v60, v40;
	v60 =	vmul.f32 v62, v36;
	v62 =	vld.idx.msk [tilespmem:v30+s3+$0x0], $0xffff  }
0x370: {  	v26 =	vmul.f32 v53, v24;
	v53 =	vld [tilespmem:$0x1F9A0]  }
0x371: {  	v8 =	vadd.f32 v34, v8;
	v16 =	vmul.f32 v16, v36;
	v34 =	vmul.f32 v54, v24;
	v54 =	vld.idx.msk [tilespmem:v46+s15+$0x0], $0xffff  }
0x372: {  	v29 =	vmul.f32 v13, v63;
	v13 =	vld [tilespmem:$0x1F950]  }
0x373: {  	v6 =	vadd.f32 v16, v6;
	v16 =	vld [tilespmem:$0x1F980]  }
0x374: {  	v7 =	vadd.f32 v17, v7;
	v17 =	vmul.f32 v18, v36;
	v18 =	vmul.f32 v48, v38;
	v48 =	vld.idx.msk [tilespmem:v46+s3+$0x0], $0xffff  }
0x375: {  	v49 =	vmul.f32 v59, v24;
	v59 =	vld.idx.msk [tilespmem:v46+s16+$0x0], $0xffff  }
0x376: {  	v44 =	vmul.f32 v57, v37;
	v24 =	vmul.f32 v61, v24;
	v61 =	vld.idx.msk [tilespmem:v31+s3+$0x0], $0xffff  }
0x377: {  	v46 =	vld [tilespmem:$0x1F9B0]  }
0x378: {  	v9 =	vadd.f32 v55, v9;
	v55 =	vmul.f32 v62, v44;
	v62 =	vmul.f32 v47, v44;
	v47 =	vld [tilespmem:$0x1F9C0]  }
0x379: {  	v23 =	vadd.s32 v35, v23;
	v2 =	vadd.f32 v49, v2;
	v49 =	vld.idx.msk [tilespmem:v31+s15+$0x0], $0xffff  }
0x37a: {  	v22 =	vadd.f32 v28, v22;
	v28 =	vmul.f32 v53, v52;
	v53 =	vld [tilespmem:$0x1F9E0]  }
0x37b: {  	v19 =	vmul.f32 v19, v63;
	v25 =	vmul.f32 v13, v63;
	v63 =	vld.idx.msk [tilespmem:v30+s14+$0x0], $0xffff  }
0x37c: {  	v16 =	vmul.f32 v16, v50;
	v50 =	vld [tilespmem:$0x1F990]  }
0x37d: {  	v30 =	vld.idx.msk [tilespmem:v30+s16+$0x0], $0xffff  }
0x37e: {  	v11 =	vadd.f32 v55, v11;
	v55 =	vld.idx.msk [tilespmem:v23+s3+$0x0], $0xffff  }
0x37f: {  	v13 =	vld [tilespmem:$0x1F960]  }
0x380: {  	v21 =	vadd.s32 v27, v21;
	v4 =	vadd.f32 v60, v4;
	v60 =	vmul.f32 v63, v44;
	v63 =	vld.idx.msk [tilespmem:v31+s14+$0x0], $0xffff  }
0x381: {  	v48 =	vmul.f32 v48, v18;
	v41 =	vmul.f32 v50, v51;
	v50 =	vld [tilespmem:$0x1F9D0]  }
0x382: {  	v44 =	vmul.f32 v30, v44;
	v31 =	vld.idx.msk [tilespmem:v31+s16+$0x0], $0xffff  }
0x383: {  	v30 =	vadd.f32 v48, v9;
	v9 =	vmul.f32 v54, v18;
	v54 =	vmul.f32 v56, v16;
	v56 =	vld.idx.msk [tilespmem:v23+s14+$0x0], $0xffff  }
0x384: {  	v52 =	vmul.f32 v42, v18;
	v18 =	vmul.f32 v59, v18;
	v59 =	vld.idx.msk [tilespmem:v15+s3+$0x0], $0xffff  }
0x385: {  	v14 =	vmul.f32 v14, v39;
	v5 =	vadd.f32 v26, v5;
	v1 =	vadd.f32 v34, v1;
	v48 =	vld.idx.msk [tilespmem:v21+s14+$0x0], $0xffff  }
0x386: {  	v17 =	vadd.f32 v17, v43;
	v19 =	vadd.f32 v19, v22;
	v22 =	vmul.f32 v58, v41;
	v58 =	vld.idx.msk [tilespmem:v23+s15+$0x0], $0xffff  }
0x387: {  	v0 =	vadd.f32 v24, v0;
	v10 =	vadd.f32 v29, v10;
	v23 =	vld.idx.msk [tilespmem:v23+s16+$0x0], $0xffff  }
0x388: {  	v3 =	vadd.f32 v60, v3;
	v17 =	vadd.f32 v9, v17;
	v9 =	vmul.f32 v61, v14;
	v60 =	vld.idx.msk [tilespmem:v15+s14+$0x0], $0xffff  }
0x389: {  	v8 =	vadd.f32 v25, v8;
	v29 =	vmul.f32 v47, v46;
	v51 =	vmov v46;
	v61 =	vld.idx.msk [tilespmem:v15+s15+$0x0], $0xffff  }
0x38a: {  	v24 =	vmul.f32 v53, v51;
	v15 =	vld.idx.msk [tilespmem:v15+s16+$0x0], $0xffff;
	v5 =	vadd.f32 v9, v5;
	v9 =	vmul.f32 v49, v14  }
0x38b: {  	v6 =	vadd.f32 v18, v6;
	v26 =	vmul.f32 v50, v46;
	v18 =	vmul.f32 v63, v14;
	v46 =	vld.idx.msk [tilespmem:v21+s3+$0x0], $0xffff  }
0x38c: {  	v37 =	vmul.f32 v37, v45;
	v20 =	vadd.f32 v62, v20;
	v62 =	vadd.f32 v9, v2;
	v9 =	vld [tilespmem:$0x1FA00]  }
0x38d: {  	v14 =	vmul.f32 v31, v14;
	v1 =	vadd.f32 v18, v1;
	v18 =	vadd.f32 v24, v8;
	v8 =	vld [tilespmem:$0x1F9F0]  }
0x38e: {  	v4 =	vadd.f32 v52, v4;
	v50 =	vld.idx.msk [tilespmem:v21+s15+$0x0], $0xffff;
	v2 =	vmul.f32 v55, v37  }
0x38f: {  	v19 =	vadd.f32 v29, v19;
	v21 =	vld.idx.msk [tilespmem:v21+s16+$0x0], $0xffff;
	v14 =	vadd.f32 v14, v0;
	v0 =	vmul.f32 v56, v37  }
0x390: {  	v7 =	vadd.f32 v44, v7;
	v55 =	vld [tilespmem:$0x1FA40];
	v11 =	vadd.f32 v2, v11;
	v2 =	vmul.f32 v58, v37  }
0x391: {  	v56 =	vld.idx.msk [tilespmem:v32+s3+$0x0], $0xffff;
	v49 =	vadd.f32 v0, v3;
	v0 =	vmul.f32 v23, v37;
	v3 =	vmul.f32 v59, v54  }
0x392: {  	v58 =	vld.idx.msk [tilespmem:v32+s14+$0x0], $0xffff;
	v20 =	vadd.f32 v2, v20;
	v2 =	vmul.f32 v60, v54;
	v63 =	vmul.f32 v8, v9  }
0x393: {  	v51 =	vadd.f32 v0, v7;
	v52 =	vadd.f32 v3, v30;
	v0 =	vmul.f32 v61, v54;
	v8 =	vld [tilespmem:$0x1FA10]  }
0x394: {  	v59 =	vld [tilespmem:$0x1FA60];
	v7 =	vadd.f32 v63, v19;
	v19 =	vadd.f32 v2, v4  }
0x395: {  	v3 =	vld.idx.msk [tilespmem:v33+s3+$0x0], $0xffff;
	v2 =	vmul.f32 v15, v54;
	v15 =	vadd.f32 v0, v17;
	v0 =	vmul.f32 v46, v22  }
0x396: {  	v54 =	vld [tilespmem:$0x1FA30]  }
0x397: {  	v42 =	vmul.f32 v57, v28;
	v57 =	vadd.f32 v0, v5;
	v5 =	vld [tilespmem:$0x1FA50]  }
0x398: {  	v13 =	vadd.s32 v27, v13;
	v44 =	vmul.f32 v8, v9;
	v8 =	vld [tilespmem:$0x1FA20]  }
0x399: {  	v12 =	vadd.s32 v35, v12;
	v4 =	vld.idx.msk [tilespmem:v33+s14+$0x0], $0xffff;
	v53 =	vadd.f32 v2, v6;
	v2 =	vmul.f32 v48, v22  }
0x39a: {  	v16 =	vmul.f32 v38, v16;
	v10 =	vadd.f32 v26, v10;
	v17 =	vld.idx.msk [tilespmem:v33+s15+$0x0], $0xffff;
	v0 =	vmul.f32 v50, v22  }
0x39b: {  	v6 =	vld.idx.msk [tilespmem:v33+s16+$0x0], $0xffff;
	v61 =	vmul.f32 v3, v42;
	v2 =	vadd.f32 v2, v1;
	v1 =	vmul.f32 v21, v22  }
0x39c: {  	v60 =	vld.idx.msk [tilespmem:v32+s15+$0x0], $0xffff;
	v0 =	vadd.f32 v0, v62;
	v10 =	vadd.f32 v44, v10;
	v27 =	vmul.f32 v54, v55  }
0x39d: {  	v63 =	vld.idx.msk [tilespmem:v13+s15+$0x0], $0xffff;
	v3 =	vadd.f32 v1, v14;
	v5 =	vmul.f32 v5, v55;
	v47 =	vmul.f32 v8, v9  }
0x39e: {  	v62 =	vld.idx.msk [tilespmem:v32+s16+$0x0], $0xffff;
	v4 =	vmul.f32 v4, v42;
	v1 =	vadd.f32 v61, v11;
	v7 =	vadd.f32 v27, v7  }
0x39f: {  	v21 =	vmul.f32 v59, v55;
	v14 =	vld.idx.msk [tilespmem:v13+s3+$0x0], $0xffff;
	v10 =	vadd.f32 v5, v10;
	v18 =	vadd.f32 v47, v18  }
0x3a0: {  	v4 =	vadd.f32 v4, v49;
	v6 =	vmul.f32 v6, v42;
	v5 =	vmul.f32 v17, v42;
	v17 =	vld.idx.msk [tilespmem:v13+s14+$0x0], $0xffff  }
0x3a1: {  	s30 =	sadd.s32 $0x40, s30;
	[tilespmem:s29+$0xFFFFF030] =	vst v10;
	v10 =	vmul.f32 v58, v16;
	v11 =	vadd.f32 v21, v18;
	v18 =	vmul.f32 v56, v16  }
0x3a2: {  	p1 =	slt.u32 s30, $0xFC0;
	v9 =	vmul.f32 v39, v41;
	v8 =	vmul.f32 v45, v28;
	[tilespmem:s29+$0xFFFFE030] =	vst v7;
	v6 =	vadd.f32 v6, v51  }
.Ltmp4:
0x3a3: {  	v7 =	vld.idx.msk [tilespmem:v13+s16+$0x0], $0xffff;
	v19 =	vadd.f32 v10, v19;
	v13 =	vadd.f32 v18, v52;
	v18 =	vmul.f32 v60, v16;
	(pc) =	sbr.rel @p1 .LBB2_5-.Ltmp4, $4  }
0x3a4: {  	v5 =	vadd.f32 v5, v20;
	v10 =	vld.idx.msk [tilespmem:v12+s14+$0x0], $0xffff;
	[tilespmem:s29+$0x30] =	vst v11;
	v16 =	vmul.f32 v62, v16  }
0x3a5: {  	v14 =	vmul.f32 v14, v9;
	v11 =	vld.idx.msk [tilespmem:v12+s3+$0x0], $0xffff;
	[tilespmem:s29+$0xFFFFF000] =	vst v19;
	v18 =	vadd.f32 v18, v15  }
0x3a6: {  	v17 =	vmul.f32 v17, v9;
	[tilespmem:s29+$0xFFFFE000] =	vst v13;
	v13 =	vld.idx.msk [tilespmem:v12+s15+$0x0], $0xffff;
	v15 =	vadd.f32 v16, v53  }
0x3a7: {  	s0 =	sand.u32 $0xFC0, s30;
	s31 =	sadd.s32 $0x40, s31;
	v12 =	vld.idx.msk [tilespmem:v12+s16+$0x0], $0xffff;
	v16 =	vadd.f32 v14, v57;
	v14 =	vmul.f32 v63, v9;
	[tilespmem:s29+$0x0] =	vst v18  }
0x3a8: {  	[tilespmem:s0+$0x1D000] =	vst v15;
	v2 =	vadd.f32 v17, v2;
	v7 =	vmul.f32 v7, v9  }
0x3a9: {  	v0 =	vadd.f32 v14, v0;
	[tilespmem:s29+$0xFFFFE010] =	vst v16;
	v59 =	vmul.f32 v10, v8  }
0x3aa: {  	v58 =	vmul.f32 v11, v8;
	v3 =	vadd.f32 v7, v3;
	[tilespmem:s29+$0xFFFFF010] =	vst v2  }
0x3ab: {  	s28 =	sadd.s32 $0x1, s28;
	[tilespmem:s29+$0x10] =	vst v0;
	v61 =	vmul.f32 v13, v8;
	v2 =	vadd.f32 v59, v4  }
0x3ac: {  	p1 =	seq.s32 s28, $0x20;
	v60 =	vadd.f32 v58, v1;
	[tilespmem:s29+$0x1010] =	vst v3;
	v62 =	vmul.f32 v12, v8  }
.Ltmp5:
0x3ad: {  	s31 =	sshll.u32 s26, $0x12;
	v1 =	vadd.f32 v61, v5;
	[tilespmem:s29+$0xFFFFF020] =	vst v2;
	(pc) =	sbr.rel @!p1 .LBB2_2-.Ltmp5, $4  }
.Ltmp6:
0x3ae: {  	s0 =	sor.u32 s11, s31;
	[tilespmem:s29+$0xFFFFE020] =	vst v60;
	v63 =	vadd.f32 v62, v6;
	(pc) =	sbr.rel @p1 .LBB2_12-.Ltmp6, $4  }
0x3af: {  	s0 =	sshrl.u32 s0, $0x3;
	[tilespmem:s29+$0x20] =	vst v1  }
0x3b0: {  	s0 =	sadd.s32 s4, s0;
	[tilespmem:s29+$0x1020] =	vst v63  }
0x3b1: {  	[hbm4b:s0+s3] =	stream.linear.scatter [tilespmem:s22], [sflag:$0x4], $0x4000, $0x38;
	[tilespmem:$0x1E000] =	vst v63  }
0x3b2: {  	_ = 	snop  }
.LBB2_7:
0x3b3: {  	s0 =	sshll.u32 s26, $0x1  }
0x3b4: {  	s28 =	sor.u32 s9, s0  }
0x3b5: {  	s0 =	smul.u32 $0x3000, s28;
	_ =	sdelay $0x1  }
0x3b6: {  	_ =	swait.ge [sflag:s18], $0x3000;
	s0 =	sshrl.u32 s0, $0x3  }
0x3b7: {  	[sflag:s18] =	ssyncset.done $0x0;
	s0 =	sadd.s32 s1, s0  }
0x3b8: {  	p1 =	seq.s32 s26, $0x0;
	[sflag:s18] =	ssyncadd.s32 $0xFFFFD000;
	s0 =	sadd.s32 $0x600, s0  }
0x3b9: {  	[tilespmem:s19], [sflag:$0x2] =	stream.linear.gather [hbm4b:s0+s3], $0x3000, $0x38;
	[tilespmem:$0x1E000] =	vst v63  }
0x3ba: {  	s0 =	simm.s32 @!p1 $0x3  }
0x3bb: {  	_ =	swait.ge @!p1 [sflag:s0], $0x4000  }
0x3bc: {  	[sflag:s0] =	ssyncset.done @!p1 $0x0  }
0x3bd: {  	v13 =	vld [tilespmem:$0x1FFC0];
	[sflag:s0] =	ssyncadd.s32 @!p1 $0xFFFFC000;
	s0 =	simm.s32 $0x11020  }
0x3be: {  	v0 =	vld [tilespmem:s0+$0x10]  }
0x3bf: {  	v1 =	vld [tilespmem:s0+$0x1010]  }
0x3c0: {  	v2 =	vld [tilespmem:s0+$0xFFFFF010]  }
0x3c1: {  	v3 =	vld [tilespmem:s0+$0xFE0]  }
0x3c2: {  	v10 =	vld [tilespmem:s0+$0x0]  }
0x3c3: {  	v11 =	vld [tilespmem:s0+$0xFFFFEFE0]  }
0x3c4: {  	v15 =	vld [tilespmem:s0+$0xFFFFEFF0]  }
0x3c5: {  	v17 =	vld [tilespmem:s0+$0xFFFFF000]  }
0x3c6: {  	v7 =	vmul.f32 v0, v13  }
0x3c7: {  	v8 =	vmul.f32 v1, v13;
	v9 =	vmul.f32 v2, v13  }
0x3c8: {  	v4 =	vld [tilespmem:s0+$0xFF0];
	v49 =	vmul.f32 v3, v13;
	v3 =	vmul.f32 v10, v13  }
0x3c9: {  	v5 =	vld [tilespmem:s0+$0x1000];
	v20 =	vmul.f32 v11, v13;
	v22 =	vmul.f32 v15, v13  }
0x3ca: {  	v6 =	vld [tilespmem:s0+$0xFFFFFFE0];
	v15 =	vmul.f32 v17, v13;
	v1 =	vtrunc.f32 v7  }
0x3cb: {  	v0 =	vld [tilespmem:s0+$0xFFFFFFF0];
	v2 =	vtrunc.f32 v8;
	v10 =	vtrunc.f32 v49  }
0x3cc: {  	v12 =	vcvt.f32.s32 v1;
	v16 =	vcvt.f32.s32 v2  }
0x3cd: {  	v1 =	vtrunc.f32 v9;
	v2 =	vmul.f32 v4, v13  }
0x3ce: {  	v18 =	vcvt.f32.s32 v1;
	v1 =	vmul.f32 v5, v13  }
0x3cf: {  	v5 =	vmul.f32 v6, v13;
	v19 =	vmul.u32 $0x9E3779B1, v12;
	v4 =	vmul.u32 $0x30025795, v16  }
0x3d0: {  	v14 =	vmul.f32 v0, v13;
	v17 =	vtrunc.f32 v2  }
0x3d1: {  	v6 =	vadd.s32 $0x1, v18;
	v24 =	vcvt.f32.s32 v17;
	v0 =	vxor.u32 v19, v4  }
0x3d2: {  	v17 =	vadd.s32 $0x9E3779B1, v19;
	v11 =	vxor.u32 v6, v0;
	v0 =	vxor.u32 v18, v0  }
0x3d3: {  	v21 =	vand.u32 $0x3FFF, v11;
	v25 =	vand.u32 $0x3FFF, v0;
	v0 =	vadd.s32 $0x30025795, v4  }
0x3d4: {  	v23 =	vcvt.f32.s32 v10;
	v12 =	vcvt.s32.f32 v12;
	v29 =	vxor.u32 v17, v0  }
0x3d5: {  	v10 =	vtrunc.f32 v5;
	v19 =	vxor.u32 v19, v0;
	v0 =	vxor.u32 v6, v29  }
0x3d6: {  	v11 =	vtrunc.f32 v1;
	v4 =	vxor.u32 v4, v17;
	v0 =	vand.u32 $0x3FFF, v0  }
0x3d7: {  	v27 =	vcvt.f32.s32 v11;
	v11 =	vtrunc.f32 v14;
	v31 =	vxor.u32 v18, v19;
	[tilespmem:$0x1F7B0] =	vst v0  }
0x3d8: {  	v17 =	vcvt.s32.f32 v18;
	v35 =	vcvt.f32.s32 v11;
	v37 =	vand.u32 $0x3FFF, v31;
	v11 =	vld.idx.msk [tilespmem:v21+s3+$0x0], $0xffff  }
0x3d9: {  	v16 =	vcvt.s32.f32 v16;
	v34 =	vcvt.f32.s32 v10  }
0x3da: {  	v7 =	vsub.f32 v7, v12;
	v10 =	vxor.u32 v18, v4;
	v9 =	vsub.f32 v9, v17  }
0x3db: {  	v36 =	vsub.f32 v8, v16;
	v31 =	vand.u32 $0x3FFF, v10;
	v10 =	vxor.u32 v18, v29  }
0x3dc: {  	v12 =	vsub.f32 $1.000000000e+00, v7;
	v29 =	vand.u32 $0x3FFF, v10;
	v8 =	vld.idx.msk [tilespmem:v25+s16+$0x0], $0xffff;
	v10 =	vsub.f32 $1.000000000e+00, v9  }
0x3dd: {  	v38 =	vld.idx.msk [tilespmem:v37+s16+$0x0], $0xffff;
	[tilespmem:$0x1F790] =	vst v11  }
0x3de: {  	v62 =	vmul.f32 v7, v10;
	v11 =	vmul.f32 v12, v10;
	v10 =	vld.idx.msk [tilespmem:v21+s14+$0x0], $0xffff;
	_ =	sdelay $0x2  }
0x3df: {  	v39 =	vsub.f32 $1.000000000e+00, v36  }
0x3e0: {  	v4 =	vxor.u32 v6, v4;
	v6 =	vxor.u32 v6, v19  }
0x3e1: {  	v41 =	vld.idx.msk [tilespmem:v31+s16+$0x0], $0xffff;
	v45 =	vmul.f32 v39, v11;
	[tilespmem:$0x1F7A0] =	vst v10;
	v10 =	vmul.f32 v11, v36;
	v11 =	vand.u32 $0x3FFF, v6  }
0x3e2: {  	[tilespmem:$0x1F7D0] =	vst v11  }
0x3e3: {  	v13 =	vld.idx.msk [tilespmem:v21+s15+$0x0], $0xffff;
	_ =	sdelay $0x4  }
0x3e4: {  	v6 =	vld.idx.msk [tilespmem:v29+s16+$0x0], $0xffff;
	[tilespmem:$0x1F7C0] =	vst v13  }
0x3e5: {  	v13 =	vld.idx.msk [tilespmem:v25+s3+$0x0], $0xffff;
	_ =	sdelay $0x4  }
0x3e6: {  	v21 =	vld.idx.msk [tilespmem:v21+s16+$0x0], $0xffff;
	[tilespmem:$0x1F6F0] =	vst v13  }
0x3e7: {  	v13 =	vld.idx.msk [tilespmem:v25+s14+$0x0], $0xffff;
	_ =	sdelay $0x4  }
0x3e8: {  	[tilespmem:$0x1F700] =	vst v13  }
0x3e9: {  	v26 =	vtrunc.f32 v20;
	v33 =	vtrunc.f32 v15;
	v63 =	vld.idx.msk [tilespmem:v11+s16+$0x0], $0xffff  }
0x3ea: {  	v32 =	vcvt.f32.s32 v26;
	v42 =	vmul.u32 $0x30025795, v23;
	v40 =	vmul.f32 v39, v62;
	v11 =	vld.idx.msk [tilespmem:v25+s15+$0x0], $0xffff  }
0x3eb: {  	v4 =	vand.u32 $0x3FFF, v4;
	v8 =	vmul.f32 v45, v8;
	v19 =	vmul.f32 v38, v10  }
0x3ec: {  	v26 =	vcvt.f32.s32 v33;
	v44 =	vadd.s32 $0x30025795, v42;
	v12 =	vmul.f32 v12, v9  }
0x3ed: {  	v33 =	vmul.f32 v36, v62;
	v8 =	vadd.f32 v19, v8;
	v19 =	vmul.f32 v41, v40  }
0x3ee: {  	v56 =	vmul.f32 v7, v9;
	v50 =	vmul.f32 v39, v12;
	v38 =	vmul.u32 $0x9E3779B1, v34  }
0x3ef: {  	v7 =	vmul.f32 v12, v36;
	v8 =	vadd.f32 v19, v8;
	v6 =	vmul.f32 v6, v33;
	[tilespmem:$0x1F710] =	vst v11  }
0x3f0: {  	v9 =	vxor.u32 v38, v44;
	v54 =	vld.idx.msk [tilespmem:v4+s16+$0x0], $0xffff  }
0x3f1: {  	v6 =	vadd.f32 v6, v8;
	v8 =	vmul.f32 v21, v50;
	v21 =	vld.idx.msk [tilespmem:v0+s16+$0x0], $0xffff;
	[tilespmem:$0x1F7F0] =	vst v7  }
0x3f2: {  	[tilespmem:$0x1F720] =	vst v9  }
0x3f3: {  	v0 =	vld.idx.msk [tilespmem:v4+s3+$0x0], $0xffff;
	_ =	sdelay $0x4  }
0x3f4: {  	[tilespmem:$0x1F800] =	vst v0  }
0x3f5: {  	v0 =	vld.idx.msk [tilespmem:v4+s14+$0x0], $0xffff;
	_ =	sdelay $0x1  }
0x3f6: {  	v41 =	vmul.f32 v63, v7;
	v7 =	vmul.f32 v39, v56;
	_ =	sdelay $0x1  }
0x3f7: {  	v28 =	vtrunc.f32 v3;
	[tilespmem:$0x1F810] =	vst v7  }
0x3f8: {  	v30 =	vtrunc.f32 v22;
	v28 =	vcvt.f32.s32 v28;
	[tilespmem:$0x1F820] =	vst v0  }
0x3f9: {  	v30 =	vcvt.f32.s32 v30;
	v0 =	vld.idx.msk [tilespmem:v4+s15+$0x0], $0xffff  }
0x3fa: {  	v52 =	vmul.u32 $0x9E3779B1, v28;
	v46 =	vmul.u32 $0x30025795, v24;
	v48 =	vmul.u32 $0x30025795, v27  }
0x3fb: {  	v43 =	vcvt.s32.f32 v32;
	v53 =	vcvt.s32.f32 v30;
	v58 =	vadd.f32 v8, v6  }
0x3fc: {  	v55 =	vadd.s32 $0x30025795, v46;
	v47 =	vmul.u32 $0x9E3779B1, v35;
	v60 =	vadd.s32 $0x30025795, v48  }
0x3fd: {  	v6 =	vxor.u32 v32, v9;
	v58 =	vadd.f32 v41, v58;
	v54 =	vmul.f32 v54, v7  }
0x3fe: {  	v39 =	vand.u32 $0x3FFF, v6;
	v4 =	vxor.u32 v47, v55;
	[tilespmem:$0x1F830] =	vst v0;
	v0 =	vmul.f32 v36, v56  }
0x3ff: {  	v6 =	vxor.u32 v52, v60;
	v54 =	vadd.f32 v54, v58;
	[tilespmem:$0x1F730] =	vst v4;
	v62 =	vxor.u32 v30, v4  }
0x400: {  	v25 =	vcvt.s32.f32 v34;
	v4 =	vsub.f32 v20, v43;
	v61 =	vld.idx.msk [tilespmem:v37+s3+$0x0], $0xffff;
	[tilespmem:$0x1F850] =	vst v0;
	v34 =	vmul.f32 v21, v0  }
0x401: {  	v7 =	vsub.f32 v22, v53;
	v56 =	vld.idx.msk [tilespmem:v37+s14+$0x0], $0xffff;
	[tilespmem:$0x1F740] =	vst v6  }
0x402: {  	v16 =	vsub.f32 v5, v25;
	v58 =	vld.idx.msk [tilespmem:v37+s15+$0x0], $0xffff;
	[tilespmem:$0x1F750] =	vst v4;
	v0 =	vadd.f32 v34, v54  }
0x403: {  	v57 =	vcvt.s32.f32 v35;
	v62 =	vand.u32 $0x3FFF, v62;
	v63 =	vld.idx.msk [tilespmem:v39+s3+$0x0], $0xffff;
	[tilespmem:$0x1F770] =	vst v7  }
0x404: {  	v59 =	vcvt.s32.f32 v26;
	v28 =	vcvt.s32.f32 v28;
	v53 =	vld.idx.msk [tilespmem:v39+s14+$0x0], $0xffff;
	[tilespmem:$0x1F840] =	vst v0;
	v0 =	vsub.f32 $1.000000000e+00, v16  }
0x405: {  	v24 =	vcvt.s32.f32 v24;
	v35 =	vcvt.s32.f32 v23;
	v51 =	vsub.f32 v14, v57;
	v54 =	vld.idx.msk [tilespmem:v39+s15+$0x0], $0xffff;
	[tilespmem:$0x1F7E0] =	vst v16  }
0x406: {  	v41 =	vxor.u32 v38, v42;
	v14 =	vxor.u32 v26, v6;
	v38 =	vadd.s32 $0x9E3779B1, v38;
	[tilespmem:$0x1F760] =	vst v0  }
0x407: {  	v57 =	vand.u32 $0x3FFF, v14;
	v14 =	vcvt.s32.f32 v27;
	v17 =	vsub.f32 $1.000000000e+00, v4;
	v39 =	vld.idx.msk [tilespmem:v39+s16+$0x0], $0xffff  }
0x408: {  	v25 =	vxor.u32 v32, v41;
	v42 =	vxor.u32 v42, v38;
	v36 =	vsub.f32 v3, v28;
	v6 =	vld.idx.msk [tilespmem:v62+s3+$0x0], $0xffff  }
0x409: {  	v37 =	vsub.f32 v15, v59;
	v59 =	vmul.f32 v0, v17;
	v0 =	vsub.f32 $1.000000000e+00, v51;
	v5 =	vld.idx.msk [tilespmem:v62+s14+$0x0], $0xffff  }
0x40a: {  	v28 =	vand.u32 $0x3FFF, v25;
	v25 =	vxor.u32 v52, v48;
	v34 =	vsub.f32 v49, v35;
	v15 =	vld.idx.msk [tilespmem:v62+s15+$0x0], $0xffff  }
0x40b: {  	v19 =	vsub.f32 $1.000000000e+00, v7;
	v35 =	vsub.f32 v2, v24;
	v49 =	vxor.u32 v38, v44;
	v24 =	vld.idx.msk [tilespmem:v62+s16+$0x0], $0xffff;
	[tilespmem:$0x1F780] =	vst v0  }
0x40c: {  	v44 =	vxor.u32 v47, v46;
	v20 =	vsub.f32 $1.000000000e+00, v37;
	v43 =	vmul.f32 v59, v34;
	v38 =	vld.idx.msk [tilespmem:v57+s3+$0x0], $0xffff  }
0x40d: {  	v62 =	vsub.f32 v1, v14;
	v3 =	vmul.f32 v0, v19;
	v0 =	vxor.u32 v30, v44;
	v4 =	vld.idx.msk [tilespmem:v57+s14+$0x0], $0xffff  }
0x40e: {  	v2 =	vld.idx.msk [tilespmem:v57+s15+$0x0], $0xffff;
	v13 =	vmul.f32 v43, v63;
	v63 =	vsub.f32 $1.000000000e+00, v36;
	v53 =	vmul.f32 v53, v43  }
0x40f: {  	v1 =	vand.u32 $0x3FFF, v0;
	v57 =	vld.idx.msk [tilespmem:v57+s16+$0x0], $0xffff;
	v0 =	vmul.f32 v3, v35;
	v54 =	vmul.f32 v54, v43  }
0x410: {  	v47 =	vadd.s32 $0x9E3779B1, v47;
	v7 =	vld.idx.msk [tilespmem:v28+s3+$0x0], $0xffff;
	v9 =	vmul.f32 v63, v20;
	v43 =	vmul.f32 v39, v43  }
0x411: {  	v46 =	vxor.u32 v46, v47;
	v8 =	vld.idx.msk [tilespmem:v28+s15+$0x0], $0xffff;
	v14 =	vmul.f32 v0, v6;
	v11 =	vmul.f32 v5, v0  }
0x412: {  	v47 =	vxor.u32 v47, v55;
	v39 =	vld.idx.msk [tilespmem:v28+s14+$0x0], $0xffff;
	v12 =	vmul.f32 v15, v0;
	v55 =	vmul.f32 v9, v62  }
0x413: {  	v24 =	vmul.f32 v24, v0;
	v5 =	vld.idx.msk [tilespmem:v28+s16+$0x0], $0xffff;
	v28 =	vadd.s32 $0x9E3779B1, v52;
	v0 =	vxor.u32 v26, v25  }
0x414: {  	v0 =	vand.u32 $0x3FFF, v0;
	v52 =	vmul.f32 v55, v38;
	v38 =	vsub.f32 $1.000000000e+00, v34  }
0x415: {  	v6 =	vld.idx.msk [tilespmem:v1+s3+$0x0], $0xffff  }
0x416: {  	v15 =	vmul.f32 v4, v55;
	v4 =	vld.idx.msk [tilespmem:v1+s14+$0x0], $0xffff;
	v59 =	vmul.f32 v38, v59  }
0x417: {  	v18 =	vmul.f32 v2, v55;
	v57 =	vmul.f32 v57, v55;
	v55 =	vxor.u32 v48, v28;
	v48 =	vld.idx.msk [tilespmem:v1+s15+$0x0], $0xffff  }
0x418: {  	v2 =	vld.idx.msk [tilespmem:v1+s16+$0x0], $0xffff;
	v7 =	vmul.f32 v59, v7;
	v39 =	vmul.f32 v59, v39  }
0x419: {  	v8 =	vmul.f32 v59, v8;
	v5 =	vmul.f32 v59, v5;
	v59 =	vld.idx.msk [tilespmem:v0+s16+$0x0], $0xffff  }
0x41a: {  	v23 =	vadd.f32 v53, v39;
	v39 =	vld.idx.msk [tilespmem:v0+s3+$0x0], $0xffff  }
0x41b: {  	v53 =	vld.idx.msk [tilespmem:v0+s14+$0x0], $0xffff  }
0x41c: {  	v60 =	vxor.u32 v28, v60;
	v28 =	vsub.f32 $1.000000000e+00, v35;
	v21 =	vadd.f32 v54, v8;
	v54 =	vld.idx.msk [tilespmem:v0+s15+$0x0], $0xffff  }
0x41d: {  	v61 =	vmul.f32 v10, v61;
	v0 =	vld [tilespmem:$0x1F6F0]  }
0x41e: {  	v56 =	vmul.f32 v56, v10;
	v3 =	vmul.f32 v28, v3  }
0x41f: {  	v22 =	vmul.f32 v58, v10;
	v27 =	vsub.f32 $1.000000000e+00, v62;
	v1 =	vxor.u32 v32, v42  }
0x420: {  	v1 =	vand.u32 $0x3FFF, v1;
	v6 =	vmul.f32 v3, v6;
	v4 =	vmul.f32 v3, v4  }
0x421: {  	v58 =	vld.idx.msk [tilespmem:v31+s3+$0x0], $0xffff;
	v48 =	vmul.f32 v3, v48;
	v2 =	vmul.f32 v3, v2;
	v3 =	vxor.u32 v30, v46  }
0x422: {  	v13 =	vadd.f32 v13, v7;
	v3 =	vand.u32 $0x3FFF, v3;
	v7 =	vmul.f32 v45, v0;
	v0 =	vld [tilespmem:$0x1F700]  }
0x423: {  	v10 =	vld.idx.msk [tilespmem:v31+s14+$0x0], $0xffff;
	v6 =	vadd.f32 v14, v6;
	v14 =	vmul.f32 v16, v17;
	v16 =	vxor.u32 v26, v55  }
0x424: {  	v31 =	vld.idx.msk [tilespmem:v31+s15+$0x0], $0xffff;
	v16 =	vand.u32 $0x3FFF, v16  }
0x425: {  	v9 =	vmul.f32 v27, v9;
	v8 =	vadd.f32 v11, v4;
	v11 =	vld.idx.msk [tilespmem:v1+s14+$0x0], $0xffff  }
0x426: {  	v12 =	vadd.f32 v12, v48;
	v48 =	vld.idx.msk [tilespmem:v1+s15+$0x0], $0xffff  }
0x427: {  	v5 =	vadd.f32 v43, v5;
	v39 =	vmul.f32 v9, v39;
	v43 =	vmul.f32 v45, v0;
	v0 =	vld [tilespmem:$0x1F710]  }
0x428: {  	v4 =	vadd.f32 v24, v2;
	v53 =	vmul.f32 v9, v53;
	v24 =	vmul.f32 v9, v54;
	v54 =	vld.idx.msk [tilespmem:v3+s3+$0x0], $0xffff  }
0x429: {  	v9 =	vmul.f32 v9, v59;
	v59 =	vld.idx.msk [tilespmem:v16+s3+$0x0], $0xffff  }
0x42a: {  	v39 =	vadd.f32 v52, v39;
	v15 =	vadd.f32 v15, v53;
	v52 =	vmul.f32 v38, v14;
	v53 =	vld.idx.msk [tilespmem:v3+s14+$0x0], $0xffff  }
0x42b: {  	v18 =	vadd.f32 v18, v24;
	v9 =	vadd.f32 v57, v9;
	v24 =	vxor.u32 v32, v49;
	v57 =	vld.idx.msk [tilespmem:v3+s15+$0x0], $0xffff  }
0x42c: {  	v24 =	vand.u32 $0x3FFF, v24;
	v45 =	vmul.f32 v45, v0;
	v0 =	vld.idx.msk [tilespmem:v1+s3+$0x0], $0xffff  }
0x42d: {  	v17 =	vmul.f32 v51, v19;
	v11 =	vmul.f32 v11, v52;
	v1 =	vld.idx.msk [tilespmem:v1+s16+$0x0], $0xffff  }
0x42e: {  	v3 =	vld.idx.msk [tilespmem:v3+s16+$0x0], $0xffff;
	v48 =	vmul.f32 v48, v52  }
0x42f: {  	v7 =	vadd.f32 v61, v7;
	v61 =	vmul.f32 v28, v17;
	v11 =	vadd.f32 v11, v23;
	v23 =	vld [tilespmem:$0x1F730]  }
0x430: {  	v19 =	vmul.f32 v36, v20;
	v20 =	vadd.f32 v48, v21;
	v43 =	vadd.f32 v56, v43;
	v56 =	vld.idx.msk [tilespmem:v16+s14+$0x0], $0xffff  }
0x431: {  	v21 =	vld.idx.msk [tilespmem:v24+s15+$0x0], $0xffff;
	v22 =	vadd.f32 v22, v45;
	v45 =	vmul.f32 v54, v61;
	v0 =	vmul.f32 v0, v52  }
0x432: {  	v54 =	vld.idx.msk [tilespmem:v24+s3+$0x0], $0xffff;
	v2 =	vmul.f32 v1, v52;
	v52 =	vmul.f32 v58, v40;
	v58 =	vxor.u32 v30, v47  }
0x433: {  	v10 =	vmul.f32 v10, v40;
	v31 =	vmul.f32 v31, v40;
	v1 =	vld.idx.msk [tilespmem:v16+s15+$0x0], $0xffff;
	v40 =	vand.u32 $0x3FFF, v58  }
0x434: {  	v16 =	vld.idx.msk [tilespmem:v16+s16+$0x0], $0xffff  }
0x435: {  	v58 =	vld.idx.msk [tilespmem:v24+s14+$0x0], $0xffff;
	v0 =	vadd.f32 v0, v13;
	v13 =	vmul.f32 v57, v61;
	v57 =	vmul.f32 v27, v19  }
0x436: {  	v3 =	vmul.f32 v3, v61;
	v24 =	vld.idx.msk [tilespmem:v24+s16+$0x0], $0xffff  }
0x437: {  	v2 =	vadd.f32 v2, v5;
	v5 =	vmul.f32 v59, v57;
	v59 =	vmul.f32 v56, v57;
	v56 =	vld.idx.msk [tilespmem:v29+s3+$0x0], $0xffff  }
0x438: {  	v53 =	vmul.f32 v53, v61;
	v6 =	vadd.f32 v45, v6;
	v45 =	vld.idx.msk [tilespmem:v40+s3+$0x0], $0xffff  }
0x439: {  	v4 =	vadd.f32 v3, v4;
	v12 =	vadd.f32 v13, v12;
	v13 =	vxor.u32 v26, v60;
	v61 =	vld.idx.msk [tilespmem:v40+s14+$0x0], $0xffff  }
0x43a: {  	v10 =	vadd.f32 v10, v43;
	v1 =	vmul.f32 v1, v57;
	v3 =	vand.u32 $0x3FFF, v13;
	v13 =	vld.idx.msk [tilespmem:v40+s15+$0x0], $0xffff  }
0x43b: {  	v22 =	vadd.f32 v31, v22;
	v15 =	vadd.f32 v59, v15;
	v59 =	vld.idx.msk [tilespmem:v29+s14+$0x0], $0xffff  }
0x43c: {  	v16 =	vmul.f32 v16, v57;
	v29 =	vld.idx.msk [tilespmem:v29+s15+$0x0], $0xffff;
	v18 =	vadd.f32 v1, v18;
	v1 =	vmul.f32 v34, v14  }
0x43d: {  	v17 =	vmul.f32 v35, v17;
	v7 =	vadd.f32 v52, v7;
	v5 =	vadd.f32 v5, v39;
	v14 =	vld.idx.msk [tilespmem:v40+s16+$0x0], $0xffff  }
0x43e: {  	v9 =	vadd.f32 v16, v9;
	v16 =	vadd.s32 $0x1, v32;
	v48 =	vmul.f32 v58, v1;
	v58 =	vld [tilespmem:$0x1F750]  }
0x43f: {  	v57 =	vxor.u32 v16, v41;
	v40 =	vmul.f32 v54, v1;
	v21 =	vmul.f32 v21, v1;
	v31 =	vld.idx.msk [tilespmem:v3+s3+$0x0], $0xffff  }
0x440: {  	v39 =	vand.u32 $0x3FFF, v57;
	v24 =	vmul.f32 v24, v1;
	v32 =	vmul.f32 v56, v33;
	v52 =	vld.idx.msk [tilespmem:v3+s16+$0x0], $0xffff  }
0x441: {  	v1 =	vadd.s32 $0x1, v30;
	v30 =	vmul.f32 v45, v17;
	v43 =	vmul.f32 v61, v17;
	v45 =	vld.idx.msk [tilespmem:v3+s14+$0x0], $0xffff  }
0x442: {  	v13 =	vmul.f32 v13, v17;
	v14 =	vmul.f32 v14, v17;
	v17 =	vxor.u32 v1, v44;
	v44 =	vld.idx.msk [tilespmem:v3+s15+$0x0], $0xffff  }
0x443: {  	v3 =	vld [tilespmem:$0x1F720]  }
0x444: {  	v7 =	vadd.f32 v32, v7;
	v32 =	vmul.f32 v63, v37;
	v63 =	vld [tilespmem:$0x1F7C0]  }
0x445: {  	v54 =	vld.idx.msk [tilespmem:v39+s3+$0x0], $0xffff  }
0x446: {  	v8 =	vadd.f32 v53, v8;
	v42 =	vxor.u32 v16, v42;
	v61 =	vadd.s32 $0x1, v26;
	v56 =	vld.idx.msk [tilespmem:v39+s15+$0x0], $0xffff  }
0x447: {  	v17 =	vand.u32 $0x3FFF, v17;
	v12 =	vadd.f32 v13, v12;
	v13 =	vadd.f32 v14, v4;
	v4 =	vld [tilespmem:$0x1F780]  }
0x448: {  	v53 =	vxor.u32 v16, v3;
	v3 =	vxor.u32 v16, v49;
	v16 =	vxor.u32 v61, v25;
	v25 =	vld.idx.msk [tilespmem:v39+s14+$0x0], $0xffff  }
0x449: {  	v46 =	vxor.u32 v1, v46;
	v26 =	vxor.u32 v1, v47;
	v49 =	vxor.u32 v1, v23;
	v1 =	vld [tilespmem:$0x1F740]  }
0x44a: {  	v39 =	vld.idx.msk [tilespmem:v39+s16+$0x0], $0xffff  }
0x44b: {  	v23 =	vld [tilespmem:$0x1F760]  }
0x44c: {  	v41 =	vmul.f32 v59, v33;
	v29 =	vmul.f32 v29, v33;
	v16 =	vand.u32 $0x3FFF, v16;
	v33 =	vld.idx.msk [tilespmem:v17+s3+$0x0], $0xffff  }
0x44d: {  	v20 =	vadd.f32 v21, v20;
	v21 =	vadd.f32 v24, v2;
	v55 =	vxor.u32 v61, v55;
	v57 =	vld.idx.msk [tilespmem:v17+s15+$0x0], $0xffff  }
0x44e: {  	v2 =	vand.u32 $0x3FFF, v53;
	v47 =	vxor.u32 v61, v1;
	v1 =	vxor.u32 v61, v60;
	v61 =	vld.idx.msk [tilespmem:v17+s14+$0x0], $0xffff  }
0x44f: {  	v17 =	vld.idx.msk [tilespmem:v17+s16+$0x0], $0xffff  }
0x450: {  	v19 =	vmul.f32 v62, v19;
	v11 =	vadd.f32 v48, v11;
	v48 =	vmul.f32 v23, v58;
	v23 =	vld [tilespmem:$0x1F770]  }
0x451: {  	v6 =	vadd.f32 v30, v6;
	v30 =	vld.idx.msk [tilespmem:v16+s3+$0x0], $0xffff  }
0x452: {  	v8 =	vadd.f32 v43, v8;
	v31 =	vmul.f32 v31, v19;
	v44 =	vmul.f32 v44, v19;
	v43 =	vld.idx.msk [tilespmem:v16+s14+$0x0], $0xffff  }
0x453: {  	v60 =	vmul.f32 v45, v19;
	v19 =	vmul.f32 v52, v19;
	v45 =	vld.idx.msk [tilespmem:v2+s15+$0x0], $0xffff  }
0x454: {  	v52 =	vld.idx.msk [tilespmem:v2+s16+$0x0], $0xffff;
	v59 =	vmul.f32 v38, v48  }
0x455: {  	v9 =	vadd.f32 v19, v9;
	v19 =	vld.idx.msk [tilespmem:v2+s3+$0x0], $0xffff  }
0x456: {  	v49 =	vand.u32 $0x3FFF, v49;
	v24 =	vmul.f32 v39, v59;
	v39 =	vld.idx.msk [tilespmem:v2+s14+$0x0], $0xffff  }
0x457: {  	v0 =	vadd.f32 v40, v0;
	v2 =	vld [tilespmem:$0x1F790];
	v14 =	vmul.f32 v4, v23  }
0x458: {  	v10 =	vadd.f32 v41, v10;
	v5 =	vadd.f32 v31, v5;
	v31 =	vld.idx.msk [tilespmem:v16+s15+$0x0], $0xffff;
	v48 =	vmul.f32 v48, v34  }
0x459: {  	v16 =	vld.idx.msk [tilespmem:v16+s16+$0x0], $0xffff;
	v15 =	vadd.f32 v60, v15;
	v25 =	vmul.f32 v25, v59;
	v60 =	vmul.f32 v28, v14  }
0x45a: {  	v22 =	vadd.f32 v29, v22;
	v40 =	vmul.f32 v56, v59;
	v56 =	vld [tilespmem:$0x1F7B0];
	v4 =	vmul.f32 v54, v59  }
0x45b: {  	v11 =	vadd.f32 v25, v11;
	v21 =	vadd.f32 v24, v21;
	v24 =	vld.idx.msk [tilespmem:v49+s3+$0x0], $0xffff;
	v33 =	vmul.f32 v33, v60  }
0x45c: {  	v25 =	vand.u32 $0x3FFF, v42;
	v41 =	vmul.f32 v61, v60;
	v29 =	vmul.f32 v2, v50;
	v2 =	vld [tilespmem:$0x1F7A0]  }
0x45d: {  	v18 =	vadd.f32 v44, v18;
	v44 =	vmul.f32 v57, v60;
	v17 =	vmul.f32 v17, v60;
	v57 =	vld [tilespmem:$0x1F7D0]  }
0x45e: {  	v61 =	vmul.f32 v27, v32;
	v6 =	vadd.f32 v33, v6;
	v33 =	vmul.f32 v36, v37;
	v36 =	vld.idx.msk [tilespmem:v49+s14+$0x0], $0xffff  }
0x45f: {  	v59 =	vmul.f32 v45, v48;
	v19 =	vmul.f32 v19, v48;
	v13 =	vadd.f32 v17, v13;
	v17 =	vld.idx.msk [tilespmem:v49+s15+$0x0], $0xffff  }
0x460: {  	v39 =	vmul.f32 v39, v48;
	v30 =	vmul.f32 v30, v61;
	v49 =	vld.idx.msk [tilespmem:v49+s16+$0x0], $0xffff  }
0x461: {  	v45 =	vand.u32 $0x3FFF, v46;
	v60 =	vmul.f32 v43, v61;
	v31 =	vmul.f32 v31, v61;
	v46 =	vld.idx.msk [tilespmem:v25+s3+$0x0], $0xffff  }
0x462: {  	v16 =	vmul.f32 v16, v61;
	v61 =	vand.u32 $0x3FFF, v47;
	v37 =	vmul.f32 v52, v48;
	v48 =	vld.idx.msk [tilespmem:v25+s14+$0x0], $0xffff  }
0x463: {  	v52 =	vld [tilespmem:$0x1F7F0]  }
0x464: {  	v0 =	vadd.f32 v4, v0;
	v4 =	vld.idx.msk [tilespmem:v56+s14+$0x0], $0xffff  }
0x465: {  	v54 =	vmul.f32 v2, v50;
	v2 =	vld.idx.msk [tilespmem:v56+s3+$0x0], $0xffff  }
0x466: {  	v14 =	vmul.f32 v14, v35;
	v50 =	vmul.f32 v63, v50;
	v63 =	vld [tilespmem:$0x1F7E0]  }
0x467: {  	v9 =	vadd.f32 v16, v9;
	v16 =	vld.idx.msk [tilespmem:v61+s14+$0x0], $0xffff  }
0x468: {  	v24 =	vmul.f32 v24, v14;
	v15 =	vadd.f32 v60, v15;
	v60 =	vld.idx.msk [tilespmem:v61+s15+$0x0], $0xffff;
	v36 =	vmul.f32 v36, v14  }
0x469: {  	v17 =	vmul.f32 v17, v14;
	v14 =	vmul.f32 v49, v14;
	v49 =	vld.idx.msk [tilespmem:v25+s15+$0x0], $0xffff  }
0x46a: {  	v25 =	vld.idx.msk [tilespmem:v25+s16+$0x0], $0xffff  }
0x46b: {  	v12 =	vadd.f32 v44, v12;
	v47 =	vld.idx.msk [tilespmem:v57+s14+$0x0], $0xffff  }
0x46c: {  	v0 =	vadd.f32 v19, v0;
	v19 =	vmul.f32 v32, v62;
	v43 =	vld.idx.msk [tilespmem:v57+s3+$0x0], $0xffff  }
0x46d: {  	v20 =	vadd.f32 v40, v20;
	v12 =	vadd.f32 v17, v12;
	v17 =	vld.idx.msk [tilespmem:v45+s3+$0x0], $0xffff  }
0x46e: {  	v13 =	vadd.f32 v14, v13;
	v14 =	vld.idx.msk [tilespmem:v45+s14+$0x0], $0xffff;
	v53 =	vmul.f32 v63, v58;
	v16 =	vmul.f32 v16, v19  }
0x46f: {  	v10 =	vadd.f32 v54, v10;
	v22 =	vadd.f32 v50, v22;
	v50 =	vand.u32 $0x3FFF, v55;
	v58 =	vld.idx.msk [tilespmem:v61+s3+$0x0], $0xffff  }
0x470: {  	v61 =	vld.idx.msk [tilespmem:v61+s16+$0x0], $0xffff;
	v55 =	vmul.f32 v47, v52;
	v15 =	vadd.f32 v16, v15;
	v16 =	vmul.f32 v38, v53  }
0x471: {  	v3 =	vand.u32 $0x3FFF, v3;
	v20 =	vadd.f32 v59, v20;
	v7 =	vadd.f32 v29, v7;
	v63 =	vld.idx.msk [tilespmem:v57+s15+$0x0], $0xffff  }
0x472: {  	v57 =	vld.idx.msk [tilespmem:v45+s15+$0x0], $0xffff;
	v29 =	vmul.f32 v60, v19;
	v60 =	vadd.f32 v55, v10;
	v10 =	vmul.f32 v49, v16  }
0x473: {  	v59 =	vmul.f32 v48, v16;
	v48 =	vld [tilespmem:$0x1F810]  }
0x474: {  	v20 =	vadd.f32 v10, v20;
	v10 =	vld [tilespmem:$0x1F800]  }
0x475: {  	v44 =	vld.idx.msk [tilespmem:v50+s16+$0x0], $0xffff  }
0x476: {  	v26 =	vand.u32 $0x3FFF, v26;
	v51 =	vmul.f32 v51, v23;
	v47 =	vld.idx.msk [tilespmem:v3+s14+$0x0], $0xffff  }
0x477: {  	v8 =	vadd.f32 v41, v8;
	v18 =	vadd.f32 v31, v18;
	v31 =	vmul.f32 v58, v19;
	v58 =	vld.idx.msk [tilespmem:v45+s16+$0x0], $0xffff  }
0x478: {  	v11 =	vadd.f32 v39, v11;
	v23 =	vmul.f32 v27, v33;
	v19 =	vmul.f32 v61, v19;
	v61 =	vld.idx.msk [tilespmem:v50+s14+$0x0], $0xffff  }
0x479: {  	v5 =	vadd.f32 v30, v5;
	v54 =	vmul.f32 v43, v52;
	v49 =	vmul.f32 v10, v48;
	v10 =	vld [tilespmem:$0x1F820]  }
0x47a: {  	v21 =	vadd.f32 v37, v21;
	v40 =	vmul.f32 v63, v52;
	v52 =	vmul.f32 v34, v53;
	v53 =	vld.idx.msk [tilespmem:v3+s15+$0x0], $0xffff  }
0x47b: {  	v30 =	vmul.f32 v46, v16;
	v5 =	vadd.f32 v31, v5;
	v31 =	vadd.f32 v54, v7;
	v7 =	vld.idx.msk [tilespmem:v50+s3+$0x0], $0xffff  }
0x47c: {  	v8 =	vadd.f32 v36, v8;
	v46 =	vld.idx.msk [tilespmem:v3+s3+$0x0], $0xffff;
	v9 =	vadd.f32 v19, v9;
	v19 =	vmul.f32 v28, v51  }
0x47d: {  	v18 =	vadd.f32 v29, v18;
	v16 =	vmul.f32 v25, v16;
	v63 =	vadd.f32 v30, v0;
	v0 =	vld.idx.msk [tilespmem:v50+s15+$0x0], $0xffff  }
0x47e: {  	v54 =	vand.u32 $0x3FFF, v1;
	v17 =	vmul.f32 v17, v19;
	v50 =	vmul.f32 v10, v48;
	v10 =	vld [tilespmem:$0x1F830]  }
0x47f: {  	v55 =	vld.idx.msk [tilespmem:v3+s16+$0x0], $0xffff;
	v45 =	vadd.f32 v59, v11;
	v14 =	vmul.f32 v14, v19;
	v11 =	vmul.f32 v57, v19  }
0x480: {  	v16 =	vadd.f32 v16, v21;
	v57 =	vld.idx.msk [tilespmem:v26+s3+$0x0], $0xffff;
	v19 =	vmul.f32 v58, v19;
	v1 =	vmul.f32 v7, v23  }
0x481: {  	v3 =	vmul.f32 v61, v23;
	v61 =	vld [tilespmem:$0x1F840];
	v14 =	vadd.f32 v14, v8;
	v58 =	vadd.f32 v11, v12  }
0x482: {  	v8 =	vadd.f32 v19, v13;
	v19 =	vld.idx.msk [tilespmem:v26+s14+$0x0], $0xffff;
	v0 =	vmul.f32 v0, v23;
	v12 =	vadd.f32 v1, v5  }
0x483: {  	v1 =	vld.idx.msk [tilespmem:v26+s15+$0x0], $0xffff;
	v21 =	vmul.f32 v10, v48;
	v10 =	vadd.f32 v3, v15;
	v15 =	vmul.f32 v46, v52  }
0x484: {  	v22 =	vadd.f32 v40, v22;
	v23 =	vmul.f32 v44, v23;
	v5 =	vld.idx.msk [tilespmem:v26+s16+$0x0], $0xffff;
	v7 =	vadd.f32 v0, v18  }
0x485: {  	s29 =	simm.s32 $0x18000;
	v35 =	vmul.f32 v35, v51;
	v0 =	vadd.f32 v50, v60;
	v60 =	vld.idx.msk [tilespmem:v54+s3+$0x0], $0xffff;
	v15 =	vadd.f32 v15, v63  }
0x486: {  	v6 =	vadd.f32 v24, v6;
	v3 =	vadd.f32 v23, v9;
	v9 =	vld.idx.msk [tilespmem:v56+s15+$0x0], $0xffff;
	[tilespmem:s29+$0x1030] =	vst v61  }
0x487: {  	v59 =	vmul.f32 v55, v52;
	v11 =	vadd.f32 v21, v22;
	v21 =	vld.idx.msk [tilespmem:v54+s14+$0x0], $0xffff;
	[tilespmem:s29+$0xFFFFE000] =	vst v15  }
0x488: {  	v17 =	vadd.f32 v17, v6;
	v18 =	vmul.f32 v47, v52;
	v63 =	vmul.f32 v1, v35;
	v1 =	vld [tilespmem:$0x1F850]  }
0x489: {  	v13 =	vadd.f32 v49, v31;
	v19 =	vmul.f32 v19, v35;
	v23 =	vmul.f32 v53, v52  }
0x48a: {  	v6 =	vmul.f32 v62, v33;
	v62 =	vadd.f32 v18, v45;
	v18 =	vadd.f32 v59, v16  }
0x48b: {  	v16 =	vadd.f32 v19, v14;
	v22 =	vmul.f32 v57, v35;
	v20 =	vadd.f32 v23, v20  }
0x48c: {  	v14 =	vld.idx.msk [tilespmem:v54+s16+$0x0], $0xffff;
	v19 =	vmul.f32 v60, v6;
	v15 =	vmul.f32 v5, v35;
	[tilespmem:s29+$0xFFFFF000] =	vst v62  }
0x48d: {  	s30 =	simm.s32 $0x0;
	v17 =	vadd.f32 v22, v17;
	[tilespmem:s29+$0x0] =	vst v20;
	v20 =	vmul.f32 v21, v6;
	v5 =	vmul.f32 v2, v1  }
0x48e: {  	s31 =	simm.s32 $0x11060;
	s0 =	sand.u32 $0xFC0, s30;
	v2 =	vmul.f32 v4, v1;
	v1 =	vmul.f32 v9, v1;
	v4 =	vld.idx.msk [tilespmem:v54+s15+$0x0], $0xffff;
	v9 =	vadd.f32 v63, v58  }
.LBB2_8:
0x48f: {  	v21 =	vld [tilespmem:s31+$0x10]  }
0x490: {  	v23 =	vld [tilespmem:$0x1FFC0]  }
0x491: {  	v8 =	vadd.f32 v15, v8;
	v15 =	vld [tilespmem:s31+$0x1010]  }
0x492: {  	v5 =	vadd.f32 v5, v13;
	v13 =	vld [tilespmem:s31+$0xFFFFF010];
	[tilespmem:s0+$0x19000] =	vst v18  }
0x493: {  	[tilespmem:s29+$0xFFFFE010] =	vst v17  }
0x494: {  	v4 =	vmul.f32 v4, v6;
	v12 =	vadd.f32 v19, v12;
	v10 =	vadd.f32 v20, v10;
	[tilespmem:s29+$0xFFFFF010] =	vst v16  }
0x495: {  	v6 =	vmul.f32 v14, v6;
	v0 =	vadd.f32 v2, v0;
	[tilespmem:s29+$0x10] =	vst v9;
	v1 =	vadd.f32 v1, v11;
	v2 =	vld [tilespmem:s31+$0xFE0]  }
0x496: {  	v4 =	vadd.f32 v4, v7;
	v7 =	vld [tilespmem:s31+$0x1000];
	[tilespmem:s29+$0xFFFFE020] =	vst v12;
	v9 =	vmul.f32 v21, v23;
	v11 =	vmul.f32 v15, v23  }
0x497: {  	[tilespmem:s29+$0xFFFFF020] =	vst v10;
	v15 =	vmul.f32 v13, v23  }
0x498: {  	v3 =	vadd.f32 v6, v3;
	v6 =	vld [tilespmem:s31+$0xFF0];
	[tilespmem:s29+$0x20] =	vst v4;
	v12 =	vtrunc.f32 v9;
	v13 =	vtrunc.f32 v11  }
0x499: {  	v4 =	vld [tilespmem:s31+$0x0];
	v16 =	vcvt.f32.s32 v12;
	v17 =	vcvt.f32.s32 v13  }
0x49a: {  	[tilespmem:s29+$0x1020] =	vst v3;
	v3 =	vld [tilespmem:s31+$0xFFFFEFE0];
	v20 =	vmul.f32 v2, v23;
	v2 =	vtrunc.f32 v15  }
0x49b: {  	v18 =	vcvt.f32.s32 v2;
	v12 =	vmul.u32 $0x9E3779B1, v16;
	v22 =	vmul.u32 $0x30025795, v17;
	_ =	sdelay $0x1  }
0x49c: {  	[tilespmem:s29+$0x30] =	vst v1;
	v13 =	vmul.f32 v6, v23;
	v1 =	vadd.s32 $0x1, v18;
	v6 =	vxor.u32 v12, v22  }
0x49d: {  	v21 =	vmul.f32 v4, v23;
	v4 =	vxor.u32 v1, v6  }
0x49e: {  	v14 =	vmul.f32 v3, v23;
	v3 =	vand.u32 $0x3FFF, v4;
	_ =	sdelay $0x2  }
0x49f: {  	[tilespmem:s29+$0xFFFFE030] =	vst v5  }
0x4a0: {  	[tilespmem:s29+$0xFFFFF030] =	vst v0  }
0x4a1: {  	v2 =	vld.idx.msk [tilespmem:v3+s3+$0x0], $0xffff;
	_ =	sdelay $0x2  }
0x4a2: {  	v0 =	vld [tilespmem:s31+$0xFFFFF000];
	_ =	sdelay $0x1  }
0x4a3: {  	[tilespmem:$0x1F5B0] =	vst v2;
	v2 =	vld.idx.msk [tilespmem:v3+s14+$0x0], $0xffff;
	_ =	sdelay $0x2  }
0x4a4: {  	v25 =	vmul.f32 v0, v23;
	v0 =	vtrunc.f32 v13  }
0x4a5: {  	v27 =	vcvt.f32.s32 v0;
	v0 =	vxor.u32 v18, v6  }
0x4a6: {  	v0 =	vand.u32 $0x3FFF, v0;
	[tilespmem:$0x1F5D0] =	vst v2;
	v2 =	vld.idx.msk [tilespmem:v3+s15+$0x0], $0xffff;
	_ =	sdelay $0x4  }
0x4a7: {  	[tilespmem:$0x1F5E0] =	vst v2;
	v2 =	vld.idx.msk [tilespmem:v0+s3+$0x0], $0xffff  }
0x4a8: {  	[tilespmem:s29+$0x1010] =	vst v8;
	v8 =	vld [tilespmem:s31+$0xFFFFFFE0]  }
0x4a9: {  	v10 =	vld [tilespmem:s31+$0xFFFFFFF0]  }
0x4aa: {  	v5 =	vld [tilespmem:s31+$0xFFFFEFF0];
	_ =	sdelay $0x1  }
0x4ab: {  	[tilespmem:$0x1F4C0] =	vst v2;
	v2 =	vld.idx.msk [tilespmem:v0+s14+$0x0], $0xffff  }
0x4ac: {  	v37 =	vmul.f32 v7, v23  }
0x4ad: {  	v39 =	vmul.f32 v8, v23;
	v7 =	vadd.s32 $0x30025795, v22;
	v6 =	vadd.s32 $0x9E3779B1, v12  }
0x4ae: {  	v19 =	vmul.f32 v10, v23;
	v38 =	vmul.f32 v5, v23;
	v23 =	vxor.u32 v6, v7  }
0x4af: {  	v33 =	vxor.u32 v1, v23  }
0x4b0: {  	v33 =	vand.u32 $0x3FFF, v33;
	[tilespmem:$0x1F4D0] =	vst v2;
	v2 =	vld.idx.msk [tilespmem:v0+s15+$0x0], $0xffff;
	_ =	sdelay $0x4  }
0x4b1: {  	[tilespmem:$0x1F4E0] =	vst v2;
	v2 =	vld.idx.msk [tilespmem:v33+s3+$0x0], $0xffff;
	_ =	sdelay $0x3  }
0x4b2: {  	v7 =	vxor.u32 v12, v7  }
0x4b3: {  	v5 =	vtrunc.f32 v37;
	v35 =	vxor.u32 v18, v7;
	[tilespmem:$0x1F6B0] =	vst v2;
	v2 =	vld.idx.msk [tilespmem:v33+s14+$0x0], $0xffff  }
0x4b4: {  	v30 =	vcvt.f32.s32 v5;
	v16 =	vcvt.s32.f32 v16;
	v41 =	vld.idx.msk [tilespmem:v3+s16+$0x0], $0xffff;
	v3 =	vand.u32 $0x3FFF, v35  }
0x4b5: {  	v17 =	vcvt.s32.f32 v17;
	v6 =	vxor.u32 v22, v6;
	v22 =	vcvt.s32.f32 v18  }
0x4b6: {  	v8 =	vtrunc.f32 v14;
	v9 =	vsub.f32 v9, v16;
	v29 =	vxor.u32 v18, v6  }
0x4b7: {  	v6 =	vxor.u32 v1, v6;
	v42 =	vand.u32 $0x3FFF, v29;
	v15 =	vsub.f32 v15, v22  }
0x4b8: {  	v16 =	vxor.u32 v18, v23;
	v23 =	vsub.f32 v11, v17;
	v6 =	vand.u32 $0x3FFF, v6;
	[tilespmem:$0x1F6D0] =	vst v2;
	v2 =	vld.idx.msk [tilespmem:v33+s15+$0x0], $0xffff  }
0x4b9: {  	v43 =	vand.u32 $0x3FFF, v16;
	v16 =	vsub.f32 $1.000000000e+00, v9;
	v11 =	vsub.f32 $1.000000000e+00, v15;
	v17 =	vld.idx.msk [tilespmem:v3+s16+$0x0], $0xffff  }
0x4ba: {  	v5 =	vtrunc.f32 v19;
	v50 =	vcvt.f32.s32 v8;
	v0 =	vld.idx.msk [tilespmem:v0+s16+$0x0], $0xffff  }
0x4bb: {  	v4 =	vtrunc.f32 v20;
	v8 =	vsub.f32 $1.000000000e+00, v23;
	v18 =	vmul.f32 v16, v11  }
0x4bc: {  	v31 =	vcvt.f32.s32 v4;
	v1 =	vxor.u32 v1, v7;
	v7 =	vmul.f32 v9, v11;
	v22 =	vld.idx.msk [tilespmem:v42+s16+$0x0], $0xffff  }
0x4bd: {  	v40 =	vmul.f32 v8, v18;
	v44 =	vmul.f32 v18, v23;
	[tilespmem:$0x1F6E0] =	vst v2;
	v2 =	vld.idx.msk [tilespmem:v6+s3+$0x0], $0xffff  }
0x4be: {  	v4 =	vtrunc.f32 v39;
	v11 =	vld.idx.msk [tilespmem:v43+s16+$0x0], $0xffff;
	v36 =	vmul.f32 v8, v7  }
0x4bf: {  	v17 =	vmul.f32 v17, v44;
	v0 =	vmul.f32 v40, v0  }
0x4c0: {  	v4 =	vcvt.f32.s32 v4;
	v18 =	vmul.f32 v16, v15  }
0x4c1: {  	v12 =	vmul.f32 v23, v7;
	v16 =	vmul.f32 v22, v36;
	v0 =	vadd.f32 v17, v0  }
0x4c2: {  	v5 =	vcvt.f32.s32 v5;
	v54 =	vmul.u32 $0x9E3779B1, v4;
	v58 =	vcvt.s32.f32 v4;
	[tilespmem:$0x1F670] =	vst v2;
	v2 =	vld.idx.msk [tilespmem:v6+s14+$0x0], $0xffff  }
0x4c3: {  	v4 =	vmul.f32 v11, v12;
	v11 =	vmul.f32 v8, v18;
	v0 =	vadd.f32 v16, v0  }
0x4c4: {  	v55 =	vmul.u32 $0x9E3779B1, v5  }
0x4c5: {  	v0 =	vadd.f32 v4, v0;
	v4 =	vmul.f32 v41, v11;
	v41 =	vcvt.s32.f32 v5;
	v5 =	vld.idx.msk [tilespmem:v43+s14+$0x0], $0xffff;
	_ =	sdelay $0x1  }
0x4c6: {  	v1 =	vand.u32 $0x3FFF, v1;
	[tilespmem:$0x1F690] =	vst v2;
	v2 =	vld.idx.msk [tilespmem:v6+s15+$0x0], $0xffff;
	_ =	sdelay $0x2  }
0x4c7: {  	[tilespmem:$0x1F570] =	vst v5;
	v5 =	vld.idx.msk [tilespmem:v43+s15+$0x0], $0xffff;
	_ =	sdelay $0x1  }
0x4c8: {  	[tilespmem:$0x1F6A0] =	vst v2;
	v2 =	vld.idx.msk [tilespmem:v1+s3+$0x0], $0xffff  }
0x4c9: {  	v32 =	vtrunc.f32 v38;
	v10 =	vtrunc.f32 v21;
	v7 =	vld.idx.msk [tilespmem:v1+s16+$0x0], $0xffff  }
0x4ca: {  	v34 =	vtrunc.f32 v25;
	v10 =	vcvt.f32.s32 v10;
	v46 =	vld.idx.msk [tilespmem:v3+s14+$0x0], $0xffff  }
0x4cb: {  	v48 =	vcvt.f32.s32 v32;
	v53 =	vmul.u32 $0x30025795, v30;
	v49 =	vcvt.f32.s32 v34;
	[tilespmem:$0x1F580] =	vst v5;
	v5 =	vld.idx.msk [tilespmem:v42+s3+$0x0], $0xffff  }
0x4cc: {  	v52 =	vmul.u32 $0x30025795, v27;
	v56 =	vmul.u32 $0x9E3779B1, v10;
	v51 =	vmul.u32 $0x30025795, v31;
	v45 =	vld.idx.msk [tilespmem:v3+s15+$0x0], $0xffff  }
0x4cd: {  	v59 =	vcvt.s32.f32 v48;
	v63 =	vadd.s32 $0x30025795, v53;
	v57 =	vcvt.s32.f32 v50;
	[tilespmem:$0x1F640] =	vst v2;
	v2 =	vld.idx.msk [tilespmem:v1+s14+$0x0], $0xffff  }
0x4ce: {  	v62 =	vadd.s32 $0x30025795, v52;
	v32 =	vxor.u32 v56, v63;
	v61 =	vadd.s32 $0x30025795, v51;
	v1 =	vld.idx.msk [tilespmem:v1+s15+$0x0], $0xffff  }
0x4cf: {  	v24 =	vxor.u32 v56, v53;
	v9 =	vmul.f32 v9, v15;
	v29 =	vxor.u32 v54, v61  }
0x4d0: {  	v56 =	vadd.s32 $0x9E3779B1, v56;
	v34 =	vxor.u32 v50, v29;
	v22 =	vxor.u32 v55, v52;
	[tilespmem:$0x1F4F0] =	vst v5;
	v5 =	vld.idx.msk [tilespmem:v42+s14+$0x0], $0xffff  }
0x4d1: {  	v47 =	vld.idx.msk [tilespmem:v33+s16+$0x0], $0xffff;
	v35 =	vxor.u32 v48, v22;
	v46 =	vmul.f32 v46, v44;
	v45 =	vmul.f32 v45, v44  }
0x4d2: {  	[tilespmem:$0x1F5C0] =	vst v11;
	v11 =	vmul.f32 v18, v23;
	v18 =	vsub.f32 v39, v58;
	v58 =	vxor.u32 v53, v56  }
0x4d3: {  	v60 =	vcvt.s32.f32 v49;
	v0 =	vadd.f32 v4, v0;
	v26 =	vsub.f32 v19, v41;
	[tilespmem:$0x1F660] =	vst v1;
	v1 =	vld.idx.msk [tilespmem:v43+s3+$0x0], $0xffff  }
0x4d4: {  	v4 =	vmul.f32 v8, v9;
	v41 =	vand.u32 $0x3FFF, v34;
	v6 =	vld.idx.msk [tilespmem:v6+s16+$0x0], $0xffff;
	[tilespmem:$0x1F650] =	vst v2;
	v2 =	vcvt.s32.f32 v10  }
0x4d5: {  	v33 =	vxor.u32 v55, v62;
	[tilespmem:$0x1F500] =	vst v5;
	v5 =	vld.idx.msk [tilespmem:v42+s15+$0x0], $0xffff;
	v42 =	vadd.s32 $0x9E3779B1, v55;
	v55 =	vsub.f32 $1.000000000e+00, v26  }
0x4d6: {  	v10 =	vsub.f32 v38, v59;
	v38 =	vxor.u32 v49, v24;
	v15 =	vsub.f32 v21, v2  }
0x4d7: {  	v59 =	vxor.u32 v52, v42;
	v2 =	vxor.u32 v48, v33;
	v21 =	vxor.u32 v49, v32  }
0x4d8: {  	v53 =	vsub.f32 $1.000000000e+00, v15;
	[tilespmem:$0x1F550] =	vst v1;
	v1 =	vmul.f32 v7, v11;
	v7 =	vsub.f32 v14, v57  }
0x4d9: {  	[tilespmem:$0x1F630] =	vst v11;
	v11 =	vsub.f32 v25, v60;
	v57 =	vand.u32 $0x3FFF, v2;
	v25 =	vxor.u32 v48, v59  }
0x4da: {  	[tilespmem:$0x1F680] =	vst v4;
	v0 =	vadd.f32 v1, v0;
	v1 =	vmul.f32 v6, v4;
	v4 =	vmul.f32 v23, v9  }
0x4db: {  	[tilespmem:$0x1F560] =	vst v12;
	v19 =	vld.idx.msk [tilespmem:v41+s14+$0x0], $0xffff;
	v14 =	vsub.f32 $1.000000000e+00, v10;
	v12 =	vand.u32 $0x3FFF, v25;
	v23 =	vxor.u32 v54, v51  }
0x4dc: {  	v6 =	vand.u32 $0x3FFF, v35;
	v0 =	vadd.f32 v1, v0;
	v1 =	vmul.f32 v47, v4;
	v47 =	vld.idx.msk [tilespmem:v3+s3+$0x0], $0xffff  }
0x4dd: {  	[tilespmem:$0x1F520] =	vst v7;
	v9 =	vand.u32 $0x3FFF, v38;
	v52 =	vsub.f32 $1.000000000e+00, v7;
	v3 =	vand.u32 $0x3FFF, v21;
	v21 =	vld.idx.msk [tilespmem:v41+s3+$0x0], $0xffff  }
0x4de: {  	v7 =	vsub.f32 $1.000000000e+00, v11;
	v28 =	vmul.f32 v55, v14;
	[tilespmem:$0x1F6C0] =	vst v4;
	v4 =	vcvt.s32.f32 v31;
	v25 =	vld.idx.msk [tilespmem:v57+s3+$0x0], $0xffff  }
0x4df: {  	v31 =	vcvt.s32.f32 v27;
	v27 =	vxor.u32 v49, v58;
	v17 =	vld.idx.msk [tilespmem:v57+s15+$0x0], $0xffff;
	v0 =	vadd.f32 v1, v0  }
0x4e0: {  	v16 =	vld.idx.msk [tilespmem:v57+s16+$0x0], $0xffff;
	v1 =	vcvt.s32.f32 v30;
	v30 =	vadd.s32 $0x9E3779B1, v54;
	v54 =	vsub.f32 $1.000000000e+00, v18  }
0x4e1: {  	v39 =	vsub.f32 v20, v4;
	v35 =	vsub.f32 v13, v31;
	v20 =	vld.idx.msk [tilespmem:v41+s15+$0x0], $0xffff;
	v13 =	vxor.u32 v56, v63  }
0x4e2: {  	s29 =	sadd.s32 $0x40, s29;
	v56 =	vld.idx.msk [tilespmem:v57+s14+$0x0], $0xffff;
	v60 =	vxor.u32 v51, v30;
	v43 =	vxor.u32 v30, v61;
	v31 =	vxor.u32 v49, v13  }
0x4e3: {  	[tilespmem:s29+$0x1030] =	vst v0;
	v0 =	vxor.u32 v50, v23;
	v34 =	vsub.f32 v37, v1;
	v51 =	vmul.f32 v54, v52  }
0x4e4: {  	[tilespmem:$0x1F510] =	vst v5;
	v37 =	vld.idx.msk [tilespmem:v41+s16+$0x0], $0xffff;
	v38 =	vsub.f32 $1.000000000e+00, v35;
	v1 =	vmul.f32 v53, v7;
	v30 =	vxor.u32 v50, v43  }
0x4e5: {  	[tilespmem:$0x1F5A0] =	vst v13;
	v57 =	vand.u32 $0x3FFF, v31;
	v61 =	vmul.f32 v28, v35;
	v5 =	vand.u32 $0x3FFF, v0;
	v13 =	vld.idx.msk [tilespmem:v3+s3+$0x0], $0xffff  }
0x4e6: {  	[tilespmem:$0x1F540] =	vst v11;
	v0 =	vxor.u32 v50, v60;
	v63 =	vand.u32 $0x3FFF, v30;
	v50 =	vadd.s32 $0x1, v50;
	v11 =	vld.idx.msk [tilespmem:v3+s14+$0x0], $0xffff  }
0x4e7: {  	[tilespmem:$0x1F530] =	vst v10;
	v10 =	vld.idx.msk [tilespmem:v3+s15+$0x0], $0xffff;
	v4 =	vmul.f32 v38, v28;
	v28 =	vmul.f32 v18, v52;
	v52 =	vadd.s32 $0x1, v49  }
0x4e8: {  	[tilespmem:$0x1F610] =	vst v26;
	v30 =	vmul.f32 v15, v7;
	v8 =	vand.u32 $0x3FFF, v0;
	v49 =	vld.idx.msk [tilespmem:v3+s16+$0x0], $0xffff;
	v24 =	vxor.u32 v52, v24  }
0x4e9: {  	[tilespmem:$0x1F620] =	vst v15;
	v0 =	vxor.u32 v42, v62;
	v15 =	vand.u32 $0x3FFF, v24;
	v24 =	vxor.u32 v50, v29;
	v29 =	vld.idx.msk [tilespmem:v6+s14+$0x0], $0xffff  }
0x4ea: {  	v31 =	vmul.f32 v26, v14;
	[tilespmem:$0x1F590] =	vst v0;
	v0 =	vxor.u32 v48, v0;
	v26 =	vand.u32 $0x3FFF, v24;
	v24 =	vld.idx.msk [tilespmem:v9+s3+$0x0], $0xffff  }
0x4eb: {  	v42 =	vsub.f32 $1.000000000e+00, v39;
	v62 =	vand.u32 $0x3FFF, v0;
	v0 =	vmul.f32 v51, v39;
	v3 =	vld.idx.msk [tilespmem:v5+s3+$0x0], $0xffff  }
0x4ec: {  	v47 =	vmul.f32 v44, v47;
	v41 =	vsub.f32 $1.000000000e+00, v34;
	v25 =	vmul.f32 v61, v25;
	v7 =	vld.idx.msk [tilespmem:v5+s14+$0x0], $0xffff  }
0x4ed: {  	[tilespmem:$0x1F600] =	vst v18;
	v2 =	vmul.f32 v42, v51;
	v51 =	vadd.s32 $0x1, v48;
	v14 =	vmul.f32 v19, v0;
	v19 =	vld.idx.msk [tilespmem:v5+s15+$0x0], $0xffff  }
0x4ee: {  	v48 =	vmul.f32 v41, v1;
	v22 =	vxor.u32 v51, v22;
	v18 =	vmul.f32 v37, v0;
	v37 =	vld.idx.msk [tilespmem:v5+s16+$0x0], $0xffff  }
0x4ef: {  	v1 =	vmul.f32 v1, v34;
	v5 =	vmul.f32 v56, v61;
	v56 =	vand.u32 $0x3FFF, v22;
	v22 =	vld.idx.msk [tilespmem:v6+s3+$0x0], $0xffff  }
0x4f0: {  	v21 =	vmul.f32 v0, v21;
	v20 =	vmul.f32 v20, v0;
	v0 =	vld.idx.msk [tilespmem:v6+s15+$0x0], $0xffff  }
0x4f1: {  	v17 =	vmul.f32 v17, v61;
	v33 =	vxor.u32 v51, v33;
	v61 =	vmul.f32 v16, v61;
	v6 =	vld.idx.msk [tilespmem:v6+s16+$0x0], $0xffff  }
0x4f2: {  	v13 =	vmul.f32 v1, v13;
	v11 =	vmul.f32 v11, v1;
	v44 =	vand.u32 $0x3FFF, v33;
	v33 =	vld.idx.msk [tilespmem:v9+s14+$0x0], $0xffff  }
0x4f3: {  	v10 =	vmul.f32 v10, v1;
	v16 =	vld [tilespmem:$0x1F4F0];
	v24 =	vmul.f32 v48, v24  }
0x4f4: {  	v49 =	vmul.f32 v49, v1;
	v1 =	vld [tilespmem:$0x1F4C0];
	v3 =	vmul.f32 v2, v3  }
0x4f5: {  	v13 =	vadd.f32 v13, v24;
	v24 =	vld.idx.msk [tilespmem:v12+s15+$0x0], $0xffff  }
0x4f6: {  	v19 =	vmul.f32 v2, v19;
	v3 =	vadd.f32 v21, v3;
	v21 =	vmul.f32 v4, v22;
	v22 =	vld.idx.msk [tilespmem:v9+s15+$0x0], $0xffff  }
0x4f7: {  	v27 =	vand.u32 $0x3FFF, v27;
	v7 =	vmul.f32 v2, v7;
	v9 =	vld.idx.msk [tilespmem:v9+s16+$0x0], $0xffff  }
0x4f8: {  	v2 =	vmul.f32 v2, v37;
	v0 =	vmul.f32 v4, v0;
	v19 =	vadd.f32 v20, v19;
	v20 =	vld.idx.msk [tilespmem:v8+s3+$0x0], $0xffff  }
0x4f9: {  	v7 =	vadd.f32 v14, v7;
	v14 =	vmul.f32 v4, v29;
	v29 =	vmul.f32 v40, v1;
	v1 =	vld [tilespmem:$0x1F4D0]  }
0x4fa: {  	v2 =	vadd.f32 v18, v2;
	v18 =	vld.idx.msk [tilespmem:v8+s14+$0x0], $0xffff;
	v4 =	vmul.f32 v4, v6;
	v0 =	vadd.f32 v17, v0  }
0x4fb: {  	v17 =	vld.idx.msk [tilespmem:v12+s3+$0x0], $0xffff;
	v21 =	vadd.f32 v25, v21;
	v5 =	vadd.f32 v5, v14  }
0x4fc: {  	v14 =	vmul.f32 v38, v31;
	v25 =	vmul.f32 v48, v33;
	v4 =	vadd.f32 v61, v4;
	v61 =	vld.idx.msk [tilespmem:v12+s14+$0x0], $0xffff  }
0x4fd: {  	v12 =	vld.idx.msk [tilespmem:v12+s16+$0x0], $0xffff  }
0x4fe: {  	v11 =	vadd.f32 v11, v25;
	v25 =	vld.idx.msk [tilespmem:v27+s3+$0x0], $0xffff;
	v24 =	vmul.f32 v24, v14;
	v22 =	vmul.f32 v48, v22  }
0x4ff: {  	v37 =	vmul.f32 v40, v1;
	v1 =	vld [tilespmem:$0x1F4E0]  }
0x500: {  	v24 =	vadd.f32 v24, v0;
	v0 =	vld.idx.msk [tilespmem:v62+s15+$0x0], $0xffff;
	v10 =	vadd.f32 v10, v22  }
0x501: {  	v32 =	vxor.u32 v52, v32;
	v22 =	vadd.f32 v47, v29;
	v29 =	vadd.f32 v46, v37;
	v46 =	vld.idx.msk [tilespmem:v27+s15+$0x0], $0xffff  }
0x502: {  	v9 =	vmul.f32 v48, v9;
	v37 =	vand.u32 $0x3FFF, v32;
	v32 =	vmul.f32 v16, v36;
	v16 =	vld [tilespmem:$0x1F500]  }
0x503: {  	v17 =	vmul.f32 v17, v14;
	v48 =	vmul.f32 v61, v14;
	v61 =	vld [tilespmem:$0x1F510]  }
0x504: {  	v9 =	vadd.f32 v49, v9;
	v49 =	vxor.u32 v51, v59;
	v59 =	vld.idx.msk [tilespmem:v63+s3+$0x0], $0xffff  }
0x505: {  	v17 =	vadd.f32 v17, v21;
	v21 =	vld.idx.msk [tilespmem:v62+s14+$0x0], $0xffff  }
0x506: {  	v22 =	vadd.f32 v32, v22;
	v32 =	vld.idx.msk [tilespmem:v57+s16+$0x0], $0xffff  }
0x507: {  	v23 =	vxor.u32 v50, v23;
	v5 =	vadd.f32 v48, v5;
	v48 =	vld [tilespmem:$0x1F560]  }
0x508: {  	v23 =	vand.u32 $0x3FFF, v23;
	v6 =	vmul.f32 v40, v1;
	v1 =	vld.idx.msk [tilespmem:v8+s15+$0x0], $0xffff  }
0x509: {  	v12 =	vmul.f32 v12, v14;
	v40 =	vmul.f32 v42, v28;
	v8 =	vld.idx.msk [tilespmem:v8+s16+$0x0], $0xffff  }
0x50a: {  	v14 =	vmul.f32 v35, v31;
	v47 =	vmul.f32 v16, v36;
	v16 =	vld.idx.msk [tilespmem:v27+s16+$0x0], $0xffff  }
0x50b: {  	v20 =	vmul.f32 v20, v40;
	v6 =	vadd.f32 v45, v6;
	v45 =	vxor.u32 v50, v60;
	v60 =	vld [tilespmem:$0x1F520]  }
0x50c: {  	v12 =	vadd.f32 v12, v4;
	v18 =	vmul.f32 v18, v40;
	v36 =	vmul.f32 v61, v36;
	v61 =	vld [tilespmem:$0x1F530]  }
0x50d: {  	v4 =	vand.u32 $0x3FFF, v45;
	v45 =	vmul.f32 v0, v14;
	v0 =	vand.u32 $0x3FFF, v49;
	v49 =	vld.idx.msk [tilespmem:v23+s15+$0x0], $0xffff  }
0x50e: {  	v3 =	vadd.f32 v20, v3;
	v20 =	vld.idx.msk [tilespmem:v63+s14+$0x0], $0xffff  }
0x50f: {  	v7 =	vadd.f32 v18, v7;
	v18 =	vld.idx.msk [tilespmem:v63+s15+$0x0], $0xffff  }
0x510: {  	v29 =	vadd.f32 v47, v29;
	v47 =	vld [tilespmem:$0x1F550];
	v1 =	vmul.f32 v1, v40  }
0x511: {  	v8 =	vmul.f32 v8, v40;
	v40 =	vld.idx.msk [tilespmem:v27+s14+$0x0], $0xffff  }
0x512: {  	v33 =	vmul.f32 v41, v30;
	v1 =	vadd.f32 v1, v19;
	v19 =	vld.idx.msk [tilespmem:v63+s16+$0x0], $0xffff  }
0x513: {  	v27 =	vmul.f32 v39, v28;
	v28 =	vmul.f32 v34, v30;
	v2 =	vadd.f32 v8, v2;
	v8 =	vld.idx.msk [tilespmem:v62+s3+$0x0], $0xffff  }
0x514: {  	v30 =	vmul.f32 v54, v60;
	v16 =	vmul.f32 v16, v33;
	v63 =	vld [tilespmem:$0x1F540]  }
0x515: {  	v54 =	vmul.f32 v55, v61;
	v55 =	vmul.f32 v59, v27;
	v59 =	vld.idx.msk [tilespmem:v57+s3+$0x0], $0xffff  }
0x516: {  	v9 =	vadd.f32 v16, v9;
	v16 =	vld.idx.msk [tilespmem:v57+s14+$0x0], $0xffff  }
0x517: {  	v6 =	vadd.f32 v36, v6;
	v36 =	vmul.f32 v47, v48;
	v47 =	vld.idx.msk [tilespmem:v23+s14+$0x0], $0xffff  }
0x518: {  	v25 =	vmul.f32 v25, v33;
	v55 =	vadd.f32 v55, v3;
	v3 =	vld.idx.msk [tilespmem:v56+s14+$0x0], $0xffff  }
0x519: {  	v46 =	vmul.f32 v46, v33;
	v40 =	vmul.f32 v40, v33;
	v33 =	vld.idx.msk [tilespmem:v62+s16+$0x0], $0xffff  }
0x51a: {  	v18 =	vmul.f32 v18, v27;
	v62 =	vld.idx.msk [tilespmem:v57+s15+$0x0], $0xffff  }
0x51b: {  	v57 =	vld [tilespmem:$0x1F570]  }
0x51c: {  	v20 =	vmul.f32 v20, v27;
	v18 =	vadd.f32 v18, v1;
	v1 =	vld.idx.msk [tilespmem:v56+s15+$0x0], $0xffff  }
0x51d: {  	v11 =	vadd.f32 v40, v11;
	v40 =	vld.idx.msk [tilespmem:v23+s3+$0x0], $0xffff  }
0x51e: {  	v7 =	vadd.f32 v20, v7;
	v20 =	vmul.f32 v32, v28;
	v23 =	vld.idx.msk [tilespmem:v23+s16+$0x0], $0xffff  }
0x51f: {  	v13 =	vadd.f32 v25, v13;
	v19 =	vmul.f32 v19, v27;
	v25 =	vmul.f32 v59, v28;
	v59 =	vld [tilespmem:$0x1F590]  }
0x520: {  	v9 =	vadd.f32 v20, v9;
	v20 =	vld.idx.msk [tilespmem:v15+s15+$0x0], $0xffff  }
0x521: {  	v58 =	vxor.u32 v52, v58;
	v21 =	vmul.f32 v21, v14;
	v19 =	vadd.f32 v19, v2;
	v2 =	vld.idx.msk [tilespmem:v56+s16+$0x0], $0xffff  }
0x522: {  	v8 =	vmul.f32 v8, v14;
	v14 =	vmul.f32 v33, v14;
	v33 =	vand.u32 $0x3FFF, v58;
	v58 =	vld [tilespmem:$0x1F580]  }
0x523: {  	v10 =	vadd.f32 v46, v10;
	v46 =	vmul.f32 v57, v48;
	v57 =	vld.idx.msk [tilespmem:v56+s3+$0x0], $0xffff  }
0x524: {  	v16 =	vmul.f32 v16, v28;
	v27 =	vmul.f32 v62, v28;
	v62 =	vld [tilespmem:$0x1F5A0]  }
0x525: {  	v56 =	vld [tilespmem:$0x1F5C0]  }
0x526: {  	v11 =	vadd.f32 v16, v11;
	v16 =	vld.idx.msk [tilespmem:v15+s14+$0x0], $0xffff  }
0x527: {  	v12 =	vadd.f32 v14, v12;
	v14 =	vld.idx.msk [tilespmem:v15+s3+$0x0], $0xffff  }
0x528: {  	v43 =	vxor.u32 v50, v43;
	v15 =	vld.idx.msk [tilespmem:v15+s16+$0x0], $0xffff  }
0x529: {  	v50 =	vmul.f32 v38, v54;
	v10 =	vadd.f32 v27, v10;
	v27 =	vadd.f32 v46, v29;
	v29 =	vld.idx.msk [tilespmem:v26+s3+$0x0], $0xffff  }
0x52a: {  	[tilespmem:$0x1F5F0] =	vst v34;
	v5 =	vadd.f32 v21, v5;
	v46 =	vld.idx.msk [tilespmem:v26+s15+$0x0], $0xffff;
	v34 =	vmul.f32 v58, v48  }
0x52b: {  	v48 =	vmul.f32 v42, v30;
	v52 =	vxor.u32 v52, v62;
	v62 =	vmul.f32 v1, v50;
	v1 =	vld [tilespmem:$0x1F5B0]  }
0x52c: {  	v21 =	vadd.f32 v45, v24;
	v53 =	vmul.f32 v53, v63;
	v24 =	vmul.f32 v57, v50;
	v57 =	vld.idx.msk [tilespmem:v44+s14+$0x0], $0xffff  }
0x52d: {  	v28 =	vmul.f32 v40, v48;
	v40 =	vld.idx.msk [tilespmem:v26+s14+$0x0], $0xffff  }
0x52e: {  	v8 =	vadd.f32 v8, v17;
	v58 =	vmul.f32 v41, v53;
	v26 =	vld.idx.msk [tilespmem:v26+s16+$0x0], $0xffff  }
0x52f: {  	v51 =	vxor.u32 v51, v59;
	v59 =	vmul.f32 v47, v48;
	v17 =	vmul.f32 v49, v48;
	v49 =	vld.idx.msk [tilespmem:v44+s3+$0x0], $0xffff  }
0x530: {  	v23 =	vmul.f32 v23, v48;
	v48 =	vmul.f32 v54, v35;
	v54 =	vld [tilespmem:$0x1F5F0]  }
0x531: {  	v14 =	vmul.f32 v14, v58;
	v16 =	vmul.f32 v16, v58;
	v21 =	vadd.f32 v62, v21;
	v62 =	vld.idx.msk [tilespmem:v37+s3+$0x0], $0xffff  }
0x532: {  	v20 =	vmul.f32 v20, v58;
	v15 =	vmul.f32 v15, v58;
	v58 =	vld [tilespmem:$0x1F650]  }
0x533: {  	v17 =	vadd.f32 v17, v18;
	v18 =	vld [tilespmem:$0x1F600]  }
0x534: {  	v13 =	vadd.f32 v25, v13;
	v7 =	vadd.f32 v59, v7;
	v59 =	vld.idx.msk [tilespmem:v44+s15+$0x0], $0xffff  }
0x535: {  	v19 =	vadd.f32 v23, v19;
	v23 =	vld.idx.msk [tilespmem:v44+s16+$0x0], $0xffff  }
0x536: {  	v13 =	vadd.f32 v14, v13;
	v14 =	vld.idx.msk [tilespmem:v37+s14+$0x0], $0xffff  }
0x537: {  	v30 =	vmul.f32 v30, v39;
	v11 =	vadd.f32 v16, v11;
	v16 =	vld.idx.msk [tilespmem:v37+s15+$0x0], $0xffff  }
0x538: {  	v9 =	vadd.f32 v15, v9;
	v15 =	vld.idx.msk [tilespmem:v37+s16+$0x0], $0xffff  }
0x539: {  	v6 =	vadd.f32 v34, v6;
	v44 =	vmul.f32 v46, v30;
	v34 =	vmul.f32 v1, v56;
	v1 =	vld [tilespmem:$0x1F5D0]  }
0x53a: {  	v32 =	vmul.f32 v57, v48;
	v57 =	vld [tilespmem:$0x1F640]  }
0x53b: {  	v17 =	vadd.f32 v44, v17;
	v44 =	vld.idx.msk [tilespmem:v33+s15+$0x0], $0xffff  }
0x53c: {  	v10 =	vadd.f32 v20, v10;
	v20 =	vmul.f32 v26, v30;
	v26 =	vld.idx.msk [tilespmem:v4+s3+$0x0], $0xffff  }
0x53d: {  	v25 =	vmul.f32 v3, v50;
	v46 =	vmul.f32 v49, v48;
	v49 =	vld.idx.msk [tilespmem:v4+s14+$0x0], $0xffff  }
0x53e: {  	v3 =	vand.u32 $0x3FFF, v43;
	v43 =	vmul.f32 v2, v50;
	v50 =	vmul.f32 v53, v54;
	v53 =	vld.idx.msk [tilespmem:v4+s15+$0x0], $0xffff  }
0x53f: {  	v18 =	vmul.f32 v18, v60;
	v60 =	vld [tilespmem:$0x1F610]  }
0x540: {  	v45 =	vmul.f32 v1, v56;
	v1 =	vld [tilespmem:$0x1F5E0]  }
0x541: {  	v4 =	vld.idx.msk [tilespmem:v4+s16+$0x0], $0xffff  }
0x542: {  	v2 =	vand.u32 $0x3FFF, v51;
	v51 =	vmul.f32 v59, v48;
	v19 =	vadd.f32 v20, v19;
	v20 =	vld.idx.msk [tilespmem:v0+s3+$0x0], $0xffff  }
0x543: {  	v5 =	vadd.f32 v25, v5;
	v25 =	vmul.f32 v62, v50;
	v14 =	vmul.f32 v14, v50;
	v59 =	vld.idx.msk [tilespmem:v0+s14+$0x0], $0xffff  }
0x544: {  	v16 =	vmul.f32 v16, v50;
	v15 =	vmul.f32 v15, v50;
	v50 =	vld [tilespmem:$0x1F680]  }
0x545: {  	v47 =	vmul.f32 v1, v56;
	v1 =	vand.u32 $0x3FFF, v52;
	v52 =	vmul.f32 v60, v61;
	v61 =	vld [tilespmem:$0x1F620]  }
0x546: {  	v11 =	vadd.f32 v14, v11;
	v14 =	vld.idx.msk [tilespmem:v33+s3+$0x0], $0xffff  }
0x547: {  	v56 =	vld [tilespmem:$0x1F630]  }
0x548: {  	v16 =	vadd.f32 v16, v10;
	v10 =	vld.idx.msk [tilespmem:v33+s14+$0x0], $0xffff  }
0x549: {  	v27 =	vadd.f32 v45, v27;
	v45 =	vld.idx.msk [tilespmem:v33+s16+$0x0], $0xffff  }
0x54a: {  	v31 =	vmovc v41;
	v12 =	vadd.f32 v43, v12;
	v8 =	vadd.f32 v24, v8;
	v60 =	vld [tilespmem:$0x1F660];
	v24 =	vmul.f32 v61, v63  }
0x54b: {  	v6 =	vadd.f32 v47, v6;
	v47 =	vld.idx.msk [tilespmem:v3+s3+$0x0], $0xffff;
	v63 =	vmul.f32 v40, v30;
	v61 =	vmul.f32 v42, v18  }
0x54c: {  	v29 =	vmul.f32 v29, v30;
	v28 =	vadd.f32 v28, v55;
	v40 =	vmul.f32 v58, v56;
	v58 =	vld.idx.msk [tilespmem:v2+s15+$0x0], $0xffff  }
0x54d: {  	v62 =	vmul.f32 v38, v52;
	v7 =	vadd.f32 v63, v7;
	v63 =	vld.idx.msk [tilespmem:v0+s15+$0x0], $0xffff;
	v38 =	vmul.f32 v49, v61  }
0x54e: {  	v23 =	vmul.f32 v23, v48;
	v9 =	vadd.f32 v15, v9;
	v0 =	vld.idx.msk [tilespmem:v0+s16+$0x0], $0xffff;
	v15 =	vmul.f32 v53, v61  }
0x54f: {  	v13 =	vadd.f32 v25, v13;
	v4 =	vmul.f32 v4, v61;
	v25 =	vadd.f32 v38, v7;
	v7 =	vld.idx.msk [tilespmem:v3+s14+$0x0], $0xffff  }
0x550: {  	v12 =	vadd.f32 v23, v12;
	v23 =	vmul.f32 v31, v24;
	v15 =	vadd.f32 v15, v17;
	v17 =	vld.idx.msk [tilespmem:v3+s15+$0x0], $0xffff  }
0x551: {  	v5 =	vadd.f32 v32, v5;
	v43 =	vmul.f32 v60, v56;
	v19 =	vadd.f32 v4, v19;
	v4 =	vld.idx.msk [tilespmem:v3+s16+$0x0], $0xffff  }
0x552: {  	v8 =	vadd.f32 v46, v8;
	v20 =	vmul.f32 v20, v62;
	v3 =	vmul.f32 v10, v23;
	v10 =	vld [tilespmem:$0x1F6A0]  }
0x553: {  	v37 =	vmul.f32 v57, v56;
	v60 =	vld.idx.msk [tilespmem:v2+s16+$0x0], $0xffff;
	v46 =	vadd.f32 v43, v6;
	v6 =	vmul.f32 v59, v62  }
0x554: {  	v28 =	vadd.f32 v29, v28;
	v18 =	vmul.f32 v39, v18;
	v53 =	vld.idx.msk [tilespmem:v2+s3+$0x0], $0xffff;
	v14 =	vmul.f32 v14, v23  }
0x555: {  	v29 =	vmul.f32 v44, v23;
	v56 =	vadd.f32 v6, v5;
	v5 =	vld.idx.msk [tilespmem:v2+s14+$0x0], $0xffff;
	v23 =	vmul.f32 v45, v23  }
0x556: {  	v22 =	vadd.f32 v36, v22;
	v48 =	vmul.f32 v63, v62;
	v0 =	vmul.f32 v0, v62;
	v62 =	vld [tilespmem:$0x1F6C0]  }
0x557: {  	v36 =	vmul.f32 v10, v50;
	v10 =	vadd.f32 v3, v11;
	v3 =	vadd.f32 v23, v9;
	v9 =	vld.idx.msk [tilespmem:v1+s3+$0x0], $0xffff  }
0x558: {  	v20 =	vadd.f32 v20, v8;
	v2 =	vmul.f32 v7, v18;
	v23 =	vld.idx.msk [tilespmem:v1+s14+$0x0], $0xffff  }
0x559: {  	v7 =	vadd.f32 v29, v16;
	v16 =	vmul.f32 v17, v18;
	v17 =	vmul.f32 v4, v18;
	v4 =	vld.idx.msk [tilespmem:v1+s15+$0x0], $0xffff  }
0x55a: {  	v8 =	vadd.f32 v0, v12;
	v12 =	vadd.f32 v14, v13;
	v14 =	vld.idx.msk [tilespmem:v1+s16+$0x0], $0xffff  }
0x55b: {  	v1 =	vld [tilespmem:$0x1F6B0];
	_ =	sdelay $0x1  }
0x55c: {  	v55 =	vmov v35;
	v21 =	vadd.f32 v51, v21;
	v51 =	vld [tilespmem:$0x1F690]  }
0x55d: {  	v57 =	vmul.f32 v55, v52  }
0x55e: {  	v26 =	vmul.f32 v26, v61;
	v49 =	vld [tilespmem:$0x1F670]  }
0x55f: {  	v61 =	vmul.f32 v5, v57;
	v5 =	vmul.f32 v1, v62;
	v1 =	vld [tilespmem:$0x1F6D0]  }
0x560: {  	v22 =	vadd.f32 v34, v22  }
0x561: {  	v34 =	vmul.f32 v51, v50  }
0x562: {  	v22 =	vadd.f32 v37, v22;
	v27 =	vadd.f32 v40, v27;
	v59 =	vmul.f32 v47, v18  }
0x563: {  	s30 =	sadd.s32 $0x40, s30;
	v26 =	vadd.f32 v26, v28;
	v6 =	vmul.f32 v54, v24;
	v32 =	vmul.f32 v49, v50  }
0x564: {  	p1 =	slt.u32 s30, $0xFC0;
	v21 =	vadd.f32 v48, v21;
	v25 =	vadd.f32 v2, v25;
	v2 =	vmul.f32 v1, v62;
	v1 =	vld [tilespmem:$0x1F6E0]  }
.Ltmp7:
0x565: {  	v63 =	vmul.f32 v58, v57;
	v13 =	vadd.f32 v32, v22;
	v18 =	vadd.f32 v59, v26;
	(pc) =	sbr.rel @p1 .LBB2_8-.Ltmp7, $4  }
0x566: {  	v0 =	vadd.f32 v34, v27;
	v22 =	vmul.f32 v53, v57;
	v16 =	vadd.f32 v16, v15  }
0x567: {  	v11 =	vadd.f32 v36, v46;
	[tilespmem:s29+$0xFFFFE000] =	vst v18;
	v15 =	vmul.f32 v60, v57;
	v18 =	vadd.f32 v17, v19  }
0x568: {  	v17 =	vadd.f32 v22, v20;
	[tilespmem:s29+$0x0] =	vst v16;
	v16 =	vadd.f32 v61, v56;
	v19 =	vmul.f32 v9, v6  }
0x569: {  	s0 =	sand.u32 $0xFC0, s30;
	s31 =	sadd.s32 $0x40, s31;
	[tilespmem:s29+$0xFFFFF000] =	vst v25;
	v9 =	vadd.f32 v63, v21;
	v20 =	vmul.f32 v23, v6;
	v1 =	vmul.f32 v1, v62  }
0x56a: {  	[tilespmem:s0+$0x19000] =	vst v18  }
0x56b: {  	[tilespmem:s29+$0xFFFFE010] =	vst v17  }
0x56c: {  	v8 =	vadd.f32 v15, v8;
	[tilespmem:s29+$0xFFFFF010] =	vst v16  }
0x56d: {  	v12 =	vadd.f32 v19, v12;
	[tilespmem:s29+$0x10] =	vst v9  }
0x56e: {  	v5 =	vadd.f32 v5, v13;
	[tilespmem:s29+$0x1010] =	vst v8  }
0x56f: {  	v0 =	vadd.f32 v2, v0;
	[tilespmem:s29+$0xFFFFE020] =	vst v12  }
0x570: {  	v4 =	vmul.f32 v4, v6;
	v9 =	vadd.f32 v20, v10;
	[tilespmem:s29+$0xFFFFE030] =	vst v5  }
0x571: {  	v6 =	vmul.f32 v14, v6;
	v1 =	vadd.f32 v1, v11;
	[tilespmem:s29+$0xFFFFF030] =	vst v0  }
0x572: {  	s0 =	sshll.u32 s28, $0x12;
	v4 =	vadd.f32 v4, v7;
	[tilespmem:s29+$0xFFFFF020] =	vst v9  }
0x573: {  	s0 =	sor.u32 s11, s0;
	v3 =	vadd.f32 v6, v3;
	[tilespmem:s29+$0x30] =	vst v1  }
0x574: {  	s0 =	sshrl.u32 s0, $0x3;
	[tilespmem:s29+$0x20] =	vst v4  }
0x575: {  	s28 =	sor.u32 $0x1, s28;
	p1 =	seq.s32 s26, $0x1F;
	s0 =	sadd.s32 s4, s0;
	[tilespmem:s29+$0x1020] =	vst v3  }
0x576: {  	[hbm4b:s0+s3] =	stream.linear.scatter [tilespmem:s20], [sflag:$0x3], $0x4000, $0x38;
	[tilespmem:$0x1E000] =	vst v63  }
0x577: {  	s0 =	smul.u32 @!p1 $0x3000, s28;
	_ =	sdelay $0x1  }
0x578: {  	p2 =	seq.s32 @!p1 s26, $0x0;
	_ =	swait.ge [sflag:s21], $0x3000;
	s0 =	sshrl.u32 @!p1 s0, $0x3  }
0x579: {  	s30 =	simm.s32 @!p1 $0x10000;
	[sflag:s21] =	ssyncset.done $0x0;
	s0 =	sadd.s32 @!p1 s1, s0  }
0x57a: {  	s29 =	simm.s32 @!p1 $0x0;
	[sflag:s21] =	ssyncadd.s32 $0xFFFFD000;
	s0 =	sadd.s32 @!p1 $0x600, s0  }
0x57b: {  	[tilespmem:s30], [sflag:$0x1] =	stream.linear.gather @!p1 [hbm4b:s0+s29], $0x3000, $0x38;
	[tilespmem:$0x1E000] =	vst v63  }
0x57c: {  	p1 =	por p1, !p2  }
0x57d: {  	_ =	swait.ge @p1 [sflag:s23], $0x4000  }
0x57e: {  	[sflag:s23] =	ssyncset.done @p1 $0x0  }
0x57f: {  	s0 =	simm.s32 $0x14020;
	v13 =	vld [tilespmem:$0x1FFC0];
	[sflag:s23] =	ssyncadd.s32 @p1 $0xFFFFC000  }
0x580: {  	v0 =	vld [tilespmem:s0+$0x10]  }
0x581: {  	v1 =	vld [tilespmem:s0+$0x1010]  }
0x582: {  	v2 =	vld [tilespmem:s0+$0xFFFFF010]  }
0x583: {  	v3 =	vld [tilespmem:s0+$0xFE0]  }
0x584: {  	v10 =	vld [tilespmem:s0+$0x0]  }
0x585: {  	v11 =	vld [tilespmem:s0+$0xFFFFEFE0]  }
0x586: {  	v15 =	vld [tilespmem:s0+$0xFFFFEFF0]  }
0x587: {  	v17 =	vld [tilespmem:s0+$0xFFFFF000]  }
0x588: {  	v7 =	vmul.f32 v0, v13  }
0x589: {  	v8 =	vmul.f32 v1, v13;
	v9 =	vmul.f32 v2, v13  }
0x58a: {  	v4 =	vld [tilespmem:s0+$0xFF0];
	v49 =	vmul.f32 v3, v13;
	v3 =	vmul.f32 v10, v13  }
0x58b: {  	v5 =	vld [tilespmem:s0+$0x1000];
	v20 =	vmul.f32 v11, v13;
	v22 =	vmul.f32 v15, v13  }
0x58c: {  	v6 =	vld [tilespmem:s0+$0xFFFFFFE0];
	v15 =	vmul.f32 v17, v13;
	v1 =	vtrunc.f32 v7  }
0x58d: {  	v0 =	vld [tilespmem:s0+$0xFFFFFFF0];
	v2 =	vtrunc.f32 v8;
	v10 =	vtrunc.f32 v49  }
0x58e: {  	v12 =	vcvt.f32.s32 v1;
	v16 =	vcvt.f32.s32 v2  }
0x58f: {  	v1 =	vtrunc.f32 v9;
	v2 =	vmul.f32 v4, v13  }
0x590: {  	v18 =	vcvt.f32.s32 v1;
	v1 =	vmul.f32 v5, v13  }
0x591: {  	v5 =	vmul.f32 v6, v13;
	v19 =	vmul.u32 $0x9E3779B1, v12;
	v4 =	vmul.u32 $0x30025795, v16  }
0x592: {  	v14 =	vmul.f32 v0, v13;
	v17 =	vtrunc.f32 v2  }
0x593: {  	v6 =	vadd.s32 $0x1, v18;
	v24 =	vcvt.f32.s32 v17;
	v0 =	vxor.u32 v19, v4  }
0x594: {  	v17 =	vadd.s32 $0x9E3779B1, v19;
	v11 =	vxor.u32 v6, v0;
	v0 =	vxor.u32 v18, v0  }
0x595: {  	v21 =	vand.u32 $0x3FFF, v11;
	v25 =	vand.u32 $0x3FFF, v0;
	v0 =	vadd.s32 $0x30025795, v4  }
0x596: {  	v23 =	vcvt.f32.s32 v10;
	v12 =	vcvt.s32.f32 v12;
	v29 =	vxor.u32 v17, v0  }
0x597: {  	v10 =	vtrunc.f32 v5;
	v19 =	vxor.u32 v19, v0;
	v0 =	vxor.u32 v6, v29  }
0x598: {  	v11 =	vtrunc.f32 v1;
	v4 =	vxor.u32 v4, v17;
	v0 =	vand.u32 $0x3FFF, v0  }
0x599: {  	v27 =	vcvt.f32.s32 v11;
	v11 =	vtrunc.f32 v14;
	v31 =	vxor.u32 v18, v19;
	[tilespmem:$0x1F410] =	vst v0  }
0x59a: {  	v17 =	vcvt.s32.f32 v18;
	v35 =	vcvt.f32.s32 v11;
	v37 =	vand.u32 $0x3FFF, v31;
	v11 =	vld.idx.msk [tilespmem:v21+s3+$0x0], $0xffff  }
0x59b: {  	v16 =	vcvt.s32.f32 v16;
	v34 =	vcvt.f32.s32 v10  }
0x59c: {  	v7 =	vsub.f32 v7, v12;
	v10 =	vxor.u32 v18, v4;
	v9 =	vsub.f32 v9, v17  }
0x59d: {  	v36 =	vsub.f32 v8, v16;
	v31 =	vand.u32 $0x3FFF, v10;
	v10 =	vxor.u32 v18, v29  }
0x59e: {  	v12 =	vsub.f32 $1.000000000e+00, v7;
	v29 =	vand.u32 $0x3FFF, v10;
	v8 =	vld.idx.msk [tilespmem:v25+s16+$0x0], $0xffff;
	v10 =	vsub.f32 $1.000000000e+00, v9  }
0x59f: {  	v38 =	vld.idx.msk [tilespmem:v37+s16+$0x0], $0xffff;
	[tilespmem:$0x1F3F0] =	vst v11  }
0x5a0: {  	v62 =	vmul.f32 v7, v10;
	v11 =	vmul.f32 v12, v10;
	v10 =	vld.idx.msk [tilespmem:v21+s14+$0x0], $0xffff;
	_ =	sdelay $0x2  }
0x5a1: {  	v39 =	vsub.f32 $1.000000000e+00, v36  }
0x5a2: {  	v4 =	vxor.u32 v6, v4;
	v6 =	vxor.u32 v6, v19  }
0x5a3: {  	v41 =	vld.idx.msk [tilespmem:v31+s16+$0x0], $0xffff;
	v45 =	vmul.f32 v39, v11;
	[tilespmem:$0x1F400] =	vst v10;
	v10 =	vmul.f32 v11, v36;
	v11 =	vand.u32 $0x3FFF, v6  }
0x5a4: {  	[tilespmem:$0x1F430] =	vst v11  }
0x5a5: {  	v13 =	vld.idx.msk [tilespmem:v21+s15+$0x0], $0xffff;
	_ =	sdelay $0x4  }
0x5a6: {  	v6 =	vld.idx.msk [tilespmem:v29+s16+$0x0], $0xffff;
	[tilespmem:$0x1F420] =	vst v13  }
0x5a7: {  	v13 =	vld.idx.msk [tilespmem:v25+s3+$0x0], $0xffff;
	_ =	sdelay $0x4  }
0x5a8: {  	v21 =	vld.idx.msk [tilespmem:v21+s16+$0x0], $0xffff;
	[tilespmem:$0x1F350] =	vst v13  }
0x5a9: {  	v13 =	vld.idx.msk [tilespmem:v25+s14+$0x0], $0xffff;
	_ =	sdelay $0x4  }
0x5aa: {  	[tilespmem:$0x1F360] =	vst v13  }
0x5ab: {  	v26 =	vtrunc.f32 v20;
	v33 =	vtrunc.f32 v15;
	v63 =	vld.idx.msk [tilespmem:v11+s16+$0x0], $0xffff  }
0x5ac: {  	v32 =	vcvt.f32.s32 v26;
	v42 =	vmul.u32 $0x30025795, v23;
	v40 =	vmul.f32 v39, v62;
	v11 =	vld.idx.msk [tilespmem:v25+s15+$0x0], $0xffff  }
0x5ad: {  	v4 =	vand.u32 $0x3FFF, v4;
	v8 =	vmul.f32 v45, v8;
	v19 =	vmul.f32 v38, v10  }
0x5ae: {  	v26 =	vcvt.f32.s32 v33;
	v44 =	vadd.s32 $0x30025795, v42;
	v12 =	vmul.f32 v12, v9  }
0x5af: {  	v33 =	vmul.f32 v36, v62;
	v8 =	vadd.f32 v19, v8;
	v19 =	vmul.f32 v41, v40  }
0x5b0: {  	v56 =	vmul.f32 v7, v9;
	v50 =	vmul.f32 v39, v12;
	v38 =	vmul.u32 $0x9E3779B1, v34  }
0x5b1: {  	v7 =	vmul.f32 v12, v36;
	v8 =	vadd.f32 v19, v8;
	v6 =	vmul.f32 v6, v33;
	[tilespmem:$0x1F370] =	vst v11  }
0x5b2: {  	v9 =	vxor.u32 v38, v44;
	v54 =	vld.idx.msk [tilespmem:v4+s16+$0x0], $0xffff  }
0x5b3: {  	v6 =	vadd.f32 v6, v8;
	v8 =	vmul.f32 v21, v50;
	v21 =	vld.idx.msk [tilespmem:v0+s16+$0x0], $0xffff;
	[tilespmem:$0x1F450] =	vst v7  }
0x5b4: {  	[tilespmem:$0x1F380] =	vst v9  }
0x5b5: {  	v0 =	vld.idx.msk [tilespmem:v4+s3+$0x0], $0xffff;
	_ =	sdelay $0x4  }
0x5b6: {  	[tilespmem:$0x1F460] =	vst v0  }
0x5b7: {  	v0 =	vld.idx.msk [tilespmem:v4+s14+$0x0], $0xffff;
	_ =	sdelay $0x1  }
0x5b8: {  	v41 =	vmul.f32 v63, v7;
	v7 =	vmul.f32 v39, v56;
	_ =	sdelay $0x1  }
0x5b9: {  	v28 =	vtrunc.f32 v3;
	[tilespmem:$0x1F470] =	vst v7  }
0x5ba: {  	v30 =	vtrunc.f32 v22;
	v28 =	vcvt.f32.s32 v28;
	[tilespmem:$0x1F480] =	vst v0  }
0x5bb: {  	v30 =	vcvt.f32.s32 v30;
	v0 =	vld.idx.msk [tilespmem:v4+s15+$0x0], $0xffff  }
0x5bc: {  	v52 =	vmul.u32 $0x9E3779B1, v28;
	v46 =	vmul.u32 $0x30025795, v24;
	v48 =	vmul.u32 $0x30025795, v27  }
0x5bd: {  	v43 =	vcvt.s32.f32 v32;
	v53 =	vcvt.s32.f32 v30;
	v58 =	vadd.f32 v8, v6  }
0x5be: {  	v55 =	vadd.s32 $0x30025795, v46;
	v47 =	vmul.u32 $0x9E3779B1, v35;
	v60 =	vadd.s32 $0x30025795, v48  }
0x5bf: {  	v6 =	vxor.u32 v32, v9;
	v58 =	vadd.f32 v41, v58;
	v54 =	vmul.f32 v54, v7  }
0x5c0: {  	v39 =	vand.u32 $0x3FFF, v6;
	v4 =	vxor.u32 v47, v55;
	[tilespmem:$0x1F490] =	vst v0;
	v0 =	vmul.f32 v36, v56  }
0x5c1: {  	v6 =	vxor.u32 v52, v60;
	v54 =	vadd.f32 v54, v58;
	[tilespmem:$0x1F390] =	vst v4;
	v62 =	vxor.u32 v30, v4  }
0x5c2: {  	v25 =	vcvt.s32.f32 v34;
	v4 =	vsub.f32 v20, v43;
	v61 =	vld.idx.msk [tilespmem:v37+s3+$0x0], $0xffff;
	[tilespmem:$0x1F4B0] =	vst v0;
	v34 =	vmul.f32 v21, v0  }
0x5c3: {  	v7 =	vsub.f32 v22, v53;
	v56 =	vld.idx.msk [tilespmem:v37+s14+$0x0], $0xffff;
	[tilespmem:$0x1F3A0] =	vst v6  }
0x5c4: {  	v16 =	vsub.f32 v5, v25;
	v58 =	vld.idx.msk [tilespmem:v37+s15+$0x0], $0xffff;
	[tilespmem:$0x1F3B0] =	vst v4;
	v0 =	vadd.f32 v34, v54  }
0x5c5: {  	v57 =	vcvt.s32.f32 v35;
	v62 =	vand.u32 $0x3FFF, v62;
	v63 =	vld.idx.msk [tilespmem:v39+s3+$0x0], $0xffff;
	[tilespmem:$0x1F3D0] =	vst v7  }
0x5c6: {  	v59 =	vcvt.s32.f32 v26;
	v28 =	vcvt.s32.f32 v28;
	v53 =	vld.idx.msk [tilespmem:v39+s14+$0x0], $0xffff;
	[tilespmem:$0x1F4A0] =	vst v0;
	v0 =	vsub.f32 $1.000000000e+00, v16  }
0x5c7: {  	v24 =	vcvt.s32.f32 v24;
	v35 =	vcvt.s32.f32 v23;
	v51 =	vsub.f32 v14, v57;
	v54 =	vld.idx.msk [tilespmem:v39+s15+$0x0], $0xffff;
	[tilespmem:$0x1F440] =	vst v16  }
0x5c8: {  	v41 =	vxor.u32 v38, v42;
	v14 =	vxor.u32 v26, v6;
	v38 =	vadd.s32 $0x9E3779B1, v38;
	[tilespmem:$0x1F3C0] =	vst v0  }
0x5c9: {  	v57 =	vand.u32 $0x3FFF, v14;
	v14 =	vcvt.s32.f32 v27;
	v17 =	vsub.f32 $1.000000000e+00, v4;
	v39 =	vld.idx.msk [tilespmem:v39+s16+$0x0], $0xffff  }
0x5ca: {  	v25 =	vxor.u32 v32, v41;
	v42 =	vxor.u32 v42, v38;
	v36 =	vsub.f32 v3, v28;
	v6 =	vld.idx.msk [tilespmem:v62+s3+$0x0], $0xffff  }
0x5cb: {  	v37 =	vsub.f32 v15, v59;
	v59 =	vmul.f32 v0, v17;
	v0 =	vsub.f32 $1.000000000e+00, v51;
	v5 =	vld.idx.msk [tilespmem:v62+s14+$0x0], $0xffff  }
0x5cc: {  	v28 =	vand.u32 $0x3FFF, v25;
	v25 =	vxor.u32 v52, v48;
	v34 =	vsub.f32 v49, v35;
	v15 =	vld.idx.msk [tilespmem:v62+s15+$0x0], $0xffff  }
0x5cd: {  	v19 =	vsub.f32 $1.000000000e+00, v7;
	v35 =	vsub.f32 v2, v24;
	v49 =	vxor.u32 v38, v44;
	v24 =	vld.idx.msk [tilespmem:v62+s16+$0x0], $0xffff;
	[tilespmem:$0x1F3E0] =	vst v0  }
0x5ce: {  	v44 =	vxor.u32 v47, v46;
	v20 =	vsub.f32 $1.000000000e+00, v37;
	v43 =	vmul.f32 v59, v34;
	v38 =	vld.idx.msk [tilespmem:v57+s3+$0x0], $0xffff  }
0x5cf: {  	v62 =	vsub.f32 v1, v14;
	v3 =	vmul.f32 v0, v19;
	v0 =	vxor.u32 v30, v44;
	v4 =	vld.idx.msk [tilespmem:v57+s14+$0x0], $0xffff  }
0x5d0: {  	v2 =	vld.idx.msk [tilespmem:v57+s15+$0x0], $0xffff;
	v13 =	vmul.f32 v43, v63;
	v63 =	vsub.f32 $1.000000000e+00, v36;
	v53 =	vmul.f32 v53, v43  }
0x5d1: {  	v1 =	vand.u32 $0x3FFF, v0;
	v57 =	vld.idx.msk [tilespmem:v57+s16+$0x0], $0xffff;
	v0 =	vmul.f32 v3, v35;
	v54 =	vmul.f32 v54, v43  }
0x5d2: {  	v47 =	vadd.s32 $0x9E3779B1, v47;
	v7 =	vld.idx.msk [tilespmem:v28+s3+$0x0], $0xffff;
	v9 =	vmul.f32 v63, v20;
	v43 =	vmul.f32 v39, v43  }
0x5d3: {  	v46 =	vxor.u32 v46, v47;
	v8 =	vld.idx.msk [tilespmem:v28+s15+$0x0], $0xffff;
	v14 =	vmul.f32 v0, v6;
	v11 =	vmul.f32 v5, v0  }
0x5d4: {  	v47 =	vxor.u32 v47, v55;
	v39 =	vld.idx.msk [tilespmem:v28+s14+$0x0], $0xffff;
	v12 =	vmul.f32 v15, v0;
	v55 =	vmul.f32 v9, v62  }
0x5d5: {  	v24 =	vmul.f32 v24, v0;
	v5 =	vld.idx.msk [tilespmem:v28+s16+$0x0], $0xffff;
	v28 =	vadd.s32 $0x9E3779B1, v52;
	v0 =	vxor.u32 v26, v25  }
0x5d6: {  	v0 =	vand.u32 $0x3FFF, v0;
	v52 =	vmul.f32 v55, v38;
	v38 =	vsub.f32 $1.000000000e+00, v34  }
0x5d7: {  	v6 =	vld.idx.msk [tilespmem:v1+s3+$0x0], $0xffff  }
0x5d8: {  	v15 =	vmul.f32 v4, v55;
	v4 =	vld.idx.msk [tilespmem:v1+s14+$0x0], $0xffff;
	v59 =	vmul.f32 v38, v59  }
0x5d9: {  	v18 =	vmul.f32 v2, v55;
	v57 =	vmul.f32 v57, v55;
	v55 =	vxor.u32 v48, v28;
	v48 =	vld.idx.msk [tilespmem:v1+s15+$0x0], $0xffff  }
0x5da: {  	v2 =	vld.idx.msk [tilespmem:v1+s16+$0x0], $0xffff;
	v7 =	vmul.f32 v59, v7;
	v39 =	vmul.f32 v59, v39  }
0x5db: {  	v8 =	vmul.f32 v59, v8;
	v5 =	vmul.f32 v59, v5;
	v59 =	vld.idx.msk [tilespmem:v0+s16+$0x0], $0xffff  }
0x5dc: {  	v23 =	vadd.f32 v53, v39;
	v39 =	vld.idx.msk [tilespmem:v0+s3+$0x0], $0xffff  }
0x5dd: {  	v53 =	vld.idx.msk [tilespmem:v0+s14+$0x0], $0xffff  }
0x5de: {  	v60 =	vxor.u32 v28, v60;
	v28 =	vsub.f32 $1.000000000e+00, v35;
	v21 =	vadd.f32 v54, v8;
	v54 =	vld.idx.msk [tilespmem:v0+s15+$0x0], $0xffff  }
0x5df: {  	v61 =	vmul.f32 v10, v61;
	v0 =	vld [tilespmem:$0x1F350]  }
0x5e0: {  	v56 =	vmul.f32 v56, v10;
	v3 =	vmul.f32 v28, v3  }
0x5e1: {  	v22 =	vmul.f32 v58, v10;
	v27 =	vsub.f32 $1.000000000e+00, v62;
	v1 =	vxor.u32 v32, v42  }
0x5e2: {  	v1 =	vand.u32 $0x3FFF, v1;
	v6 =	vmul.f32 v3, v6;
	v4 =	vmul.f32 v3, v4  }
0x5e3: {  	v58 =	vld.idx.msk [tilespmem:v31+s3+$0x0], $0xffff;
	v48 =	vmul.f32 v3, v48;
	v2 =	vmul.f32 v3, v2;
	v3 =	vxor.u32 v30, v46  }
0x5e4: {  	v13 =	vadd.f32 v13, v7;
	v3 =	vand.u32 $0x3FFF, v3;
	v7 =	vmul.f32 v45, v0;
	v0 =	vld [tilespmem:$0x1F360]  }
0x5e5: {  	v10 =	vld.idx.msk [tilespmem:v31+s14+$0x0], $0xffff;
	v6 =	vadd.f32 v14, v6;
	v14 =	vmul.f32 v16, v17;
	v16 =	vxor.u32 v26, v55  }
0x5e6: {  	v31 =	vld.idx.msk [tilespmem:v31+s15+$0x0], $0xffff;
	v16 =	vand.u32 $0x3FFF, v16  }
0x5e7: {  	v9 =	vmul.f32 v27, v9;
	v8 =	vadd.f32 v11, v4;
	v11 =	vld.idx.msk [tilespmem:v1+s14+$0x0], $0xffff  }
0x5e8: {  	v12 =	vadd.f32 v12, v48;
	v48 =	vld.idx.msk [tilespmem:v1+s15+$0x0], $0xffff  }
0x5e9: {  	v5 =	vadd.f32 v43, v5;
	v39 =	vmul.f32 v9, v39;
	v43 =	vmul.f32 v45, v0;
	v0 =	vld [tilespmem:$0x1F370]  }
0x5ea: {  	v4 =	vadd.f32 v24, v2;
	v53 =	vmul.f32 v9, v53;
	v24 =	vmul.f32 v9, v54;
	v54 =	vld.idx.msk [tilespmem:v3+s3+$0x0], $0xffff  }
0x5eb: {  	v9 =	vmul.f32 v9, v59;
	v59 =	vld.idx.msk [tilespmem:v16+s3+$0x0], $0xffff  }
0x5ec: {  	v39 =	vadd.f32 v52, v39;
	v15 =	vadd.f32 v15, v53;
	v52 =	vmul.f32 v38, v14;
	v53 =	vld.idx.msk [tilespmem:v3+s14+$0x0], $0xffff  }
0x5ed: {  	v18 =	vadd.f32 v18, v24;
	v9 =	vadd.f32 v57, v9;
	v24 =	vxor.u32 v32, v49;
	v57 =	vld.idx.msk [tilespmem:v3+s15+$0x0], $0xffff  }
0x5ee: {  	v24 =	vand.u32 $0x3FFF, v24;
	v45 =	vmul.f32 v45, v0;
	v0 =	vld.idx.msk [tilespmem:v1+s3+$0x0], $0xffff  }
0x5ef: {  	v17 =	vmul.f32 v51, v19;
	v11 =	vmul.f32 v11, v52;
	v1 =	vld.idx.msk [tilespmem:v1+s16+$0x0], $0xffff  }
0x5f0: {  	v3 =	vld.idx.msk [tilespmem:v3+s16+$0x0], $0xffff;
	v48 =	vmul.f32 v48, v52  }
0x5f1: {  	v7 =	vadd.f32 v61, v7;
	v61 =	vmul.f32 v28, v17;
	v11 =	vadd.f32 v11, v23;
	v23 =	vld [tilespmem:$0x1F390]  }
0x5f2: {  	v19 =	vmul.f32 v36, v20;
	v20 =	vadd.f32 v48, v21;
	v43 =	vadd.f32 v56, v43;
	v56 =	vld.idx.msk [tilespmem:v16+s14+$0x0], $0xffff  }
0x5f3: {  	v21 =	vld.idx.msk [tilespmem:v24+s15+$0x0], $0xffff;
	v22 =	vadd.f32 v22, v45;
	v45 =	vmul.f32 v54, v61;
	v0 =	vmul.f32 v0, v52  }
0x5f4: {  	v54 =	vld.idx.msk [tilespmem:v24+s3+$0x0], $0xffff;
	v2 =	vmul.f32 v1, v52;
	v52 =	vmul.f32 v58, v40;
	v58 =	vxor.u32 v30, v47  }
0x5f5: {  	v10 =	vmul.f32 v10, v40;
	v31 =	vmul.f32 v31, v40;
	v1 =	vld.idx.msk [tilespmem:v16+s15+$0x0], $0xffff;
	v40 =	vand.u32 $0x3FFF, v58  }
0x5f6: {  	v16 =	vld.idx.msk [tilespmem:v16+s16+$0x0], $0xffff  }
0x5f7: {  	v58 =	vld.idx.msk [tilespmem:v24+s14+$0x0], $0xffff;
	v0 =	vadd.f32 v0, v13;
	v13 =	vmul.f32 v57, v61;
	v57 =	vmul.f32 v27, v19  }
0x5f8: {  	v3 =	vmul.f32 v3, v61;
	v24 =	vld.idx.msk [tilespmem:v24+s16+$0x0], $0xffff  }
0x5f9: {  	v2 =	vadd.f32 v2, v5;
	v5 =	vmul.f32 v59, v57;
	v59 =	vmul.f32 v56, v57;
	v56 =	vld.idx.msk [tilespmem:v29+s3+$0x0], $0xffff  }
0x5fa: {  	v53 =	vmul.f32 v53, v61;
	v6 =	vadd.f32 v45, v6;
	v45 =	vld.idx.msk [tilespmem:v40+s3+$0x0], $0xffff  }
0x5fb: {  	v4 =	vadd.f32 v3, v4;
	v12 =	vadd.f32 v13, v12;
	v13 =	vxor.u32 v26, v60;
	v61 =	vld.idx.msk [tilespmem:v40+s14+$0x0], $0xffff  }
0x5fc: {  	v10 =	vadd.f32 v10, v43;
	v1 =	vmul.f32 v1, v57;
	v3 =	vand.u32 $0x3FFF, v13;
	v13 =	vld.idx.msk [tilespmem:v40+s15+$0x0], $0xffff  }
0x5fd: {  	v22 =	vadd.f32 v31, v22;
	v15 =	vadd.f32 v59, v15;
	v59 =	vld.idx.msk [tilespmem:v29+s14+$0x0], $0xffff  }
0x5fe: {  	v16 =	vmul.f32 v16, v57;
	v29 =	vld.idx.msk [tilespmem:v29+s15+$0x0], $0xffff;
	v18 =	vadd.f32 v1, v18;
	v1 =	vmul.f32 v34, v14  }
0x5ff: {  	v17 =	vmul.f32 v35, v17;
	v7 =	vadd.f32 v52, v7;
	v5 =	vadd.f32 v5, v39;
	v14 =	vld.idx.msk [tilespmem:v40+s16+$0x0], $0xffff  }
0x600: {  	v9 =	vadd.f32 v16, v9;
	v16 =	vadd.s32 $0x1, v32;
	v48 =	vmul.f32 v58, v1;
	v58 =	vld [tilespmem:$0x1F3B0]  }
0x601: {  	v57 =	vxor.u32 v16, v41;
	v40 =	vmul.f32 v54, v1;
	v21 =	vmul.f32 v21, v1;
	v31 =	vld.idx.msk [tilespmem:v3+s3+$0x0], $0xffff  }
0x602: {  	v39 =	vand.u32 $0x3FFF, v57;
	v24 =	vmul.f32 v24, v1;
	v32 =	vmul.f32 v56, v33;
	v52 =	vld.idx.msk [tilespmem:v3+s16+$0x0], $0xffff  }
0x603: {  	v1 =	vadd.s32 $0x1, v30;
	v30 =	vmul.f32 v45, v17;
	v43 =	vmul.f32 v61, v17;
	v45 =	vld.idx.msk [tilespmem:v3+s14+$0x0], $0xffff  }
0x604: {  	v13 =	vmul.f32 v13, v17;
	v14 =	vmul.f32 v14, v17;
	v17 =	vxor.u32 v1, v44;
	v44 =	vld.idx.msk [tilespmem:v3+s15+$0x0], $0xffff  }
0x605: {  	v3 =	vld [tilespmem:$0x1F380]  }
0x606: {  	v7 =	vadd.f32 v32, v7;
	v32 =	vmul.f32 v63, v37;
	v63 =	vld [tilespmem:$0x1F420]  }
0x607: {  	v54 =	vld.idx.msk [tilespmem:v39+s3+$0x0], $0xffff  }
0x608: {  	v8 =	vadd.f32 v53, v8;
	v42 =	vxor.u32 v16, v42;
	v61 =	vadd.s32 $0x1, v26;
	v56 =	vld.idx.msk [tilespmem:v39+s15+$0x0], $0xffff  }
0x609: {  	v17 =	vand.u32 $0x3FFF, v17;
	v12 =	vadd.f32 v13, v12;
	v13 =	vadd.f32 v14, v4;
	v4 =	vld [tilespmem:$0x1F3E0]  }
0x60a: {  	v53 =	vxor.u32 v16, v3;
	v3 =	vxor.u32 v16, v49;
	v16 =	vxor.u32 v61, v25;
	v25 =	vld.idx.msk [tilespmem:v39+s14+$0x0], $0xffff  }
0x60b: {  	v46 =	vxor.u32 v1, v46;
	v26 =	vxor.u32 v1, v47;
	v49 =	vxor.u32 v1, v23;
	v1 =	vld [tilespmem:$0x1F3A0]  }
0x60c: {  	v39 =	vld.idx.msk [tilespmem:v39+s16+$0x0], $0xffff  }
0x60d: {  	v23 =	vld [tilespmem:$0x1F3C0]  }
0x60e: {  	v41 =	vmul.f32 v59, v33;
	v29 =	vmul.f32 v29, v33;
	v16 =	vand.u32 $0x3FFF, v16;
	v33 =	vld.idx.msk [tilespmem:v17+s3+$0x0], $0xffff  }
0x60f: {  	v20 =	vadd.f32 v21, v20;
	v21 =	vadd.f32 v24, v2;
	v55 =	vxor.u32 v61, v55;
	v57 =	vld.idx.msk [tilespmem:v17+s15+$0x0], $0xffff  }
0x610: {  	v2 =	vand.u32 $0x3FFF, v53;
	v47 =	vxor.u32 v61, v1;
	v1 =	vxor.u32 v61, v60;
	v61 =	vld.idx.msk [tilespmem:v17+s14+$0x0], $0xffff  }
0x611: {  	v17 =	vld.idx.msk [tilespmem:v17+s16+$0x0], $0xffff  }
0x612: {  	v19 =	vmul.f32 v62, v19;
	v11 =	vadd.f32 v48, v11;
	v48 =	vmul.f32 v23, v58;
	v23 =	vld [tilespmem:$0x1F3D0]  }
0x613: {  	v6 =	vadd.f32 v30, v6;
	v30 =	vld.idx.msk [tilespmem:v16+s3+$0x0], $0xffff  }
0x614: {  	v8 =	vadd.f32 v43, v8;
	v31 =	vmul.f32 v31, v19;
	v44 =	vmul.f32 v44, v19;
	v43 =	vld.idx.msk [tilespmem:v16+s14+$0x0], $0xffff  }
0x615: {  	v60 =	vmul.f32 v45, v19;
	v19 =	vmul.f32 v52, v19;
	v45 =	vld.idx.msk [tilespmem:v2+s15+$0x0], $0xffff  }
0x616: {  	v52 =	vld.idx.msk [tilespmem:v2+s16+$0x0], $0xffff;
	v59 =	vmul.f32 v38, v48  }
0x617: {  	v9 =	vadd.f32 v19, v9;
	v19 =	vld.idx.msk [tilespmem:v2+s3+$0x0], $0xffff  }
0x618: {  	v49 =	vand.u32 $0x3FFF, v49;
	v24 =	vmul.f32 v39, v59;
	v39 =	vld.idx.msk [tilespmem:v2+s14+$0x0], $0xffff  }
0x619: {  	v0 =	vadd.f32 v40, v0;
	v2 =	vld [tilespmem:$0x1F3F0];
	v14 =	vmul.f32 v4, v23  }
0x61a: {  	v10 =	vadd.f32 v41, v10;
	v5 =	vadd.f32 v31, v5;
	v31 =	vld.idx.msk [tilespmem:v16+s15+$0x0], $0xffff;
	v48 =	vmul.f32 v48, v34  }
0x61b: {  	v16 =	vld.idx.msk [tilespmem:v16+s16+$0x0], $0xffff;
	v15 =	vadd.f32 v60, v15;
	v25 =	vmul.f32 v25, v59;
	v60 =	vmul.f32 v28, v14  }
0x61c: {  	v22 =	vadd.f32 v29, v22;
	v40 =	vmul.f32 v56, v59;
	v56 =	vld [tilespmem:$0x1F410];
	v4 =	vmul.f32 v54, v59  }
0x61d: {  	v11 =	vadd.f32 v25, v11;
	v21 =	vadd.f32 v24, v21;
	v24 =	vld.idx.msk [tilespmem:v49+s3+$0x0], $0xffff;
	v33 =	vmul.f32 v33, v60  }
0x61e: {  	v25 =	vand.u32 $0x3FFF, v42;
	v41 =	vmul.f32 v61, v60;
	v29 =	vmul.f32 v2, v50;
	v2 =	vld [tilespmem:$0x1F400]  }
0x61f: {  	v18 =	vadd.f32 v44, v18;
	v44 =	vmul.f32 v57, v60;
	v17 =	vmul.f32 v17, v60;
	v57 =	vld [tilespmem:$0x1F430]  }
0x620: {  	v61 =	vmul.f32 v27, v32;
	v6 =	vadd.f32 v33, v6;
	v33 =	vmul.f32 v36, v37;
	v36 =	vld.idx.msk [tilespmem:v49+s14+$0x0], $0xffff  }
0x621: {  	v59 =	vmul.f32 v45, v48;
	v19 =	vmul.f32 v19, v48;
	v13 =	vadd.f32 v17, v13;
	v17 =	vld.idx.msk [tilespmem:v49+s15+$0x0], $0xffff  }
0x622: {  	v39 =	vmul.f32 v39, v48;
	v30 =	vmul.f32 v30, v61;
	v49 =	vld.idx.msk [tilespmem:v49+s16+$0x0], $0xffff  }
0x623: {  	v45 =	vand.u32 $0x3FFF, v46;
	v60 =	vmul.f32 v43, v61;
	v31 =	vmul.f32 v31, v61;
	v46 =	vld.idx.msk [tilespmem:v25+s3+$0x0], $0xffff  }
0x624: {  	v16 =	vmul.f32 v16, v61;
	v61 =	vand.u32 $0x3FFF, v47;
	v37 =	vmul.f32 v52, v48;
	v48 =	vld.idx.msk [tilespmem:v25+s14+$0x0], $0xffff  }
0x625: {  	v52 =	vld [tilespmem:$0x1F450]  }
0x626: {  	v0 =	vadd.f32 v4, v0;
	v4 =	vld.idx.msk [tilespmem:v56+s14+$0x0], $0xffff  }
0x627: {  	v54 =	vmul.f32 v2, v50;
	v2 =	vld.idx.msk [tilespmem:v56+s3+$0x0], $0xffff  }
0x628: {  	v14 =	vmul.f32 v14, v35;
	v50 =	vmul.f32 v63, v50;
	v63 =	vld [tilespmem:$0x1F440]  }
0x629: {  	v9 =	vadd.f32 v16, v9;
	v16 =	vld.idx.msk [tilespmem:v61+s14+$0x0], $0xffff  }
0x62a: {  	v24 =	vmul.f32 v24, v14;
	v15 =	vadd.f32 v60, v15;
	v60 =	vld.idx.msk [tilespmem:v61+s15+$0x0], $0xffff;
	v36 =	vmul.f32 v36, v14  }
0x62b: {  	v17 =	vmul.f32 v17, v14;
	v14 =	vmul.f32 v49, v14;
	v49 =	vld.idx.msk [tilespmem:v25+s15+$0x0], $0xffff  }
0x62c: {  	v25 =	vld.idx.msk [tilespmem:v25+s16+$0x0], $0xffff  }
0x62d: {  	v12 =	vadd.f32 v44, v12;
	v47 =	vld.idx.msk [tilespmem:v57+s14+$0x0], $0xffff  }
0x62e: {  	v0 =	vadd.f32 v19, v0;
	v19 =	vmul.f32 v32, v62;
	v43 =	vld.idx.msk [tilespmem:v57+s3+$0x0], $0xffff  }
0x62f: {  	v20 =	vadd.f32 v40, v20;
	v12 =	vadd.f32 v17, v12;
	v17 =	vld.idx.msk [tilespmem:v45+s3+$0x0], $0xffff  }
0x630: {  	v13 =	vadd.f32 v14, v13;
	v14 =	vld.idx.msk [tilespmem:v45+s14+$0x0], $0xffff;
	v53 =	vmul.f32 v63, v58;
	v16 =	vmul.f32 v16, v19  }
0x631: {  	v10 =	vadd.f32 v54, v10;
	v22 =	vadd.f32 v50, v22;
	v50 =	vand.u32 $0x3FFF, v55;
	v58 =	vld.idx.msk [tilespmem:v61+s3+$0x0], $0xffff  }
0x632: {  	v61 =	vld.idx.msk [tilespmem:v61+s16+$0x0], $0xffff;
	v55 =	vmul.f32 v47, v52;
	v15 =	vadd.f32 v16, v15;
	v16 =	vmul.f32 v38, v53  }
0x633: {  	v3 =	vand.u32 $0x3FFF, v3;
	v20 =	vadd.f32 v59, v20;
	v7 =	vadd.f32 v29, v7;
	v63 =	vld.idx.msk [tilespmem:v57+s15+$0x0], $0xffff  }
0x634: {  	v57 =	vld.idx.msk [tilespmem:v45+s15+$0x0], $0xffff;
	v29 =	vmul.f32 v60, v19;
	v60 =	vadd.f32 v55, v10;
	v10 =	vmul.f32 v49, v16  }
0x635: {  	v59 =	vmul.f32 v48, v16;
	v48 =	vld [tilespmem:$0x1F470]  }
0x636: {  	v20 =	vadd.f32 v10, v20;
	v10 =	vld [tilespmem:$0x1F460]  }
0x637: {  	v44 =	vld.idx.msk [tilespmem:v50+s16+$0x0], $0xffff  }
0x638: {  	v26 =	vand.u32 $0x3FFF, v26;
	v51 =	vmul.f32 v51, v23;
	v47 =	vld.idx.msk [tilespmem:v3+s14+$0x0], $0xffff  }
0x639: {  	v8 =	vadd.f32 v41, v8;
	v18 =	vadd.f32 v31, v18;
	v31 =	vmul.f32 v58, v19;
	v58 =	vld.idx.msk [tilespmem:v45+s16+$0x0], $0xffff  }
0x63a: {  	v11 =	vadd.f32 v39, v11;
	v23 =	vmul.f32 v27, v33;
	v19 =	vmul.f32 v61, v19;
	v61 =	vld.idx.msk [tilespmem:v50+s14+$0x0], $0xffff  }
0x63b: {  	v5 =	vadd.f32 v30, v5;
	v54 =	vmul.f32 v43, v52;
	v49 =	vmul.f32 v10, v48;
	v10 =	vld [tilespmem:$0x1F480]  }
0x63c: {  	v21 =	vadd.f32 v37, v21;
	v40 =	vmul.f32 v63, v52;
	v52 =	vmul.f32 v34, v53;
	v53 =	vld.idx.msk [tilespmem:v3+s15+$0x0], $0xffff  }
0x63d: {  	v30 =	vmul.f32 v46, v16;
	v5 =	vadd.f32 v31, v5;
	v31 =	vadd.f32 v54, v7;
	v7 =	vld.idx.msk [tilespmem:v50+s3+$0x0], $0xffff  }
0x63e: {  	v8 =	vadd.f32 v36, v8;
	v46 =	vld.idx.msk [tilespmem:v3+s3+$0x0], $0xffff;
	v9 =	vadd.f32 v19, v9;
	v19 =	vmul.f32 v28, v51  }
0x63f: {  	v18 =	vadd.f32 v29, v18;
	v16 =	vmul.f32 v25, v16;
	v63 =	vadd.f32 v30, v0;
	v0 =	vld.idx.msk [tilespmem:v50+s15+$0x0], $0xffff  }
0x640: {  	v54 =	vand.u32 $0x3FFF, v1;
	v17 =	vmul.f32 v17, v19;
	v50 =	vmul.f32 v10, v48;
	v10 =	vld [tilespmem:$0x1F490]  }
0x641: {  	v55 =	vld.idx.msk [tilespmem:v3+s16+$0x0], $0xffff;
	v45 =	vadd.f32 v59, v11;
	v14 =	vmul.f32 v14, v19;
	v11 =	vmul.f32 v57, v19  }
0x642: {  	v16 =	vadd.f32 v16, v21;
	v57 =	vld.idx.msk [tilespmem:v26+s3+$0x0], $0xffff;
	v19 =	vmul.f32 v58, v19;
	v1 =	vmul.f32 v7, v23  }
0x643: {  	v3 =	vmul.f32 v61, v23;
	v61 =	vld [tilespmem:$0x1F4A0];
	v14 =	vadd.f32 v14, v8;
	v58 =	vadd.f32 v11, v12  }
0x644: {  	v8 =	vadd.f32 v19, v13;
	v19 =	vld.idx.msk [tilespmem:v26+s14+$0x0], $0xffff;
	v0 =	vmul.f32 v0, v23;
	v12 =	vadd.f32 v1, v5  }
0x645: {  	v1 =	vld.idx.msk [tilespmem:v26+s15+$0x0], $0xffff;
	v21 =	vmul.f32 v10, v48;
	v10 =	vadd.f32 v3, v15;
	v15 =	vmul.f32 v46, v52  }
0x646: {  	v22 =	vadd.f32 v40, v22;
	v23 =	vmul.f32 v44, v23;
	v5 =	vld.idx.msk [tilespmem:v26+s16+$0x0], $0xffff;
	v7 =	vadd.f32 v0, v18  }
0x647: {  	s29 =	simm.s32 $0x1C000;
	v35 =	vmul.f32 v35, v51;
	v0 =	vadd.f32 v50, v60;
	v60 =	vld.idx.msk [tilespmem:v54+s3+$0x0], $0xffff;
	v15 =	vadd.f32 v15, v63  }
0x648: {  	v6 =	vadd.f32 v24, v6;
	v3 =	vadd.f32 v23, v9;
	v9 =	vld.idx.msk [tilespmem:v56+s15+$0x0], $0xffff;
	[tilespmem:s29+$0x1030] =	vst v61  }
0x649: {  	v59 =	vmul.f32 v55, v52;
	v11 =	vadd.f32 v21, v22;
	v21 =	vld.idx.msk [tilespmem:v54+s14+$0x0], $0xffff;
	[tilespmem:s29+$0xFFFFE000] =	vst v15  }
0x64a: {  	v17 =	vadd.f32 v17, v6;
	v18 =	vmul.f32 v47, v52;
	v63 =	vmul.f32 v1, v35;
	v1 =	vld [tilespmem:$0x1F4B0]  }
0x64b: {  	v13 =	vadd.f32 v49, v31;
	v19 =	vmul.f32 v19, v35;
	v23 =	vmul.f32 v53, v52  }
0x64c: {  	v6 =	vmul.f32 v62, v33;
	v62 =	vadd.f32 v18, v45;
	v18 =	vadd.f32 v59, v16  }
0x64d: {  	v16 =	vadd.f32 v19, v14;
	v22 =	vmul.f32 v57, v35;
	v20 =	vadd.f32 v23, v20  }
0x64e: {  	v14 =	vld.idx.msk [tilespmem:v54+s16+$0x0], $0xffff;
	v19 =	vmul.f32 v60, v6;
	v15 =	vmul.f32 v5, v35;
	[tilespmem:s29+$0xFFFFF000] =	vst v62  }
0x64f: {  	s30 =	simm.s32 $0x0;
	v17 =	vadd.f32 v22, v17;
	[tilespmem:s29+$0x0] =	vst v20;
	v20 =	vmul.f32 v21, v6;
	v5 =	vmul.f32 v2, v1  }
0x650: {  	s31 =	simm.s32 $0x14060;
	s0 =	sand.u32 $0xFC0, s30;
	v2 =	vmul.f32 v4, v1;
	v1 =	vmul.f32 v9, v1;
	v4 =	vld.idx.msk [tilespmem:v54+s15+$0x0], $0xffff;
	v9 =	vadd.f32 v63, v58  }
.LBB2_10:
0x651: {  	v21 =	vld [tilespmem:s31+$0x10]  }
0x652: {  	v23 =	vld [tilespmem:$0x1FFC0]  }
0x653: {  	v8 =	vadd.f32 v15, v8;
	v15 =	vld [tilespmem:s31+$0x1010]  }
0x654: {  	[tilespmem:s0+$0x1D000] =	vst v18;
	v5 =	vadd.f32 v5, v13;
	v13 =	vld [tilespmem:s31+$0xFFFFF010]  }
0x655: {  	[tilespmem:s29+$0xFFFFE010] =	vst v17  }
0x656: {  	v4 =	vmul.f32 v4, v6;
	v12 =	vadd.f32 v19, v12;
	v10 =	vadd.f32 v20, v10;
	[tilespmem:s29+$0xFFFFF010] =	vst v16  }
0x657: {  	v6 =	vmul.f32 v14, v6;
	v0 =	vadd.f32 v2, v0;
	[tilespmem:s29+$0x10] =	vst v9;
	v1 =	vadd.f32 v1, v11;
	v2 =	vld [tilespmem:s31+$0xFE0]  }
0x658: {  	v4 =	vadd.f32 v4, v7;
	v7 =	vld [tilespmem:s31+$0x1000];
	[tilespmem:s29+$0xFFFFE020] =	vst v12;
	v9 =	vmul.f32 v21, v23;
	v11 =	vmul.f32 v15, v23  }
0x659: {  	[tilespmem:s29+$0xFFFFF020] =	vst v10;
	v15 =	vmul.f32 v13, v23  }
0x65a: {  	v3 =	vadd.f32 v6, v3;
	v6 =	vld [tilespmem:s31+$0xFF0];
	[tilespmem:s29+$0x20] =	vst v4;
	v12 =	vtrunc.f32 v9;
	v13 =	vtrunc.f32 v11  }
0x65b: {  	v4 =	vld [tilespmem:s31+$0x0];
	v16 =	vcvt.f32.s32 v12;
	v17 =	vcvt.f32.s32 v13  }
0x65c: {  	[tilespmem:s29+$0x1020] =	vst v3;
	v3 =	vld [tilespmem:s31+$0xFFFFEFE0];
	v13 =	vmul.f32 v2, v23;
	v2 =	vtrunc.f32 v15  }
0x65d: {  	v18 =	vcvt.f32.s32 v2;
	v12 =	vmul.u32 $0x9E3779B1, v16;
	v22 =	vmul.u32 $0x30025795, v17;
	_ =	sdelay $0x1  }
0x65e: {  	[tilespmem:s29+$0x30] =	vst v1;
	v37 =	vmul.f32 v6, v23;
	v1 =	vadd.s32 $0x1, v18;
	v6 =	vxor.u32 v12, v22  }
0x65f: {  	v21 =	vmul.f32 v4, v23;
	v4 =	vxor.u32 v1, v6  }
0x660: {  	v14 =	vmul.f32 v3, v23;
	v3 =	vand.u32 $0x3FFF, v4;
	_ =	sdelay $0x2  }
0x661: {  	[tilespmem:s29+$0xFFFFE030] =	vst v5  }
0x662: {  	[tilespmem:s29+$0xFFFFF030] =	vst v0  }
0x663: {  	v2 =	vld.idx.msk [tilespmem:v3+s3+$0x0], $0xffff;
	_ =	sdelay $0x2  }
0x664: {  	v0 =	vld [tilespmem:s31+$0xFFFFF000];
	_ =	sdelay $0x1  }
0x665: {  	[tilespmem:$0x1F200] =	vst v2;
	v2 =	vld.idx.msk [tilespmem:v3+s14+$0x0], $0xffff;
	_ =	sdelay $0x2  }
0x666: {  	v25 =	vmul.f32 v0, v23;
	v0 =	vtrunc.f32 v37  }
0x667: {  	v27 =	vcvt.f32.s32 v0;
	v0 =	vxor.u32 v18, v6  }
0x668: {  	v0 =	vand.u32 $0x3FFF, v0;
	[tilespmem:$0x1F220] =	vst v2;
	v2 =	vld.idx.msk [tilespmem:v3+s15+$0x0], $0xffff;
	_ =	sdelay $0x4  }
0x669: {  	[tilespmem:$0x1F230] =	vst v2;
	v2 =	vld.idx.msk [tilespmem:v0+s3+$0x0], $0xffff;
	_ =	sdelay $0x2  }
0x66a: {  	[tilespmem:s29+$0x1010] =	vst v8  }
0x66b: {  	v10 =	vld [tilespmem:s31+$0xFFFFFFF0]  }
0x66c: {  	[tilespmem:$0x1F100] =	vst v2;
	v2 =	vld.idx.msk [tilespmem:v0+s14+$0x0], $0xffff;
	_ =	sdelay $0x1  }
0x66d: {  	v20 =	vmul.f32 v7, v23;
	v7 =	vadd.s32 $0x30025795, v22;
	v6 =	vadd.s32 $0x9E3779B1, v12  }
0x66e: {  	v32 =	vxor.u32 v6, v7  }
0x66f: {  	v19 =	vmul.f32 v10, v23;
	v10 =	vxor.u32 v1, v32  }
0x670: {  	v41 =	vand.u32 $0x3FFF, v10;
	[tilespmem:$0x1F110] =	vst v2;
	v2 =	vld.idx.msk [tilespmem:v0+s15+$0x0], $0xffff;
	_ =	sdelay $0x4  }
0x671: {  	[tilespmem:$0x1F120] =	vst v2;
	v2 =	vld.idx.msk [tilespmem:v41+s3+$0x0], $0xffff;
	_ =	sdelay $0x4  }
0x672: {  	[tilespmem:$0x1F310] =	vst v2;
	v2 =	vld.idx.msk [tilespmem:v41+s14+$0x0], $0xffff;
	_ =	sdelay $0x2  }
0x673: {  	v6 =	vxor.u32 v22, v6  }
0x674: {  	v29 =	vxor.u32 v18, v6;
	v6 =	vxor.u32 v1, v6  }
0x675: {  	v6 =	vand.u32 $0x3FFF, v6;
	[tilespmem:$0x1F330] =	vst v2;
	v2 =	vld.idx.msk [tilespmem:v41+s15+$0x0], $0xffff;
	_ =	sdelay $0x4  }
0x676: {  	[tilespmem:$0x1F340] =	vst v2;
	v2 =	vld.idx.msk [tilespmem:v6+s3+$0x0], $0xffff;
	_ =	sdelay $0x4  }
0x677: {  	[tilespmem:$0x1F2D0] =	vst v2;
	v2 =	vld.idx.msk [tilespmem:v6+s14+$0x0], $0xffff;
	_ =	sdelay $0x1  }
0x678: {  	v7 =	vxor.u32 v12, v7  }
0x679: {  	v35 =	vxor.u32 v18, v7  }
0x67a: {  	v1 =	vxor.u32 v1, v7;
	v10 =	vand.u32 $0x3FFF, v35  }
0x67b: {  	v16 =	vcvt.s32.f32 v16;
	v1 =	vand.u32 $0x3FFF, v1;
	[tilespmem:$0x1F2F0] =	vst v2;
	v2 =	vld.idx.msk [tilespmem:v6+s15+$0x0], $0xffff  }
0x67c: {  	v8 =	vld [tilespmem:s31+$0xFFFFFFE0];
	v22 =	vcvt.s32.f32 v18;
	v42 =	vand.u32 $0x3FFF, v29  }
0x67d: {  	v17 =	vcvt.s32.f32 v17;
	v9 =	vsub.f32 v9, v16;
	v16 =	vxor.u32 v18, v32  }
0x67e: {  	v15 =	vsub.f32 v15, v22;
	v45 =	vand.u32 $0x3FFF, v16  }
0x67f: {  	v43 =	vsub.f32 v11, v17;
	v17 =	vld.idx.msk [tilespmem:v10+s16+$0x0], $0xffff  }
0x680: {  	v11 =	vsub.f32 $1.000000000e+00, v15;
	[tilespmem:$0x1F300] =	vst v2;
	v2 =	vld.idx.msk [tilespmem:v1+s3+$0x0], $0xffff  }
0x681: {  	v38 =	vmul.f32 v8, v23;
	v8 =	vtrunc.f32 v14;
	v16 =	vsub.f32 $1.000000000e+00, v9;
	v22 =	vld.idx.msk [tilespmem:v42+s16+$0x0], $0xffff  }
0x682: {  	v50 =	vcvt.f32.s32 v8;
	v8 =	vsub.f32 $1.000000000e+00, v43;
	v7 =	vmul.f32 v9, v11;
	v0 =	vld.idx.msk [tilespmem:v0+s16+$0x0], $0xffff  }
0x683: {  	v4 =	vtrunc.f32 v13;
	v18 =	vmul.f32 v16, v11;
	v11 =	vld.idx.msk [tilespmem:v45+s16+$0x0], $0xffff  }
0x684: {  	v36 =	vmul.f32 v8, v7;
	v12 =	vmul.f32 v43, v7;
	v7 =	vld.idx.msk [tilespmem:v1+s16+$0x0], $0xffff  }
0x685: {  	v40 =	vmul.f32 v8, v18;
	v44 =	vmul.f32 v18, v43;
	[tilespmem:$0x1F2A0] =	vst v2;
	v2 =	vld.idx.msk [tilespmem:v1+s14+$0x0], $0xffff  }
0x686: {  	v31 =	vcvt.f32.s32 v4;
	v4 =	vtrunc.f32 v38;
	v1 =	vld.idx.msk [tilespmem:v1+s15+$0x0], $0xffff  }
0x687: {  	v5 =	vld [tilespmem:s31+$0xFFFFEFF0];
	v17 =	vmul.f32 v17, v44;
	v0 =	vmul.f32 v40, v0  }
0x688: {  	v4 =	vcvt.f32.s32 v4  }
0x689: {  	v18 =	vmul.f32 v16, v15;
	v16 =	vmul.f32 v22, v36;
	v0 =	vadd.f32 v17, v0  }
0x68a: {  	v54 =	vmul.u32 $0x9E3779B1, v4  }
0x68b: {  	v57 =	vcvt.s32.f32 v4;
	v4 =	vmul.f32 v11, v12;
	v0 =	vadd.f32 v16, v0;
	[tilespmem:$0x1F2C0] =	vst v1;
	v1 =	vld.idx.msk [tilespmem:v45+s3+$0x0], $0xffff  }
0x68c: {  	v46 =	vmul.f32 v5, v23;
	v5 =	vtrunc.f32 v20  }
0x68d: {  	v30 =	vcvt.f32.s32 v5;
	v0 =	vadd.f32 v4, v0;
	v4 =	vmul.f32 v18, v43  }
0x68e: {  	v5 =	vtrunc.f32 v19;
	v33 =	vtrunc.f32 v46  }
0x68f: {  	v23 =	vtrunc.f32 v21;
	v5 =	vcvt.f32.s32 v5;
	[tilespmem:$0x1F290] =	vst v4  }
0x690: {  	v48 =	vcvt.f32.s32 v33;
	[tilespmem:$0x1F1A0] =	vst v1;
	v1 =	vmul.f32 v7, v4;
	v4 =	vld.idx.msk [tilespmem:v45+s14+$0x0], $0xffff  }
0x691: {  	v53 =	vmul.u32 $0x30025795, v30;
	v34 =	vtrunc.f32 v25;
	v23 =	vcvt.f32.s32 v23  }
0x692: {  	v49 =	vcvt.f32.s32 v34;
	v52 =	vmul.u32 $0x30025795, v27;
	v55 =	vmul.u32 $0x9E3779B1, v5;
	v3 =	vld.idx.msk [tilespmem:v3+s16+$0x0], $0xffff  }
0x693: {  	v58 =	vcvt.s32.f32 v48;
	v59 =	vcvt.s32.f32 v5;
	v63 =	vadd.s32 $0x30025795, v53  }
0x694: {  	v56 =	vmul.u32 $0x9E3779B1, v23;
	v47 =	vcvt.s32.f32 v50;
	v62 =	vadd.s32 $0x30025795, v52  }
0x695: {  	v60 =	vcvt.s32.f32 v49;
	v28 =	vsub.f32 v19, v59;
	v11 =	vmul.f32 v8, v18;
	[tilespmem:$0x1F1C0] =	vst v4;
	v4 =	vld.idx.msk [tilespmem:v45+s15+$0x0], $0xffff  }
0x696: {  	v33 =	vxor.u32 v55, v62;
	v32 =	vxor.u32 v56, v63;
	v51 =	vmul.u32 $0x30025795, v31  }
0x697: {  	v24 =	vxor.u32 v56, v53;
	v9 =	vmul.f32 v9, v15;
	v3 =	vmul.f32 v3, v11;
	v6 =	vld.idx.msk [tilespmem:v6+s16+$0x0], $0xffff  }
0x698: {  	v56 =	vadd.s32 $0x9E3779B1, v56;
	v39 =	vxor.u32 v49, v24;
	v61 =	vadd.s32 $0x30025795, v51  }
0x699: {  	v0 =	vadd.f32 v3, v0;
	v3 =	vmul.f32 v8, v9;
	v8 =	vsub.f32 v46, v58;
	v46 =	vld.idx.msk [tilespmem:v10+s14+$0x0], $0xffff  }
0x69a: {  	v29 =	vxor.u32 v54, v61;
	v26 =	vsub.f32 v38, v57;
	v57 =	vadd.s32 $0x9E3779B1, v55;
	[tilespmem:$0x1F1D0] =	vst v4;
	v4 =	vld.idx.msk [tilespmem:v42+s3+$0x0], $0xffff  }
0x69b: {  	v31 =	vcvt.s32.f32 v31;
	v35 =	vxor.u32 v50, v29;
	v59 =	vxor.u32 v52, v57;
	[tilespmem:$0x1F210] =	vst v11;
	v41 =	vld.idx.msk [tilespmem:v41+s16+$0x0], $0xffff  }
0x69c: {  	[tilespmem:$0x1F2E0] =	vst v3;
	v0 =	vadd.f32 v1, v0;
	v1 =	vmul.f32 v6, v3;
	v3 =	vmul.f32 v43, v9  }
0x69d: {  	v22 =	vxor.u32 v55, v52;
	[tilespmem:$0x1F2B0] =	vst v2;
	v2 =	vcvt.s32.f32 v23;
	v23 =	vxor.u32 v54, v51  }
0x69e: {  	v11 =	vand.u32 $0x3FFF, v39;
	v52 =	vsub.f32 $1.000000000e+00, v8;
	v38 =	vxor.u32 v50, v23;
	[tilespmem:$0x1F320] =	vst v3  }
0x69f: {  	v46 =	vmul.f32 v46, v44;
	v9 =	vsub.f32 v25, v60;
	v6 =	vand.u32 $0x3FFF, v38;
	[tilespmem:$0x1F130] =	vst v4;
	v4 =	vld.idx.msk [tilespmem:v42+s14+$0x0], $0xffff  }
0x6a0: {  	v0 =	vadd.f32 v1, v0;
	v1 =	vmul.f32 v41, v3;
	v3 =	vsub.f32 v14, v47;
	v47 =	vld.idx.msk [tilespmem:v10+s3+$0x0], $0xffff  }
0x6a1: {  	[tilespmem:$0x1F170] =	vst v8;
	v14 =	vsub.f32 v21, v2;
	v2 =	vxor.u32 v48, v33;
	v8 =	vsub.f32 $1.000000000e+00, v9;
	v45 =	vld.idx.msk [tilespmem:v10+s15+$0x0], $0xffff  }
0x6a2: {  	v0 =	vadd.f32 v1, v0;
	v1 =	vcvt.s32.f32 v30;
	v30 =	vadd.s32 $0x9E3779B1, v54  }
0x6a3: {  	v16 =	vsub.f32 $1.000000000e+00, v14;
	v60 =	vxor.u32 v51, v30;
	v43 =	vxor.u32 v30, v61  }
0x6a4: {  	v30 =	vxor.u32 v56, v63;
	v38 =	vsub.f32 v20, v1;
	[tilespmem:$0x1F140] =	vst v4;
	v4 =	vld.idx.msk [tilespmem:v42+s15+$0x0], $0xffff;
	v42 =	vand.u32 $0x3FFF, v35  }
0x6a5: {  	[tilespmem:$0x1F1F0] =	vst v30;
	v1 =	vmul.f32 v16, v8;
	v34 =	vxor.u32 v49, v30;
	v30 =	vadd.s32 $0x1, v48  }
0x6a6: {  	v33 =	vxor.u32 v30, v33;
	v47 =	vmul.f32 v44, v47;
	v45 =	vmul.f32 v45, v44  }
0x6a7: {  	s29 =	sadd.s32 $0x40, s29;
	v44 =	vand.u32 $0x3FFF, v33;
	v33 =	vld.idx.msk [tilespmem:v11+s14+$0x0], $0xffff;
	v35 =	vsub.f32 v13, v31;
	v31 =	vxor.u32 v50, v43  }
0x6a8: {  	[tilespmem:s29+$0x1030] =	vst v0;
	v0 =	vand.u32 $0x3FFF, v2;
	v63 =	vand.u32 $0x3FFF, v31;
	v31 =	vmul.f32 v14, v8;
	v8 =	vld.idx.msk [tilespmem:v6+s14+$0x0], $0xffff  }
0x6a9: {  	v41 =	vcvt.s32.f32 v27;
	v19 =	vld.idx.msk [tilespmem:v42+s3+$0x0], $0xffff  }
0x6aa: {  	v58 =	vxor.u32 v53, v56;
	v53 =	vsub.f32 $1.000000000e+00, v28;
	v25 =	vxor.u32 v48, v59;
	v18 =	vld.idx.msk [tilespmem:v42+s14+$0x0], $0xffff  }
0x6ab: {  	v21 =	vxor.u32 v48, v22;
	v27 =	vxor.u32 v49, v58;
	v41 =	vsub.f32 v37, v41;
	v37 =	vld.idx.msk [tilespmem:v42+s15+$0x0], $0xffff  }
0x6ac: {  	v7 =	vand.u32 $0x3FFF, v21;
	v21 =	vsub.f32 $1.000000000e+00, v3;
	v54 =	vsub.f32 $1.000000000e+00, v26;
	v61 =	vld.idx.msk [tilespmem:v42+s16+$0x0], $0xffff  }
0x6ad: {  	v13 =	vand.u32 $0x3FFF, v25;
	v2 =	vmul.f32 v53, v52;
	v25 =	vsub.f32 $1.000000000e+00, v41;
	v55 =	vld.idx.msk [tilespmem:v0+s3+$0x0], $0xffff  }
0x6ae: {  	[tilespmem:$0x1F180] =	vst v9;
	v10 =	vxor.u32 v49, v32;
	v20 =	vand.u32 $0x3FFF, v27;
	v51 =	vmul.f32 v54, v21;
	v56 =	vld.idx.msk [tilespmem:v0+s14+$0x0], $0xffff  }
0x6af: {  	v5 =	vmul.f32 v25, v2;
	[tilespmem:$0x1F150] =	vst v4;
	v4 =	vand.u32 $0x3FFF, v10;
	v10 =	vxor.u32 v50, v60;
	v17 =	vld.idx.msk [tilespmem:v0+s15+$0x0], $0xffff  }
0x6b0: {  	[tilespmem:$0x1F190] =	vst v16;
	v16 =	vld.idx.msk [tilespmem:v0+s16+$0x0], $0xffff;
	v0 =	vmul.f32 v2, v41;
	v9 =	vand.u32 $0x3FFF, v10;
	v10 =	vxor.u32 v57, v62  }
0x6b1: {  	v2 =	vld.idx.msk [tilespmem:v6+s15+$0x0], $0xffff;
	v57 =	vand.u32 $0x3FFF, v34;
	v34 =	vmul.f32 v28, v52;
	v52 =	vadd.s32 $0x1, v49  }
0x6b2: {  	v27 =	vmul.f32 v26, v21;
	v50 =	vadd.s32 $0x1, v50;
	v49 =	vld.idx.msk [tilespmem:v6+s3+$0x0], $0xffff;
	v24 =	vxor.u32 v52, v24  }
0x6b3: {  	[tilespmem:$0x1F260] =	vst v26;
	v42 =	vsub.f32 $1.000000000e+00, v35;
	v21 =	vand.u32 $0x3FFF, v24;
	v24 =	vxor.u32 v50, v29;
	v29 =	vld.idx.msk [tilespmem:v7+s14+$0x0], $0xffff  }
0x6b4: {  	[tilespmem:$0x1F1B0] =	vst v12;
	v39 =	vsub.f32 $1.000000000e+00, v38;
	v26 =	vand.u32 $0x3FFF, v24;
	v24 =	vld.idx.msk [tilespmem:v11+s3+$0x0], $0xffff  }
0x6b5: {  	[tilespmem:$0x1F160] =	vst v3;
	v3 =	vmul.f32 v42, v51;
	v51 =	vmul.f32 v51, v35;
	v15 =	vld.idx.msk [tilespmem:v4+s3+$0x0], $0xffff  }
0x6b6: {  	v22 =	vxor.u32 v30, v22;
	v62 =	vxor.u32 v48, v10;
	v48 =	vmul.f32 v39, v1;
	v12 =	vld.idx.msk [tilespmem:v4+s14+$0x0], $0xffff  }
0x6b7: {  	[tilespmem:$0x1F1E0] =	vst v10;
	v1 =	vmul.f32 v1, v38;
	v10 =	vld.idx.msk [tilespmem:v4+s15+$0x0], $0xffff;
	v19 =	vmul.f32 v51, v19  }
0x6b8: {  	v23 =	vxor.u32 v50, v23;
	v4 =	vld.idx.msk [tilespmem:v4+s16+$0x0], $0xffff;
	v18 =	vmul.f32 v18, v51;
	v37 =	vmul.f32 v37, v51  }
0x6b9: {  	v51 =	vmul.f32 v61, v51;
	v61 =	vand.u32 $0x3FFF, v23;
	v23 =	vld.idx.msk [tilespmem:v6+s16+$0x0], $0xffff;
	v55 =	vmul.f32 v0, v55  }
0x6ba: {  	v6 =	vmul.f32 v56, v0;
	v56 =	vand.u32 $0x3FFF, v22;
	v22 =	vld.idx.msk [tilespmem:v7+s3+$0x0], $0xffff;
	v17 =	vmul.f32 v17, v0  }
0x6bb: {  	v16 =	vmul.f32 v16, v0;
	v0 =	vld.idx.msk [tilespmem:v7+s15+$0x0], $0xffff;
	v2 =	vmul.f32 v3, v2  }
0x6bc: {  	[tilespmem:$0x1F280] =	vst v14;
	v8 =	vmul.f32 v3, v8;
	v7 =	vld.idx.msk [tilespmem:v7+s16+$0x0], $0xffff  }
0x6bd: {  	v49 =	vmul.f32 v3, v49;
	v2 =	vadd.f32 v37, v2;
	v37 =	vld.idx.msk [tilespmem:v9+s3+$0x0], $0xffff;
	v14 =	vmul.f32 v1, v15  }
0x6be: {  	v12 =	vmul.f32 v12, v1;
	v3 =	vmul.f32 v3, v23;
	v23 =	vld.idx.msk [tilespmem:v11+s15+$0x0], $0xffff  }
0x6bf: {  	v10 =	vmul.f32 v10, v1;
	v4 =	vmul.f32 v4, v1;
	v1 =	vld [tilespmem:$0x1F100]  }
0x6c0: {  	v11 =	vld.idx.msk [tilespmem:v11+s16+$0x0], $0xffff;
	v0 =	vmul.f32 v5, v0  }
0x6c1: {  	[tilespmem:$0x1F270] =	vst v28;
	v28 =	vadd.f32 v18, v8;
	v18 =	vmul.f32 v5, v29;
	v15 =	vld.idx.msk [tilespmem:v13+s14+$0x0], $0xffff  }
0x6c2: {  	v22 =	vmul.f32 v5, v22;
	v0 =	vadd.f32 v17, v0;
	v17 =	vld.idx.msk [tilespmem:v13+s3+$0x0], $0xffff  }
0x6c3: {  	v5 =	vmul.f32 v5, v7;
	v6 =	vadd.f32 v6, v18;
	v3 =	vadd.f32 v51, v3;
	v51 =	vld.idx.msk [tilespmem:v9+s14+$0x0], $0xffff  }
0x6c4: {  	v18 =	vmul.f32 v25, v34;
	v8 =	vadd.f32 v55, v22;
	v29 =	vmul.f32 v40, v1;
	v1 =	vld [tilespmem:$0x1F110]  }
0x6c5: {  	v22 =	vmul.f32 v48, v24;
	v24 =	vmul.f32 v48, v33;
	v5 =	vadd.f32 v16, v5;
	v16 =	vld [tilespmem:$0x1F130]  }
0x6c6: {  	v23 =	vmul.f32 v48, v23;
	v11 =	vmul.f32 v48, v11;
	v48 =	vld.idx.msk [tilespmem:v13+s15+$0x0], $0xffff  }
0x6c7: {  	v12 =	vadd.f32 v12, v24;
	v24 =	vld.idx.msk [tilespmem:v20+s3+$0x0], $0xffff;
	v17 =	vmul.f32 v17, v18  }
0x6c8: {  	v62 =	vand.u32 $0x3FFF, v62;
	v13 =	vld.idx.msk [tilespmem:v13+s16+$0x0], $0xffff  }
0x6c9: {  	v19 =	vadd.f32 v19, v49;
	v17 =	vadd.f32 v17, v8;
	v8 =	vld [tilespmem:$0x1F190];
	v49 =	vmul.f32 v40, v1  }
0x6ca: {  	v15 =	vmul.f32 v15, v18;
	v4 =	vadd.f32 v4, v11;
	v1 =	vld [tilespmem:$0x1F120]  }
0x6cb: {  	v11 =	vadd.f32 v47, v29;
	v48 =	vmul.f32 v48, v18;
	v29 =	vadd.f32 v46, v49;
	v46 =	vld.idx.msk [tilespmem:v20+s15+$0x0], $0xffff  }
0x6cc: {  	v49 =	vxor.u32 v30, v59;
	v59 =	vld [tilespmem:$0x1F160]  }
0x6cd: {  	v6 =	vadd.f32 v15, v6;
	v15 =	vadd.f32 v48, v0;
	v0 =	vld.idx.msk [tilespmem:v62+s15+$0x0], $0xffff  }
0x6ce: {  	v48 =	vld [tilespmem:$0x1F1A0]  }
0x6cf: {  	v7 =	vmul.f32 v40, v1;
	v40 =	vmul.f32 v42, v27;
	v1 =	vld.idx.msk [tilespmem:v9+s15+$0x0], $0xffff  }
0x6d0: {  	v32 =	vxor.u32 v52, v32;
	v14 =	vadd.f32 v14, v22;
	v9 =	vld.idx.msk [tilespmem:v9+s16+$0x0], $0xffff  }
0x6d1: {  	v22 =	vmul.f32 v37, v40;
	v37 =	vand.u32 $0x3FFF, v32;
	v32 =	vmul.f32 v16, v36;
	v16 =	vld [tilespmem:$0x1F140]  }
0x6d2: {  	v10 =	vadd.f32 v10, v23;
	v13 =	vmul.f32 v13, v18;
	v23 =	vmul.f32 v51, v40;
	v51 =	vld.idx.msk [tilespmem:v63+s3+$0x0], $0xffff  }
0x6d3: {  	v18 =	vmul.f32 v41, v34;
	v7 =	vadd.f32 v45, v7;
	v45 =	vxor.u32 v50, v60;
	v60 =	vld [tilespmem:$0x1F170]  }
0x6d4: {  	v43 =	vxor.u32 v50, v43;
	v13 =	vadd.f32 v13, v5;
	v50 =	vld.idx.msk [tilespmem:v61+s16+$0x0], $0xffff  }
0x6d5: {  	v5 =	vand.u32 $0x3FFF, v45;
	v45 =	vmul.f32 v0, v18;
	v0 =	vand.u32 $0x3FFF, v49;
	v49 =	vld.idx.msk [tilespmem:v61+s15+$0x0], $0xffff  }
0x6d6: {  	v19 =	vadd.f32 v22, v19;
	v22 =	vld.idx.msk [tilespmem:v63+s14+$0x0], $0xffff  }
0x6d7: {  	[tilespmem:$0x1F240] =	vst v35;
	v27 =	vmul.f32 v35, v27;
	v35 =	vmov v41;
	v41 =	vadd.f32 v23, v28;
	v23 =	vld.idx.msk [tilespmem:v63+s15+$0x0], $0xffff  }
0x6d8: {  	v11 =	vadd.f32 v32, v11;
	v32 =	vld.idx.msk [tilespmem:v57+s16+$0x0], $0xffff  }
0x6d9: {  	v1 =	vmul.f32 v1, v40;
	v9 =	vmul.f32 v9, v40;
	v40 =	vld.idx.msk [tilespmem:v20+s14+$0x0], $0xffff  }
0x6da: {  	v15 =	vadd.f32 v45, v15;
	v45 =	vld.idx.msk [tilespmem:v26+s14+$0x0], $0xffff  }
0x6db: {  	v47 =	vmul.f32 v16, v36;
	v16 =	vld.idx.msk [tilespmem:v20+s16+$0x0], $0xffff  }
0x6dc: {  	v20 =	vld [tilespmem:$0x1F150]  }
0x6dd: {  	v1 =	vadd.f32 v1, v2;
	v2 =	vld.idx.msk [tilespmem:v63+s16+$0x0], $0xffff  }
0x6de: {  	v3 =	vadd.f32 v9, v3;
	v9 =	vld.idx.msk [tilespmem:v62+s3+$0x0], $0xffff  }
0x6df: {  	v33 =	vmul.f32 v39, v31;
	v63 =	vld [tilespmem:$0x1F180];
	v51 =	vmul.f32 v51, v27  }
0x6e0: {  	v29 =	vadd.f32 v47, v29;
	v47 =	vld.idx.msk [tilespmem:v61+s14+$0x0], $0xffff  }
0x6e1: {  	v24 =	vmul.f32 v24, v33;
	v46 =	vmul.f32 v46, v33;
	v19 =	vadd.f32 v51, v19;
	v51 =	vld.idx.msk [tilespmem:v44+s15+$0x0], $0xffff  }
0x6e2: {  	v28 =	vmul.f32 v38, v31;
	v36 =	vmul.f32 v20, v36;
	v20 =	vld.idx.msk [tilespmem:v62+s14+$0x0], $0xffff  }
0x6e3: {  	v40 =	vmul.f32 v40, v33;
	v16 =	vmul.f32 v16, v33;
	v33 =	vld.idx.msk [tilespmem:v62+s16+$0x0], $0xffff  }
0x6e4: {  	v31 =	vmul.f32 v54, v59;
	v22 =	vmul.f32 v22, v27;
	v62 =	vld.idx.msk [tilespmem:v57+s3+$0x0], $0xffff  }
0x6e5: {  	v23 =	vmul.f32 v23, v27;
	v2 =	vmul.f32 v2, v27;
	v27 =	vld.idx.msk [tilespmem:v57+s15+$0x0], $0xffff  }
0x6e6: {  	v54 =	vmul.f32 v53, v60;
	v53 =	vmul.f32 v8, v63;
	v8 =	vld [tilespmem:$0x1F1B0]  }
0x6e7: {  	v55 =	vmov v25;
	v4 =	vadd.f32 v16, v4;
	v16 =	vld.idx.msk [tilespmem:v57+s14+$0x0], $0xffff  }
0x6e8: {  	[tilespmem:$0x1F250] =	vst v38;
	v58 =	vxor.u32 v52, v58;
	v38 =	vmov v55;
	v57 =	vld [tilespmem:$0x1F1C0]  }
0x6e9: {  	v55 =	vmul.f32 v55, v54;
	v23 =	vadd.f32 v23, v1;
	v1 =	vld.idx.msk [tilespmem:v56+s15+$0x0], $0xffff;
	v12 =	vadd.f32 v40, v12  }
0x6ea: {  	v9 =	vmul.f32 v9, v18;
	v40 =	vld.idx.msk [tilespmem:v61+s3+$0x0], $0xffff;
	v7 =	vadd.f32 v36, v7;
	v20 =	vmul.f32 v20, v18  }
0x6eb: {  	v36 =	vmul.f32 v48, v8;
	v18 =	vmul.f32 v33, v18;
	v33 =	vand.u32 $0x3FFF, v58;
	v58 =	vld [tilespmem:$0x1F1D0]  }
0x6ec: {  	v14 =	vadd.f32 v24, v14;
	v48 =	vmul.f32 v42, v31;
	v24 =	vmul.f32 v62, v28;
	v62 =	vld [tilespmem:$0x1F1E0]  }
0x6ed: {  	v10 =	vadd.f32 v46, v10;
	v27 =	vmul.f32 v27, v28;
	v46 =	vmul.f32 v57, v8;
	v57 =	vld.idx.msk [tilespmem:v56+s3+$0x0], $0xffff  }
0x6ee: {  	v16 =	vmul.f32 v16, v28;
	v28 =	vmul.f32 v32, v28;
	v32 =	vadd.f32 v2, v3;
	v2 =	vld.idx.msk [tilespmem:v56+s16+$0x0], $0xffff  }
0x6ef: {  	v9 =	vadd.f32 v9, v17;
	v40 =	vmul.f32 v40, v48;
	v13 =	vadd.f32 v18, v13;
	v18 =	vld.idx.msk [tilespmem:v21+s3+$0x0], $0xffff  }
0x6f0: {  	v47 =	vmul.f32 v47, v48;
	v11 =	vadd.f32 v36, v11;
	v36 =	vmul.f32 v1, v55;
	v1 =	vld [tilespmem:$0x1F200]  }
0x6f1: {  	v6 =	vadd.f32 v20, v6;
	v17 =	vmul.f32 v49, v48;
	v20 =	vmul.f32 v50, v48;
	v48 =	vld.idx.msk [tilespmem:v26+s15+$0x0], $0xffff  }
0x6f2: {  	v49 =	vld.idx.msk [tilespmem:v5+s15+$0x0], $0xffff  }
0x6f3: {  	v12 =	vadd.f32 v16, v12;
	v16 =	vld.idx.msk [tilespmem:v21+s14+$0x0], $0xffff  }
0x6f4: {  	v4 =	vadd.f32 v28, v4;
	v28 =	vadd.f32 v46, v29;
	v29 =	vld.idx.msk [tilespmem:v26+s3+$0x0], $0xffff  }
0x6f5: {  	v26 =	vld.idx.msk [tilespmem:v26+s16+$0x0], $0xffff  }
0x6f6: {  	v19 =	vadd.f32 v40, v19;
	v40 =	vmul.f32 v54, v35;
	v54 =	vld [tilespmem:$0x1F250]  }
0x6f7: {  	v17 =	vadd.f32 v17, v23;
	v23 =	vld [tilespmem:$0x1F260]  }
0x6f8: {  	v61 =	vmov v39;
	v34 =	vmul.f32 v58, v8;
	v58 =	vmul.f32 v39, v53;
	v39 =	vld [tilespmem:$0x1F1F0]  }
0x6f9: {  	v8 =	vadd.f32 v22, v41;
	v22 =	vld.idx.msk [tilespmem:v56+s14+$0x0], $0xffff  }
0x6fa: {  	v56 =	vld.idx.msk [tilespmem:v21+s15+$0x0], $0xffff  }
0x6fb: {  	v21 =	vld.idx.msk [tilespmem:v21+s16+$0x0], $0xffff  }
0x6fc: {  	v25 =	vxor.u32 v30, v62;
	v62 =	vld.idx.msk [tilespmem:v44+s3+$0x0], $0xffff  }
0x6fd: {  	v14 =	vadd.f32 v24, v14;
	v24 =	vmul.f32 v57, v55;
	v57 =	vld [tilespmem:$0x1F210];
	v18 =	vmul.f32 v18, v58  }
0x6fe: {  	v8 =	vadd.f32 v47, v8;
	v47 =	vld.idx.msk [tilespmem:v44+s14+$0x0], $0xffff  }
0x6ff: {  	v14 =	vadd.f32 v18, v14;
	v18 =	vld.idx.msk [tilespmem:v37+s14+$0x0], $0xffff  }
0x700: {  	v50 =	vmul.f32 v53, v54;
	v53 =	vld [tilespmem:$0x1F2A0]  }
0x701: {  	v52 =	vxor.u32 v52, v39;
	v39 =	vld [tilespmem:$0x1F240]  }
0x702: {  	v10 =	vadd.f32 v27, v10;
	v27 =	vmul.f32 v56, v58;
	v56 =	vld [tilespmem:$0x1F270]  }
0x703: {  	v16 =	vmul.f32 v16, v58;
	v21 =	vmul.f32 v21, v58;
	v58 =	vld [tilespmem:$0x1F280]  }
0x704: {  	v3 =	vand.u32 $0x3FFF, v43;
	v43 =	vmul.f32 v2, v55;
	v22 =	vmul.f32 v22, v55;
	v55 =	vld.idx.msk [tilespmem:v0+s3+$0x0], $0xffff  }
0x705: {  	v12 =	vadd.f32 v16, v12;
	v16 =	vld.idx.msk [tilespmem:v37+s15+$0x0], $0xffff  }
0x706: {  	v7 =	vadd.f32 v34, v7;
	v34 =	vmul.f32 v1, v57;
	v1 =	vld [tilespmem:$0x1F220]  }
0x707: {  	v6 =	vadd.f32 v22, v6;
	v22 =	vld.idx.msk [tilespmem:v37+s3+$0x0], $0xffff  }
0x708: {  	v9 =	vadd.f32 v24, v9;
	v62 =	vmul.f32 v62, v40;
	v4 =	vadd.f32 v21, v4;
	v21 =	vld.idx.msk [tilespmem:v37+s16+$0x0], $0xffff  }
0x709: {  	v10 =	vadd.f32 v27, v10;
	v27 =	vld.idx.msk [tilespmem:v5+s3+$0x0], $0xffff  }
0x70a: {  	v9 =	vadd.f32 v62, v9;
	v62 =	vld.idx.msk [tilespmem:v0+s15+$0x0], $0xffff;
	v18 =	vmul.f32 v18, v50  }
0x70b: {  	v20 =	vadd.f32 v20, v32;
	v32 =	vmul.f32 v58, v63;
	v58 =	vld [tilespmem:$0x1F2C0]  }
0x70c: {  	v23 =	vmul.f32 v23, v59;
	v30 =	vmul.f32 v31, v39;
	v18 =	vadd.f32 v18, v12;
	v12 =	vld.idx.msk [tilespmem:v33+s3+$0x0], $0xffff  }
0x70d: {  	v63 =	vmul.f32 v47, v40;
	v46 =	vmul.f32 v1, v57;
	v1 =	vld [tilespmem:$0x1F230]  }
0x70e: {  	v16 =	vmul.f32 v16, v50;
	v59 =	vmul.f32 v45, v30;
	v45 =	vld.idx.msk [tilespmem:v33+s16+$0x0], $0xffff  }
0x70f: {  	v22 =	vmul.f32 v22, v50;
	v21 =	vmul.f32 v21, v50;
	v6 =	vadd.f32 v63, v6;
	v50 =	vld [tilespmem:$0x1F2E0]  }
0x710: {  	v63 =	vmul.f32 v61, v32;
	v61 =	vld [tilespmem:$0x1F320];
	v8 =	vadd.f32 v59, v8;
	v59 =	vmul.f32 v42, v23  }
0x711: {  	v16 =	vadd.f32 v16, v10;
	v10 =	vld.idx.msk [tilespmem:v33+s14+$0x0], $0xffff  }
0x712: {  	v2 =	vand.u32 $0x3FFF, v25;
	v4 =	vadd.f32 v21, v4;
	v21 =	vmul.f32 v49, v59;
	v49 =	vld.idx.msk [tilespmem:v3+s14+$0x0], $0xffff  }
0x713: {  	v25 =	vmul.f32 v1, v57;
	v1 =	vand.u32 $0x3FFF, v52;
	v52 =	vmul.f32 v56, v60;
	v57 =	vld.idx.msk [tilespmem:v44+s16+$0x0], $0xffff  }
0x714: {  	v60 =	vmul.f32 v48, v30;
	v48 =	vmul.f32 v51, v40;
	v51 =	vld [tilespmem:$0x1F290]  }
0x715: {  	v56 =	vld [tilespmem:$0x1F2B0]  }
0x716: {  	v44 =	vld.idx.msk [tilespmem:v33+s15+$0x0], $0xffff  }
0x717: {  	v7 =	vadd.f32 v25, v7;
	v25 =	vld.idx.msk [tilespmem:v5+s14+$0x0], $0xffff;
	v17 =	vadd.f32 v60, v17  }
0x718: {  	v26 =	vmul.f32 v26, v30;
	v5 =	vld.idx.msk [tilespmem:v5+s16+$0x0], $0xffff;
	v60 =	vmul.f32 v38, v52  }
0x719: {  	v17 =	vadd.f32 v21, v17;
	v21 =	vld.idx.msk [tilespmem:v3+s15+$0x0], $0xffff  }
0x71a: {  	v20 =	vadd.f32 v26, v20;
	v26 =	vmul.f32 v55, v60;
	v55 =	vld.idx.msk [tilespmem:v2+s3+$0x0], $0xffff  }
0x71b: {  	v14 =	vadd.f32 v22, v14;
	v12 =	vmul.f32 v12, v63;
	v24 =	vmul.f32 v57, v40;
	v57 =	vld.idx.msk [tilespmem:v0+s14+$0x0], $0xffff  }
0x71c: {  	v13 =	vadd.f32 v43, v13;
	v43 =	vmul.f32 v58, v51;
	v0 =	vld.idx.msk [tilespmem:v0+s16+$0x0], $0xffff  }
0x71d: {  	v12 =	vadd.f32 v12, v14;
	v14 =	vld.idx.msk [tilespmem:v1+s16+$0x0], $0xffff;
	v5 =	vmul.f32 v5, v59  }
0x71e: {  	v28 =	vadd.f32 v46, v28;
	v22 =	vmul.f32 v25, v59;
	v46 =	vadd.f32 v43, v7;
	v7 =	vld.idx.msk [tilespmem:v3+s3+$0x0], $0xffff  }
0x71f: {  	v23 =	vmul.f32 v39, v23;
	v20 =	vadd.f32 v5, v20;
	v5 =	vld.idx.msk [tilespmem:v3+s16+$0x0], $0xffff;
	v3 =	vmul.f32 v10, v63  }
0x720: {  	v13 =	vadd.f32 v24, v13;
	v24 =	vmul.f32 v45, v63;
	v22 =	vadd.f32 v22, v8;
	v8 =	vld [tilespmem:$0x1F2D0]  }
0x721: {  	v25 =	vmul.f32 v44, v63;
	v10 =	vadd.f32 v3, v18;
	v18 =	vmul.f32 v21, v23;
	v21 =	vld.idx.msk [tilespmem:v1+s14+$0x0], $0xffff  }
0x722: {  	v3 =	vadd.f32 v24, v4;
	v4 =	vld.idx.msk [tilespmem:v1+s15+$0x0], $0xffff  }
0x723: {  	v47 =	vmul.f32 v57, v60;
	v57 =	vmul.f32 v7, v23;
	v7 =	vadd.f32 v25, v16;
	v16 =	vld.idx.msk [tilespmem:v1+s3+$0x0], $0xffff  }
0x724: {  	v15 =	vadd.f32 v36, v15;
	v1 =	vld [tilespmem:$0x1F310]  }
0x725: {  	v29 =	vmul.f32 v29, v30;
	v40 =	vmul.f32 v56, v51;
	v56 =	vld.idx.msk [tilespmem:v2+s14+$0x0], $0xffff  }
0x726: {  	v27 =	vmul.f32 v27, v59;
	v15 =	vadd.f32 v48, v15;
	v48 =	vmul.f32 v62, v60;
	v58 =	vld.idx.msk [tilespmem:v2+s16+$0x0], $0xffff  }
0x727: {  	v19 =	vadd.f32 v29, v19;
	v37 =	vmul.f32 v53, v51;
	v51 =	vmul.f32 v8, v50;
	v8 =	vld [tilespmem:$0x1F2F0]  }
0x728: {  	v35 =	vmul.f32 v35, v52;
	v30 =	vadd.f32 v48, v15;
	v15 =	vld.idx.msk [tilespmem:v2+s15+$0x0], $0xffff;
	v2 =	vmul.f32 v49, v23  }
0x729: {  	v11 =	vadd.f32 v34, v11;
	v23 =	vmul.f32 v5, v23;
	v5 =	vmul.f32 v1, v61;
	v1 =	vld [tilespmem:$0x1F330]  }
0x72a: {  	v19 =	vadd.f32 v27, v19  }
0x72b: {  	v9 =	vadd.f32 v26, v9;
	v11 =	vadd.f32 v37, v11;
	v59 =	vmul.f32 v55, v35  }
0x72c: {  	v28 =	vadd.f32 v40, v28;
	v0 =	vmul.f32 v0, v60;
	v53 =	vmul.f32 v8, v50;
	v8 =	vld [tilespmem:$0x1F300]  }
0x72d: {  	s30 =	sadd.s32 $0x40, s30;
	v60 =	vmul.f32 v56, v35;
	v22 =	vadd.f32 v2, v22;
	v62 =	vmul.f32 v15, v35  }
0x72e: {  	p1 =	slt.u32 s30, $0xFC0;
	v27 =	vadd.f32 v47, v6;
	v63 =	vadd.f32 v18, v17;
	v2 =	vmul.f32 v1, v61;
	v1 =	vld [tilespmem:$0x1F340]  }
.Ltmp8:
0x72f: {  	v6 =	vmul.f32 v54, v32;
	v17 =	vadd.f32 v59, v9;
	v19 =	vadd.f32 v57, v19;
	(pc) =	sbr.rel @p1 .LBB2_10-.Ltmp8, $4  }
0x730: {  	v15 =	vmul.f32 v58, v35;
	v9 =	vadd.f32 v62, v30;
	v18 =	vadd.f32 v23, v20  }
0x731: {  	[tilespmem:s29+$0xFFFFE000] =	vst v19;
	v19 =	vmul.f32 v16, v6;
	v16 =	vadd.f32 v60, v27;
	v37 =	vmul.f32 v8, v50  }
0x732: {  	[tilespmem:s29+$0xFFFFF000] =	vst v22;
	v20 =	vmul.f32 v21, v6;
	v8 =	vadd.f32 v0, v13;
	v13 =	vadd.f32 v51, v11  }
0x733: {  	s0 =	sand.u32 $0xFC0, s30;
	s31 =	sadd.s32 $0x40, s31;
	[tilespmem:s29+$0x0] =	vst v63;
	v0 =	vadd.f32 v53, v28;
	v11 =	vadd.f32 v37, v46;
	v1 =	vmul.f32 v1, v61  }
0x734: {  	[tilespmem:s0+$0x1D000] =	vst v18  }
0x735: {  	[tilespmem:s29+$0xFFFFE010] =	vst v17  }
0x736: {  	v8 =	vadd.f32 v15, v8;
	[tilespmem:s29+$0xFFFFF010] =	vst v16  }
0x737: {  	v12 =	vadd.f32 v19, v12;
	[tilespmem:s29+$0x10] =	vst v9  }
0x738: {  	v62 =	vadd.f32 v20, v10;
	[tilespmem:s29+$0x1010] =	vst v8  }
0x739: {  	v5 =	vadd.f32 v5, v13;
	[tilespmem:s29+$0xFFFFE020] =	vst v12  }
0x73a: {  	v4 =	vmul.f32 v4, v6;
	s26 =	sadd.s32 $0x1, s26;
	v0 =	vadd.f32 v2, v0;
	[tilespmem:s29+$0xFFFFF020] =	vst v62  }
0x73b: {  	v63 =	vmul.f32 v14, v6;
	v1 =	vadd.f32 v1, v11;
	p1 =	sne.s32 s26, $0x20;
	[tilespmem:s29+$0xFFFFE030] =	vst v5  }
.Ltmp9:
0x73c: {  	s31 =	sshll.u32 s28, $0x12;
	v4 =	vadd.f32 v4, v7;
	[tilespmem:s29+$0xFFFFF030] =	vst v0;
	(pc) =	sbr.rel @p1 .LBB2_7-.Ltmp9, $4  }
.Ltmp10:
0x73d: {  	s0 =	sor.u32 s11, s31;
	v3 =	vadd.f32 v63, v3;
	[tilespmem:s29+$0x30] =	vst v1;
	(pc) =	sbr.rel @!p1 .LBB2_12-.Ltmp10, $4  }
0x73e: {  	s0 =	sshrl.u32 s0, $0x3;
	[tilespmem:s29+$0x20] =	vst v4  }
0x73f: {  	s0 =	sadd.s32 s4, s0;
	[tilespmem:s29+$0x1020] =	vst v3  }
0x740: {  	[hbm4b:s0+s3] =	stream.linear.scatter [tilespmem:s22], [sflag:$0x4], $0x4000, $0x38;
	[tilespmem:$0x1E000] =	vst v63  }
0x741: {  	_ = 	snop  }
.LBB2_13:
0x742: {  	_ =	sfence.sel $0x180000  }
0x743: {  	[bflag:$0x0] =	sbarrier.arrive $0xFFFF  }
0x744: {  	_ =	strace $0x90000047  }
0x745: {  	[bflag:$0x2] =	sbarrier.arrive $0xFFFF  }
0x746: {  	p0 =	sne.s32 s2, $0x0;
	s0 =	rddreg [dreg:$0x2]  }
0x747: {  	s0 =	sadd.s32 @!p0 $0x100000, s0  }
0x748: {  	[sflag:s0] =	ssyncadd.tile.s32 @!p0 $0x1;
	_ =	shalt  }
.Lfunc_end2:
_tile_overlayer_lowered:
.L_overlay_start_2:
0x749: {  	(tag) =	ssettag $0x2  }
0x74a: {  	s0 =	rddreg [dreg:$0x0];
	s2 =	stileid.u32  }
0x74b: {  	s1 =	rddreg [dreg:$0x1];
	p0 =	sne.s32 s2, $0x0  }
0x74c: {  	s3 =	rddreg [dreg:$0x2];
	[bflag:$0x3] =	sbarrier.arrive $0xFFFF;
	s2 =	simm.s32 @!p0 $0x1C05  }
0x74d: {  	[timem:s3], [sflag:s2] =	dma.local @!p0 [hbm:s0], s1  }
0x74e: {  	s0 =	simm.s32 @!p0 $0x5  }
0x74f: {  	_ =	swait.ge @!p0 [sflag:s0], s1  }
0x750: {  	s1 =	ssub.s32 @!p0 $0x0, s1;
	[sflag:s0] =	ssyncset.done @!p0 $0x0  }
0x751: {  	[sflag:s0] =	ssyncadd.s32 @!p0 s1  }
0x752: {  	[bflag:$0x3] =	sbarrier.arrive $0xFFFF  }
0x753: {  	_ =	shalt  }

</sc_bundles>
